<compile_context>
chip_gen: v7x
topology: tpu7x:2x2x1
jax: 0.10.2.dev20260603
libtpu: 0.0.44.dev20260713+nightly
codegen_flags: <defaults>
</compile_context>

<pallas_src>
import functools
import jax
import jax.numpy as jnp
from jax import lax
from jax.experimental import pallas as pl
from jax.experimental.pallas import tpu as pltpu
from jax.experimental.pallas import tpu_sc as plsc

_S, _B, _D = 8192, 4, 1024
_NC, _NS = 2, 16
_NW = _NC * _NS
_ROWS = _S // _NW
_R = 2
_NCHUNK = _ROWS // _R
_K = 6
_LANES = 16


def _build():
    mesh = plsc.VectorSubcoreMesh(
        core_axis_name="c", subcore_axis_name="s",
        num_cores=_NC, num_subcores=_NS)

    @functools.partial(
        pl.kernel,
        out_type=jax.ShapeDtypeStruct((_S, _B, _D), jnp.float32),
        mesh=mesh,
        scratch_types=[
            pltpu.VMEM((_K, _R, _B, _D), jnp.float32),
            pltpu.VMEM((_K, _R, _D), jnp.float32),
            pltpu.VMEM((_K, _R, _B, _D), jnp.float32),
            pltpu.SemaphoreType.DMA((_K,)),
            pltpu.SemaphoreType.DMA((_K,)),
        ],
        compiler_params=pltpu.CompilerParams(use_tc_tiling_on_sc=True),
    )
    def sc_add(x_hbm, pe_hbm, out_hbm, xin, pev, xout, insem, outsem):
        wid = lax.axis_index("s") * _NC + lax.axis_index("c")
        base = wid * _ROWS

        def in_copies(i, slot):
            row = base + i * _R
            return (
                pltpu.make_async_copy(
                    x_hbm.at[pl.ds(row, _R)], xin.at[slot], insem.at[slot]),
                pltpu.make_async_copy(
                    pe_hbm.at[pl.ds(row, _R)], pev.at[slot], insem.at[slot]),
            )

        def out_copy(i, slot):
            row = base + i * _R
            return pltpu.make_async_copy(
                xout.at[slot], out_hbm.at[pl.ds(row, _R)], outsem.at[slot])

        def start_in(i, slot):
            a, b = in_copies(i, slot)
            a.start()
            b.start()

        def wait_in(i, slot):
            a, b = in_copies(i, slot)
            a.wait()
            b.wait()

        for c in range(_K - 1):
            start_in(c, c)

        def compute(slot):
            @plsc.parallel_loop(0, _D // _LANES)
            def _(c):
                off = c * _LANES
                for r in range(_R):
                    p = pev[slot, r, pl.ds(off, _LANES)]
                    for q in range(_B):
                        xout[slot, r, q, pl.ds(off, _LANES)] = (
                            xin[slot, r, q, pl.ds(off, _LANES)] + p)

        @pl.loop(0, _NCHUNK, step=_K)
        def _(g):
            for b in range(_K):
                i = g + b

                @pl.when(i < _NCHUNK)
                def _():
                    wait_in(i, b)

                    @pl.when(i >= _K)
                    def _():
                        out_copy(i - _K, b).wait()

                    compute(b)
                    out_copy(i, b).start()
                    nxt = i + _K - 1

                    @pl.when(nxt < _NCHUNK)
                    def _():
                        start_in(nxt, nxt % _K)

        for c in range(_NCHUNK - _K, _NCHUNK):
            out_copy(c, c % _K).wait()

    return sc_add


_sc_impl = _build()


def kernel(x, position_embeddings):
    S = x.shape[0]
    return _sc_impl(x, position_embeddings[:S])

# --- scband reference (transcript-rebuilt; emitter-appended) ---
"""Pipeline reference for scband-learnable-positional-embedding-6536940225188 (READ-ONLY COPY).

The authoritative reference and input builder live on the scoring server;
editing this copy changes nothing except your own understanding.
"""

import jax, jax.numpy as jnp
import numpy as np

MAX_LEN = 8192
D_MODEL = 1024
SEQ_LEN = 8192
BATCH = 4

def setup_inputs(seed: int = 0) -> dict:
    key = jax.random.key(seed)
    kx, kt = jax.random.split(key)
    x = jax.random.normal(kx, (SEQ_LEN, BATCH, D_MODEL), dtype=jnp.float32)
    position_embeddings = jax.random.normal(kt, (MAX_LEN, D_MODEL), dtype=jnp.float32) * 0.02
    return {"x": x, "position_embeddings": position_embeddings}

def reference(x, position_embeddings):
    seq_len = x.shape[0]
    position_ids = jnp.arange(seq_len, dtype=jnp.int64 if jax.config.read('jax_enable_x64') else jnp.int32)
    # expand to [seq_len, batch] as in the torch module
    position_ids = jnp.broadcast_to(position_ids[:, None], x.shape[:2])
    pos_emb = jnp.take(position_embeddings, position_ids, axis=0)  # [S, B, D] gather
    return x + pos_emb

if __name__ == "__main__":
    import jax
    _d = setup_inputs()
    print(jax.jit(kernel)(*tuple(_d.values())))

</pallas_src>

<mosaic_0001>
#map = affine_map<(d0, d1) -> (0, 0, 0)>
#map1 = affine_map<(d0, d1) -> (0, 0)>
module attributes {stable_mosaic.version = 14 : i64} {
  func.func @sc_add(%arg0: i32, %arg1: i32, %arg2: memref<8192x4x1024xf32, #tpu.memory_space<hbm>>, %arg3: memref<8192x1024xf32, #tpu.memory_space<hbm>>, %arg4: memref<8192x4x1024xf32, #tpu.memory_space<hbm>>, %arg5: memref<6x2x4x1024xf32, #tpu.memory_space<vmem>>, %arg6: memref<6x2x1024xf32, #tpu.memory_space<vmem>>, %arg7: memref<6x2x4x1024xf32, #tpu.memory_space<vmem>>, %arg8: memref<6x!tpu.dma_semaphore, #tpu.memory_space<semaphore_mem>>, %arg9: memref<6x!tpu.dma_semaphore, #tpu.memory_space<semaphore_mem>>) attributes {dimension_semantics = [#tpu.dimension_semantics<core_parallel>, #tpu.dimension_semantics<subcore_parallel>], iteration_bounds = array<i64: 2, 16>, scalar_prefetch = 0 : i64, scratch_operands = 5 : i64, tpu.core_type = #tpu.core_type<sc_vector_subcore>, window_params = [{transform_indices = #map}, {transform_indices = #map1}, {transform_indices = #map}]} {
    %mul3A = arith.constant 2 : i32
    %mul3A_0 = arith.muli %arg1, %mul3A : i32
    %add3A = arith.addi %mul3A_0, %arg0 : i32
    %mul3A_1 = arith.constant 256 : i32
    %mul3A_2 = arith.muli %add3A, %mul3A_1 : i32
    %add3A_3 = arith.constant 0 : i32
    %add3A_4 = arith.addi %mul3A_2, %add3A_3 : i32
    %dma_start3A = arith.constant 0 : i32
    %dma_start3A_5 = arith.constant 0 : i32
    %dma_start3A_6 = arith.constant 0 : i32
    %dma_start3A_7 = arith.constant 0 : i32
    %dma_start3A_8 = arith.constant 0 : i32
    %dma_start3A_9 = tpu.memref_slice %arg5[%dma_start3A, %dma_start3A_6, %dma_start3A_7, %dma_start3A_8] : memref<6x2x4x1024xf32, #tpu.memory_space<vmem>> -> memref<1x2x4x1024xf32, #tpu.memory_space<vmem>>
    %dma_start3A_10 = tpu.memref_squeeze %dma_start3A_9 : memref<1x2x4x1024xf32, #tpu.memory_space<vmem>> -> memref<2x4x1024xf32, #tpu.memory_space<vmem>>
    %dma_start3A_11 = arith.constant 0 : i32
    %dma_start3A_12 = arith.constant 0 : i32
    %dma_start3A_13 = tpu.memref_slice %arg2[%add3A_4, %dma_start3A_11, %dma_start3A_12] : memref<8192x4x1024xf32, #tpu.memory_space<hbm>> -> memref<2x4x1024xf32, #tpu.memory_space<hbm>>
    %dma_start3A_14 = tpu.memref_slice %arg8[%dma_start3A_5] : memref<6x!tpu.dma_semaphore, #tpu.memory_space<semaphore_mem>> -> memref<1x!tpu.dma_semaphore, #tpu.memory_space<semaphore_mem>>
    %dma_start3A_15 = tpu.memref_squeeze %dma_start3A_14 : memref<1x!tpu.dma_semaphore, #tpu.memory_space<semaphore_mem>> -> memref<!tpu.dma_semaphore, #tpu.memory_space<semaphore_mem>>
    %dma_start3A_16 = arith.constant 0 : i32
    %dma_start3A_17 = arith.constant 0 : i32
    %dma_start3A_18 = arith.constant 0 : i32
    %dma_start3A_19 = tpu.memref_slice %arg5[%dma_start3A, %dma_start3A_16, %dma_start3A_17, %dma_start3A_18] : memref<6x2x4x1024xf32, #tpu.memory_space<vmem>> -> memref<1x2x4x1024xf32, #tpu.memory_space<vmem>>
    %dma_start3A_20 = tpu.memref_squeeze %dma_start3A_19 : memref<1x2x4x1024xf32, #tpu.memory_space<vmem>> -> memref<2x4x1024xf32, #tpu.memory_space<vmem>>
    %dma_start3A_21 = arith.constant 0 : i32
    %dma_start3A_22 = arith.constant 0 : i32
    %dma_start3A_23 = tpu.memref_slice %arg2[%add3A_4, %dma_start3A_21, %dma_start3A_22] : memref<8192x4x1024xf32, #tpu.memory_space<hbm>> -> memref<2x4x1024xf32, #tpu.memory_space<hbm>>
    tpu.enqueue_dma source(%dma_start3A_23 : memref<2x4x1024xf32, #tpu.memory_space<hbm>>) target(%dma_start3A_20 : memref<2x4x1024xf32, #tpu.memory_space<vmem>>) target_semaphore(%dma_start3A_15 : memref<!tpu.dma_semaphore, #tpu.memory_space<semaphore_mem>>)
    %dma_start3A_24 = arith.constant 0 : i32
    %dma_start3A_25 = arith.constant 0 : i32
    %dma_start3A_26 = arith.constant 0 : i32
    %dma_start3A_27 = arith.constant 0 : i32
    %dma_start3A_28 = tpu.memref_slice %arg6[%dma_start3A_24, %dma_start3A_26, %dma_start3A_27] : memref<6x2x1024xf32, #tpu.memory_space<vmem>> -> memref<1x2x1024xf32, #tpu.memory_space<vmem>>
    %dma_start3A_29 = tpu.memref_squeeze %dma_start3A_28 : memref<1x2x1024xf32, #tpu.memory_space<vmem>> -> memref<2x1024xf32, #tpu.memory_space<vmem>>
    %dma_start3A_30 = arith.constant 0 : i32
    %dma_start3A_31 = tpu.memref_slice %arg3[%add3A_4, %dma_start3A_30] : memref<8192x1024xf32, #tpu.memory_space<hbm>> -> memref<2x1024xf32, #tpu.memory_space<hbm>>
    %dma_start3A_32 = tpu.memref_slice %arg8[%dma_start3A_25] : memref<6x!tpu.dma_semaphore, #tpu.memory_space<semaphore_mem>> -> memref<1x!tpu.dma_semaphore, #tpu.memory_space<semaphore_mem>>
    %dma_start3A_33 = tpu.memref_squeeze %dma_start3A_32 : memref<1x!tpu.dma_semaphore, #tpu.memory_space<semaphore_mem>> -> memref<!tpu.dma_semaphore, #tpu.memory_space<semaphore_mem>>
    %dma_start3A_34 = arith.constant 0 : i32
    %dma_start3A_35 = arith.constant 0 : i32
    %dma_start3A_36 = tpu.memref_slice %arg6[%dma_start3A_24, %dma_start3A_34, %dma_start3A_35] : memref<6x2x1024xf32, #tpu.memory_space<vmem>> -> memref<1x2x1024xf32, #tpu.memory_space<vmem>>
    %dma_start3A_37 = tpu.memref_squeeze %dma_start3A_36 : memref<1x2x1024xf32, #tpu.memory_space<vmem>> -> memref<2x1024xf32, #tpu.memory_space<vmem>>
    %dma_start3A_38 = arith.constant 0 : i32
    %dma_start3A_39 = tpu.memref_slice %arg3[%add3A_4, %dma_start3A_38] : memref<8192x1024xf32, #tpu.memory_space<hbm>> -> memref<2x1024xf32, #tpu.memory_space<hbm>>
    tpu.enqueue_dma source(%dma_start3A_39 : memref<2x1024xf32, #tpu.memory_space<hbm>>) target(%dma_start3A_37 : memref<2x1024xf32, #tpu.memory_space<vmem>>) target_semaphore(%dma_start3A_33 : memref<!tpu.dma_semaphore, #tpu.memory_space<semaphore_mem>>)
    %add3A_40 = arith.constant 2 : i32
    %add3A_41 = arith.addi %mul3A_2, %add3A_40 : i32
    %dma_start3A_42 = arith.constant 1 : i32
    %dma_start3A_43 = arith.constant 1 : i32
    %dma_start3A_44 = arith.constant 0 : i32
    %dma_start3A_45 = arith.constant 0 : i32
    %dma_start3A_46 = arith.constant 0 : i32
    %dma_start3A_47 = tpu.memref_slice %arg5[%dma_start3A_42, %dma_start3A_44, %dma_start3A_45, %dma_start3A_46] : memref<6x2x4x1024xf32, #tpu.memory_space<vmem>> -> memref<1x2x4x1024xf32, #tpu.memory_space<vmem>>
    %dma_start3A_48 = tpu.memref_squeeze %dma_start3A_47 : memref<1x2x4x1024xf32, #tpu.memory_space<vmem>> -> memref<2x4x1024xf32, #tpu.memory_space<vmem>>
    %dma_start3A_49 = arith.constant 0 : i32
    %dma_start3A_50 = arith.constant 0 : i32
    %dma_start3A_51 = tpu.memref_slice %arg2[%add3A_41, %dma_start3A_49, %dma_start3A_50] : memref<8192x4x1024xf32, #tpu.memory_space<hbm>> -> memref<2x4x1024xf32, #tpu.memory_space<hbm>>
    %dma_start3A_52 = tpu.memref_slice %arg8[%dma_start3A_43] : memref<6x!tpu.dma_semaphore, #tpu.memory_space<semaphore_mem>> -> memref<1x!tpu.dma_semaphore, #tpu.memory_space<semaphore_mem>>
    %dma_start3A_53 = tpu.memref_squeeze %dma_start3A_52 : memref<1x!tpu.dma_semaphore, #tpu.memory_space<semaphore_mem>> -> memref<!tpu.dma_semaphore, #tpu.memory_space<semaphore_mem>>
    %dma_start3A_54 = arith.constant 0 : i32
    %dma_start3A_55 = arith.constant 0 : i32
    %dma_start3A_56 = arith.constant 0 : i32
    %dma_start3A_57 = tpu.memref_slice %arg5[%dma_start3A_42, %dma_start3A_54, %dma_start3A_55, %dma_start3A_56] : memref<6x2x4x1024xf32, #tpu.memory_space<vmem>> -> memref<1x2x4x1024xf32, #tpu.memory_space<vmem>>
    %dma_start3A_58 = tpu.memref_squeeze %dma_start3A_57 : memref<1x2x4x1024xf32, #tpu.memory_space<vmem>> -> memref<2x4x1024xf32, #tpu.memory_space<vmem>>
    %dma_start3A_59 = arith.constant 0 : i32
    %dma_start3A_60 = arith.constant 0 : i32
    %dma_start3A_61 = tpu.memref_slice %arg2[%add3A_41, %dma_start3A_59, %dma_start3A_60] : memref<8192x4x1024xf32, #tpu.memory_space<hbm>> -> memref<2x4x1024xf32, #tpu.memory_space<hbm>>
    tpu.enqueue_dma source(%dma_start3A_61 : memref<2x4x1024xf32, #tpu.memory_space<hbm>>) target(%dma_start3A_58 : memref<2x4x1024xf32, #tpu.memory_space<vmem>>) target_semaphore(%dma_start3A_53 : memref<!tpu.dma_semaphore, #tpu.memory_space<semaphore_mem>>)
    %dma_start3A_62 = arith.constant 1 : i32
    %dma_start3A_63 = arith.constant 1 : i32
    %dma_start3A_64 = arith.constant 0 : i32
    %dma_start3A_65 = arith.constant 0 : i32
    %dma_start3A_66 = tpu.memref_slice %arg6[%dma_start3A_62, %dma_start3A_64, %dma_start3A_65] : memref<6x2x1024xf32, #tpu.memory_space<vmem>> -> memref<1x2x1024xf32, #tpu.memory_space<vmem>>
    %dma_start3A_67 = tpu.memref_squeeze %dma_start3A_66 : memref<1x2x1024xf32, #tpu.memory_space<vmem>> -> memref<2x1024xf32, #tpu.memory_space<vmem>>
    %dma_start3A_68 = arith.constant 0 : i32
    %dma_start3A_69 = tpu.memref_slice %arg3[%add3A_41, %dma_start3A_68] : memref<8192x1024xf32, #tpu.memory_space<hbm>> -> memref<2x1024xf32, #tpu.memory_space<hbm>>
    %dma_start3A_70 = tpu.memref_slice %arg8[%dma_start3A_63] : memref<6x!tpu.dma_semaphore, #tpu.memory_space<semaphore_mem>> -> memref<1x!tpu.dma_semaphore, #tpu.memory_space<semaphore_mem>>
    %dma_start3A_71 = tpu.memref_squeeze %dma_start3A_70 : memref<1x!tpu.dma_semaphore, #tpu.memory_space<semaphore_mem>> -> memref<!tpu.dma_semaphore, #tpu.memory_space<semaphore_mem>>
    %dma_start3A_72 = arith.constant 0 : i32
    %dma_start3A_73 = arith.constant 0 : i32
    %dma_start3A_74 = tpu.memref_slice %arg6[%dma_start3A_62, %dma_start3A_72, %dma_start3A_73] : memref<6x2x1024xf32, #tpu.memory_space<vmem>> -> memref<1x2x1024xf32, #tpu.memory_space<vmem>>
    %dma_start3A_75 = tpu.memref_squeeze %dma_start3A_74 : memref<1x2x1024xf32, #tpu.memory_space<vmem>> -> memref<2x1024xf32, #tpu.memory_space<vmem>>
    %dma_start3A_76 = arith.constant 0 : i32
    %dma_start3A_77 = tpu.memref_slice %arg3[%add3A_41, %dma_start3A_76] : memref<8192x1024xf32, #tpu.memory_space<hbm>> -> memref<2x1024xf32, #tpu.memory_space<hbm>>
    tpu.enqueue_dma source(%dma_start3A_77 : memref<2x1024xf32, #tpu.memory_space<hbm>>) target(%dma_start3A_75 : memref<2x1024xf32, #tpu.memory_space<vmem>>) target_semaphore(%dma_start3A_71 : memref<!tpu.dma_semaphore, #tpu.memory_space<semaphore_mem>>)
    %add3A_78 = arith.constant 4 : i32
    %add3A_79 = arith.addi %mul3A_2, %add3A_78 : i32
    %dma_start3A_80 = arith.constant 2 : i32
    %dma_start3A_81 = arith.constant 2 : i32
    %dma_start3A_82 = arith.constant 0 : i32
    %dma_start3A_83 = arith.constant 0 : i32
    %dma_start3A_84 = arith.constant 0 : i32
    %dma_start3A_85 = tpu.memref_slice %arg5[%dma_start3A_80, %dma_start3A_82, %dma_start3A_83, %dma_start3A_84] : memref<6x2x4x1024xf32, #tpu.memory_space<vmem>> -> memref<1x2x4x1024xf32, #tpu.memory_space<vmem>>
    %dma_start3A_86 = tpu.memref_squeeze %dma_start3A_85 : memref<1x2x4x1024xf32, #tpu.memory_space<vmem>> -> memref<2x4x1024xf32, #tpu.memory_space<vmem>>
    %dma_start3A_87 = arith.constant 0 : i32
    %dma_start3A_88 = arith.constant 0 : i32
    %dma_start3A_89 = tpu.memref_slice %arg2[%add3A_79, %dma_start3A_87, %dma_start3A_88] : memref<8192x4x1024xf32, #tpu.memory_space<hbm>> -> memref<2x4x1024xf32, #tpu.memory_space<hbm>>
    %dma_start3A_90 = tpu.memref_slice %arg8[%dma_start3A_81] : memref<6x!tpu.dma_semaphore, #tpu.memory_space<semaphore_mem>> -> memref<1x!tpu.dma_semaphore, #tpu.memory_space<semaphore_mem>>
    %dma_start3A_91 = tpu.memref_squeeze %dma_start3A_90 : memref<1x!tpu.dma_semaphore, #tpu.memory_space<semaphore_mem>> -> memref<!tpu.dma_semaphore, #tpu.memory_space<semaphore_mem>>
    %dma_start3A_92 = arith.constant 0 : i32
    %dma_start3A_93 = arith.constant 0 : i32
    %dma_start3A_94 = arith.constant 0 : i32
    %dma_start3A_95 = tpu.memref_slice %arg5[%dma_start3A_80, %dma_start3A_92, %dma_start3A_93, %dma_start3A_94] : memref<6x2x4x1024xf32, #tpu.memory_space<vmem>> -> memref<1x2x4x1024xf32, #tpu.memory_space<vmem>>
    %dma_start3A_96 = tpu.memref_squeeze %dma_start3A_95 : memref<1x2x4x1024xf32, #tpu.memory_space<vmem>> -> memref<2x4x1024xf32, #tpu.memory_space<vmem>>
    %dma_start3A_97 = arith.constant 0 : i32
    %dma_start3A_98 = arith.constant 0 : i32
    %dma_start3A_99 = tpu.memref_slice %arg2[%add3A_79, %dma_start3A_97, %dma_start3A_98] : memref<8192x4x1024xf32, #tpu.memory_space<hbm>> -> memref<2x4x1024xf32, #tpu.memory_space<hbm>>
    tpu.enqueue_dma source(%dma_start3A_99 : memref<2x4x1024xf32, #tpu.memory_space<hbm>>) target(%dma_start3A_96 : memref<2x4x1024xf32, #tpu.memory_space<vmem>>) target_semaphore(%dma_start3A_91 : memref<!tpu.dma_semaphore, #tpu.memory_space<semaphore_mem>>)
    %dma_start3A_100 = arith.constant 2 : i32
    %dma_start3A_101 = arith.constant 2 : i32
    %dma_start3A_102 = arith.constant 0 : i32
    %dma_start3A_103 = arith.constant 0 : i32
    %dma_start3A_104 = tpu.memref_slice %arg6[%dma_start3A_100, %dma_start3A_102, %dma_start3A_103] : memref<6x2x1024xf32, #tpu.memory_space<vmem>> -> memref<1x2x1024xf32, #tpu.memory_space<vmem>>
    %dma_start3A_105 = tpu.memref_squeeze %dma_start3A_104 : memref<1x2x1024xf32, #tpu.memory_space<vmem>> -> memref<2x1024xf32, #tpu.memory_space<vmem>>
    %dma_start3A_106 = arith.constant 0 : i32
    %dma_start3A_107 = tpu.memref_slice %arg3[%add3A_79, %dma_start3A_106] : memref<8192x1024xf32, #tpu.memory_space<hbm>> -> memref<2x1024xf32, #tpu.memory_space<hbm>>
    %dma_start3A_108 = tpu.memref_slice %arg8[%dma_start3A_101] : memref<6x!tpu.dma_semaphore, #tpu.memory_space<semaphore_mem>> -> memref<1x!tpu.dma_semaphore, #tpu.memory_space<semaphore_mem>>
    %dma_start3A_109 = tpu.memref_squeeze %dma_start3A_108 : memref<1x!tpu.dma_semaphore, #tpu.memory_space<semaphore_mem>> -> memref<!tpu.dma_semaphore, #tpu.memory_space<semaphore_mem>>
    %dma_start3A_110 = arith.constant 0 : i32
    %dma_start3A_111 = arith.constant 0 : i32
    %dma_start3A_112 = tpu.memref_slice %arg6[%dma_start3A_100, %dma_start3A_110, %dma_start3A_111] : memref<6x2x1024xf32, #tpu.memory_space<vmem>> -> memref<1x2x1024xf32, #tpu.memory_space<vmem>>
    %dma_start3A_113 = tpu.memref_squeeze %dma_start3A_112 : memref<1x2x1024xf32, #tpu.memory_space<vmem>> -> memref<2x1024xf32, #tpu.memory_space<vmem>>
    %dma_start3A_114 = arith.constant 0 : i32
    %dma_start3A_115 = tpu.memref_slice %arg3[%add3A_79, %dma_start3A_114] : memref<8192x1024xf32, #tpu.memory_space<hbm>> -> memref<2x1024xf32, #tpu.memory_space<hbm>>
    tpu.enqueue_dma source(%dma_start3A_115 : memref<2x1024xf32, #tpu.memory_space<hbm>>) target(%dma_start3A_113 : memref<2x1024xf32, #tpu.memory_space<vmem>>) target_semaphore(%dma_start3A_109 : memref<!tpu.dma_semaphore, #tpu.memory_space<semaphore_mem>>)
    %add3A_116 = arith.constant 6 : i32
    %add3A_117 = arith.addi %mul3A_2, %add3A_116 : i32
    %dma_start3A_118 = arith.constant 3 : i32
    %dma_start3A_119 = arith.constant 3 : i32
    %dma_start3A_120 = arith.constant 0 : i32
    %dma_start3A_121 = arith.constant 0 : i32
    %dma_start3A_122 = arith.constant 0 : i32
    %dma_start3A_123 = tpu.memref_slice %arg5[%dma_start3A_118, %dma_start3A_120, %dma_start3A_121, %dma_start3A_122] : memref<6x2x4x1024xf32, #tpu.memory_space<vmem>> -> memref<1x2x4x1024xf32, #tpu.memory_space<vmem>>
    %dma_start3A_124 = tpu.memref_squeeze %dma_start3A_123 : memref<1x2x4x1024xf32, #tpu.memory_space<vmem>> -> memref<2x4x1024xf32, #tpu.memory_space<vmem>>
    %dma_start3A_125 = arith.constant 0 : i32
    %dma_start3A_126 = arith.constant 0 : i32
    %dma_start3A_127 = tpu.memref_slice %arg2[%add3A_117, %dma_start3A_125, %dma_start3A_126] : memref<8192x4x1024xf32, #tpu.memory_space<hbm>> -> memref<2x4x1024xf32, #tpu.memory_space<hbm>>
    %dma_start3A_128 = tpu.memref_slice %arg8[%dma_start3A_119] : memref<6x!tpu.dma_semaphore, #tpu.memory_space<semaphore_mem>> -> memref<1x!tpu.dma_semaphore, #tpu.memory_space<semaphore_mem>>
    %dma_start3A_129 = tpu.memref_squeeze %dma_start3A_128 : memref<1x!tpu.dma_semaphore, #tpu.memory_space<semaphore_mem>> -> memref<!tpu.dma_semaphore, #tpu.memory_space<semaphore_mem>>
    %dma_start3A_130 = arith.constant 0 : i32
    %dma_start3A_131 = arith.constant 0 : i32
    %dma_start3A_132 = arith.constant 0 : i32
    %dma_start3A_133 = tpu.memref_slice %arg5[%dma_start3A_118, %dma_start3A_130, %dma_start3A_131, %dma_start3A_132] : memref<6x2x4x1024xf32, #tpu.memory_space<vmem>> -> memref<1x2x4x1024xf32, #tpu.memory_space<vmem>>
    %dma_start3A_134 = tpu.memref_squeeze %dma_start3A_133 : memref<1x2x4x1024xf32, #tpu.memory_space<vmem>> -> memref<2x4x1024xf32, #tpu.memory_space<vmem>>
    %dma_start3A_135 = arith.constant 0 : i32
    %dma_start3A_136 = arith.constant 0 : i32
    %dma_start3A_137 = tpu.memref_slice %arg2[%add3A_117, %dma_start3A_135, %dma_start3A_136] : memref<8192x4x1024xf32, #tpu.memory_space<hbm>> -> memref<2x4x1024xf32, #tpu.memory_space<hbm>>
    tpu.enqueue_dma source(%dma_start3A_137 : memref<2x4x1024xf32, #tpu.memory_space<hbm>>) target(%dma_start3A_134 : memref<2x4x1024xf32, #tpu.memory_space<vmem>>) target_semaphore(%dma_start3A_129 : memref<!tpu.dma_semaphore, #tpu.memory_space<semaphore_mem>>)
    %dma_start3A_138 = arith.constant 3 : i32
    %dma_start3A_139 = arith.constant 3 : i32
    %dma_start3A_140 = arith.constant 0 : i32
    %dma_start3A_141 = arith.constant 0 : i32
    %dma_start3A_142 = tpu.memref_slice %arg6[%dma_start3A_138, %dma_start3A_140, %dma_start3A_141] : memref<6x2x1024xf32, #tpu.memory_space<vmem>> -> memref<1x2x1024xf32, #tpu.memory_space<vmem>>
    %dma_start3A_143 = tpu.memref_squeeze %dma_start3A_142 : memref<1x2x1024xf32, #tpu.memory_space<vmem>> -> memref<2x1024xf32, #tpu.memory_space<vmem>>
    %dma_start3A_144 = arith.constant 0 : i32
    %dma_start3A_145 = tpu.memref_slice %arg3[%add3A_117, %dma_start3A_144] : memref<8192x1024xf32, #tpu.memory_space<hbm>> -> memref<2x1024xf32, #tpu.memory_space<hbm>>
    %dma_start3A_146 = tpu.memref_slice %arg8[%dma_start3A_139] : memref<6x!tpu.dma_semaphore, #tpu.memory_space<semaphore_mem>> -> memref<1x!tpu.dma_semaphore, #tpu.memory_space<semaphore_mem>>
    %dma_start3A_147 = tpu.memref_squeeze %dma_start3A_146 : memref<1x!tpu.dma_semaphore, #tpu.memory_space<semaphore_mem>> -> memref<!tpu.dma_semaphore, #tpu.memory_space<semaphore_mem>>
    %dma_start3A_148 = arith.constant 0 : i32
    %dma_start3A_149 = arith.constant 0 : i32
    %dma_start3A_150 = tpu.memref_slice %arg6[%dma_start3A_138, %dma_start3A_148, %dma_start3A_149] : memref<6x2x1024xf32, #tpu.memory_space<vmem>> -> memref<1x2x1024xf32, #tpu.memory_space<vmem>>
    %dma_start3A_151 = tpu.memref_squeeze %dma_start3A_150 : memref<1x2x1024xf32, #tpu.memory_space<vmem>> -> memref<2x1024xf32, #tpu.memory_space<vmem>>
    %dma_start3A_152 = arith.constant 0 : i32
    %dma_start3A_153 = tpu.memref_slice %arg3[%add3A_117, %dma_start3A_152] : memref<8192x1024xf32, #tpu.memory_space<hbm>> -> memref<2x1024xf32, #tpu.memory_space<hbm>>
    tpu.enqueue_dma source(%dma_start3A_153 : memref<2x1024xf32, #tpu.memory_space<hbm>>) target(%dma_start3A_151 : memref<2x1024xf32, #tpu.memory_space<vmem>>) target_semaphore(%dma_start3A_147 : memref<!tpu.dma_semaphore, #tpu.memory_space<semaphore_mem>>)
    %add3A_154 = arith.constant 8 : i32
    %add3A_155 = arith.addi %mul3A_2, %add3A_154 : i32
    %dma_start3A_156 = arith.constant 4 : i32
    %dma_start3A_157 = arith.constant 4 : i32
    %dma_start3A_158 = arith.constant 0 : i32
    %dma_start3A_159 = arith.constant 0 : i32
    %dma_start3A_160 = arith.constant 0 : i32
    %dma_start3A_161 = tpu.memref_slice %arg5[%dma_start3A_156, %dma_start3A_158, %dma_start3A_159, %dma_start3A_160] : memref<6x2x4x1024xf32, #tpu.memory_space<vmem>> -> memref<1x2x4x1024xf32, #tpu.memory_space<vmem>>
    %dma_start3A_162 = tpu.memref_squeeze %dma_start3A_161 : memref<1x2x4x1024xf32, #tpu.memory_space<vmem>> -> memref<2x4x1024xf32, #tpu.memory_space<vmem>>
    %dma_start3A_163 = arith.constant 0 : i32
    %dma_start3A_164 = arith.constant 0 : i32
    %dma_start3A_165 = tpu.memref_slice %arg2[%add3A_155, %dma_start3A_163, %dma_start3A_164] : memref<8192x4x1024xf32, #tpu.memory_space<hbm>> -> memref<2x4x1024xf32, #tpu.memory_space<hbm>>
    %dma_start3A_166 = tpu.memref_slice %arg8[%dma_start3A_157] : memref<6x!tpu.dma_semaphore, #tpu.memory_space<semaphore_mem>> -> memref<1x!tpu.dma_semaphore, #tpu.memory_space<semaphore_mem>>
    %dma_start3A_167 = tpu.memref_squeeze %dma_start3A_166 : memref<1x!tpu.dma_semaphore, #tpu.memory_space<semaphore_mem>> -> memref<!tpu.dma_semaphore, #tpu.memory_space<semaphore_mem>>
    %dma_start3A_168 = arith.constant 0 : i32
    %dma_start3A_169 = arith.constant 0 : i32
    %dma_start3A_170 = arith.constant 0 : i32
    %dma_start3A_171 = tpu.memref_slice %arg5[%dma_start3A_156, %dma_start3A_168, %dma_start3A_169, %dma_start3A_170] : memref<6x2x4x1024xf32, #tpu.memory_space<vmem>> -> memref<1x2x4x1024xf32, #tpu.memory_space<vmem>>
    %dma_start3A_172 = tpu.memref_squeeze %dma_start3A_171 : memref<1x2x4x1024xf32, #tpu.memory_space<vmem>> -> memref<2x4x1024xf32, #tpu.memory_space<vmem>>
    %dma_start3A_173 = arith.constant 0 : i32
    %dma_start3A_174 = arith.constant 0 : i32
    %dma_start3A_175 = tpu.memref_slice %arg2[%add3A_155, %dma_start3A_173, %dma_start3A_174] : memref<8192x4x1024xf32, #tpu.memory_space<hbm>> -> memref<2x4x1024xf32, #tpu.memory_space<hbm>>
    tpu.enqueue_dma source(%dma_start3A_175 : memref<2x4x1024xf32, #tpu.memory_space<hbm>>) target(%dma_start3A_172 : memref<2x4x1024xf32, #tpu.memory_space<vmem>>) target_semaphore(%dma_start3A_167 : memref<!tpu.dma_semaphore, #tpu.memory_space<semaphore_mem>>)
    %dma_start3A_176 = arith.constant 4 : i32
    %dma_start3A_177 = arith.constant 4 : i32
    %dma_start3A_178 = arith.constant 0 : i32
    %dma_start3A_179 = arith.constant 0 : i32
    %dma_start3A_180 = tpu.memref_slice %arg6[%dma_start3A_176, %dma_start3A_178, %dma_start3A_179] : memref<6x2x1024xf32, #tpu.memory_space<vmem>> -> memref<1x2x1024xf32, #tpu.memory_space<vmem>>
    %dma_start3A_181 = tpu.memref_squeeze %dma_start3A_180 : memref<1x2x1024xf32, #tpu.memory_space<vmem>> -> memref<2x1024xf32, #tpu.memory_space<vmem>>
    %dma_start3A_182 = arith.constant 0 : i32
    %dma_start3A_183 = tpu.memref_slice %arg3[%add3A_155, %dma_start3A_182] : memref<8192x1024xf32, #tpu.memory_space<hbm>> -> memref<2x1024xf32, #tpu.memory_space<hbm>>
    %dma_start3A_184 = tpu.memref_slice %arg8[%dma_start3A_177] : memref<6x!tpu.dma_semaphore, #tpu.memory_space<semaphore_mem>> -> memref<1x!tpu.dma_semaphore, #tpu.memory_space<semaphore_mem>>
    %dma_start3A_185 = tpu.memref_squeeze %dma_start3A_184 : memref<1x!tpu.dma_semaphore, #tpu.memory_space<semaphore_mem>> -> memref<!tpu.dma_semaphore, #tpu.memory_space<semaphore_mem>>
    %dma_start3A_186 = arith.constant 0 : i32
    %dma_start3A_187 = arith.constant 0 : i32
    %dma_start3A_188 = tpu.memref_slice %arg6[%dma_start3A_176, %dma_start3A_186, %dma_start3A_187] : memref<6x2x1024xf32, #tpu.memory_space<vmem>> -> memref<1x2x1024xf32, #tpu.memory_space<vmem>>
    %dma_start3A_189 = tpu.memref_squeeze %dma_start3A_188 : memref<1x2x1024xf32, #tpu.memory_space<vmem>> -> memref<2x1024xf32, #tpu.memory_space<vmem>>
    %dma_start3A_190 = arith.constant 0 : i32
    %dma_start3A_191 = tpu.memref_slice %arg3[%add3A_155, %dma_start3A_190] : memref<8192x1024xf32, #tpu.memory_space<hbm>> -> memref<2x1024xf32, #tpu.memory_space<hbm>>
    tpu.enqueue_dma source(%dma_start3A_191 : memref<2x1024xf32, #tpu.memory_space<hbm>>) target(%dma_start3A_189 : memref<2x1024xf32, #tpu.memory_space<vmem>>) target_semaphore(%dma_start3A_185 : memref<!tpu.dma_semaphore, #tpu.memory_space<semaphore_mem>>)
    %scan3A = arith.constant 0 : i32
    %scan3A_192 = arith.constant 22 : i32
    %scan3A_193 = arith.addi %scan3A, %scan3A_192 : i32
    %scan3A_194 = arith.constant 1 : i32
    scf.for %scan3A_327 = %scan3A to %scan3A_193 step %scan3A_194  : i32 {
      %mul3A_328 = arith.constant 6 : i32
      %mul3A_329 = arith.muli %scan3A_327, %mul3A_328 : i32
      %add3A_330 = arith.constant 0 : i32
      %add3A_331 = arith.addi %add3A_330, %mul3A_329 : i32
      %add3A_332 = arith.constant 0 : i32
      %add3A_333 = arith.addi %add3A_331, %add3A_332 : i32
      %lt3A = arith.constant 128 : i32
      %lt3A_334 = arith.cmpi slt, %add3A_333, %lt3A : i32
      %convert_element_type3A = arith.extui %lt3A_334 : i1 to i32
      %cond3A = arith.constant 0 : i32
      %cond3A_335 = arith.cmpi ne, %convert_element_type3A, %cond3A : i32
      scf.if %cond3A_335 {
        %mul3A_371 = arith.constant 2 : i32
        %mul3A_372 = arith.muli %add3A_333, %mul3A_371 : i32
        %add3A_373 = arith.addi %mul3A_2, %mul3A_372 : i32
        %dma_wait3A_374 = arith.constant 0 : i32
        %dma_wait3A_375 = arith.constant 0 : i32
        %dma_wait3A_376 = arith.constant 0 : i32
        %dma_wait3A_377 = arith.constant 0 : i32
        %dma_wait3A_378 = arith.constant 0 : i32
        %dma_wait3A_379 = tpu.memref_slice %arg5[%dma_wait3A_374, %dma_wait3A_376, %dma_wait3A_377, %dma_wait3A_378] : memref<6x2x4x1024xf32, #tpu.memory_space<vmem>> -> memref<1x2x4x1024xf32, #tpu.memory_space<vmem>>
        %dma_wait3A_380 = tpu.memref_squeeze %dma_wait3A_379 : memref<1x2x4x1024xf32, #tpu.memory_space<vmem>> -> memref<2x4x1024xf32, #tpu.memory_space<vmem>>
        %dma_wait3A_381 = arith.constant 0 : i32
        %dma_wait3A_382 = arith.constant 0 : i32
        %dma_wait3A_383 = tpu.memref_slice %arg2[%add3A_373, %dma_wait3A_381, %dma_wait3A_382] : memref<8192x4x1024xf32, #tpu.memory_space<hbm>> -> memref<2x4x1024xf32, #tpu.memory_space<hbm>>
        %dma_wait3A_384 = tpu.memref_slice %arg8[%dma_wait3A_375] : memref<6x!tpu.dma_semaphore, #tpu.memory_space<semaphore_mem>> -> memref<1x!tpu.dma_semaphore, #tpu.memory_space<semaphore_mem>>
        %dma_wait3A_385 = tpu.memref_squeeze %dma_wait3A_384 : memref<1x!tpu.dma_semaphore, #tpu.memory_space<semaphore_mem>> -> memref<!tpu.dma_semaphore, #tpu.memory_space<semaphore_mem>>
        %dma_wait3A_386 = arith.constant 0 : i32
        %dma_wait3A_387 = arith.constant 0 : i32
        %dma_wait3A_388 = arith.constant 0 : i32
        %dma_wait3A_389 = tpu.memref_slice %arg5[%dma_wait3A_374, %dma_wait3A_386, %dma_wait3A_387, %dma_wait3A_388] : memref<6x2x4x1024xf32, #tpu.memory_space<vmem>> -> memref<1x2x4x1024xf32, #tpu.memory_space<vmem>>
        %dma_wait3A_390 = tpu.memref_squeeze %dma_wait3A_389 : memref<1x2x4x1024xf32, #tpu.memory_space<vmem>> -> memref<2x4x1024xf32, #tpu.memory_space<vmem>>
        %dma_wait3A_391 = arith.constant 0 : i32
        %dma_wait3A_392 = arith.constant 0 : i32
        %dma_wait3A_393 = tpu.memref_slice %arg2[%add3A_373, %dma_wait3A_391, %dma_wait3A_392] : memref<8192x4x1024xf32, #tpu.memory_space<hbm>> -> memref<2x4x1024xf32, #tpu.memory_space<hbm>>
        tpu.wait_dma2 semaphore(%dma_wait3A_385 : memref<!tpu.dma_semaphore, #tpu.memory_space<semaphore_mem>>) src(%dma_wait3A_393 : memref<2x4x1024xf32, #tpu.memory_space<hbm>>) dst(%dma_wait3A_390 : memref<2x4x1024xf32, #tpu.memory_space<vmem>>)
        %dma_wait3A_394 = arith.constant 0 : i32
        %dma_wait3A_395 = arith.constant 0 : i32
        %dma_wait3A_396 = arith.constant 0 : i32
        %dma_wait3A_397 = arith.constant 0 : i32
        %dma_wait3A_398 = tpu.memref_slice %arg6[%dma_wait3A_394, %dma_wait3A_396, %dma_wait3A_397] : memref<6x2x1024xf32, #tpu.memory_space<vmem>> -> memref<1x2x1024xf32, #tpu.memory_space<vmem>>
        %dma_wait3A_399 = tpu.memref_squeeze %dma_wait3A_398 : memref<1x2x1024xf32, #tpu.memory_space<vmem>> -> memref<2x1024xf32, #tpu.memory_space<vmem>>
        %dma_wait3A_400 = arith.constant 0 : i32
        %dma_wait3A_401 = tpu.memref_slice %arg3[%add3A_373, %dma_wait3A_400] : memref<8192x1024xf32, #tpu.memory_space<hbm>> -> memref<2x1024xf32, #tpu.memory_space<hbm>>
        %dma_wait3A_402 = tpu.memref_slice %arg8[%dma_wait3A_395] : memref<6x!tpu.dma_semaphore, #tpu.memory_space<semaphore_mem>> -> memref<1x!tpu.dma_semaphore, #tpu.memory_space<semaphore_mem>>
        %dma_wait3A_403 = tpu.memref_squeeze %dma_wait3A_402 : memref<1x!tpu.dma_semaphore, #tpu.memory_space<semaphore_mem>> -> memref<!tpu.dma_semaphore, #tpu.memory_space<semaphore_mem>>
        %dma_wait3A_404 = arith.constant 0 : i32
        %dma_wait3A_405 = arith.constant 0 : i32
        %dma_wait3A_406 = tpu.memref_slice %arg6[%dma_wait3A_394, %dma_wait3A_404, %dma_wait3A_405] : memref<6x2x1024xf32, #tpu.memory_space<vmem>> -> memref<1x2x1024xf32, #tpu.memory_space<vmem>>
        %dma_wait3A_407 = tpu.memref_squeeze %dma_wait3A_406 : memref<1x2x1024xf32, #tpu.memory_space<vmem>> -> memref<2x1024xf32, #tpu.memory_space<vmem>>
        %dma_wait3A_408 = arith.constant 0 : i32
        %dma_wait3A_409 = tpu.memref_slice %arg3[%add3A_373, %dma_wait3A_408] : memref<8192x1024xf32, #tpu.memory_space<hbm>> -> memref<2x1024xf32, #tpu.memory_space<hbm>>
        tpu.wait_dma2 semaphore(%dma_wait3A_403 : memref<!tpu.dma_semaphore, #tpu.memory_space<semaphore_mem>>) src(%dma_wait3A_409 : memref<2x1024xf32, #tpu.memory_space<hbm>>) dst(%dma_wait3A_407 : memref<2x1024xf32, #tpu.memory_space<vmem>>)
        %ge3A = arith.constant 6 : i32
        %ge3A_410 = arith.cmpi sge, %add3A_333, %ge3A : i32
        %convert_element_type3A_411 = arith.extui %ge3A_410 : i1 to i32
        %cond3A_412 = arith.constant 0 : i32
        %cond3A_413 = arith.cmpi ne, %convert_element_type3A_411, %cond3A_412 : i32
        scf.if %cond3A_413 {
          %sub3A_447 = arith.constant 6 : i32
          %sub3A_448 = arith.subi %add3A_333, %sub3A_447 : i32
          %mul3A_449 = arith.constant 2 : i32
          %mul3A_450 = arith.muli %sub3A_448, %mul3A_449 : i32
          %add3A_451 = arith.addi %mul3A_2, %mul3A_450 : i32
          %dma_wait3A_452 = arith.constant 0 : i32
          %dma_wait3A_453 = arith.constant 0 : i32
          %dma_wait3A_454 = arith.constant 0 : i32
          %dma_wait3A_455 = arith.constant 0 : i32
          %dma_wait3A_456 = arith.constant 0 : i32
          %dma_wait3A_457 = tpu.memref_slice %arg7[%dma_wait3A_452, %dma_wait3A_454, %dma_wait3A_455, %dma_wait3A_456] : memref<6x2x4x1024xf32, #tpu.memory_space<vmem>> -> memref<1x2x4x1024xf32, #tpu.memory_space<vmem>>
          %dma_wait3A_458 = tpu.memref_squeeze %dma_wait3A_457 : memref<1x2x4x1024xf32, #tpu.memory_space<vmem>> -> memref<2x4x1024xf32, #tpu.memory_space<vmem>>
          %dma_wait3A_459 = arith.constant 0 : i32
          %dma_wait3A_460 = arith.constant 0 : i32
          %dma_wait3A_461 = tpu.memref_slice %arg4[%add3A_451, %dma_wait3A_459, %dma_wait3A_460] : memref<8192x4x1024xf32, #tpu.memory_space<hbm>> -> memref<2x4x1024xf32, #tpu.memory_space<hbm>>
          %dma_wait3A_462 = tpu.memref_slice %arg9[%dma_wait3A_453] : memref<6x!tpu.dma_semaphore, #tpu.memory_space<semaphore_mem>> -> memref<1x!tpu.dma_semaphore, #tpu.memory_space<semaphore_mem>>
          %dma_wait3A_463 = tpu.memref_squeeze %dma_wait3A_462 : memref<1x!tpu.dma_semaphore, #tpu.memory_space<semaphore_mem>> -> memref<!tpu.dma_semaphore, #tpu.memory_space<semaphore_mem>>
          %dma_wait3A_464 = arith.constant 0 : i32
          %dma_wait3A_465 = arith.constant 0 : i32
          %dma_wait3A_466 = tpu.memref_slice %arg4[%add3A_451, %dma_wait3A_464, %dma_wait3A_465] : memref<8192x4x1024xf32, #tpu.memory_space<hbm>> -> memref<2x4x1024xf32, #tpu.memory_space<hbm>>
          %dma_wait3A_467 = arith.constant 0 : i32
          %dma_wait3A_468 = arith.constant 0 : i32
          %dma_wait3A_469 = arith.constant 0 : i32
          %dma_wait3A_470 = tpu.memref_slice %arg7[%dma_wait3A_452, %dma_wait3A_467, %dma_wait3A_468, %dma_wait3A_469] : memref<6x2x4x1024xf32, #tpu.memory_space<vmem>> -> memref<1x2x4x1024xf32, #tpu.memory_space<vmem>>
          %dma_wait3A_471 = tpu.memref_squeeze %dma_wait3A_470 : memref<1x2x4x1024xf32, #tpu.memory_space<vmem>> -> memref<2x4x1024xf32, #tpu.memory_space<vmem>>
          tpu.wait_dma2 semaphore(%dma_wait3A_463 : memref<!tpu.dma_semaphore, #tpu.memory_space<semaphore_mem>>) src(%dma_wait3A_471 : memref<2x4x1024xf32, #tpu.memory_space<vmem>>) dst(%dma_wait3A_466 : memref<2x4x1024xf32, #tpu.memory_space<hbm>>)
        } else {
        }
        %parallel_loop3A = arith.constant 0 : i32
        %parallel_loop3A_414 = arith.constant 64 : i32
        %parallel_loop3A_415 = arith.constant 1 : i32
        scf.for %parallel_loop3A_447 = %parallel_loop3A to %parallel_loop3A_414 step %parallel_loop3A_415  : i32 {
          %parallel_loop3A_448 = arith.constant 16 : i32
          %parallel_loop3A_449 = arith.muli %parallel_loop3A_447, %parallel_loop3A_448 : i32
          %parallel_loop3A_450 = arith.constant 0 : i32
          %parallel_loop3A_451 = arith.constant 0 : i32
          %parallel_loop3A_452 = arith.index_cast %parallel_loop3A_450 : i32 to index
          %parallel_loop3A_453 = arith.index_cast %parallel_loop3A_451 : i32 to index
          %parallel_loop3A_454 = arith.index_cast %parallel_loop3A_449 : i32 to index
          %parallel_loop3A_455 = tpu.vector_load %arg6[%parallel_loop3A_452, %parallel_loop3A_453, %parallel_loop3A_454] {strides = array<i32>} : memref<6x2x1024xf32, #tpu.memory_space<vmem>>, vector<1x1x16xf32>,
          %parallel_loop3A_456 = vector.shape_cast %parallel_loop3A_455 : vector<1x1x16xf32> to vector<16xf32>
          %parallel_loop3A_457 = arith.constant 0 : i32
          %parallel_loop3A_458 = arith.constant 0 : i32
          %parallel_loop3A_459 = arith.constant 0 : i32
          %parallel_loop3A_460 = arith.index_cast %parallel_loop3A_457 : i32 to index
          %parallel_loop3A_461 = arith.index_cast %parallel_loop3A_458 : i32 to index
          %parallel_loop3A_462 = arith.index_cast %parallel_loop3A_459 : i32 to index
          %parallel_loop3A_463 = arith.index_cast %parallel_loop3A_449 : i32 to index
          %parallel_loop3A_464 = tpu.vector_load %arg5[%parallel_loop3A_460, %parallel_loop3A_461, %parallel_loop3A_462, %parallel_loop3A_463] {strides = array<i32>} : memref<6x2x4x1024xf32, #tpu.memory_space<vmem>>, vector<1x1x1x16xf32>,
          %parallel_loop3A_465 = vector.shape_cast %parallel_loop3A_464 : vector<1x1x1x16xf32> to vector<16xf32>
          %parallel_loop3A_466 = arith.addf %parallel_loop3A_465, %parallel_loop3A_456 : vector<16xf32>
          %parallel_loop3A_467 = arith.constant 0 : i32
          %parallel_loop3A_468 = arith.constant 0 : i32
          %parallel_loop3A_469 = arith.constant 0 : i32
          %parallel_loop3A_470 = arith.index_cast %parallel_loop3A_467 : i32 to index
          %parallel_loop3A_471 = arith.index_cast %parallel_loop3A_468 : i32 to index
          %parallel_loop3A_472 = arith.index_cast %parallel_loop3A_469 : i32 to index
          %parallel_loop3A_473 = arith.index_cast %parallel_loop3A_449 : i32 to index
          %parallel_loop3A_474 = tpu.vector_load %arg7[%parallel_loop3A_470, %parallel_loop3A_471, %parallel_loop3A_472, %parallel_loop3A_473] {strides = array<i32>} : memref<6x2x4x1024xf32, #tpu.memory_space<vmem>>, vector<1x1x1x16xf32>,
          %parallel_loop3A_475 = vector.shape_cast %parallel_loop3A_474 : vector<1x1x1x16xf32> to vector<16xf32>
          %parallel_loop3A_476 = vector.shape_cast %parallel_loop3A_466 : vector<16xf32> to vector<1x1x1x16xf32>
          tpu.vector_store %arg7[%parallel_loop3A_470, %parallel_loop3A_471, %parallel_loop3A_472, %parallel_loop3A_473], %parallel_loop3A_476 {strides = array<i32>} : memref<6x2x4x1024xf32, #tpu.memory_space<vmem>>, vector<1x1x1x16xf32>,
          %parallel_loop3A_477 = arith.constant 0 : i32
          %parallel_loop3A_478 = arith.constant 0 : i32
          %parallel_loop3A_479 = arith.constant 1 : i32
          %parallel_loop3A_480 = arith.index_cast %parallel_loop3A_477 : i32 to index
          %parallel_loop3A_481 = arith.index_cast %parallel_loop3A_478 : i32 to index
          %parallel_loop3A_482 = arith.index_cast %parallel_loop3A_479 : i32 to index
          %parallel_loop3A_483 = arith.index_cast %parallel_loop3A_449 : i32 to index
          %parallel_loop3A_484 = tpu.vector_load %arg5[%parallel_loop3A_480, %parallel_loop3A_481, %parallel_loop3A_482, %parallel_loop3A_483] {strides = array<i32>} : memref<6x2x4x1024xf32, #tpu.memory_space<vmem>>, vector<1x1x1x16xf32>,
          %parallel_loop3A_485 = vector.shape_cast %parallel_loop3A_484 : vector<1x1x1x16xf32> to vector<16xf32>
          %parallel_loop3A_486 = arith.addf %parallel_loop3A_485, %parallel_loop3A_456 : vector<16xf32>
          %parallel_loop3A_487 = arith.constant 0 : i32
          %parallel_loop3A_488 = arith.constant 0 : i32
          %parallel_loop3A_489 = arith.constant 1 : i32
          %parallel_loop3A_490 = arith.index_cast %parallel_loop3A_487 : i32 to index
          %parallel_loop3A_491 = arith.index_cast %parallel_loop3A_488 : i32 to index
          %parallel_loop3A_492 = arith.index_cast %parallel_loop3A_489 : i32 to index
          %parallel_loop3A_493 = arith.index_cast %parallel_loop3A_449 : i32 to index
          %parallel_loop3A_494 = tpu.vector_load %arg7[%parallel_loop3A_490, %parallel_loop3A_491, %parallel_loop3A_492, %parallel_loop3A_493] {strides = array<i32>} : memref<6x2x4x1024xf32, #tpu.memory_space<vmem>>, vector<1x1x1x16xf32>,
          %parallel_loop3A_495 = vector.shape_cast %parallel_loop3A_494 : vector<1x1x1x16xf32> to vector<16xf32>
          %parallel_loop3A_496 = vector.shape_cast %parallel_loop3A_486 : vector<16xf32> to vector<1x1x1x16xf32>
          tpu.vector_store %arg7[%parallel_loop3A_490, %parallel_loop3A_491, %parallel_loop3A_492, %parallel_loop3A_493], %parallel_loop3A_496 {strides = array<i32>} : memref<6x2x4x1024xf32, #tpu.memory_space<vmem>>, vector<1x1x1x16xf32>,
          %parallel_loop3A_497 = arith.constant 0 : i32
          %parallel_loop3A_498 = arith.constant 0 : i32
          %parallel_loop3A_499 = arith.constant 2 : i32
          %parallel_loop3A_500 = arith.index_cast %parallel_loop3A_497 : i32 to index
          %parallel_loop3A_501 = arith.index_cast %parallel_loop3A_498 : i32 to index
          %parallel_loop3A_502 = arith.index_cast %parallel_loop3A_499 : i32 to index
          %parallel_loop3A_503 = arith.index_cast %parallel_loop3A_449 : i32 to index
          %parallel_loop3A_504 = tpu.vector_load %arg5[%parallel_loop3A_500, %parallel_loop3A_501, %parallel_loop3A_502, %parallel_loop3A_503] {strides = array<i32>} : memref<6x2x4x1024xf32, #tpu.memory_space<vmem>>, vector<1x1x1x16xf32>,
          %parallel_loop3A_505 = vector.shape_cast %parallel_loop3A_504 : vector<1x1x1x16xf32> to vector<16xf32>
          %parallel_loop3A_506 = arith.addf %parallel_loop3A_505, %parallel_loop3A_456 : vector<16xf32>
          %parallel_loop3A_507 = arith.constant 0 : i32
          %parallel_loop3A_508 = arith.constant 0 : i32
          %parallel_loop3A_509 = arith.constant 2 : i32
          %parallel_loop3A_510 = arith.index_cast %parallel_loop3A_507 : i32 to index
          %parallel_loop3A_511 = arith.index_cast %parallel_loop3A_508 : i32 to index
          %parallel_loop3A_512 = arith.index_cast %parallel_loop3A_509 : i32 to index
          %parallel_loop3A_513 = arith.index_cast %parallel_loop3A_449 : i32 to index
          %parallel_loop3A_514 = tpu.vector_load %arg7[%parallel_loop3A_510, %parallel_loop3A_511, %parallel_loop3A_512, %parallel_loop3A_513] {strides = array<i32>} : memref<6x2x4x1024xf32, #tpu.memory_space<vmem>>, vector<1x1x1x16xf32>,
          %parallel_loop3A_515 = vector.shape_cast %parallel_loop3A_514 : vector<1x1x1x16xf32> to vector<16xf32>
          %parallel_loop3A_516 = vector.shape_cast %parallel_loop3A_506 : vector<16xf32> to vector<1x1x1x16xf32>
          tpu.vector_store %arg7[%parallel_loop3A_510, %parallel_loop3A_511, %parallel_loop3A_512, %parallel_loop3A_513], %parallel_loop3A_516 {strides = array<i32>} : memref<6x2x4x1024xf32, #tpu.memory_space<vmem>>, vector<1x1x1x16xf32>,
          %parallel_loop3A_517 = arith.constant 0 : i32
          %parallel_loop3A_518 = arith.constant 0 : i32
          %parallel_loop3A_519 = arith.constant 3 : i32
          %parallel_loop3A_520 = arith.index_cast %parallel_loop3A_517 : i32 to index
          %parallel_loop3A_521 = arith.index_cast %parallel_loop3A_518 : i32 to index
          %parallel_loop3A_522 = arith.index_cast %parallel_loop3A_519 : i32 to index
          %parallel_loop3A_523 = arith.index_cast %parallel_loop3A_449 : i32 to index
          %parallel_loop3A_524 = tpu.vector_load %arg5[%parallel_loop3A_520, %parallel_loop3A_521, %parallel_loop3A_522, %parallel_loop3A_523] {strides = array<i32>} : memref<6x2x4x1024xf32, #tpu.memory_space<vmem>>, vector<1x1x1x16xf32>,
          %parallel_loop3A_525 = vector.shape_cast %parallel_loop3A_524 : vector<1x1x1x16xf32> to vector<16xf32>
          %parallel_loop3A_526 = arith.addf %parallel_loop3A_525, %parallel_loop3A_456 : vector<16xf32>
          %parallel_loop3A_527 = arith.constant 0 : i32
          %parallel_loop3A_528 = arith.constant 0 : i32
          %parallel_loop3A_529 = arith.constant 3 : i32
          %parallel_loop3A_530 = arith.index_cast %parallel_loop3A_527 : i32 to index
          %parallel_loop3A_531 = arith.index_cast %parallel_loop3A_528 : i32 to index
          %parallel_loop3A_532 = arith.index_cast %parallel_loop3A_529 : i32 to index
          %parallel_loop3A_533 = arith.index_cast %parallel_loop3A_449 : i32 to index
          %parallel_loop3A_534 = tpu.vector_load %arg7[%parallel_loop3A_530, %parallel_loop3A_531, %parallel_loop3A_532, %parallel_loop3A_533] {strides = array<i32>} : memref<6x2x4x1024xf32, #tpu.memory_space<vmem>>, vector<1x1x1x16xf32>,
          %parallel_loop3A_535 = vector.shape_cast %parallel_loop3A_534 : vector<1x1x1x16xf32> to vector<16xf32>
          %parallel_loop3A_536 = vector.shape_cast %parallel_loop3A_526 : vector<16xf32> to vector<1x1x1x16xf32>
          tpu.vector_store %arg7[%parallel_loop3A_530, %parallel_loop3A_531, %parallel_loop3A_532, %parallel_loop3A_533], %parallel_loop3A_536 {strides = array<i32>} : memref<6x2x4x1024xf32, #tpu.memory_space<vmem>>, vector<1x1x1x16xf32>,
          %parallel_loop3A_537 = arith.constant 0 : i32
          %parallel_loop3A_538 = arith.constant 1 : i32
          %parallel_loop3A_539 = arith.index_cast %parallel_loop3A_537 : i32 to index
          %parallel_loop3A_540 = arith.index_cast %parallel_loop3A_538 : i32 to index
          %parallel_loop3A_541 = arith.index_cast %parallel_loop3A_449 : i32 to index
          %parallel_loop3A_542 = tpu.vector_load %arg6[%parallel_loop3A_539, %parallel_loop3A_540, %parallel_loop3A_541] {strides = array<i32>} : memref<6x2x1024xf32, #tpu.memory_space<vmem>>, vector<1x1x16xf32>,
          %parallel_loop3A_543 = vector.shape_cast %parallel_loop3A_542 : vector<1x1x16xf32> to vector<16xf32>
          %parallel_loop3A_544 = arith.constant 0 : i32
          %parallel_loop3A_545 = arith.constant 1 : i32
          %parallel_loop3A_546 = arith.constant 0 : i32
          %parallel_loop3A_547 = arith.index_cast %parallel_loop3A_544 : i32 to index
          %parallel_loop3A_548 = arith.index_cast %parallel_loop3A_545 : i32 to index
          %parallel_loop3A_549 = arith.index_cast %parallel_loop3A_546 : i32 to index
          %parallel_loop3A_550 = arith.index_cast %parallel_loop3A_449 : i32 to index
          %parallel_loop3A_551 = tpu.vector_load %arg5[%parallel_loop3A_547, %parallel_loop3A_548, %parallel_loop3A_549, %parallel_loop3A_550] {strides = array<i32>} : memref<6x2x4x1024xf32, #tpu.memory_space<vmem>>, vector<1x1x1x16xf32>,
          %parallel_loop3A_552 = vector.shape_cast %parallel_loop3A_551 : vector<1x1x1x16xf32> to vector<16xf32>
          %parallel_loop3A_553 = arith.addf %parallel_loop3A_552, %parallel_loop3A_543 : vector<16xf32>
          %parallel_loop3A_554 = arith.constant 0 : i32
          %parallel_loop3A_555 = arith.constant 1 : i32
          %parallel_loop3A_556 = arith.constant 0 : i32
          %parallel_loop3A_557 = arith.index_cast %parallel_loop3A_554 : i32 to index
          %parallel_loop3A_558 = arith.index_cast %parallel_loop3A_555 : i32 to index
          %parallel_loop3A_559 = arith.index_cast %parallel_loop3A_556 : i32 to index
          %parallel_loop3A_560 = arith.index_cast %parallel_loop3A_449 : i32 to index
          %parallel_loop3A_561 = tpu.vector_load %arg7[%parallel_loop3A_557, %parallel_loop3A_558, %parallel_loop3A_559, %parallel_loop3A_560] {strides = array<i32>} : memref<6x2x4x1024xf32, #tpu.memory_space<vmem>>, vector<1x1x1x16xf32>,
          %parallel_loop3A_562 = vector.shape_cast %parallel_loop3A_561 : vector<1x1x1x16xf32> to vector<16xf32>
          %parallel_loop3A_563 = vector.shape_cast %parallel_loop3A_553 : vector<16xf32> to vector<1x1x1x16xf32>
          tpu.vector_store %arg7[%parallel_loop3A_557, %parallel_loop3A_558, %parallel_loop3A_559, %parallel_loop3A_560], %parallel_loop3A_563 {strides = array<i32>} : memref<6x2x4x1024xf32, #tpu.memory_space<vmem>>, vector<1x1x1x16xf32>,
          %parallel_loop3A_564 = arith.constant 0 : i32
          %parallel_loop3A_565 = arith.constant 1 : i32
          %parallel_loop3A_566 = arith.constant 1 : i32
          %parallel_loop3A_567 = arith.index_cast %parallel_loop3A_564 : i32 to index
          %parallel_loop3A_568 = arith.index_cast %parallel_loop3A_565 : i32 to index
          %parallel_loop3A_569 = arith.index_cast %parallel_loop3A_566 : i32 to index
          %parallel_loop3A_570 = arith.index_cast %parallel_loop3A_449 : i32 to index
          %parallel_loop3A_571 = tpu.vector_load %arg5[%parallel_loop3A_567, %parallel_loop3A_568, %parallel_loop3A_569, %parallel_loop3A_570] {strides = array<i32>} : memref<6x2x4x1024xf32, #tpu.memory_space<vmem>>, vector<1x1x1x16xf32>,
          %parallel_loop3A_572 = vector.shape_cast %parallel_loop3A_571 : vector<1x1x1x16xf32> to vector<16xf32>
          %parallel_loop3A_573 = arith.addf %parallel_loop3A_572, %parallel_loop3A_543 : vector<16xf32>
          %parallel_loop3A_574 = arith.constant 0 : i32
          %parallel_loop3A_575 = arith.constant 1 : i32
          %parallel_loop3A_576 = arith.constant 1 : i32
          %parallel_loop3A_577 = arith.index_cast %parallel_loop3A_574 : i32 to index
          %parallel_loop3A_578 = arith.index_cast %parallel_loop3A_575 : i32 to index
          %parallel_loop3A_579 = arith.index_cast %parallel_loop3A_576 : i32 to index
          %parallel_loop3A_580 = arith.index_cast %parallel_loop3A_449 : i32 to index
          %parallel_loop3A_581 = tpu.vector_load %arg7[%parallel_loop3A_577, %parallel_loop3A_578, %parallel_loop3A_579, %parallel_loop3A_580] {strides = array<i32>} : memref<6x2x4x1024xf32, #tpu.memory_space<vmem>>, vector<1x1x1x16xf32>,
          %parallel_loop3A_582 = vector.shape_cast %parallel_loop3A_581 : vector<1x1x1x16xf32> to vector<16xf32>
          %parallel_loop3A_583 = vector.shape_cast %parallel_loop3A_573 : vector<16xf32> to vector<1x1x1x16xf32>
          tpu.vector_store %arg7[%parallel_loop3A_577, %parallel_loop3A_578, %parallel_loop3A_579, %parallel_loop3A_580], %parallel_loop3A_583 {strides = array<i32>} : memref<6x2x4x1024xf32, #tpu.memory_space<vmem>>, vector<1x1x1x16xf32>,
          %parallel_loop3A_584 = arith.constant 0 : i32
          %parallel_loop3A_585 = arith.constant 1 : i32
          %parallel_loop3A_586 = arith.constant 2 : i32
          %parallel_loop3A_587 = arith.index_cast %parallel_loop3A_584 : i32 to index
          %parallel_loop3A_588 = arith.index_cast %parallel_loop3A_585 : i32 to index
          %parallel_loop3A_589 = arith.index_cast %parallel_loop3A_586 : i32 to index
          %parallel_loop3A_590 = arith.index_cast %parallel_loop3A_449 : i32 to index
          %parallel_loop3A_591 = tpu.vector_load %arg5[%parallel_loop3A_587, %parallel_loop3A_588, %parallel_loop3A_589, %parallel_loop3A_590] {strides = array<i32>} : memref<6x2x4x1024xf32, #tpu.memory_space<vmem>>, vector<1x1x1x16xf32>,
          %parallel_loop3A_592 = vector.shape_cast %parallel_loop3A_591 : vector<1x1x1x16xf32> to vector<16xf32>
          %parallel_loop3A_593 = arith.addf %parallel_loop3A_592, %parallel_loop3A_543 : vector<16xf32>
          %parallel_loop3A_594 = arith.constant 0 : i32
          %parallel_loop3A_595 = arith.constant 1 : i32
          %parallel_loop3A_596 = arith.constant 2 : i32
          %parallel_loop3A_597 = arith.index_cast %parallel_loop3A_594 : i32 to index
          %parallel_loop3A_598 = arith.index_cast %parallel_loop3A_595 : i32 to index
          %parallel_loop3A_599 = arith.index_cast %parallel_loop3A_596 : i32 to index
          %parallel_loop3A_600 = arith.index_cast %parallel_loop3A_449 : i32 to index
          %parallel_loop3A_601 = tpu.vector_load %arg7[%parallel_loop3A_597, %parallel_loop3A_598, %parallel_loop3A_599, %parallel_loop3A_600] {strides = array<i32>} : memref<6x2x4x1024xf32, #tpu.memory_space<vmem>>, vector<1x1x1x16xf32>,
          %parallel_loop3A_602 = vector.shape_cast %parallel_loop3A_601 : vector<1x1x1x16xf32> to vector<16xf32>
          %parallel_loop3A_603 = vector.shape_cast %parallel_loop3A_593 : vector<16xf32> to vector<1x1x1x16xf32>
          tpu.vector_store %arg7[%parallel_loop3A_597, %parallel_loop3A_598, %parallel_loop3A_599, %parallel_loop3A_600], %parallel_loop3A_603 {strides = array<i32>} : memref<6x2x4x1024xf32, #tpu.memory_space<vmem>>, vector<1x1x1x16xf32>,
          %parallel_loop3A_604 = arith.constant 0 : i32
          %parallel_loop3A_605 = arith.constant 1 : i32
          %parallel_loop3A_606 = arith.constant 3 : i32
          %parallel_loop3A_607 = arith.index_cast %parallel_loop3A_604 : i32 to index
          %parallel_loop3A_608 = arith.index_cast %parallel_loop3A_605 : i32 to index
          %parallel_loop3A_609 = arith.index_cast %parallel_loop3A_606 : i32 to index
          %parallel_loop3A_610 = arith.index_cast %parallel_loop3A_449 : i32 to index
          %parallel_loop3A_611 = tpu.vector_load %arg5[%parallel_loop3A_607, %parallel_loop3A_608, %parallel_loop3A_609, %parallel_loop3A_610] {strides = array<i32>} : memref<6x2x4x1024xf32, #tpu.memory_space<vmem>>, vector<1x1x1x16xf32>,
          %parallel_loop3A_612 = vector.shape_cast %parallel_loop3A_611 : vector<1x1x1x16xf32> to vector<16xf32>
          %parallel_loop3A_613 = arith.addf %parallel_loop3A_612, %parallel_loop3A_543 : vector<16xf32>
          %parallel_loop3A_614 = arith.constant 0 : i32
          %parallel_loop3A_615 = arith.constant 1 : i32
          %parallel_loop3A_616 = arith.constant 3 : i32
          %parallel_loop3A_617 = arith.index_cast %parallel_loop3A_614 : i32 to index
          %parallel_loop3A_618 = arith.index_cast %parallel_loop3A_615 : i32 to index
          %parallel_loop3A_619 = arith.index_cast %parallel_loop3A_616 : i32 to index
          %parallel_loop3A_620 = arith.index_cast %parallel_loop3A_449 : i32 to index
          %parallel_loop3A_621 = tpu.vector_load %arg7[%parallel_loop3A_617, %parallel_loop3A_618, %parallel_loop3A_619, %parallel_loop3A_620] {strides = array<i32>} : memref<6x2x4x1024xf32, #tpu.memory_space<vmem>>, vector<1x1x1x16xf32>,
          %parallel_loop3A_622 = vector.shape_cast %parallel_loop3A_621 : vector<1x1x1x16xf32> to vector<16xf32>
          %parallel_loop3A_623 = vector.shape_cast %parallel_loop3A_613 : vector<16xf32> to vector<1x1x1x16xf32>
          tpu.vector_store %arg7[%parallel_loop3A_617, %parallel_loop3A_618, %parallel_loop3A_619, %parallel_loop3A_620], %parallel_loop3A_623 {strides = array<i32>} : memref<6x2x4x1024xf32, #tpu.memory_space<vmem>>, vector<1x1x1x16xf32>,
        } {sc.loop_unroll_factor = 1 : i64, sc.parallel_access}
        %mul3A_416 = arith.constant 2 : i32
        %mul3A_417 = arith.muli %add3A_333, %mul3A_416 : i32
        %add3A_418 = arith.addi %mul3A_2, %mul3A_417 : i32
        %dma_start3A_419 = arith.constant 0 : i32
        %dma_start3A_420 = arith.constant 0 : i32
        %dma_start3A_421 = arith.constant 0 : i32
        %dma_start3A_422 = arith.constant 0 : i32
        %dma_start3A_423 = arith.constant 0 : i32
        %dma_start3A_424 = tpu.memref_slice %arg7[%dma_start3A_419, %dma_start3A_421, %dma_start3A_422, %dma_start3A_423] : memref<6x2x4x1024xf32, #tpu.memory_space<vmem>> -> memref<1x2x4x1024xf32, #tpu.memory_space<vmem>>
        %dma_start3A_425 = tpu.memref_squeeze %dma_start3A_424 : memref<1x2x4x1024xf32, #tpu.memory_space<vmem>> -> memref<2x4x1024xf32, #tpu.memory_space<vmem>>
        %dma_start3A_426 = arith.constant 0 : i32
        %dma_start3A_427 = arith.constant 0 : i32
        %dma_start3A_428 = tpu.memref_slice %arg4[%add3A_418, %dma_start3A_426, %dma_start3A_427] : memref<8192x4x1024xf32, #tpu.memory_space<hbm>> -> memref<2x4x1024xf32, #tpu.memory_space<hbm>>
        %dma_start3A_429 = tpu.memref_slice %arg9[%dma_start3A_420] : memref<6x!tpu.dma_semaphore, #tpu.memory_space<semaphore_mem>> -> memref<1x!tpu.dma_semaphore, #tpu.memory_space<semaphore_mem>>
        %dma_start3A_430 = tpu.memref_squeeze %dma_start3A_429 : memref<1x!tpu.dma_semaphore, #tpu.memory_space<semaphore_mem>> -> memref<!tpu.dma_semaphore, #tpu.memory_space<semaphore_mem>>
        %dma_start3A_431 = arith.constant 0 : i32
        %dma_start3A_432 = arith.constant 0 : i32
        %dma_start3A_433 = tpu.memref_slice %arg4[%add3A_418, %dma_start3A_431, %dma_start3A_432] : memref<8192x4x1024xf32, #tpu.memory_space<hbm>> -> memref<2x4x1024xf32, #tpu.memory_space<hbm>>
        %dma_start3A_434 = arith.constant 0 : i32
        %dma_start3A_435 = arith.constant 0 : i32
        %dma_start3A_436 = arith.constant 0 : i32
        %dma_start3A_437 = tpu.memref_slice %arg7[%dma_start3A_419, %dma_start3A_434, %dma_start3A_435, %dma_start3A_436] : memref<6x2x4x1024xf32, #tpu.memory_space<vmem>> -> memref<1x2x4x1024xf32, #tpu.memory_space<vmem>>
        %dma_start3A_438 = tpu.memref_squeeze %dma_start3A_437 : memref<1x2x4x1024xf32, #tpu.memory_space<vmem>> -> memref<2x4x1024xf32, #tpu.memory_space<vmem>>
        tpu.enqueue_dma source(%dma_start3A_438 : memref<2x4x1024xf32, #tpu.memory_space<vmem>>) target(%dma_start3A_433 : memref<2x4x1024xf32, #tpu.memory_space<hbm>>) target_semaphore(%dma_start3A_430 : memref<!tpu.dma_semaphore, #tpu.memory_space<semaphore_mem>>)
        %add3A_439 = arith.constant 6 : i32
        %add3A_440 = arith.addi %add3A_333, %add3A_439 : i32
        %sub3A = arith.constant 1 : i32
        %sub3A_441 = arith.subi %add3A_440, %sub3A : i32
        %lt3A_442 = arith.constant 128 : i32
        %lt3A_443 = arith.cmpi slt, %sub3A_441, %lt3A_442 : i32
        %convert_element_type3A_444 = arith.extui %lt3A_443 : i1 to i32
        %cond3A_445 = arith.constant 0 : i32
        %cond3A_446 = arith.cmpi ne, %convert_element_type3A_444, %cond3A_445 : i32
        scf.if %cond3A_446 {
          %jit3A = arith.constant 6 : i32
          %eq3A = arith.constant 0 : i32
          %eq3A_447 = arith.cmpi eq, %jit3A, %eq3A : i32
          %jit3A_448 = arith.constant 1 : i32
          %select_n3A = arith.select %eq3A_447, %jit3A_448, %jit3A : i32
          %rem3A = arith.remsi %sub3A_441, %select_n3A : i32
          %ne3A = arith.constant 0 : i32
          %ne3A_449 = arith.cmpi ne, %rem3A, %ne3A : i32
          %lt3A_450 = arith.constant 0 : i32
          %lt3A_451 = arith.cmpi slt, %rem3A, %lt3A_450 : i32
          %lt3A_452 = arith.constant 0 : i32
          %lt3A_453 = arith.cmpi slt, %select_n3A, %lt3A_452 : i32
          %ne3A_454 = arith.xori %lt3A_451, %lt3A_453 : i1
          %and3A = arith.andi %ne3A_454, %ne3A_449 : i1
          %add3A_455 = arith.addi %rem3A, %select_n3A : i32
          %select_n3A_456 = arith.select %and3A, %add3A_455, %rem3A : i32
          %mul3A_457 = arith.constant 2 : i32
          %mul3A_458 = arith.muli %sub3A_441, %mul3A_457 : i32
          %add3A_459 = arith.addi %mul3A_2, %mul3A_458 : i32
          %dma_start3A_460 = arith.constant 0 : i32
          %dma_start3A_461 = arith.constant 0 : i32
          %dma_start3A_462 = arith.constant 0 : i32
          %dma_start3A_463 = tpu.memref_slice %arg5[%select_n3A_456, %dma_start3A_460, %dma_start3A_461, %dma_start3A_462] : memref<6x2x4x1024xf32, #tpu.memory_space<vmem>> -> memref<1x2x4x1024xf32, #tpu.memory_space<vmem>>
          %dma_start3A_464 = tpu.memref_squeeze %dma_start3A_463 : memref<1x2x4x1024xf32, #tpu.memory_space<vmem>> -> memref<2x4x1024xf32, #tpu.memory_space<vmem>>
          %dma_start3A_465 = arith.constant 0 : i32
          %dma_start3A_466 = arith.constant 0 : i32
          %dma_start3A_467 = tpu.memref_slice %arg2[%add3A_459, %dma_start3A_465, %dma_start3A_466] : memref<8192x4x1024xf32, #tpu.memory_space<hbm>> -> memref<2x4x1024xf32, #tpu.memory_space<hbm>>
          %dma_start3A_468 = tpu.memref_slice %arg8[%select_n3A_456] : memref<6x!tpu.dma_semaphore, #tpu.memory_space<semaphore_mem>> -> memref<1x!tpu.dma_semaphore, #tpu.memory_space<semaphore_mem>>
          %dma_start3A_469 = tpu.memref_squeeze %dma_start3A_468 : memref<1x!tpu.dma_semaphore, #tpu.memory_space<semaphore_mem>> -> memref<!tpu.dma_semaphore, #tpu.memory_space<semaphore_mem>>
          %dma_start3A_470 = arith.constant 0 : i32
          %dma_start3A_471 = arith.constant 0 : i32
          %dma_start3A_472 = arith.constant 0 : i32
          %dma_start3A_473 = tpu.memref_slice %arg5[%select_n3A_456, %dma_start3A_470, %dma_start3A_471, %dma_start3A_472] : memref<6x2x4x1024xf32, #tpu.memory_space<vmem>> -> memref<1x2x4x1024xf32, #tpu.memory_space<vmem>>
          %dma_start3A_474 = tpu.memref_squeeze %dma_start3A_473 : memref<1x2x4x1024xf32, #tpu.memory_space<vmem>> -> memref<2x4x1024xf32, #tpu.memory_space<vmem>>
          %dma_start3A_475 = arith.constant 0 : i32
          %dma_start3A_476 = arith.constant 0 : i32
          %dma_start3A_477 = tpu.memref_slice %arg2[%add3A_459, %dma_start3A_475, %dma_start3A_476] : memref<8192x4x1024xf32, #tpu.memory_space<hbm>> -> memref<2x4x1024xf32, #tpu.memory_space<hbm>>
          tpu.enqueue_dma source(%dma_start3A_477 : memref<2x4x1024xf32, #tpu.memory_space<hbm>>) target(%dma_start3A_474 : memref<2x4x1024xf32, #tpu.memory_space<vmem>>) target_semaphore(%dma_start3A_469 : memref<!tpu.dma_semaphore, #tpu.memory_space<semaphore_mem>>)
          %dma_start3A_478 = arith.constant 0 : i32
          %dma_start3A_479 = arith.constant 0 : i32
          %dma_start3A_480 = tpu.memref_slice %arg6[%select_n3A_456, %dma_start3A_478, %dma_start3A_479] : memref<6x2x1024xf32, #tpu.memory_space<vmem>> -> memref<1x2x1024xf32, #tpu.memory_space<vmem>>
          %dma_start3A_481 = tpu.memref_squeeze %dma_start3A_480 : memref<1x2x1024xf32, #tpu.memory_space<vmem>> -> memref<2x1024xf32, #tpu.memory_space<vmem>>
          %dma_start3A_482 = arith.constant 0 : i32
          %dma_start3A_483 = tpu.memref_slice %arg3[%add3A_459, %dma_start3A_482] : memref<8192x1024xf32, #tpu.memory_space<hbm>> -> memref<2x1024xf32, #tpu.memory_space<hbm>>
          %dma_start3A_484 = tpu.memref_slice %arg8[%select_n3A_456] : memref<6x!tpu.dma_semaphore, #tpu.memory_space<semaphore_mem>> -> memref<1x!tpu.dma_semaphore, #tpu.memory_space<semaphore_mem>>
          %dma_start3A_485 = tpu.memref_squeeze %dma_start3A_484 : memref<1x!tpu.dma_semaphore, #tpu.memory_space<semaphore_mem>> -> memref<!tpu.dma_semaphore, #tpu.memory_space<semaphore_mem>>
          %dma_start3A_486 = arith.constant 0 : i32
          %dma_start3A_487 = arith.constant 0 : i32
          %dma_start3A_488 = tpu.memref_slice %arg6[%select_n3A_456, %dma_start3A_486, %dma_start3A_487] : memref<6x2x1024xf32, #tpu.memory_space<vmem>> -> memref<1x2x1024xf32, #tpu.memory_space<vmem>>
          %dma_start3A_489 = tpu.memref_squeeze %dma_start3A_488 : memref<1x2x1024xf32, #tpu.memory_space<vmem>> -> memref<2x1024xf32, #tpu.memory_space<vmem>>
          %dma_start3A_490 = arith.constant 0 : i32
          %dma_start3A_491 = tpu.memref_slice %arg3[%add3A_459, %dma_start3A_490] : memref<8192x1024xf32, #tpu.memory_space<hbm>> -> memref<2x1024xf32, #tpu.memory_space<hbm>>
          tpu.enqueue_dma source(%dma_start3A_491 : memref<2x1024xf32, #tpu.memory_space<hbm>>) target(%dma_start3A_489 : memref<2x1024xf32, #tpu.memory_space<vmem>>) target_semaphore(%dma_start3A_485 : memref<!tpu.dma_semaphore, #tpu.memory_space<semaphore_mem>>)
        } else {
        }
      } else {
      }
      %add3A_336 = arith.constant 1 : i32
      %add3A_337 = arith.addi %add3A_331, %add3A_336 : i32
      %lt3A_338 = arith.constant 128 : i32
      %lt3A_339 = arith.cmpi slt, %add3A_337, %lt3A_338 : i32
      %convert_element_type3A_340 = arith.extui %lt3A_339 : i1 to i32
      %cond3A_341 = arith.constant 0 : i32
      %cond3A_342 = arith.cmpi ne, %convert_element_type3A_340, %cond3A_341 : i32
      scf.if %cond3A_342 {
        %mul3A_371 = arith.constant 2 : i32
        %mul3A_372 = arith.muli %add3A_337, %mul3A_371 : i32
        %add3A_373 = arith.addi %mul3A_2, %mul3A_372 : i32
        %dma_wait3A_374 = arith.constant 1 : i32
        %dma_wait3A_375 = arith.constant 1 : i32
        %dma_wait3A_376 = arith.constant 0 : i32
        %dma_wait3A_377 = arith.constant 0 : i32
        %dma_wait3A_378 = arith.constant 0 : i32
        %dma_wait3A_379 = tpu.memref_slice %arg5[%dma_wait3A_374, %dma_wait3A_376, %dma_wait3A_377, %dma_wait3A_378] : memref<6x2x4x1024xf32, #tpu.memory_space<vmem>> -> memref<1x2x4x1024xf32, #tpu.memory_space<vmem>>
        %dma_wait3A_380 = tpu.memref_squeeze %dma_wait3A_379 : memref<1x2x4x1024xf32, #tpu.memory_space<vmem>> -> memref<2x4x1024xf32, #tpu.memory_space<vmem>>
        %dma_wait3A_381 = arith.constant 0 : i32
        %dma_wait3A_382 = arith.constant 0 : i32
        %dma_wait3A_383 = tpu.memref_slice %arg2[%add3A_373, %dma_wait3A_381, %dma_wait3A_382] : memref<8192x4x1024xf32, #tpu.memory_space<hbm>> -> memref<2x4x1024xf32, #tpu.memory_space<hbm>>
        %dma_wait3A_384 = tpu.memref_slice %arg8[%dma_wait3A_375] : memref<6x!tpu.dma_semaphore, #tpu.memory_space<semaphore_mem>> -> memref<1x!tpu.dma_semaphore, #tpu.memory_space<semaphore_mem>>
        %dma_wait3A_385 = tpu.memref_squeeze %dma_wait3A_384 : memref<1x!tpu.dma_semaphore, #tpu.memory_space<semaphore_mem>> -> memref<!tpu.dma_semaphore, #tpu.memory_space<semaphore_mem>>
        %dma_wait3A_386 = arith.constant 0 : i32
        %dma_wait3A_387 = arith.constant 0 : i32
        %dma_wait3A_388 = arith.constant 0 : i32
        %dma_wait3A_389 = tpu.memref_slice %arg5[%dma_wait3A_374, %dma_wait3A_386, %dma_wait3A_387, %dma_wait3A_388] : memref<6x2x4x1024xf32, #tpu.memory_space<vmem>> -> memref<1x2x4x1024xf32, #tpu.memory_space<vmem>>
        %dma_wait3A_390 = tpu.memref_squeeze %dma_wait3A_389 : memref<1x2x4x1024xf32, #tpu.memory_space<vmem>> -> memref<2x4x1024xf32, #tpu.memory_space<vmem>>
        %dma_wait3A_391 = arith.constant 0 : i32
        %dma_wait3A_392 = arith.constant 0 : i32
        %dma_wait3A_393 = tpu.memref_slice %arg2[%add3A_373, %dma_wait3A_391, %dma_wait3A_392] : memref<8192x4x1024xf32, #tpu.memory_space<hbm>> -> memref<2x4x1024xf32, #tpu.memory_space<hbm>>
        tpu.wait_dma2 semaphore(%dma_wait3A_385 : memref<!tpu.dma_semaphore, #tpu.memory_space<semaphore_mem>>) src(%dma_wait3A_393 : memref<2x4x1024xf32, #tpu.memory_space<hbm>>) dst(%dma_wait3A_390 : memref<2x4x1024xf32, #tpu.memory_space<vmem>>)
        %dma_wait3A_394 = arith.constant 1 : i32
        %dma_wait3A_395 = arith.constant 1 : i32
        %dma_wait3A_396 = arith.constant 0 : i32
        %dma_wait3A_397 = arith.constant 0 : i32
        %dma_wait3A_398 = tpu.memref_slice %arg6[%dma_wait3A_394, %dma_wait3A_396, %dma_wait3A_397] : memref<6x2x1024xf32, #tpu.memory_space<vmem>> -> memref<1x2x1024xf32, #tpu.memory_space<vmem>>
        %dma_wait3A_399 = tpu.memref_squeeze %dma_wait3A_398 : memref<1x2x1024xf32, #tpu.memory_space<vmem>> -> memref<2x1024xf32, #tpu.memory_space<vmem>>
        %dma_wait3A_400 = arith.constant 0 : i32
        %dma_wait3A_401 = tpu.memref_slice %arg3[%add3A_373, %dma_wait3A_400] : memref<8192x1024xf32, #tpu.memory_space<hbm>> -> memref<2x1024xf32, #tpu.memory_space<hbm>>
        %dma_wait3A_402 = tpu.memref_slice %arg8[%dma_wait3A_395] : memref<6x!tpu.dma_semaphore, #tpu.memory_space<semaphore_mem>> -> memref<1x!tpu.dma_semaphore, #tpu.memory_space<semaphore_mem>>
        %dma_wait3A_403 = tpu.memref_squeeze %dma_wait3A_402 : memref<1x!tpu.dma_semaphore, #tpu.memory_space<semaphore_mem>> -> memref<!tpu.dma_semaphore, #tpu.memory_space<semaphore_mem>>
        %dma_wait3A_404 = arith.constant 0 : i32
        %dma_wait3A_405 = arith.constant 0 : i32
        %dma_wait3A_406 = tpu.memref_slice %arg6[%dma_wait3A_394, %dma_wait3A_404, %dma_wait3A_405] : memref<6x2x1024xf32, #tpu.memory_space<vmem>> -> memref<1x2x1024xf32, #tpu.memory_space<vmem>>
        %dma_wait3A_407 = tpu.memref_squeeze %dma_wait3A_406 : memref<1x2x1024xf32, #tpu.memory_space<vmem>> -> memref<2x1024xf32, #tpu.memory_space<vmem>>
        %dma_wait3A_408 = arith.constant 0 : i32
        %dma_wait3A_409 = tpu.memref_slice %arg3[%add3A_373, %dma_wait3A_408] : memref<8192x1024xf32, #tpu.memory_space<hbm>> -> memref<2x1024xf32, #tpu.memory_space<hbm>>
        tpu.wait_dma2 semaphore(%dma_wait3A_403 : memref<!tpu.dma_semaphore, #tpu.memory_space<semaphore_mem>>) src(%dma_wait3A_409 : memref<2x1024xf32, #tpu.memory_space<hbm>>) dst(%dma_wait3A_407 : memref<2x1024xf32, #tpu.memory_space<vmem>>)
        %ge3A = arith.constant 6 : i32
        %ge3A_410 = arith.cmpi sge, %add3A_337, %ge3A : i32
        %convert_element_type3A_411 = arith.extui %ge3A_410 : i1 to i32
        %cond3A_412 = arith.constant 0 : i32
        %cond3A_413 = arith.cmpi ne, %convert_element_type3A_411, %cond3A_412 : i32
        scf.if %cond3A_413 {
          %sub3A_447 = arith.constant 6 : i32
          %sub3A_448 = arith.subi %add3A_337, %sub3A_447 : i32
          %mul3A_449 = arith.constant 2 : i32
          %mul3A_450 = arith.muli %sub3A_448, %mul3A_449 : i32
          %add3A_451 = arith.addi %mul3A_2, %mul3A_450 : i32
          %dma_wait3A_452 = arith.constant 1 : i32
          %dma_wait3A_453 = arith.constant 1 : i32
          %dma_wait3A_454 = arith.constant 0 : i32
          %dma_wait3A_455 = arith.constant 0 : i32
          %dma_wait3A_456 = arith.constant 0 : i32
          %dma_wait3A_457 = tpu.memref_slice %arg7[%dma_wait3A_452, %dma_wait3A_454, %dma_wait3A_455, %dma_wait3A_456] : memref<6x2x4x1024xf32, #tpu.memory_space<vmem>> -> memref<1x2x4x1024xf32, #tpu.memory_space<vmem>>
          %dma_wait3A_458 = tpu.memref_squeeze %dma_wait3A_457 : memref<1x2x4x1024xf32, #tpu.memory_space<vmem>> -> memref<2x4x1024xf32, #tpu.memory_space<vmem>>
          %dma_wait3A_459 = arith.constant 0 : i32
          %dma_wait3A_460 = arith.constant 0 : i32
          %dma_wait3A_461 = tpu.memref_slice %arg4[%add3A_451, %dma_wait3A_459, %dma_wait3A_460] : memref<8192x4x1024xf32, #tpu.memory_space<hbm>> -> memref<2x4x1024xf32, #tpu.memory_space<hbm>>
          %dma_wait3A_462 = tpu.memref_slice %arg9[%dma_wait3A_453] : memref<6x!tpu.dma_semaphore, #tpu.memory_space<semaphore_mem>> -> memref<1x!tpu.dma_semaphore, #tpu.memory_space<semaphore_mem>>
          %dma_wait3A_463 = tpu.memref_squeeze %dma_wait3A_462 : memref<1x!tpu.dma_semaphore, #tpu.memory_space<semaphore_mem>> -> memref<!tpu.dma_semaphore, #tpu.memory_space<semaphore_mem>>
          %dma_wait3A_464 = arith.constant 0 : i32
          %dma_wait3A_465 = arith.constant 0 : i32
          %dma_wait3A_466 = tpu.memref_slice %arg4[%add3A_451, %dma_wait3A_464, %dma_wait3A_465] : memref<8192x4x1024xf32, #tpu.memory_space<hbm>> -> memref<2x4x1024xf32, #tpu.memory_space<hbm>>
          %dma_wait3A_467 = arith.constant 0 : i32
          %dma_wait3A_468 = arith.constant 0 : i32
          %dma_wait3A_469 = arith.constant 0 : i32
          %dma_wait3A_470 = tpu.memref_slice %arg7[%dma_wait3A_452, %dma_wait3A_467, %dma_wait3A_468, %dma_wait3A_469] : memref<6x2x4x1024xf32, #tpu.memory_space<vmem>> -> memref<1x2x4x1024xf32, #tpu.memory_space<vmem>>
          %dma_wait3A_471 = tpu.memref_squeeze %dma_wait3A_470 : memref<1x2x4x1024xf32, #tpu.memory_space<vmem>> -> memref<2x4x1024xf32, #tpu.memory_space<vmem>>
          tpu.wait_dma2 semaphore(%dma_wait3A_463 : memref<!tpu.dma_semaphore, #tpu.memory_space<semaphore_mem>>) src(%dma_wait3A_471 : memref<2x4x1024xf32, #tpu.memory_space<vmem>>) dst(%dma_wait3A_466 : memref<2x4x1024xf32, #tpu.memory_space<hbm>>)
        } else {
        }
        %parallel_loop3A = arith.constant 0 : i32
        %parallel_loop3A_414 = arith.constant 64 : i32
        %parallel_loop3A_415 = arith.constant 1 : i32
        scf.for %parallel_loop3A_447 = %parallel_loop3A to %parallel_loop3A_414 step %parallel_loop3A_415  : i32 {
          %parallel_loop3A_448 = arith.constant 16 : i32
          %parallel_loop3A_449 = arith.muli %parallel_loop3A_447, %parallel_loop3A_448 : i32
          %parallel_loop3A_450 = arith.constant 1 : i32
          %parallel_loop3A_451 = arith.constant 0 : i32
          %parallel_loop3A_452 = arith.index_cast %parallel_loop3A_450 : i32 to index
          %parallel_loop3A_453 = arith.index_cast %parallel_loop3A_451 : i32 to index
          %parallel_loop3A_454 = arith.index_cast %parallel_loop3A_449 : i32 to index
          %parallel_loop3A_455 = tpu.vector_load %arg6[%parallel_loop3A_452, %parallel_loop3A_453, %parallel_loop3A_454] {strides = array<i32>} : memref<6x2x1024xf32, #tpu.memory_space<vmem>>, vector<1x1x16xf32>,
          %parallel_loop3A_456 = vector.shape_cast %parallel_loop3A_455 : vector<1x1x16xf32> to vector<16xf32>
          %parallel_loop3A_457 = arith.constant 1 : i32
          %parallel_loop3A_458 = arith.constant 0 : i32
          %parallel_loop3A_459 = arith.constant 0 : i32
          %parallel_loop3A_460 = arith.index_cast %parallel_loop3A_457 : i32 to index
          %parallel_loop3A_461 = arith.index_cast %parallel_loop3A_458 : i32 to index
          %parallel_loop3A_462 = arith.index_cast %parallel_loop3A_459 : i32 to index
          %parallel_loop3A_463 = arith.index_cast %parallel_loop3A_449 : i32 to index
          %parallel_loop3A_464 = tpu.vector_load %arg5[%parallel_loop3A_460, %parallel_loop3A_461, %parallel_loop3A_462, %parallel_loop3A_463] {strides = array<i32>} : memref<6x2x4x1024xf32, #tpu.memory_space<vmem>>, vector<1x1x1x16xf32>,
          %parallel_loop3A_465 = vector.shape_cast %parallel_loop3A_464 : vector<1x1x1x16xf32> to vector<16xf32>
          %parallel_loop3A_466 = arith.addf %parallel_loop3A_465, %parallel_loop3A_456 : vector<16xf32>
          %parallel_loop3A_467 = arith.constant 1 : i32
          %parallel_loop3A_468 = arith.constant 0 : i32
          %parallel_loop3A_469 = arith.constant 0 : i32
          %parallel_loop3A_470 = arith.index_cast %parallel_loop3A_467 : i32 to index
          %parallel_loop3A_471 = arith.index_cast %parallel_loop3A_468 : i32 to index
          %parallel_loop3A_472 = arith.index_cast %parallel_loop3A_469 : i32 to index
          %parallel_loop3A_473 = arith.index_cast %parallel_loop3A_449 : i32 to index
          %parallel_loop3A_474 = tpu.vector_load %arg7[%parallel_loop3A_470, %parallel_loop3A_471, %parallel_loop3A_472, %parallel_loop3A_473] {strides = array<i32>} : memref<6x2x4x1024xf32, #tpu.memory_space<vmem>>, vector<1x1x1x16xf32>,
          %parallel_loop3A_475 = vector.shape_cast %parallel_loop3A_474 : vector<1x1x1x16xf32> to vector<16xf32>
          %parallel_loop3A_476 = vector.shape_cast %parallel_loop3A_466 : vector<16xf32> to vector<1x1x1x16xf32>
          tpu.vector_store %arg7[%parallel_loop3A_470, %parallel_loop3A_471, %parallel_loop3A_472, %parallel_loop3A_473], %parallel_loop3A_476 {strides = array<i32>} : memref<6x2x4x1024xf32, #tpu.memory_space<vmem>>, vector<1x1x1x16xf32>,
          %parallel_loop3A_477 = arith.constant 1 : i32
          %parallel_loop3A_478 = arith.constant 0 : i32
          %parallel_loop3A_479 = arith.constant 1 : i32
          %parallel_loop3A_480 = arith.index_cast %parallel_loop3A_477 : i32 to index
          %parallel_loop3A_481 = arith.index_cast %parallel_loop3A_478 : i32 to index
          %parallel_loop3A_482 = arith.index_cast %parallel_loop3A_479 : i32 to index
          %parallel_loop3A_483 = arith.index_cast %parallel_loop3A_449 : i32 to index
          %parallel_loop3A_484 = tpu.vector_load %arg5[%parallel_loop3A_480, %parallel_loop3A_481, %parallel_loop3A_482, %parallel_loop3A_483] {strides = array<i32>} : memref<6x2x4x1024xf32, #tpu.memory_space<vmem>>, vector<1x1x1x16xf32>,
          %parallel_loop3A_485 = vector.shape_cast %parallel_loop3A_484 : vector<1x1x1x16xf32> to vector<16xf32>
          %parallel_loop3A_486 = arith.addf %parallel_loop3A_485, %parallel_loop3A_456 : vector<16xf32>
          %parallel_loop3A_487 = arith.constant 1 : i32
          %parallel_loop3A_488 = arith.constant 0 : i32
          %parallel_loop3A_489 = arith.constant 1 : i32
          %parallel_loop3A_490 = arith.index_cast %parallel_loop3A_487 : i32 to index
          %parallel_loop3A_491 = arith.index_cast %parallel_loop3A_488 : i32 to index
          %parallel_loop3A_492 = arith.index_cast %parallel_loop3A_489 : i32 to index
          %parallel_loop3A_493 = arith.index_cast %parallel_loop3A_449 : i32 to index
          %parallel_loop3A_494 = tpu.vector_load %arg7[%parallel_loop3A_490, %parallel_loop3A_491, %parallel_loop3A_492, %parallel_loop3A_493] {strides = array<i32>} : memref<6x2x4x1024xf32, #tpu.memory_space<vmem>>, vector<1x1x1x16xf32>,
          %parallel_loop3A_495 = vector.shape_cast %parallel_loop3A_494 : vector<1x1x1x16xf32> to vector<16xf32>
          %parallel_loop3A_496 = vector.shape_cast %parallel_loop3A_486 : vector<16xf32> to vector<1x1x1x16xf32>
          tpu.vector_store %arg7[%parallel_loop3A_490, %parallel_loop3A_491, %parallel_loop3A_492, %parallel_loop3A_493], %parallel_loop3A_496 {strides = array<i32>} : memref<6x2x4x1024xf32, #tpu.memory_space<vmem>>, vector<1x1x1x16xf32>,
          %parallel_loop3A_497 = arith.constant 1 : i32
          %parallel_loop3A_498 = arith.constant 0 : i32
          %parallel_loop3A_499 = arith.constant 2 : i32
          %parallel_loop3A_500 = arith.index_cast %parallel_loop3A_497 : i32 to index
          %parallel_loop3A_501 = arith.index_cast %parallel_loop3A_498 : i32 to index
          %parallel_loop3A_502 = arith.index_cast %parallel_loop3A_499 : i32 to index
          %parallel_loop3A_503 = arith.index_cast %parallel_loop3A_449 : i32 to index
          %parallel_loop3A_504 = tpu.vector_load %arg5[%parallel_loop3A_500, %parallel_loop3A_501, %parallel_loop3A_502, %parallel_loop3A_503] {strides = array<i32>} : memref<6x2x4x1024xf32, #tpu.memory_space<vmem>>, vector<1x1x1x16xf32>,
          %parallel_loop3A_505 = vector.shape_cast %parallel_loop3A_504 : vector<1x1x1x16xf32> to vector<16xf32>
          %parallel_loop3A_506 = arith.addf %parallel_loop3A_505, %parallel_loop3A_456 : vector<16xf32>
          %parallel_loop3A_507 = arith.constant 1 : i32
          %parallel_loop3A_508 = arith.constant 0 : i32
          %parallel_loop3A_509 = arith.constant 2 : i32
          %parallel_loop3A_510 = arith.index_cast %parallel_loop3A_507 : i32 to index
          %parallel_loop3A_511 = arith.index_cast %parallel_loop3A_508 : i32 to index
          %parallel_loop3A_512 = arith.index_cast %parallel_loop3A_509 : i32 to index
          %parallel_loop3A_513 = arith.index_cast %parallel_loop3A_449 : i32 to index
          %parallel_loop3A_514 = tpu.vector_load %arg7[%parallel_loop3A_510, %parallel_loop3A_511, %parallel_loop3A_512, %parallel_loop3A_513] {strides = array<i32>} : memref<6x2x4x1024xf32, #tpu.memory_space<vmem>>, vector<1x1x1x16xf32>,
          %parallel_loop3A_515 = vector.shape_cast %parallel_loop3A_514 : vector<1x1x1x16xf32> to vector<16xf32>
          %parallel_loop3A_516 = vector.shape_cast %parallel_loop3A_506 : vector<16xf32> to vector<1x1x1x16xf32>
          tpu.vector_store %arg7[%parallel_loop3A_510, %parallel_loop3A_511, %parallel_loop3A_512, %parallel_loop3A_513], %parallel_loop3A_516 {strides = array<i32>} : memref<6x2x4x1024xf32, #tpu.memory_space<vmem>>, vector<1x1x1x16xf32>,
          %parallel_loop3A_517 = arith.constant 1 : i32
          %parallel_loop3A_518 = arith.constant 0 : i32
          %parallel_loop3A_519 = arith.constant 3 : i32
          %parallel_loop3A_520 = arith.index_cast %parallel_loop3A_517 : i32 to index
          %parallel_loop3A_521 = arith.index_cast %parallel_loop3A_518 : i32 to index
          %parallel_loop3A_522 = arith.index_cast %parallel_loop3A_519 : i32 to index
          %parallel_loop3A_523 = arith.index_cast %parallel_loop3A_449 : i32 to index
          %parallel_loop3A_524 = tpu.vector_load %arg5[%parallel_loop3A_520, %parallel_loop3A_521, %parallel_loop3A_522, %parallel_loop3A_523] {strides = array<i32>} : memref<6x2x4x1024xf32, #tpu.memory_space<vmem>>, vector<1x1x1x16xf32>,
          %parallel_loop3A_525 = vector.shape_cast %parallel_loop3A_524 : vector<1x1x1x16xf32> to vector<16xf32>
          %parallel_loop3A_526 = arith.addf %parallel_loop3A_525, %parallel_loop3A_456 : vector<16xf32>
          %parallel_loop3A_527 = arith.constant 1 : i32
          %parallel_loop3A_528 = arith.constant 0 : i32
          %parallel_loop3A_529 = arith.constant 3 : i32
          %parallel_loop3A_530 = arith.index_cast %parallel_loop3A_527 : i32 to index
          %parallel_loop3A_531 = arith.index_cast %parallel_loop3A_528 : i32 to index
          %parallel_loop3A_532 = arith.index_cast %parallel_loop3A_529 : i32 to index
          %parallel_loop3A_533 = arith.index_cast %parallel_loop3A_449 : i32 to index
          %parallel_loop3A_534 = tpu.vector_load %arg7[%parallel_loop3A_530, %parallel_loop3A_531, %parallel_loop3A_532, %parallel_loop3A_533] {strides = array<i32>} : memref<6x2x4x1024xf32, #tpu.memory_space<vmem>>, vector<1x1x1x16xf32>,
          %parallel_loop3A_535 = vector.shape_cast %parallel_loop3A_534 : vector<1x1x1x16xf32> to vector<16xf32>
          %parallel_loop3A_536 = vector.shape_cast %parallel_loop3A_526 : vector<16xf32> to vector<1x1x1x16xf32>
          tpu.vector_store %arg7[%parallel_loop3A_530, %parallel_loop3A_531, %parallel_loop3A_532, %parallel_loop3A_533], %parallel_loop3A_536 {strides = array<i32>} : memref<6x2x4x1024xf32, #tpu.memory_space<vmem>>, vector<1x1x1x16xf32>,
          %parallel_loop3A_537 = arith.constant 1 : i32
          %parallel_loop3A_538 = arith.constant 1 : i32
          %parallel_loop3A_539 = arith.index_cast %parallel_loop3A_537 : i32 to index
          %parallel_loop3A_540 = arith.index_cast %parallel_loop3A_538 : i32 to index
          %parallel_loop3A_541 = arith.index_cast %parallel_loop3A_449 : i32 to index
          %parallel_loop3A_542 = tpu.vector_load %arg6[%parallel_loop3A_539, %parallel_loop3A_540, %parallel_loop3A_541] {strides = array<i32>} : memref<6x2x1024xf32, #tpu.memory_space<vmem>>, vector<1x1x16xf32>,
          %parallel_loop3A_543 = vector.shape_cast %parallel_loop3A_542 : vector<1x1x16xf32> to vector<16xf32>
          %parallel_loop3A_544 = arith.constant 1 : i32
          %parallel_loop3A_545 = arith.constant 1 : i32
          %parallel_loop3A_546 = arith.constant 0 : i32
          %parallel_loop3A_547 = arith.index_cast %parallel_loop3A_544 : i32 to index
          %parallel_loop3A_548 = arith.index_cast %parallel_loop3A_545 : i32 to index
          %parallel_loop3A_549 = arith.index_cast %parallel_loop3A_546 : i32 to index
          %parallel_loop3A_550 = arith.index_cast %parallel_loop3A_449 : i32 to index
          %parallel_loop3A_551 = tpu.vector_load %arg5[%parallel_loop3A_547, %parallel_loop3A_548, %parallel_loop3A_549, %parallel_loop3A_550] {strides = array<i32>} : memref<6x2x4x1024xf32, #tpu.memory_space<vmem>>, vector<1x1x1x16xf32>,
          %parallel_loop3A_552 = vector.shape_cast %parallel_loop3A_551 : vector<1x1x1x16xf32> to vector<16xf32>
          %parallel_loop3A_553 = arith.addf %parallel_loop3A_552, %parallel_loop3A_543 : vector<16xf32>
          %parallel_loop3A_554 = arith.constant 1 : i32
          %parallel_loop3A_555 = arith.constant 1 : i32
          %parallel_loop3A_556 = arith.constant 0 : i32
          %parallel_loop3A_557 = arith.index_cast %parallel_loop3A_554 : i32 to index
          %parallel_loop3A_558 = arith.index_cast %parallel_loop3A_555 : i32 to index
          %parallel_loop3A_559 = arith.index_cast %parallel_loop3A_556 : i32 to index
          %parallel_loop3A_560 = arith.index_cast %parallel_loop3A_449 : i32 to index
          %parallel_loop3A_561 = tpu.vector_load %arg7[%parallel_loop3A_557, %parallel_loop3A_558, %parallel_loop3A_559, %parallel_loop3A_560] {strides = array<i32>} : memref<6x2x4x1024xf32, #tpu.memory_space<vmem>>, vector<1x1x1x16xf32>,
          %parallel_loop3A_562 = vector.shape_cast %parallel_loop3A_561 : vector<1x1x1x16xf32> to vector<16xf32>
          %parallel_loop3A_563 = vector.shape_cast %parallel_loop3A_553 : vector<16xf32> to vector<1x1x1x16xf32>
          tpu.vector_store %arg7[%parallel_loop3A_557, %parallel_loop3A_558, %parallel_loop3A_559, %parallel_loop3A_560], %parallel_loop3A_563 {strides = array<i32>} : memref<6x2x4x1024xf32, #tpu.memory_space<vmem>>, vector<1x1x1x16xf32>,
          %parallel_loop3A_564 = arith.constant 1 : i32
          %parallel_loop3A_565 = arith.constant 1 : i32
          %parallel_loop3A_566 = arith.constant 1 : i32
          %parallel_loop3A_567 = arith.index_cast %parallel_loop3A_564 : i32 to index
          %parallel_loop3A_568 = arith.index_cast %parallel_loop3A_565 : i32 to index
          %parallel_loop3A_569 = arith.index_cast %parallel_loop3A_566 : i32 to index
          %parallel_loop3A_570 = arith.index_cast %parallel_loop3A_449 : i32 to index
          %parallel_loop3A_571 = tpu.vector_load %arg5[%parallel_loop3A_567, %parallel_loop3A_568, %parallel_loop3A_569, %parallel_loop3A_570] {strides = array<i32>} : memref<6x2x4x1024xf32, #tpu.memory_space<vmem>>, vector<1x1x1x16xf32>,
          %parallel_loop3A_572 = vector.shape_cast %parallel_loop3A_571 : vector<1x1x1x16xf32> to vector<16xf32>
          %parallel_loop3A_573 = arith.addf %parallel_loop3A_572, %parallel_loop3A_543 : vector<16xf32>
          %parallel_loop3A_574 = arith.constant 1 : i32
          %parallel_loop3A_575 = arith.constant 1 : i32
          %parallel_loop3A_576 = arith.constant 1 : i32
          %parallel_loop3A_577 = arith.index_cast %parallel_loop3A_574 : i32 to index
          %parallel_loop3A_578 = arith.index_cast %parallel_loop3A_575 : i32 to index
          %parallel_loop3A_579 = arith.index_cast %parallel_loop3A_576 : i32 to index
          %parallel_loop3A_580 = arith.index_cast %parallel_loop3A_449 : i32 to index
          %parallel_loop3A_581 = tpu.vector_load %arg7[%parallel_loop3A_577, %parallel_loop3A_578, %parallel_loop3A_579, %parallel_loop3A_580] {strides = array<i32>} : memref<6x2x4x1024xf32, #tpu.memory_space<vmem>>, vector<1x1x1x16xf32>,
          %parallel_loop3A_582 = vector.shape_cast %parallel_loop3A_581 : vector<1x1x1x16xf32> to vector<16xf32>
          %parallel_loop3A_583 = vector.shape_cast %parallel_loop3A_573 : vector<16xf32> to vector<1x1x1x16xf32>
          tpu.vector_store %arg7[%parallel_loop3A_577, %parallel_loop3A_578, %parallel_loop3A_579, %parallel_loop3A_580], %parallel_loop3A_583 {strides = array<i32>} : memref<6x2x4x1024xf32, #tpu.memory_space<vmem>>, vector<1x1x1x16xf32>,
          %parallel_loop3A_584 = arith.constant 1 : i32
          %parallel_loop3A_585 = arith.constant 1 : i32
          %parallel_loop3A_586 = arith.constant 2 : i32
          %parallel_loop3A_587 = arith.index_cast %parallel_loop3A_584 : i32 to index
          %parallel_loop3A_588 = arith.index_cast %parallel_loop3A_585 : i32 to index
          %parallel_loop3A_589 = arith.index_cast %parallel_loop3A_586 : i32 to index
          %parallel_loop3A_590 = arith.index_cast %parallel_loop3A_449 : i32 to index
          %parallel_loop3A_591 = tpu.vector_load %arg5[%parallel_loop3A_587, %parallel_loop3A_588, %parallel_loop3A_589, %parallel_loop3A_590] {strides = array<i32>} : memref<6x2x4x1024xf32, #tpu.memory_space<vmem>>, vector<1x1x1x16xf32>,
          %parallel_loop3A_592 = vector.shape_cast %parallel_loop3A_591 : vector<1x1x1x16xf32> to vector<16xf32>
          %parallel_loop3A_593 = arith.addf %parallel_loop3A_592, %parallel_loop3A_543 : vector<16xf32>
          %parallel_loop3A_594 = arith.constant 1 : i32
          %parallel_loop3A_595 = arith.constant 1 : i32
          %parallel_loop3A_596 = arith.constant 2 : i32
          %parallel_loop3A_597 = arith.index_cast %parallel_loop3A_594 : i32 to index
          %parallel_loop3A_598 = arith.index_cast %parallel_loop3A_595 : i32 to index
          %parallel_loop3A_599 = arith.index_cast %parallel_loop3A_596 : i32 to index
          %parallel_loop3A_600 = arith.index_cast %parallel_loop3A_449 : i32 to index
          %parallel_loop3A_601 = tpu.vector_load %arg7[%parallel_loop3A_597, %parallel_loop3A_598, %parallel_loop3A_599, %parallel_loop3A_600] {strides = array<i32>} : memref<6x2x4x1024xf32, #tpu.memory_space<vmem>>, vector<1x1x1x16xf32>,
          %parallel_loop3A_602 = vector.shape_cast %parallel_loop3A_601 : vector<1x1x1x16xf32> to vector<16xf32>
          %parallel_loop3A_603 = vector.shape_cast %parallel_loop3A_593 : vector<16xf32> to vector<1x1x1x16xf32>
          tpu.vector_store %arg7[%parallel_loop3A_597, %parallel_loop3A_598, %parallel_loop3A_599, %parallel_loop3A_600], %parallel_loop3A_603 {strides = array<i32>} : memref<6x2x4x1024xf32, #tpu.memory_space<vmem>>, vector<1x1x1x16xf32>,
          %parallel_loop3A_604 = arith.constant 1 : i32
          %parallel_loop3A_605 = arith.constant 1 : i32
          %parallel_loop3A_606 = arith.constant 3 : i32
          %parallel_loop3A_607 = arith.index_cast %parallel_loop3A_604 : i32 to index
          %parallel_loop3A_608 = arith.index_cast %parallel_loop3A_605 : i32 to index
          %parallel_loop3A_609 = arith.index_cast %parallel_loop3A_606 : i32 to index
          %parallel_loop3A_610 = arith.index_cast %parallel_loop3A_449 : i32 to index
          %parallel_loop3A_611 = tpu.vector_load %arg5[%parallel_loop3A_607, %parallel_loop3A_608, %parallel_loop3A_609, %parallel_loop3A_610] {strides = array<i32>} : memref<6x2x4x1024xf32, #tpu.memory_space<vmem>>, vector<1x1x1x16xf32>,
          %parallel_loop3A_612 = vector.shape_cast %parallel_loop3A_611 : vector<1x1x1x16xf32> to vector<16xf32>
          %parallel_loop3A_613 = arith.addf %parallel_loop3A_612, %parallel_loop3A_543 : vector<16xf32>
          %parallel_loop3A_614 = arith.constant 1 : i32
          %parallel_loop3A_615 = arith.constant 1 : i32
          %parallel_loop3A_616 = arith.constant 3 : i32
          %parallel_loop3A_617 = arith.index_cast %parallel_loop3A_614 : i32 to index
          %parallel_loop3A_618 = arith.index_cast %parallel_loop3A_615 : i32 to index
          %parallel_loop3A_619 = arith.index_cast %parallel_loop3A_616 : i32 to index
          %parallel_loop3A_620 = arith.index_cast %parallel_loop3A_449 : i32 to index
          %parallel_loop3A_621 = tpu.vector_load %arg7[%parallel_loop3A_617, %parallel_loop3A_618, %parallel_loop3A_619, %parallel_loop3A_620] {strides = array<i32>} : memref<6x2x4x1024xf32, #tpu.memory_space<vmem>>, vector<1x1x1x16xf32>,
          %parallel_loop3A_622 = vector.shape_cast %parallel_loop3A_621 : vector<1x1x1x16xf32> to vector<16xf32>
          %parallel_loop3A_623 = vector.shape_cast %parallel_loop3A_613 : vector<16xf32> to vector<1x1x1x16xf32>
          tpu.vector_store %arg7[%parallel_loop3A_617, %parallel_loop3A_618, %parallel_loop3A_619, %parallel_loop3A_620], %parallel_loop3A_623 {strides = array<i32>} : memref<6x2x4x1024xf32, #tpu.memory_space<vmem>>, vector<1x1x1x16xf32>,
        } {sc.loop_unroll_factor = 1 : i64, sc.parallel_access}
        %mul3A_416 = arith.constant 2 : i32
        %mul3A_417 = arith.muli %add3A_337, %mul3A_416 : i32
        %add3A_418 = arith.addi %mul3A_2, %mul3A_417 : i32
        %dma_start3A_419 = arith.constant 1 : i32
        %dma_start3A_420 = arith.constant 1 : i32
        %dma_start3A_421 = arith.constant 0 : i32
        %dma_start3A_422 = arith.constant 0 : i32
        %dma_start3A_423 = arith.constant 0 : i32
        %dma_start3A_424 = tpu.memref_slice %arg7[%dma_start3A_419, %dma_start3A_421, %dma_start3A_422, %dma_start3A_423] : memref<6x2x4x1024xf32, #tpu.memory_space<vmem>> -> memref<1x2x4x1024xf32, #tpu.memory_space<vmem>>
        %dma_start3A_425 = tpu.memref_squeeze %dma_start3A_424 : memref<1x2x4x1024xf32, #tpu.memory_space<vmem>> -> memref<2x4x1024xf32, #tpu.memory_space<vmem>>
        %dma_start3A_426 = arith.constant 0 : i32
        %dma_start3A_427 = arith.constant 0 : i32
        %dma_start3A_428 = tpu.memref_slice %arg4[%add3A_418, %dma_start3A_426, %dma_start3A_427] : memref<8192x4x1024xf32, #tpu.memory_space<hbm>> -> memref<2x4x1024xf32, #tpu.memory_space<hbm>>
        %dma_start3A_429 = tpu.memref_slice %arg9[%dma_start3A_420] : memref<6x!tpu.dma_semaphore, #tpu.memory_space<semaphore_mem>> -> memref<1x!tpu.dma_semaphore, #tpu.memory_space<semaphore_mem>>
        %dma_start3A_430 = tpu.memref_squeeze %dma_start3A_429 : memref<1x!tpu.dma_semaphore, #tpu.memory_space<semaphore_mem>> -> memref<!tpu.dma_semaphore, #tpu.memory_space<semaphore_mem>>
        %dma_start3A_431 = arith.constant 0 : i32
        %dma_start3A_432 = arith.constant 0 : i32
        %dma_start3A_433 = tpu.memref_slice %arg4[%add3A_418, %dma_start3A_431, %dma_start3A_432] : memref<8192x4x1024xf32, #tpu.memory_space<hbm>> -> memref<2x4x1024xf32, #tpu.memory_space<hbm>>
        %dma_start3A_434 = arith.constant 0 : i32
        %dma_start3A_435 = arith.constant 0 : i32
        %dma_start3A_436 = arith.constant 0 : i32
        %dma_start3A_437 = tpu.memref_slice %arg7[%dma_start3A_419, %dma_start3A_434, %dma_start3A_435, %dma_start3A_436] : memref<6x2x4x1024xf32, #tpu.memory_space<vmem>> -> memref<1x2x4x1024xf32, #tpu.memory_space<vmem>>
        %dma_start3A_438 = tpu.memref_squeeze %dma_start3A_437 : memref<1x2x4x1024xf32, #tpu.memory_space<vmem>> -> memref<2x4x1024xf32, #tpu.memory_space<vmem>>
        tpu.enqueue_dma source(%dma_start3A_438 : memref<2x4x1024xf32, #tpu.memory_space<vmem>>) target(%dma_start3A_433 : memref<2x4x1024xf32, #tpu.memory_space<hbm>>) target_semaphore(%dma_start3A_430 : memref<!tpu.dma_semaphore, #tpu.memory_space<semaphore_mem>>)
        %add3A_439 = arith.constant 6 : i32
        %add3A_440 = arith.addi %add3A_337, %add3A_439 : i32
        %sub3A = arith.constant 1 : i32
        %sub3A_441 = arith.subi %add3A_440, %sub3A : i32
        %lt3A_442 = arith.constant 128 : i32
        %lt3A_443 = arith.cmpi slt, %sub3A_441, %lt3A_442 : i32
        %convert_element_type3A_444 = arith.extui %lt3A_443 : i1 to i32
        %cond3A_445 = arith.constant 0 : i32
        %cond3A_446 = arith.cmpi ne, %convert_element_type3A_444, %cond3A_445 : i32
        scf.if %cond3A_446 {
          %jit3A = arith.constant 6 : i32
          %eq3A = arith.constant 0 : i32
          %eq3A_447 = arith.cmpi eq, %jit3A, %eq3A : i32
          %jit3A_448 = arith.constant 1 : i32
          %select_n3A = arith.select %eq3A_447, %jit3A_448, %jit3A : i32
          %rem3A = arith.remsi %sub3A_441, %select_n3A : i32
          %ne3A = arith.constant 0 : i32
          %ne3A_449 = arith.cmpi ne, %rem3A, %ne3A : i32
          %lt3A_450 = arith.constant 0 : i32
          %lt3A_451 = arith.cmpi slt, %rem3A, %lt3A_450 : i32
          %lt3A_452 = arith.constant 0 : i32
          %lt3A_453 = arith.cmpi slt, %select_n3A, %lt3A_452 : i32
          %ne3A_454 = arith.xori %lt3A_451, %lt3A_453 : i1
          %and3A = arith.andi %ne3A_454, %ne3A_449 : i1
          %add3A_455 = arith.addi %rem3A, %select_n3A : i32
          %select_n3A_456 = arith.select %and3A, %add3A_455, %rem3A : i32
          %mul3A_457 = arith.constant 2 : i32
          %mul3A_458 = arith.muli %sub3A_441, %mul3A_457 : i32
          %add3A_459 = arith.addi %mul3A_2, %mul3A_458 : i32
          %dma_start3A_460 = arith.constant 0 : i32
          %dma_start3A_461 = arith.constant 0 : i32
          %dma_start3A_462 = arith.constant 0 : i32
          %dma_start3A_463 = tpu.memref_slice %arg5[%select_n3A_456, %dma_start3A_460, %dma_start3A_461, %dma_start3A_462] : memref<6x2x4x1024xf32, #tpu.memory_space<vmem>> -> memref<1x2x4x1024xf32, #tpu.memory_space<vmem>>
          %dma_start3A_464 = tpu.memref_squeeze %dma_start3A_463 : memref<1x2x4x1024xf32, #tpu.memory_space<vmem>> -> memref<2x4x1024xf32, #tpu.memory_space<vmem>>
          %dma_start3A_465 = arith.constant 0 : i32
          %dma_start3A_466 = arith.constant 0 : i32
          %dma_start3A_467 = tpu.memref_slice %arg2[%add3A_459, %dma_start3A_465, %dma_start3A_466] : memref<8192x4x1024xf32, #tpu.memory_space<hbm>> -> memref<2x4x1024xf32, #tpu.memory_space<hbm>>
          %dma_start3A_468 = tpu.memref_slice %arg8[%select_n3A_456] : memref<6x!tpu.dma_semaphore, #tpu.memory_space<semaphore_mem>> -> memref<1x!tpu.dma_semaphore, #tpu.memory_space<semaphore_mem>>
          %dma_start3A_469 = tpu.memref_squeeze %dma_start3A_468 : memref<1x!tpu.dma_semaphore, #tpu.memory_space<semaphore_mem>> -> memref<!tpu.dma_semaphore, #tpu.memory_space<semaphore_mem>>
          %dma_start3A_470 = arith.constant 0 : i32
          %dma_start3A_471 = arith.constant 0 : i32
          %dma_start3A_472 = arith.constant 0 : i32
          %dma_start3A_473 = tpu.memref_slice %arg5[%select_n3A_456, %dma_start3A_470, %dma_start3A_471, %dma_start3A_472] : memref<6x2x4x1024xf32, #tpu.memory_space<vmem>> -> memref<1x2x4x1024xf32, #tpu.memory_space<vmem>>
          %dma_start3A_474 = tpu.memref_squeeze %dma_start3A_473 : memref<1x2x4x1024xf32, #tpu.memory_space<vmem>> -> memref<2x4x1024xf32, #tpu.memory_space<vmem>>
          %dma_start3A_475 = arith.constant 0 : i32
          %dma_start3A_476 = arith.constant 0 : i32
          %dma_start3A_477 = tpu.memref_slice %arg2[%add3A_459, %dma_start3A_475, %dma_start3A_476] : memref<8192x4x1024xf32, #tpu.memory_space<hbm>> -> memref<2x4x1024xf32, #tpu.memory_space<hbm>>
          tpu.enqueue_dma source(%dma_start3A_477 : memref<2x4x1024xf32, #tpu.memory_space<hbm>>) target(%dma_start3A_474 : memref<2x4x1024xf32, #tpu.memory_space<vmem>>) target_semaphore(%dma_start3A_469 : memref<!tpu.dma_semaphore, #tpu.memory_space<semaphore_mem>>)
          %dma_start3A_478 = arith.constant 0 : i32
          %dma_start3A_479 = arith.constant 0 : i32
          %dma_start3A_480 = tpu.memref_slice %arg6[%select_n3A_456, %dma_start3A_478, %dma_start3A_479] : memref<6x2x1024xf32, #tpu.memory_space<vmem>> -> memref<1x2x1024xf32, #tpu.memory_space<vmem>>
          %dma_start3A_481 = tpu.memref_squeeze %dma_start3A_480 : memref<1x2x1024xf32, #tpu.memory_space<vmem>> -> memref<2x1024xf32, #tpu.memory_space<vmem>>
          %dma_start3A_482 = arith.constant 0 : i32
          %dma_start3A_483 = tpu.memref_slice %arg3[%add3A_459, %dma_start3A_482] : memref<8192x1024xf32, #tpu.memory_space<hbm>> -> memref<2x1024xf32, #tpu.memory_space<hbm>>
          %dma_start3A_484 = tpu.memref_slice %arg8[%select_n3A_456] : memref<6x!tpu.dma_semaphore, #tpu.memory_space<semaphore_mem>> -> memref<1x!tpu.dma_semaphore, #tpu.memory_space<semaphore_mem>>
          %dma_start3A_485 = tpu.memref_squeeze %dma_start3A_484 : memref<1x!tpu.dma_semaphore, #tpu.memory_space<semaphore_mem>> -> memref<!tpu.dma_semaphore, #tpu.memory_space<semaphore_mem>>
          %dma_start3A_486 = arith.constant 0 : i32
          %dma_start3A_487 = arith.constant 0 : i32
          %dma_start3A_488 = tpu.memref_slice %arg6[%select_n3A_456, %dma_start3A_486, %dma_start3A_487] : memref<6x2x1024xf32, #tpu.memory_space<vmem>> -> memref<1x2x1024xf32, #tpu.memory_space<vmem>>
          %dma_start3A_489 = tpu.memref_squeeze %dma_start3A_488 : memref<1x2x1024xf32, #tpu.memory_space<vmem>> -> memref<2x1024xf32, #tpu.memory_space<vmem>>
          %dma_start3A_490 = arith.constant 0 : i32
          %dma_start3A_491 = tpu.memref_slice %arg3[%add3A_459, %dma_start3A_490] : memref<8192x1024xf32, #tpu.memory_space<hbm>> -> memref<2x1024xf32, #tpu.memory_space<hbm>>
          tpu.enqueue_dma source(%dma_start3A_491 : memref<2x1024xf32, #tpu.memory_space<hbm>>) target(%dma_start3A_489 : memref<2x1024xf32, #tpu.memory_space<vmem>>) target_semaphore(%dma_start3A_485 : memref<!tpu.dma_semaphore, #tpu.memory_space<semaphore_mem>>)
        } else {
        }
      } else {
      }
      %add3A_343 = arith.constant 2 : i32
      %add3A_344 = arith.addi %add3A_331, %add3A_343 : i32
      %lt3A_345 = arith.constant 128 : i32
      %lt3A_346 = arith.cmpi slt, %add3A_344, %lt3A_345 : i32
      %convert_element_type3A_347 = arith.extui %lt3A_346 : i1 to i32
      %cond3A_348 = arith.constant 0 : i32
      %cond3A_349 = arith.cmpi ne, %convert_element_type3A_347, %cond3A_348 : i32
      scf.if %cond3A_349 {
        %mul3A_371 = arith.constant 2 : i32
        %mul3A_372 = arith.muli %add3A_344, %mul3A_371 : i32
        %add3A_373 = arith.addi %mul3A_2, %mul3A_372 : i32
        %dma_wait3A_374 = arith.constant 2 : i32
        %dma_wait3A_375 = arith.constant 2 : i32
        %dma_wait3A_376 = arith.constant 0 : i32
        %dma_wait3A_377 = arith.constant 0 : i32
        %dma_wait3A_378 = arith.constant 0 : i32
        %dma_wait3A_379 = tpu.memref_slice %arg5[%dma_wait3A_374, %dma_wait3A_376, %dma_wait3A_377, %dma_wait3A_378] : memref<6x2x4x1024xf32, #tpu.memory_space<vmem>> -> memref<1x2x4x1024xf32, #tpu.memory_space<vmem>>
        %dma_wait3A_380 = tpu.memref_squeeze %dma_wait3A_379 : memref<1x2x4x1024xf32, #tpu.memory_space<vmem>> -> memref<2x4x1024xf32, #tpu.memory_space<vmem>>
        %dma_wait3A_381 = arith.constant 0 : i32
        %dma_wait3A_382 = arith.constant 0 : i32
        %dma_wait3A_383 = tpu.memref_slice %arg2[%add3A_373, %dma_wait3A_381, %dma_wait3A_382] : memref<8192x4x1024xf32, #tpu.memory_space<hbm>> -> memref<2x4x1024xf32, #tpu.memory_space<hbm>>
        %dma_wait3A_384 = tpu.memref_slice %arg8[%dma_wait3A_375] : memref<6x!tpu.dma_semaphore, #tpu.memory_space<semaphore_mem>> -> memref<1x!tpu.dma_semaphore, #tpu.memory_space<semaphore_mem>>
        %dma_wait3A_385 = tpu.memref_squeeze %dma_wait3A_384 : memref<1x!tpu.dma_semaphore, #tpu.memory_space<semaphore_mem>> -> memref<!tpu.dma_semaphore, #tpu.memory_space<semaphore_mem>>
        %dma_wait3A_386 = arith.constant 0 : i32
        %dma_wait3A_387 = arith.constant 0 : i32
        %dma_wait3A_388 = arith.constant 0 : i32
        %dma_wait3A_389 = tpu.memref_slice %arg5[%dma_wait3A_374, %dma_wait3A_386, %dma_wait3A_387, %dma_wait3A_388] : memref<6x2x4x1024xf32, #tpu.memory_space<vmem>> -> memref<1x2x4x1024xf32, #tpu.memory_space<vmem>>
        %dma_wait3A_390 = tpu.memref_squeeze %dma_wait3A_389 : memref<1x2x4x1024xf32, #tpu.memory_space<vmem>> -> memref<2x4x1024xf32, #tpu.memory_space<vmem>>
        %dma_wait3A_391 = arith.constant 0 : i32
        %dma_wait3A_392 = arith.constant 0 : i32
        %dma_wait3A_393 = tpu.memref_slice %arg2[%add3A_373, %dma_wait3A_391, %dma_wait3A_392] : memref<8192x4x1024xf32, #tpu.memory_space<hbm>> -> memref<2x4x1024xf32, #tpu.memory_space<hbm>>
        tpu.wait_dma2 semaphore(%dma_wait3A_385 : memref<!tpu.dma_semaphore, #tpu.memory_space<semaphore_mem>>) src(%dma_wait3A_393 : memref<2x4x1024xf32, #tpu.memory_space<hbm>>) dst(%dma_wait3A_390 : memref<2x4x1024xf32, #tpu.memory_space<vmem>>)
        %dma_wait3A_394 = arith.constant 2 : i32
        %dma_wait3A_395 = arith.constant 2 : i32
        %dma_wait3A_396 = arith.constant 0 : i32
        %dma_wait3A_397 = arith.constant 0 : i32
        %dma_wait3A_398 = tpu.memref_slice %arg6[%dma_wait3A_394, %dma_wait3A_396, %dma_wait3A_397] : memref<6x2x1024xf32, #tpu.memory_space<vmem>> -> memref<1x2x1024xf32, #tpu.memory_space<vmem>>
        %dma_wait3A_399 = tpu.memref_squeeze %dma_wait3A_398 : memref<1x2x1024xf32, #tpu.memory_space<vmem>> -> memref<2x1024xf32, #tpu.memory_space<vmem>>
        %dma_wait3A_400 = arith.constant 0 : i32
        %dma_wait3A_401 = tpu.memref_slice %arg3[%add3A_373, %dma_wait3A_400] : memref<8192x1024xf32, #tpu.memory_space<hbm>> -> memref<2x1024xf32, #tpu.memory_space<hbm>>
        %dma_wait3A_402 = tpu.memref_slice %arg8[%dma_wait3A_395] : memref<6x!tpu.dma_semaphore, #tpu.memory_space<semaphore_mem>> -> memref<1x!tpu.dma_semaphore, #tpu.memory_space<semaphore_mem>>
        %dma_wait3A_403 = tpu.memref_squeeze %dma_wait3A_402 : memref<1x!tpu.dma_semaphore, #tpu.memory_space<semaphore_mem>> -> memref<!tpu.dma_semaphore, #tpu.memory_space<semaphore_mem>>
        %dma_wait3A_404 = arith.constant 0 : i32
        %dma_wait3A_405 = arith.constant 0 : i32
        %dma_wait3A_406 = tpu.memref_slice %arg6[%dma_wait3A_394, %dma_wait3A_404, %dma_wait3A_405] : memref<6x2x1024xf32, #tpu.memory_space<vmem>> -> memref<1x2x1024xf32, #tpu.memory_space<vmem>>
        %dma_wait3A_407 = tpu.memref_squeeze %dma_wait3A_406 : memref<1x2x1024xf32, #tpu.memory_space<vmem>> -> memref<2x1024xf32, #tpu.memory_space<vmem>>
        %dma_wait3A_408 = arith.constant 0 : i32
        %dma_wait3A_409 = tpu.memref_slice %arg3[%add3A_373, %dma_wait3A_408] : memref<8192x1024xf32, #tpu.memory_space<hbm>> -> memref<2x1024xf32, #tpu.memory_space<hbm>>
        tpu.wait_dma2 semaphore(%dma_wait3A_403 : memref<!tpu.dma_semaphore, #tpu.memory_space<semaphore_mem>>) src(%dma_wait3A_409 : memref<2x1024xf32, #tpu.memory_space<hbm>>) dst(%dma_wait3A_407 : memref<2x1024xf32, #tpu.memory_space<vmem>>)
        %ge3A = arith.constant 6 : i32
        %ge3A_410 = arith.cmpi sge, %add3A_344, %ge3A : i32
        %convert_element_type3A_411 = arith.extui %ge3A_410 : i1 to i32
        %cond3A_412 = arith.constant 0 : i32
        %cond3A_413 = arith.cmpi ne, %convert_element_type3A_411, %cond3A_412 : i32
        scf.if %cond3A_413 {
          %sub3A_447 = arith.constant 6 : i32
          %sub3A_448 = arith.subi %add3A_344, %sub3A_447 : i32
          %mul3A_449 = arith.constant 2 : i32
          %mul3A_450 = arith.muli %sub3A_448, %mul3A_449 : i32
          %add3A_451 = arith.addi %mul3A_2, %mul3A_450 : i32
          %dma_wait3A_452 = arith.constant 2 : i32
          %dma_wait3A_453 = arith.constant 2 : i32
          %dma_wait3A_454 = arith.constant 0 : i32
          %dma_wait3A_455 = arith.constant 0 : i32
          %dma_wait3A_456 = arith.constant 0 : i32
          %dma_wait3A_457 = tpu.memref_slice %arg7[%dma_wait3A_452, %dma_wait3A_454, %dma_wait3A_455, %dma_wait3A_456] : memref<6x2x4x1024xf32, #tpu.memory_space<vmem>> -> memref<1x2x4x1024xf32, #tpu.memory_space<vmem>>
          %dma_wait3A_458 = tpu.memref_squeeze %dma_wait3A_457 : memref<1x2x4x1024xf32, #tpu.memory_space<vmem>> -> memref<2x4x1024xf32, #tpu.memory_space<vmem>>
          %dma_wait3A_459 = arith.constant 0 : i32
          %dma_wait3A_460 = arith.constant 0 : i32
          %dma_wait3A_461 = tpu.memref_slice %arg4[%add3A_451, %dma_wait3A_459, %dma_wait3A_460] : memref<8192x4x1024xf32, #tpu.memory_space<hbm>> -> memref<2x4x1024xf32, #tpu.memory_space<hbm>>
          %dma_wait3A_462 = tpu.memref_slice %arg9[%dma_wait3A_453] : memref<6x!tpu.dma_semaphore, #tpu.memory_space<semaphore_mem>> -> memref<1x!tpu.dma_semaphore, #tpu.memory_space<semaphore_mem>>
          %dma_wait3A_463 = tpu.memref_squeeze %dma_wait3A_462 : memref<1x!tpu.dma_semaphore, #tpu.memory_space<semaphore_mem>> -> memref<!tpu.dma_semaphore, #tpu.memory_space<semaphore_mem>>
          %dma_wait3A_464 = arith.constant 0 : i32
          %dma_wait3A_465 = arith.constant 0 : i32
          %dma_wait3A_466 = tpu.memref_slice %arg4[%add3A_451, %dma_wait3A_464, %dma_wait3A_465] : memref<8192x4x1024xf32, #tpu.memory_space<hbm>> -> memref<2x4x1024xf32, #tpu.memory_space<hbm>>
          %dma_wait3A_467 = arith.constant 0 : i32
          %dma_wait3A_468 = arith.constant 0 : i32
          %dma_wait3A_469 = arith.constant 0 : i32
          %dma_wait3A_470 = tpu.memref_slice %arg7[%dma_wait3A_452, %dma_wait3A_467, %dma_wait3A_468, %dma_wait3A_469] : memref<6x2x4x1024xf32, #tpu.memory_space<vmem>> -> memref<1x2x4x1024xf32, #tpu.memory_space<vmem>>
          %dma_wait3A_471 = tpu.memref_squeeze %dma_wait3A_470 : memref<1x2x4x1024xf32, #tpu.memory_space<vmem>> -> memref<2x4x1024xf32, #tpu.memory_space<vmem>>
          tpu.wait_dma2 semaphore(%dma_wait3A_463 : memref<!tpu.dma_semaphore, #tpu.memory_space<semaphore_mem>>) src(%dma_wait3A_471 : memref<2x4x1024xf32, #tpu.memory_space<vmem>>) dst(%dma_wait3A_466 : memref<2x4x1024xf32, #tpu.memory_space<hbm>>)
        } else {
        }
        %parallel_loop3A = arith.constant 0 : i32
        %parallel_loop3A_414 = arith.constant 64 : i32
        %parallel_loop3A_415 = arith.constant 1 : i32
        scf.for %parallel_loop3A_447 = %parallel_loop3A to %parallel_loop3A_414 step %parallel_loop3A_415  : i32 {
          %parallel_loop3A_448 = arith.constant 16 : i32
          %parallel_loop3A_449 = arith.muli %parallel_loop3A_447, %parallel_loop3A_448 : i32
          %parallel_loop3A_450 = arith.constant 2 : i32
          %parallel_loop3A_451 = arith.constant 0 : i32
          %parallel_loop3A_452 = arith.index_cast %parallel_loop3A_450 : i32 to index
          %parallel_loop3A_453 = arith.index_cast %parallel_loop3A_451 : i32 to index
          %parallel_loop3A_454 = arith.index_cast %parallel_loop3A_449 : i32 to index
          %parallel_loop3A_455 = tpu.vector_load %arg6[%parallel_loop3A_452, %parallel_loop3A_453, %parallel_loop3A_454] {strides = array<i32>} : memref<6x2x1024xf32, #tpu.memory_space<vmem>>, vector<1x1x16xf32>,
          %parallel_loop3A_456 = vector.shape_cast %parallel_loop3A_455 : vector<1x1x16xf32> to vector<16xf32>
          %parallel_loop3A_457 = arith.constant 2 : i32
          %parallel_loop3A_458 = arith.constant 0 : i32
          %parallel_loop3A_459 = arith.constant 0 : i32
          %parallel_loop3A_460 = arith.index_cast %parallel_loop3A_457 : i32 to index
          %parallel_loop3A_461 = arith.index_cast %parallel_loop3A_458 : i32 to index
          %parallel_loop3A_462 = arith.index_cast %parallel_loop3A_459 : i32 to index
          %parallel_loop3A_463 = arith.index_cast %parallel_loop3A_449 : i32 to index
          %parallel_loop3A_464 = tpu.vector_load %arg5[%parallel_loop3A_460, %parallel_loop3A_461, %parallel_loop3A_462, %parallel_loop3A_463] {strides = array<i32>} : memref<6x2x4x1024xf32, #tpu.memory_space<vmem>>, vector<1x1x1x16xf32>,
          %parallel_loop3A_465 = vector.shape_cast %parallel_loop3A_464 : vector<1x1x1x16xf32> to vector<16xf32>
          %parallel_loop3A_466 = arith.addf %parallel_loop3A_465, %parallel_loop3A_456 : vector<16xf32>
          %parallel_loop3A_467 = arith.constant 2 : i32
          %parallel_loop3A_468 = arith.constant 0 : i32
          %parallel_loop3A_469 = arith.constant 0 : i32
          %parallel_loop3A_470 = arith.index_cast %parallel_loop3A_467 : i32 to index
          %parallel_loop3A_471 = arith.index_cast %parallel_loop3A_468 : i32 to index
          %parallel_loop3A_472 = arith.index_cast %parallel_loop3A_469 : i32 to index
          %parallel_loop3A_473 = arith.index_cast %parallel_loop3A_449 : i32 to index
          %parallel_loop3A_474 = tpu.vector_load %arg7[%parallel_loop3A_470, %parallel_loop3A_471, %parallel_loop3A_472, %parallel_loop3A_473] {strides = array<i32>} : memref<6x2x4x1024xf32, #tpu.memory_space<vmem>>, vector<1x1x1x16xf32>,
          %parallel_loop3A_475 = vector.shape_cast %parallel_loop3A_474 : vector<1x1x1x16xf32> to vector<16xf32>
          %parallel_loop3A_476 = vector.shape_cast %parallel_loop3A_466 : vector<16xf32> to vector<1x1x1x16xf32>
          tpu.vector_store %arg7[%parallel_loop3A_470, %parallel_loop3A_471, %parallel_loop3A_472, %parallel_loop3A_473], %parallel_loop3A_476 {strides = array<i32>} : memref<6x2x4x1024xf32, #tpu.memory_space<vmem>>, vector<1x1x1x16xf32>,
          %parallel_loop3A_477 = arith.constant 2 : i32
          %parallel_loop3A_478 = arith.constant 0 : i32
          %parallel_loop3A_479 = arith.constant 1 : i32
          %parallel_loop3A_480 = arith.index_cast %parallel_loop3A_477 : i32 to index
          %parallel_loop3A_481 = arith.index_cast %parallel_loop3A_478 : i32 to index
          %parallel_loop3A_482 = arith.index_cast %parallel_loop3A_479 : i32 to index
          %parallel_loop3A_483 = arith.index_cast %parallel_loop3A_449 : i32 to index
          %parallel_loop3A_484 = tpu.vector_load %arg5[%parallel_loop3A_480, %parallel_loop3A_481, %parallel_loop3A_482, %parallel_loop3A_483] {strides = array<i32>} : memref<6x2x4x1024xf32, #tpu.memory_space<vmem>>, vector<1x1x1x16xf32>,
          %parallel_loop3A_485 = vector.shape_cast %parallel_loop3A_484 : vector<1x1x1x16xf32> to vector<16xf32>
          %parallel_loop3A_486 = arith.addf %parallel_loop3A_485, %parallel_loop3A_456 : vector<16xf32>
          %parallel_loop3A_487 = arith.constant 2 : i32
          %parallel_loop3A_488 = arith.constant 0 : i32
          %parallel_loop3A_489 = arith.constant 1 : i32
          %parallel_loop3A_490 = arith.index_cast %parallel_loop3A_487 : i32 to index
          %parallel_loop3A_491 = arith.index_cast %parallel_loop3A_488 : i32 to index
          %parallel_loop3A_492 = arith.index_cast %parallel_loop3A_489 : i32 to index
          %parallel_loop3A_493 = arith.index_cast %parallel_loop3A_449 : i32 to index
          %parallel_loop3A_494 = tpu.vector_load %arg7[%parallel_loop3A_490, %parallel_loop3A_491, %parallel_loop3A_492, %parallel_loop3A_493] {strides = array<i32>} : memref<6x2x4x1024xf32, #tpu.memory_space<vmem>>, vector<1x1x1x16xf32>,
          %parallel_loop3A_495 = vector.shape_cast %parallel_loop3A_494 : vector<1x1x1x16xf32> to vector<16xf32>
          %parallel_loop3A_496 = vector.shape_cast %parallel_loop3A_486 : vector<16xf32> to vector<1x1x1x16xf32>
          tpu.vector_store %arg7[%parallel_loop3A_490, %parallel_loop3A_491, %parallel_loop3A_492, %parallel_loop3A_493], %parallel_loop3A_496 {strides = array<i32>} : memref<6x2x4x1024xf32, #tpu.memory_space<vmem>>, vector<1x1x1x16xf32>,
          %parallel_loop3A_497 = arith.constant 2 : i32
          %parallel_loop3A_498 = arith.constant 0 : i32
          %parallel_loop3A_499 = arith.constant 2 : i32
          %parallel_loop3A_500 = arith.index_cast %parallel_loop3A_497 : i32 to index
          %parallel_loop3A_501 = arith.index_cast %parallel_loop3A_498 : i32 to index
          %parallel_loop3A_502 = arith.index_cast %parallel_loop3A_499 : i32 to index
          %parallel_loop3A_503 = arith.index_cast %parallel_loop3A_449 : i32 to index
          %parallel_loop3A_504 = tpu.vector_load %arg5[%parallel_loop3A_500, %parallel_loop3A_501, %parallel_loop3A_502, %parallel_loop3A_503] {strides = array<i32>} : memref<6x2x4x1024xf32, #tpu.memory_space<vmem>>, vector<1x1x1x16xf32>,
          %parallel_loop3A_505 = vector.shape_cast %parallel_loop3A_504 : vector<1x1x1x16xf32> to vector<16xf32>
          %parallel_loop3A_506 = arith.addf %parallel_loop3A_505, %parallel_loop3A_456 : vector<16xf32>
          %parallel_loop3A_507 = arith.constant 2 : i32
          %parallel_loop3A_508 = arith.constant 0 : i32
          %parallel_loop3A_509 = arith.constant 2 : i32
          %parallel_loop3A_510 = arith.index_cast %parallel_loop3A_507 : i32 to index
          %parallel_loop3A_511 = arith.index_cast %parallel_loop3A_508 : i32 to index
          %parallel_loop3A_512 = arith.index_cast %parallel_loop3A_509 : i32 to index
          %parallel_loop3A_513 = arith.index_cast %parallel_loop3A_449 : i32 to index
          %parallel_loop3A_514 = tpu.vector_load %arg7[%parallel_loop3A_510, %parallel_loop3A_511, %parallel_loop3A_512, %parallel_loop3A_513] {strides = array<i32>} : memref<6x2x4x1024xf32, #tpu.memory_space<vmem>>, vector<1x1x1x16xf32>,
          %parallel_loop3A_515 = vector.shape_cast %parallel_loop3A_514 : vector<1x1x1x16xf32> to vector<16xf32>
          %parallel_loop3A_516 = vector.shape_cast %parallel_loop3A_506 : vector<16xf32> to vector<1x1x1x16xf32>
          tpu.vector_store %arg7[%parallel_loop3A_510, %parallel_loop3A_511, %parallel_loop3A_512, %parallel_loop3A_513], %parallel_loop3A_516 {strides = array<i32>} : memref<6x2x4x1024xf32, #tpu.memory_space<vmem>>, vector<1x1x1x16xf32>,
          %parallel_loop3A_517 = arith.constant 2 : i32
          %parallel_loop3A_518 = arith.constant 0 : i32
          %parallel_loop3A_519 = arith.constant 3 : i32
          %parallel_loop3A_520 = arith.index_cast %parallel_loop3A_517 : i32 to index
          %parallel_loop3A_521 = arith.index_cast %parallel_loop3A_518 : i32 to index
          %parallel_loop3A_522 = arith.index_cast %parallel_loop3A_519 : i32 to index
          %parallel_loop3A_523 = arith.index_cast %parallel_loop3A_449 : i32 to index
          %parallel_loop3A_524 = tpu.vector_load %arg5[%parallel_loop3A_520, %parallel_loop3A_521, %parallel_loop3A_522, %parallel_loop3A_523] {strides = array<i32>} : memref<6x2x4x1024xf32, #tpu.memory_space<vmem>>, vector<1x1x1x16xf32>,
          %parallel_loop3A_525 = vector.shape_cast %parallel_loop3A_524 : vector<1x1x1x16xf32> to vector<16xf32>
          %parallel_loop3A_526 = arith.addf %parallel_loop3A_525, %parallel_loop3A_456 : vector<16xf32>
          %parallel_loop3A_527 = arith.constant 2 : i32
          %parallel_loop3A_528 = arith.constant 0 : i32
          %parallel_loop3A_529 = arith.constant 3 : i32
          %parallel_loop3A_530 = arith.index_cast %parallel_loop3A_527 : i32 to index
          %parallel_loop3A_531 = arith.index_cast %parallel_loop3A_528 : i32 to index
          %parallel_loop3A_532 = arith.index_cast %parallel_loop3A_529 : i32 to index
          %parallel_loop3A_533 = arith.index_cast %parallel_loop3A_449 : i32 to index
          %parallel_loop3A_534 = tpu.vector_load %arg7[%parallel_loop3A_530, %parallel_loop3A_531, %parallel_loop3A_532, %parallel_loop3A_533] {strides = array<i32>} : memref<6x2x4x1024xf32, #tpu.memory_space<vmem>>, vector<1x1x1x16xf32>,
          %parallel_loop3A_535 = vector.shape_cast %parallel_loop3A_534 : vector<1x1x1x16xf32> to vector<16xf32>
          %parallel_loop3A_536 = vector.shape_cast %parallel_loop3A_526 : vector<16xf32> to vector<1x1x1x16xf32>
          tpu.vector_store %arg7[%parallel_loop3A_530, %parallel_loop3A_531, %parallel_loop3A_532, %parallel_loop3A_533], %parallel_loop3A_536 {strides = array<i32>} : memref<6x2x4x1024xf32, #tpu.memory_space<vmem>>, vector<1x1x1x16xf32>,
          %parallel_loop3A_537 = arith.constant 2 : i32
          %parallel_loop3A_538 = arith.constant 1 : i32
          %parallel_loop3A_539 = arith.index_cast %parallel_loop3A_537 : i32 to index
          %parallel_loop3A_540 = arith.index_cast %parallel_loop3A_538 : i32 to index
          %parallel_loop3A_541 = arith.index_cast %parallel_loop3A_449 : i32 to index
          %parallel_loop3A_542 = tpu.vector_load %arg6[%parallel_loop3A_539, %parallel_loop3A_540, %parallel_loop3A_541] {strides = array<i32>} : memref<6x2x1024xf32, #tpu.memory_space<vmem>>, vector<1x1x16xf32>,
          %parallel_loop3A_543 = vector.shape_cast %parallel_loop3A_542 : vector<1x1x16xf32> to vector<16xf32>
          %parallel_loop3A_544 = arith.constant 2 : i32
          %parallel_loop3A_545 = arith.constant 1 : i32
          %parallel_loop3A_546 = arith.constant 0 : i32
          %parallel_loop3A_547 = arith.index_cast %parallel_loop3A_544 : i32 to index
          %parallel_loop3A_548 = arith.index_cast %parallel_loop3A_545 : i32 to index
          %parallel_loop3A_549 = arith.index_cast %parallel_loop3A_546 : i32 to index
          %parallel_loop3A_550 = arith.index_cast %parallel_loop3A_449 : i32 to index
          %parallel_loop3A_551 = tpu.vector_load %arg5[%parallel_loop3A_547, %parallel_loop3A_548, %parallel_loop3A_549, %parallel_loop3A_550] {strides = array<i32>} : memref<6x2x4x1024xf32, #tpu.memory_space<vmem>>, vector<1x1x1x16xf32>,
          %parallel_loop3A_552 = vector.shape_cast %parallel_loop3A_551 : vector<1x1x1x16xf32> to vector<16xf32>
          %parallel_loop3A_553 = arith.addf %parallel_loop3A_552, %parallel_loop3A_543 : vector<16xf32>
          %parallel_loop3A_554 = arith.constant 2 : i32
          %parallel_loop3A_555 = arith.constant 1 : i32
          %parallel_loop3A_556 = arith.constant 0 : i32
          %parallel_loop3A_557 = arith.index_cast %parallel_loop3A_554 : i32 to index
          %parallel_loop3A_558 = arith.index_cast %parallel_loop3A_555 : i32 to index
          %parallel_loop3A_559 = arith.index_cast %parallel_loop3A_556 : i32 to index
          %parallel_loop3A_560 = arith.index_cast %parallel_loop3A_449 : i32 to index
          %parallel_loop3A_561 = tpu.vector_load %arg7[%parallel_loop3A_557, %parallel_loop3A_558, %parallel_loop3A_559, %parallel_loop3A_560] {strides = array<i32>} : memref<6x2x4x1024xf32, #tpu.memory_space<vmem>>, vector<1x1x1x16xf32>,
          %parallel_loop3A_562 = vector.shape_cast %parallel_loop3A_561 : vector<1x1x1x16xf32> to vector<16xf32>
          %parallel_loop3A_563 = vector.shape_cast %parallel_loop3A_553 : vector<16xf32> to vector<1x1x1x16xf32>
          tpu.vector_store %arg7[%parallel_loop3A_557, %parallel_loop3A_558, %parallel_loop3A_559, %parallel_loop3A_560], %parallel_loop3A_563 {strides = array<i32>} : memref<6x2x4x1024xf32, #tpu.memory_space<vmem>>, vector<1x1x1x16xf32>,
          %parallel_loop3A_564 = arith.constant 2 : i32
          %parallel_loop3A_565 = arith.constant 1 : i32
          %parallel_loop3A_566 = arith.constant 1 : i32
          %parallel_loop3A_567 = arith.index_cast %parallel_loop3A_564 : i32 to index
          %parallel_loop3A_568 = arith.index_cast %parallel_loop3A_565 : i32 to index
          %parallel_loop3A_569 = arith.index_cast %parallel_loop3A_566 : i32 to index
          %parallel_loop3A_570 = arith.index_cast %parallel_loop3A_449 : i32 to index
          %parallel_loop3A_571 = tpu.vector_load %arg5[%parallel_loop3A_567, %parallel_loop3A_568, %parallel_loop3A_569, %parallel_loop3A_570] {strides = array<i32>} : memref<6x2x4x1024xf32, #tpu.memory_space<vmem>>, vector<1x1x1x16xf32>,
          %parallel_loop3A_572 = vector.shape_cast %parallel_loop3A_571 : vector<1x1x1x16xf32> to vector<16xf32>
          %parallel_loop3A_573 = arith.addf %parallel_loop3A_572, %parallel_loop3A_543 : vector<16xf32>
          %parallel_loop3A_574 = arith.constant 2 : i32
          %parallel_loop3A_575 = arith.constant 1 : i32
          %parallel_loop3A_576 = arith.constant 1 : i32
          %parallel_loop3A_577 = arith.index_cast %parallel_loop3A_574 : i32 to index
          %parallel_loop3A_578 = arith.index_cast %parallel_loop3A_575 : i32 to index
          %parallel_loop3A_579 = arith.index_cast %parallel_loop3A_576 : i32 to index
          %parallel_loop3A_580 = arith.index_cast %parallel_loop3A_449 : i32 to index
          %parallel_loop3A_581 = tpu.vector_load %arg7[%parallel_loop3A_577, %parallel_loop3A_578, %parallel_loop3A_579, %parallel_loop3A_580] {strides = array<i32>} : memref<6x2x4x1024xf32, #tpu.memory_space<vmem>>, vector<1x1x1x16xf32>,
          %parallel_loop3A_582 = vector.shape_cast %parallel_loop3A_581 : vector<1x1x1x16xf32> to vector<16xf32>
          %parallel_loop3A_583 = vector.shape_cast %parallel_loop3A_573 : vector<16xf32> to vector<1x1x1x16xf32>
          tpu.vector_store %arg7[%parallel_loop3A_577, %parallel_loop3A_578, %parallel_loop3A_579, %parallel_loop3A_580], %parallel_loop3A_583 {strides = array<i32>} : memref<6x2x4x1024xf32, #tpu.memory_space<vmem>>, vector<1x1x1x16xf32>,
          %parallel_loop3A_584 = arith.constant 2 : i32
          %parallel_loop3A_585 = arith.constant 1 : i32
          %parallel_loop3A_586 = arith.constant 2 : i32
          %parallel_loop3A_587 = arith.index_cast %parallel_loop3A_584 : i32 to index
          %parallel_loop3A_588 = arith.index_cast %parallel_loop3A_585 : i32 to index
          %parallel_loop3A_589 = arith.index_cast %parallel_loop3A_586 : i32 to index
          %parallel_loop3A_590 = arith.index_cast %parallel_loop3A_449 : i32 to index
          %parallel_loop3A_591 = tpu.vector_load %arg5[%parallel_loop3A_587, %parallel_loop3A_588, %parallel_loop3A_589, %parallel_loop3A_590] {strides = array<i32>} : memref<6x2x4x1024xf32, #tpu.memory_space<vmem>>, vector<1x1x1x16xf32>,
          %parallel_loop3A_592 = vector.shape_cast %parallel_loop3A_591 : vector<1x1x1x16xf32> to vector<16xf32>
          %parallel_loop3A_593 = arith.addf %parallel_loop3A_592, %parallel_loop3A_543 : vector<16xf32>
          %parallel_loop3A_594 = arith.constant 2 : i32
          %parallel_loop3A_595 = arith.constant 1 : i32
          %parallel_loop3A_596 = arith.constant 2 : i32
          %parallel_loop3A_597 = arith.index_cast %parallel_loop3A_594 : i32 to index
          %parallel_loop3A_598 = arith.index_cast %parallel_loop3A_595 : i32 to index
          %parallel_loop3A_599 = arith.index_cast %parallel_loop3A_596 : i32 to index
          %parallel_loop3A_600 = arith.index_cast %parallel_loop3A_449 : i32 to index
          %parallel_loop3A_601 = tpu.vector_load %arg7[%parallel_loop3A_597, %parallel_loop3A_598, %parallel_loop3A_599, %parallel_loop3A_600] {strides = array<i32>} : memref<6x2x4x1024xf32, #tpu.memory_space<vmem>>, vector<1x1x1x16xf32>,
          %parallel_loop3A_602 = vector.shape_cast %parallel_loop3A_601 : vector<1x1x1x16xf32> to vector<16xf32>
          %parallel_loop3A_603 = vector.shape_cast %parallel_loop3A_593 : vector<16xf32> to vector<1x1x1x16xf32>
          tpu.vector_store %arg7[%parallel_loop3A_597, %parallel_loop3A_598, %parallel_loop3A_599, %parallel_loop3A_600], %parallel_loop3A_603 {strides = array<i32>} : memref<6x2x4x1024xf32, #tpu.memory_space<vmem>>, vector<1x1x1x16xf32>,
          %parallel_loop3A_604 = arith.constant 2 : i32
          %parallel_loop3A_605 = arith.constant 1 : i32
          %parallel_loop3A_606 = arith.constant 3 : i32
          %parallel_loop3A_607 = arith.index_cast %parallel_loop3A_604 : i32 to index
          %parallel_loop3A_608 = arith.index_cast %parallel_loop3A_605 : i32 to index
          %parallel_loop3A_609 = arith.index_cast %parallel_loop3A_606 : i32 to index
          %parallel_loop3A_610 = arith.index_cast %parallel_loop3A_449 : i32 to index
          %parallel_loop3A_611 = tpu.vector_load %arg5[%parallel_loop3A_607, %parallel_loop3A_608, %parallel_loop3A_609, %parallel_loop3A_610] {strides = array<i32>} : memref<6x2x4x1024xf32, #tpu.memory_space<vmem>>, vector<1x1x1x16xf32>,
          %parallel_loop3A_612 = vector.shape_cast %parallel_loop3A_611 : vector<1x1x1x16xf32> to vector<16xf32>
          %parallel_loop3A_613 = arith.addf %parallel_loop3A_612, %parallel_loop3A_543 : vector<16xf32>
          %parallel_loop3A_614 = arith.constant 2 : i32
          %parallel_loop3A_615 = arith.constant 1 : i32
          %parallel_loop3A_616 = arith.constant 3 : i32
          %parallel_loop3A_617 = arith.index_cast %parallel_loop3A_614 : i32 to index
          %parallel_loop3A_618 = arith.index_cast %parallel_loop3A_615 : i32 to index
          %parallel_loop3A_619 = arith.index_cast %parallel_loop3A_616 : i32 to index
          %parallel_loop3A_620 = arith.index_cast %parallel_loop3A_449 : i32 to index
          %parallel_loop3A_621 = tpu.vector_load %arg7[%parallel_loop3A_617, %parallel_loop3A_618, %parallel_loop3A_619, %parallel_loop3A_620] {strides = array<i32>} : memref<6x2x4x1024xf32, #tpu.memory_space<vmem>>, vector<1x1x1x16xf32>,
          %parallel_loop3A_622 = vector.shape_cast %parallel_loop3A_621 : vector<1x1x1x16xf32> to vector<16xf32>
          %parallel_loop3A_623 = vector.shape_cast %parallel_loop3A_613 : vector<16xf32> to vector<1x1x1x16xf32>
          tpu.vector_store %arg7[%parallel_loop3A_617, %parallel_loop3A_618, %parallel_loop3A_619, %parallel_loop3A_620], %parallel_loop3A_623 {strides = array<i32>} : memref<6x2x4x1024xf32, #tpu.memory_space<vmem>>, vector<1x1x1x16xf32>,
        } {sc.loop_unroll_factor = 1 : i64, sc.parallel_access}
        %mul3A_416 = arith.constant 2 : i32
        %mul3A_417 = arith.muli %add3A_344, %mul3A_416 : i32
        %add3A_418 = arith.addi %mul3A_2, %mul3A_417 : i32
        %dma_start3A_419 = arith.constant 2 : i32
        %dma_start3A_420 = arith.constant 2 : i32
        %dma_start3A_421 = arith.constant 0 : i32
        %dma_start3A_422 = arith.constant 0 : i32
        %dma_start3A_423 = arith.constant 0 : i32
        %dma_start3A_424 = tpu.memref_slice %arg7[%dma_start3A_419, %dma_start3A_421, %dma_start3A_422, %dma_start3A_423] : memref<6x2x4x1024xf32, #tpu.memory_space<vmem>> -> memref<1x2x4x1024xf32, #tpu.memory_space<vmem>>
        %dma_start3A_425 = tpu.memref_squeeze %dma_start3A_424 : memref<1x2x4x1024xf32, #tpu.memory_space<vmem>> -> memref<2x4x1024xf32, #tpu.memory_space<vmem>>
        %dma_start3A_426 = arith.constant 0 : i32
        %dma_start3A_427 = arith.constant 0 : i32
        %dma_start3A_428 = tpu.memref_slice %arg4[%add3A_418, %dma_start3A_426, %dma_start3A_427] : memref<8192x4x1024xf32, #tpu.memory_space<hbm>> -> memref<2x4x1024xf32, #tpu.memory_space<hbm>>
        %dma_start3A_429 = tpu.memref_slice %arg9[%dma_start3A_420] : memref<6x!tpu.dma_semaphore, #tpu.memory_space<semaphore_mem>> -> memref<1x!tpu.dma_semaphore, #tpu.memory_space<semaphore_mem>>
        %dma_start3A_430 = tpu.memref_squeeze %dma_start3A_429 : memref<1x!tpu.dma_semaphore, #tpu.memory_space<semaphore_mem>> -> memref<!tpu.dma_semaphore, #tpu.memory_space<semaphore_mem>>
        %dma_start3A_431 = arith.constant 0 : i32
        %dma_start3A_432 = arith.constant 0 : i32
        %dma_start3A_433 = tpu.memref_slice %arg4[%add3A_418, %dma_start3A_431, %dma_start3A_432] : memref<8192x4x1024xf32, #tpu.memory_space<hbm>> -> memref<2x4x1024xf32, #tpu.memory_space<hbm>>
        %dma_start3A_434 = arith.constant 0 : i32
        %dma_start3A_435 = arith.constant 0 : i32
        %dma_start3A_436 = arith.constant 0 : i32
        %dma_start3A_437 = tpu.memref_slice %arg7[%dma_start3A_419, %dma_start3A_434, %dma_start3A_435, %dma_start3A_436] : memref<6x2x4x1024xf32, #tpu.memory_space<vmem>> -> memref<1x2x4x1024xf32, #tpu.memory_space<vmem>>
        %dma_start3A_438 = tpu.memref_squeeze %dma_start3A_437 : memref<1x2x4x1024xf32, #tpu.memory_space<vmem>> -> memref<2x4x1024xf32, #tpu.memory_space<vmem>>
        tpu.enqueue_dma source(%dma_start3A_438 : memref<2x4x1024xf32, #tpu.memory_space<vmem>>) target(%dma_start3A_433 : memref<2x4x1024xf32, #tpu.memory_space<hbm>>) target_semaphore(%dma_start3A_430 : memref<!tpu.dma_semaphore, #tpu.memory_space<semaphore_mem>>)
        %add3A_439 = arith.constant 6 : i32
        %add3A_440 = arith.addi %add3A_344, %add3A_439 : i32
        %sub3A = arith.constant 1 : i32
        %sub3A_441 = arith.subi %add3A_440, %sub3A : i32
        %lt3A_442 = arith.constant 128 : i32
        %lt3A_443 = arith.cmpi slt, %sub3A_441, %lt3A_442 : i32
        %convert_element_type3A_444 = arith.extui %lt3A_443 : i1 to i32
        %cond3A_445 = arith.constant 0 : i32
        %cond3A_446 = arith.cmpi ne, %convert_element_type3A_444, %cond3A_445 : i32
        scf.if %cond3A_446 {
          %jit3A = arith.constant 6 : i32
          %eq3A = arith.constant 0 : i32
          %eq3A_447 = arith.cmpi eq, %jit3A, %eq3A : i32
          %jit3A_448 = arith.constant 1 : i32
          %select_n3A = arith.select %eq3A_447, %jit3A_448, %jit3A : i32
          %rem3A = arith.remsi %sub3A_441, %select_n3A : i32
          %ne3A = arith.constant 0 : i32
          %ne3A_449 = arith.cmpi ne, %rem3A, %ne3A : i32
          %lt3A_450 = arith.constant 0 : i32
          %lt3A_451 = arith.cmpi slt, %rem3A, %lt3A_450 : i32
          %lt3A_452 = arith.constant 0 : i32
          %lt3A_453 = arith.cmpi slt, %select_n3A, %lt3A_452 : i32
          %ne3A_454 = arith.xori %lt3A_451, %lt3A_453 : i1
          %and3A = arith.andi %ne3A_454, %ne3A_449 : i1
          %add3A_455 = arith.addi %rem3A, %select_n3A : i32
          %select_n3A_456 = arith.select %and3A, %add3A_455, %rem3A : i32
          %mul3A_457 = arith.constant 2 : i32
          %mul3A_458 = arith.muli %sub3A_441, %mul3A_457 : i32
          %add3A_459 = arith.addi %mul3A_2, %mul3A_458 : i32
          %dma_start3A_460 = arith.constant 0 : i32
          %dma_start3A_461 = arith.constant 0 : i32
          %dma_start3A_462 = arith.constant 0 : i32
          %dma_start3A_463 = tpu.memref_slice %arg5[%select_n3A_456, %dma_start3A_460, %dma_start3A_461, %dma_start3A_462] : memref<6x2x4x1024xf32, #tpu.memory_space<vmem>> -> memref<1x2x4x1024xf32, #tpu.memory_space<vmem>>
          %dma_start3A_464 = tpu.memref_squeeze %dma_start3A_463 : memref<1x2x4x1024xf32, #tpu.memory_space<vmem>> -> memref<2x4x1024xf32, #tpu.memory_space<vmem>>
          %dma_start3A_465 = arith.constant 0 : i32
          %dma_start3A_466 = arith.constant 0 : i32
          %dma_start3A_467 = tpu.memref_slice %arg2[%add3A_459, %dma_start3A_465, %dma_start3A_466] : memref<8192x4x1024xf32, #tpu.memory_space<hbm>> -> memref<2x4x1024xf32, #tpu.memory_space<hbm>>
          %dma_start3A_468 = tpu.memref_slice %arg8[%select_n3A_456] : memref<6x!tpu.dma_semaphore, #tpu.memory_space<semaphore_mem>> -> memref<1x!tpu.dma_semaphore, #tpu.memory_space<semaphore_mem>>
          %dma_start3A_469 = tpu.memref_squeeze %dma_start3A_468 : memref<1x!tpu.dma_semaphore, #tpu.memory_space<semaphore_mem>> -> memref<!tpu.dma_semaphore, #tpu.memory_space<semaphore_mem>>
          %dma_start3A_470 = arith.constant 0 : i32
          %dma_start3A_471 = arith.constant 0 : i32
          %dma_start3A_472 = arith.constant 0 : i32
          %dma_start3A_473 = tpu.memref_slice %arg5[%select_n3A_456, %dma_start3A_470, %dma_start3A_471, %dma_start3A_472] : memref<6x2x4x1024xf32, #tpu.memory_space<vmem>> -> memref<1x2x4x1024xf32, #tpu.memory_space<vmem>>
          %dma_start3A_474 = tpu.memref_squeeze %dma_start3A_473 : memref<1x2x4x1024xf32, #tpu.memory_space<vmem>> -> memref<2x4x1024xf32, #tpu.memory_space<vmem>>
          %dma_start3A_475 = arith.constant 0 : i32
          %dma_start3A_476 = arith.constant 0 : i32
          %dma_start3A_477 = tpu.memref_slice %arg2[%add3A_459, %dma_start3A_475, %dma_start3A_476] : memref<8192x4x1024xf32, #tpu.memory_space<hbm>> -> memref<2x4x1024xf32, #tpu.memory_space<hbm>>
          tpu.enqueue_dma source(%dma_start3A_477 : memref<2x4x1024xf32, #tpu.memory_space<hbm>>) target(%dma_start3A_474 : memref<2x4x1024xf32, #tpu.memory_space<vmem>>) target_semaphore(%dma_start3A_469 : memref<!tpu.dma_semaphore, #tpu.memory_space<semaphore_mem>>)
          %dma_start3A_478 = arith.constant 0 : i32
          %dma_start3A_479 = arith.constant 0 : i32
          %dma_start3A_480 = tpu.memref_slice %arg6[%select_n3A_456, %dma_start3A_478, %dma_start3A_479] : memref<6x2x1024xf32, #tpu.memory_space<vmem>> -> memref<1x2x1024xf32, #tpu.memory_space<vmem>>
          %dma_start3A_481 = tpu.memref_squeeze %dma_start3A_480 : memref<1x2x1024xf32, #tpu.memory_space<vmem>> -> memref<2x1024xf32, #tpu.memory_space<vmem>>
          %dma_start3A_482 = arith.constant 0 : i32
          %dma_start3A_483 = tpu.memref_slice %arg3[%add3A_459, %dma_start3A_482] : memref<8192x1024xf32, #tpu.memory_space<hbm>> -> memref<2x1024xf32, #tpu.memory_space<hbm>>
          %dma_start3A_484 = tpu.memref_slice %arg8[%select_n3A_456] : memref<6x!tpu.dma_semaphore, #tpu.memory_space<semaphore_mem>> -> memref<1x!tpu.dma_semaphore, #tpu.memory_space<semaphore_mem>>
          %dma_start3A_485 = tpu.memref_squeeze %dma_start3A_484 : memref<1x!tpu.dma_semaphore, #tpu.memory_space<semaphore_mem>> -> memref<!tpu.dma_semaphore, #tpu.memory_space<semaphore_mem>>
          %dma_start3A_486 = arith.constant 0 : i32
          %dma_start3A_487 = arith.constant 0 : i32
          %dma_start3A_488 = tpu.memref_slice %arg6[%select_n3A_456, %dma_start3A_486, %dma_start3A_487] : memref<6x2x1024xf32, #tpu.memory_space<vmem>> -> memref<1x2x1024xf32, #tpu.memory_space<vmem>>
          %dma_start3A_489 = tpu.memref_squeeze %dma_start3A_488 : memref<1x2x1024xf32, #tpu.memory_space<vmem>> -> memref<2x1024xf32, #tpu.memory_space<vmem>>
          %dma_start3A_490 = arith.constant 0 : i32
          %dma_start3A_491 = tpu.memref_slice %arg3[%add3A_459, %dma_start3A_490] : memref<8192x1024xf32, #tpu.memory_space<hbm>> -> memref<2x1024xf32, #tpu.memory_space<hbm>>
          tpu.enqueue_dma source(%dma_start3A_491 : memref<2x1024xf32, #tpu.memory_space<hbm>>) target(%dma_start3A_489 : memref<2x1024xf32, #tpu.memory_space<vmem>>) target_semaphore(%dma_start3A_485 : memref<!tpu.dma_semaphore, #tpu.memory_space<semaphore_mem>>)
        } else {
        }
      } else {
      }
      %add3A_350 = arith.constant 3 : i32
      %add3A_351 = arith.addi %add3A_331, %add3A_350 : i32
      %lt3A_352 = arith.constant 128 : i32
      %lt3A_353 = arith.cmpi slt, %add3A_351, %lt3A_352 : i32
      %convert_element_type3A_354 = arith.extui %lt3A_353 : i1 to i32
      %cond3A_355 = arith.constant 0 : i32
      %cond3A_356 = arith.cmpi ne, %convert_element_type3A_354, %cond3A_355 : i32
      scf.if %cond3A_356 {
        %mul3A_371 = arith.constant 2 : i32
        %mul3A_372 = arith.muli %add3A_351, %mul3A_371 : i32
        %add3A_373 = arith.addi %mul3A_2, %mul3A_372 : i32
        %dma_wait3A_374 = arith.constant 3 : i32
        %dma_wait3A_375 = arith.constant 3 : i32
        %dma_wait3A_376 = arith.constant 0 : i32
        %dma_wait3A_377 = arith.constant 0 : i32
        %dma_wait3A_378 = arith.constant 0 : i32
        %dma_wait3A_379 = tpu.memref_slice %arg5[%dma_wait3A_374, %dma_wait3A_376, %dma_wait3A_377, %dma_wait3A_378] : memref<6x2x4x1024xf32, #tpu.memory_space<vmem>> -> memref<1x2x4x1024xf32, #tpu.memory_space<vmem>>
        %dma_wait3A_380 = tpu.memref_squeeze %dma_wait3A_379 : memref<1x2x4x1024xf32, #tpu.memory_space<vmem>> -> memref<2x4x1024xf32, #tpu.memory_space<vmem>>
        %dma_wait3A_381 = arith.constant 0 : i32
        %dma_wait3A_382 = arith.constant 0 : i32
        %dma_wait3A_383 = tpu.memref_slice %arg2[%add3A_373, %dma_wait3A_381, %dma_wait3A_382] : memref<8192x4x1024xf32, #tpu.memory_space<hbm>> -> memref<2x4x1024xf32, #tpu.memory_space<hbm>>
        %dma_wait3A_384 = tpu.memref_slice %arg8[%dma_wait3A_375] : memref<6x!tpu.dma_semaphore, #tpu.memory_space<semaphore_mem>> -> memref<1x!tpu.dma_semaphore, #tpu.memory_space<semaphore_mem>>
        %dma_wait3A_385 = tpu.memref_squeeze %dma_wait3A_384 : memref<1x!tpu.dma_semaphore, #tpu.memory_space<semaphore_mem>> -> memref<!tpu.dma_semaphore, #tpu.memory_space<semaphore_mem>>
        %dma_wait3A_386 = arith.constant 0 : i32
        %dma_wait3A_387 = arith.constant 0 : i32
        %dma_wait3A_388 = arith.constant 0 : i32
        %dma_wait3A_389 = tpu.memref_slice %arg5[%dma_wait3A_374, %dma_wait3A_386, %dma_wait3A_387, %dma_wait3A_388] : memref<6x2x4x1024xf32, #tpu.memory_space<vmem>> -> memref<1x2x4x1024xf32, #tpu.memory_space<vmem>>
        %dma_wait3A_390 = tpu.memref_squeeze %dma_wait3A_389 : memref<1x2x4x1024xf32, #tpu.memory_space<vmem>> -> memref<2x4x1024xf32, #tpu.memory_space<vmem>>
        %dma_wait3A_391 = arith.constant 0 : i32
        %dma_wait3A_392 = arith.constant 0 : i32
        %dma_wait3A_393 = tpu.memref_slice %arg2[%add3A_373, %dma_wait3A_391, %dma_wait3A_392] : memref<8192x4x1024xf32, #tpu.memory_space<hbm>> -> memref<2x4x1024xf32, #tpu.memory_space<hbm>>
        tpu.wait_dma2 semaphore(%dma_wait3A_385 : memref<!tpu.dma_semaphore, #tpu.memory_space<semaphore_mem>>) src(%dma_wait3A_393 : memref<2x4x1024xf32, #tpu.memory_space<hbm>>) dst(%dma_wait3A_390 : memref<2x4x1024xf32, #tpu.memory_space<vmem>>)
        %dma_wait3A_394 = arith.constant 3 : i32
        %dma_wait3A_395 = arith.constant 3 : i32
        %dma_wait3A_396 = arith.constant 0 : i32
        %dma_wait3A_397 = arith.constant 0 : i32
        %dma_wait3A_398 = tpu.memref_slice %arg6[%dma_wait3A_394, %dma_wait3A_396, %dma_wait3A_397] : memref<6x2x1024xf32, #tpu.memory_space<vmem>> -> memref<1x2x1024xf32, #tpu.memory_space<vmem>>
        %dma_wait3A_399 = tpu.memref_squeeze %dma_wait3A_398 : memref<1x2x1024xf32, #tpu.memory_space<vmem>> -> memref<2x1024xf32, #tpu.memory_space<vmem>>
        %dma_wait3A_400 = arith.constant 0 : i32
        %dma_wait3A_401 = tpu.memref_slice %arg3[%add3A_373, %dma_wait3A_400] : memref<8192x1024xf32, #tpu.memory_space<hbm>> -> memref<2x1024xf32, #tpu.memory_space<hbm>>
        %dma_wait3A_402 = tpu.memref_slice %arg8[%dma_wait3A_395] : memref<6x!tpu.dma_semaphore, #tpu.memory_space<semaphore_mem>> -> memref<1x!tpu.dma_semaphore, #tpu.memory_space<semaphore_mem>>
        %dma_wait3A_403 = tpu.memref_squeeze %dma_wait3A_402 : memref<1x!tpu.dma_semaphore, #tpu.memory_space<semaphore_mem>> -> memref<!tpu.dma_semaphore, #tpu.memory_space<semaphore_mem>>
        %dma_wait3A_404 = arith.constant 0 : i32
        %dma_wait3A_405 = arith.constant 0 : i32
        %dma_wait3A_406 = tpu.memref_slice %arg6[%dma_wait3A_394, %dma_wait3A_404, %dma_wait3A_405] : memref<6x2x1024xf32, #tpu.memory_space<vmem>> -> memref<1x2x1024xf32, #tpu.memory_space<vmem>>
        %dma_wait3A_407 = tpu.memref_squeeze %dma_wait3A_406 : memref<1x2x1024xf32, #tpu.memory_space<vmem>> -> memref<2x1024xf32, #tpu.memory_space<vmem>>
        %dma_wait3A_408 = arith.constant 0 : i32
        %dma_wait3A_409 = tpu.memref_slice %arg3[%add3A_373, %dma_wait3A_408] : memref<8192x1024xf32, #tpu.memory_space<hbm>> -> memref<2x1024xf32, #tpu.memory_space<hbm>>
        tpu.wait_dma2 semaphore(%dma_wait3A_403 : memref<!tpu.dma_semaphore, #tpu.memory_space<semaphore_mem>>) src(%dma_wait3A_409 : memref<2x1024xf32, #tpu.memory_space<hbm>>) dst(%dma_wait3A_407 : memref<2x1024xf32, #tpu.memory_space<vmem>>)
        %ge3A = arith.constant 6 : i32
        %ge3A_410 = arith.cmpi sge, %add3A_351, %ge3A : i32
        %convert_element_type3A_411 = arith.extui %ge3A_410 : i1 to i32
        %cond3A_412 = arith.constant 0 : i32
        %cond3A_413 = arith.cmpi ne, %convert_element_type3A_411, %cond3A_412 : i32
        scf.if %cond3A_413 {
          %sub3A_447 = arith.constant 6 : i32
          %sub3A_448 = arith.subi %add3A_351, %sub3A_447 : i32
          %mul3A_449 = arith.constant 2 : i32
          %mul3A_450 = arith.muli %sub3A_448, %mul3A_449 : i32
          %add3A_451 = arith.addi %mul3A_2, %mul3A_450 : i32
          %dma_wait3A_452 = arith.constant 3 : i32
          %dma_wait3A_453 = arith.constant 3 : i32
          %dma_wait3A_454 = arith.constant 0 : i32
          %dma_wait3A_455 = arith.constant 0 : i32
          %dma_wait3A_456 = arith.constant 0 : i32
          %dma_wait3A_457 = tpu.memref_slice %arg7[%dma_wait3A_452, %dma_wait3A_454, %dma_wait3A_455, %dma_wait3A_456] : memref<6x2x4x1024xf32, #tpu.memory_space<vmem>> -> memref<1x2x4x1024xf32, #tpu.memory_space<vmem>>
          %dma_wait3A_458 = tpu.memref_squeeze %dma_wait3A_457 : memref<1x2x4x1024xf32, #tpu.memory_space<vmem>> -> memref<2x4x1024xf32, #tpu.memory_space<vmem>>
          %dma_wait3A_459 = arith.constant 0 : i32
          %dma_wait3A_460 = arith.constant 0 : i32
          %dma_wait3A_461 = tpu.memref_slice %arg4[%add3A_451, %dma_wait3A_459, %dma_wait3A_460] : memref<8192x4x1024xf32, #tpu.memory_space<hbm>> -> memref<2x4x1024xf32, #tpu.memory_space<hbm>>
          %dma_wait3A_462 = tpu.memref_slice %arg9[%dma_wait3A_453] : memref<6x!tpu.dma_semaphore, #tpu.memory_space<semaphore_mem>> -> memref<1x!tpu.dma_semaphore, #tpu.memory_space<semaphore_mem>>
          %dma_wait3A_463 = tpu.memref_squeeze %dma_wait3A_462 : memref<1x!tpu.dma_semaphore, #tpu.memory_space<semaphore_mem>> -> memref<!tpu.dma_semaphore, #tpu.memory_space<semaphore_mem>>
          %dma_wait3A_464 = arith.constant 0 : i32
          %dma_wait3A_465 = arith.constant 0 : i32
          %dma_wait3A_466 = tpu.memref_slice %arg4[%add3A_451, %dma_wait3A_464, %dma_wait3A_465] : memref<8192x4x1024xf32, #tpu.memory_space<hbm>> -> memref<2x4x1024xf32, #tpu.memory_space<hbm>>
          %dma_wait3A_467 = arith.constant 0 : i32
          %dma_wait3A_468 = arith.constant 0 : i32
          %dma_wait3A_469 = arith.constant 0 : i32
          %dma_wait3A_470 = tpu.memref_slice %arg7[%dma_wait3A_452, %dma_wait3A_467, %dma_wait3A_468, %dma_wait3A_469] : memref<6x2x4x1024xf32, #tpu.memory_space<vmem>> -> memref<1x2x4x1024xf32, #tpu.memory_space<vmem>>
          %dma_wait3A_471 = tpu.memref_squeeze %dma_wait3A_470 : memref<1x2x4x1024xf32, #tpu.memory_space<vmem>> -> memref<2x4x1024xf32, #tpu.memory_space<vmem>>
          tpu.wait_dma2 semaphore(%dma_wait3A_463 : memref<!tpu.dma_semaphore, #tpu.memory_space<semaphore_mem>>) src(%dma_wait3A_471 : memref<2x4x1024xf32, #tpu.memory_space<vmem>>) dst(%dma_wait3A_466 : memref<2x4x1024xf32, #tpu.memory_space<hbm>>)
        } else {
        }
        %parallel_loop3A = arith.constant 0 : i32
        %parallel_loop3A_414 = arith.constant 64 : i32
        %parallel_loop3A_415 = arith.constant 1 : i32
        scf.for %parallel_loop3A_447 = %parallel_loop3A to %parallel_loop3A_414 step %parallel_loop3A_415  : i32 {
          %parallel_loop3A_448 = arith.constant 16 : i32
          %parallel_loop3A_449 = arith.muli %parallel_loop3A_447, %parallel_loop3A_448 : i32
          %parallel_loop3A_450 = arith.constant 3 : i32
          %parallel_loop3A_451 = arith.constant 0 : i32
          %parallel_loop3A_452 = arith.index_cast %parallel_loop3A_450 : i32 to index
          %parallel_loop3A_453 = arith.index_cast %parallel_loop3A_451 : i32 to index
          %parallel_loop3A_454 = arith.index_cast %parallel_loop3A_449 : i32 to index
          %parallel_loop3A_455 = tpu.vector_load %arg6[%parallel_loop3A_452, %parallel_loop3A_453, %parallel_loop3A_454] {strides = array<i32>} : memref<6x2x1024xf32, #tpu.memory_space<vmem>>, vector<1x1x16xf32>,
          %parallel_loop3A_456 = vector.shape_cast %parallel_loop3A_455 : vector<1x1x16xf32> to vector<16xf32>
          %parallel_loop3A_457 = arith.constant 3 : i32
          %parallel_loop3A_458 = arith.constant 0 : i32
          %parallel_loop3A_459 = arith.constant 0 : i32
          %parallel_loop3A_460 = arith.index_cast %parallel_loop3A_457 : i32 to index
          %parallel_loop3A_461 = arith.index_cast %parallel_loop3A_458 : i32 to index
          %parallel_loop3A_462 = arith.index_cast %parallel_loop3A_459 : i32 to index
          %parallel_loop3A_463 = arith.index_cast %parallel_loop3A_449 : i32 to index
          %parallel_loop3A_464 = tpu.vector_load %arg5[%parallel_loop3A_460, %parallel_loop3A_461, %parallel_loop3A_462, %parallel_loop3A_463] {strides = array<i32>} : memref<6x2x4x1024xf32, #tpu.memory_space<vmem>>, vector<1x1x1x16xf32>,
          %parallel_loop3A_465 = vector.shape_cast %parallel_loop3A_464 : vector<1x1x1x16xf32> to vector<16xf32>
          %parallel_loop3A_466 = arith.addf %parallel_loop3A_465, %parallel_loop3A_456 : vector<16xf32>
          %parallel_loop3A_467 = arith.constant 3 : i32
          %parallel_loop3A_468 = arith.constant 0 : i32
          %parallel_loop3A_469 = arith.constant 0 : i32
          %parallel_loop3A_470 = arith.index_cast %parallel_loop3A_467 : i32 to index
          %parallel_loop3A_471 = arith.index_cast %parallel_loop3A_468 : i32 to index
          %parallel_loop3A_472 = arith.index_cast %parallel_loop3A_469 : i32 to index
          %parallel_loop3A_473 = arith.index_cast %parallel_loop3A_449 : i32 to index
          %parallel_loop3A_474 = tpu.vector_load %arg7[%parallel_loop3A_470, %parallel_loop3A_471, %parallel_loop3A_472, %parallel_loop3A_473] {strides = array<i32>} : memref<6x2x4x1024xf32, #tpu.memory_space<vmem>>, vector<1x1x1x16xf32>,
          %parallel_loop3A_475 = vector.shape_cast %parallel_loop3A_474 : vector<1x1x1x16xf32> to vector<16xf32>
          %parallel_loop3A_476 = vector.shape_cast %parallel_loop3A_466 : vector<16xf32> to vector<1x1x1x16xf32>
          tpu.vector_store %arg7[%parallel_loop3A_470, %parallel_loop3A_471, %parallel_loop3A_472, %parallel_loop3A_473], %parallel_loop3A_476 {strides = array<i32>} : memref<6x2x4x1024xf32, #tpu.memory_space<vmem>>, vector<1x1x1x16xf32>,
          %parallel_loop3A_477 = arith.constant 3 : i32
          %parallel_loop3A_478 = arith.constant 0 : i32
          %parallel_loop3A_479 = arith.constant 1 : i32
          %parallel_loop3A_480 = arith.index_cast %parallel_loop3A_477 : i32 to index
          %parallel_loop3A_481 = arith.index_cast %parallel_loop3A_478 : i32 to index
          %parallel_loop3A_482 = arith.index_cast %parallel_loop3A_479 : i32 to index
          %parallel_loop3A_483 = arith.index_cast %parallel_loop3A_449 : i32 to index
          %parallel_loop3A_484 = tpu.vector_load %arg5[%parallel_loop3A_480, %parallel_loop3A_481, %parallel_loop3A_482, %parallel_loop3A_483] {strides = array<i32>} : memref<6x2x4x1024xf32, #tpu.memory_space<vmem>>, vector<1x1x1x16xf32>,
          %parallel_loop3A_485 = vector.shape_cast %parallel_loop3A_484 : vector<1x1x1x16xf32> to vector<16xf32>
          %parallel_loop3A_486 = arith.addf %parallel_loop3A_485, %parallel_loop3A_456 : vector<16xf32>
          %parallel_loop3A_487 = arith.constant 3 : i32
          %parallel_loop3A_488 = arith.constant 0 : i32
          %parallel_loop3A_489 = arith.constant 1 : i32
          %parallel_loop3A_490 = arith.index_cast %parallel_loop3A_487 : i32 to index
          %parallel_loop3A_491 = arith.index_cast %parallel_loop3A_488 : i32 to index
          %parallel_loop3A_492 = arith.index_cast %parallel_loop3A_489 : i32 to index
          %parallel_loop3A_493 = arith.index_cast %parallel_loop3A_449 : i32 to index
          %parallel_loop3A_494 = tpu.vector_load %arg7[%parallel_loop3A_490, %parallel_loop3A_491, %parallel_loop3A_492, %parallel_loop3A_493] {strides = array<i32>} : memref<6x2x4x1024xf32, #tpu.memory_space<vmem>>, vector<1x1x1x16xf32>,
          %parallel_loop3A_495 = vector.shape_cast %parallel_loop3A_494 : vector<1x1x1x16xf32> to vector<16xf32>
          %parallel_loop3A_496 = vector.shape_cast %parallel_loop3A_486 : vector<16xf32> to vector<1x1x1x16xf32>
          tpu.vector_store %arg7[%parallel_loop3A_490, %parallel_loop3A_491, %parallel_loop3A_492, %parallel_loop3A_493], %parallel_loop3A_496 {strides = array<i32>} : memref<6x2x4x1024xf32, #tpu.memory_space<vmem>>, vector<1x1x1x16xf32>,
          %parallel_loop3A_497 = arith.constant 3 : i32
          %parallel_loop3A_498 = arith.constant 0 : i32
          %parallel_loop3A_499 = arith.constant 2 : i32
          %parallel_loop3A_500 = arith.index_cast %parallel_loop3A_497 : i32 to index
          %parallel_loop3A_501 = arith.index_cast %parallel_loop3A_498 : i32 to index
          %parallel_loop3A_502 = arith.index_cast %parallel_loop3A_499 : i32 to index
          %parallel_loop3A_503 = arith.index_cast %parallel_loop3A_449 : i32 to index
          %parallel_loop3A_504 = tpu.vector_load %arg5[%parallel_loop3A_500, %parallel_loop3A_501, %parallel_loop3A_502, %parallel_loop3A_503] {strides = array<i32>} : memref<6x2x4x1024xf32, #tpu.memory_space<vmem>>, vector<1x1x1x16xf32>,
          %parallel_loop3A_505 = vector.shape_cast %parallel_loop3A_504 : vector<1x1x1x16xf32> to vector<16xf32>
          %parallel_loop3A_506 = arith.addf %parallel_loop3A_505, %parallel_loop3A_456 : vector<16xf32>
          %parallel_loop3A_507 = arith.constant 3 : i32
          %parallel_loop3A_508 = arith.constant 0 : i32
          %parallel_loop3A_509 = arith.constant 2 : i32
          %parallel_loop3A_510 = arith.index_cast %parallel_loop3A_507 : i32 to index
          %parallel_loop3A_511 = arith.index_cast %parallel_loop3A_508 : i32 to index
          %parallel_loop3A_512 = arith.index_cast %parallel_loop3A_509 : i32 to index
          %parallel_loop3A_513 = arith.index_cast %parallel_loop3A_449 : i32 to index
          %parallel_loop3A_514 = tpu.vector_load %arg7[%parallel_loop3A_510, %parallel_loop3A_511, %parallel_loop3A_512, %parallel_loop3A_513] {strides = array<i32>} : memref<6x2x4x1024xf32, #tpu.memory_space<vmem>>, vector<1x1x1x16xf32>,
          %parallel_loop3A_515 = vector.shape_cast %parallel_loop3A_514 : vector<1x1x1x16xf32> to vector<16xf32>
          %parallel_loop3A_516 = vector.shape_cast %parallel_loop3A_506 : vector<16xf32> to vector<1x1x1x16xf32>
          tpu.vector_store %arg7[%parallel_loop3A_510, %parallel_loop3A_511, %parallel_loop3A_512, %parallel_loop3A_513], %parallel_loop3A_516 {strides = array<i32>} : memref<6x2x4x1024xf32, #tpu.memory_space<vmem>>, vector<1x1x1x16xf32>,
          %parallel_loop3A_517 = arith.constant 3 : i32
          %parallel_loop3A_518 = arith.constant 0 : i32
          %parallel_loop3A_519 = arith.constant 3 : i32
          %parallel_loop3A_520 = arith.index_cast %parallel_loop3A_517 : i32 to index
          %parallel_loop3A_521 = arith.index_cast %parallel_loop3A_518 : i32 to index
          %parallel_loop3A_522 = arith.index_cast %parallel_loop3A_519 : i32 to index
          %parallel_loop3A_523 = arith.index_cast %parallel_loop3A_449 : i32 to index
          %parallel_loop3A_524 = tpu.vector_load %arg5[%parallel_loop3A_520, %parallel_loop3A_521, %parallel_loop3A_522, %parallel_loop3A_523] {strides = array<i32>} : memref<6x2x4x1024xf32, #tpu.memory_space<vmem>>, vector<1x1x1x16xf32>,
          %parallel_loop3A_525 = vector.shape_cast %parallel_loop3A_524 : vector<1x1x1x16xf32> to vector<16xf32>
          %parallel_loop3A_526 = arith.addf %parallel_loop3A_525, %parallel_loop3A_456 : vector<16xf32>
          %parallel_loop3A_527 = arith.constant 3 : i32
          %parallel_loop3A_528 = arith.constant 0 : i32
          %parallel_loop3A_529 = arith.constant 3 : i32
          %parallel_loop3A_530 = arith.index_cast %parallel_loop3A_527 : i32 to index
          %parallel_loop3A_531 = arith.index_cast %parallel_loop3A_528 : i32 to index
          %parallel_loop3A_532 = arith.index_cast %parallel_loop3A_529 : i32 to index
          %parallel_loop3A_533 = arith.index_cast %parallel_loop3A_449 : i32 to index
          %parallel_loop3A_534 = tpu.vector_load %arg7[%parallel_loop3A_530, %parallel_loop3A_531, %parallel_loop3A_532, %parallel_loop3A_533] {strides = array<i32>} : memref<6x2x4x1024xf32, #tpu.memory_space<vmem>>, vector<1x1x1x16xf32>,
          %parallel_loop3A_535 = vector.shape_cast %parallel_loop3A_534 : vector<1x1x1x16xf32> to vector<16xf32>
          %parallel_loop3A_536 = vector.shape_cast %parallel_loop3A_526 : vector<16xf32> to vector<1x1x1x16xf32>
          tpu.vector_store %arg7[%parallel_loop3A_530, %parallel_loop3A_531, %parallel_loop3A_532, %parallel_loop3A_533], %parallel_loop3A_536 {strides = array<i32>} : memref<6x2x4x1024xf32, #tpu.memory_space<vmem>>, vector<1x1x1x16xf32>,
          %parallel_loop3A_537 = arith.constant 3 : i32
          %parallel_loop3A_538 = arith.constant 1 : i32
          %parallel_loop3A_539 = arith.index_cast %parallel_loop3A_537 : i32 to index
          %parallel_loop3A_540 = arith.index_cast %parallel_loop3A_538 : i32 to index
          %parallel_loop3A_541 = arith.index_cast %parallel_loop3A_449 : i32 to index
          %parallel_loop3A_542 = tpu.vector_load %arg6[%parallel_loop3A_539, %parallel_loop3A_540, %parallel_loop3A_541] {strides = array<i32>} : memref<6x2x1024xf32, #tpu.memory_space<vmem>>, vector<1x1x16xf32>,
          %parallel_loop3A_543 = vector.shape_cast %parallel_loop3A_542 : vector<1x1x16xf32> to vector<16xf32>
          %parallel_loop3A_544 = arith.constant 3 : i32
          %parallel_loop3A_545 = arith.constant 1 : i32
          %parallel_loop3A_546 = arith.constant 0 : i32
          %parallel_loop3A_547 = arith.index_cast %parallel_loop3A_544 : i32 to index
          %parallel_loop3A_548 = arith.index_cast %parallel_loop3A_545 : i32 to index
          %parallel_loop3A_549 = arith.index_cast %parallel_loop3A_546 : i32 to index
          %parallel_loop3A_550 = arith.index_cast %parallel_loop3A_449 : i32 to index
          %parallel_loop3A_551 = tpu.vector_load %arg5[%parallel_loop3A_547, %parallel_loop3A_548, %parallel_loop3A_549, %parallel_loop3A_550] {strides = array<i32>} : memref<6x2x4x1024xf32, #tpu.memory_space<vmem>>, vector<1x1x1x16xf32>,
          %parallel_loop3A_552 = vector.shape_cast %parallel_loop3A_551 : vector<1x1x1x16xf32> to vector<16xf32>
          %parallel_loop3A_553 = arith.addf %parallel_loop3A_552, %parallel_loop3A_543 : vector<16xf32>
          %parallel_loop3A_554 = arith.constant 3 : i32
          %parallel_loop3A_555 = arith.constant 1 : i32
          %parallel_loop3A_556 = arith.constant 0 : i32
          %parallel_loop3A_557 = arith.index_cast %parallel_loop3A_554 : i32 to index
          %parallel_loop3A_558 = arith.index_cast %parallel_loop3A_555 : i32 to index
          %parallel_loop3A_559 = arith.index_cast %parallel_loop3A_556 : i32 to index
          %parallel_loop3A_560 = arith.index_cast %parallel_loop3A_449 : i32 to index
          %parallel_loop3A_561 = tpu.vector_load %arg7[%parallel_loop3A_557, %parallel_loop3A_558, %parallel_loop3A_559, %parallel_loop3A_560] {strides = array<i32>} : memref<6x2x4x1024xf32, #tpu.memory_space<vmem>>, vector<1x1x1x16xf32>,
          %parallel_loop3A_562 = vector.shape_cast %parallel_loop3A_561 : vector<1x1x1x16xf32> to vector<16xf32>
          %parallel_loop3A_563 = vector.shape_cast %parallel_loop3A_553 : vector<16xf32> to vector<1x1x1x16xf32>
          tpu.vector_store %arg7[%parallel_loop3A_557, %parallel_loop3A_558, %parallel_loop3A_559, %parallel_loop3A_560], %parallel_loop3A_563 {strides = array<i32>} : memref<6x2x4x1024xf32, #tpu.memory_space<vmem>>, vector<1x1x1x16xf32>,
          %parallel_loop3A_564 = arith.constant 3 : i32
          %parallel_loop3A_565 = arith.constant 1 : i32
          %parallel_loop3A_566 = arith.constant 1 : i32
          %parallel_loop3A_567 = arith.index_cast %parallel_loop3A_564 : i32 to index
          %parallel_loop3A_568 = arith.index_cast %parallel_loop3A_565 : i32 to index
          %parallel_loop3A_569 = arith.index_cast %parallel_loop3A_566 : i32 to index
          %parallel_loop3A_570 = arith.index_cast %parallel_loop3A_449 : i32 to index
          %parallel_loop3A_571 = tpu.vector_load %arg5[%parallel_loop3A_567, %parallel_loop3A_568, %parallel_loop3A_569, %parallel_loop3A_570] {strides = array<i32>} : memref<6x2x4x1024xf32, #tpu.memory_space<vmem>>, vector<1x1x1x16xf32>,
          %parallel_loop3A_572 = vector.shape_cast %parallel_loop3A_571 : vector<1x1x1x16xf32> to vector<16xf32>
          %parallel_loop3A_573 = arith.addf %parallel_loop3A_572, %parallel_loop3A_543 : vector<16xf32>
          %parallel_loop3A_574 = arith.constant 3 : i32
          %parallel_loop3A_575 = arith.constant 1 : i32
          %parallel_loop3A_576 = arith.constant 1 : i32
          %parallel_loop3A_577 = arith.index_cast %parallel_loop3A_574 : i32 to index
          %parallel_loop3A_578 = arith.index_cast %parallel_loop3A_575 : i32 to index
          %parallel_loop3A_579 = arith.index_cast %parallel_loop3A_576 : i32 to index
          %parallel_loop3A_580 = arith.index_cast %parallel_loop3A_449 : i32 to index
          %parallel_loop3A_581 = tpu.vector_load %arg7[%parallel_loop3A_577, %parallel_loop3A_578, %parallel_loop3A_579, %parallel_loop3A_580] {strides = array<i32>} : memref<6x2x4x1024xf32, #tpu.memory_space<vmem>>, vector<1x1x1x16xf32>,
          %parallel_loop3A_582 = vector.shape_cast %parallel_loop3A_581 : vector<1x1x1x16xf32> to vector<16xf32>
          %parallel_loop3A_583 = vector.shape_cast %parallel_loop3A_573 : vector<16xf32> to vector<1x1x1x16xf32>
          tpu.vector_store %arg7[%parallel_loop3A_577, %parallel_loop3A_578, %parallel_loop3A_579, %parallel_loop3A_580], %parallel_loop3A_583 {strides = array<i32>} : memref<6x2x4x1024xf32, #tpu.memory_space<vmem>>, vector<1x1x1x16xf32>,
          %parallel_loop3A_584 = arith.constant 3 : i32
          %parallel_loop3A_585 = arith.constant 1 : i32
          %parallel_loop3A_586 = arith.constant 2 : i32
          %parallel_loop3A_587 = arith.index_cast %parallel_loop3A_584 : i32 to index
          %parallel_loop3A_588 = arith.index_cast %parallel_loop3A_585 : i32 to index
          %parallel_loop3A_589 = arith.index_cast %parallel_loop3A_586 : i32 to index
          %parallel_loop3A_590 = arith.index_cast %parallel_loop3A_449 : i32 to index
          %parallel_loop3A_591 = tpu.vector_load %arg5[%parallel_loop3A_587, %parallel_loop3A_588, %parallel_loop3A_589, %parallel_loop3A_590] {strides = array<i32>} : memref<6x2x4x1024xf32, #tpu.memory_space<vmem>>, vector<1x1x1x16xf32>,
          %parallel_loop3A_592 = vector.shape_cast %parallel_loop3A_591 : vector<1x1x1x16xf32> to vector<16xf32>
          %parallel_loop3A_593 = arith.addf %parallel_loop3A_592, %parallel_loop3A_543 : vector<16xf32>
          %parallel_loop3A_594 = arith.constant 3 : i32
          %parallel_loop3A_595 = arith.constant 1 : i32
          %parallel_loop3A_596 = arith.constant 2 : i32
          %parallel_loop3A_597 = arith.index_cast %parallel_loop3A_594 : i32 to index
          %parallel_loop3A_598 = arith.index_cast %parallel_loop3A_595 : i32 to index
          %parallel_loop3A_599 = arith.index_cast %parallel_loop3A_596 : i32 to index
          %parallel_loop3A_600 = arith.index_cast %parallel_loop3A_449 : i32 to index
          %parallel_loop3A_601 = tpu.vector_load %arg7[%parallel_loop3A_597, %parallel_loop3A_598, %parallel_loop3A_599, %parallel_loop3A_600] {strides = array<i32>} : memref<6x2x4x1024xf32, #tpu.memory_space<vmem>>, vector<1x1x1x16xf32>,
          %parallel_loop3A_602 = vector.shape_cast %parallel_loop3A_601 : vector<1x1x1x16xf32> to vector<16xf32>
          %parallel_loop3A_603 = vector.shape_cast %parallel_loop3A_593 : vector<16xf32> to vector<1x1x1x16xf32>
          tpu.vector_store %arg7[%parallel_loop3A_597, %parallel_loop3A_598, %parallel_loop3A_599, %parallel_loop3A_600], %parallel_loop3A_603 {strides = array<i32>} : memref<6x2x4x1024xf32, #tpu.memory_space<vmem>>, vector<1x1x1x16xf32>,
          %parallel_loop3A_604 = arith.constant 3 : i32
          %parallel_loop3A_605 = arith.constant 1 : i32
          %parallel_loop3A_606 = arith.constant 3 : i32
          %parallel_loop3A_607 = arith.index_cast %parallel_loop3A_604 : i32 to index
          %parallel_loop3A_608 = arith.index_cast %parallel_loop3A_605 : i32 to index
          %parallel_loop3A_609 = arith.index_cast %parallel_loop3A_606 : i32 to index
          %parallel_loop3A_610 = arith.index_cast %parallel_loop3A_449 : i32 to index
          %parallel_loop3A_611 = tpu.vector_load %arg5[%parallel_loop3A_607, %parallel_loop3A_608, %parallel_loop3A_609, %parallel_loop3A_610] {strides = array<i32>} : memref<6x2x4x1024xf32, #tpu.memory_space<vmem>>, vector<1x1x1x16xf32>,
          %parallel_loop3A_612 = vector.shape_cast %parallel_loop3A_611 : vector<1x1x1x16xf32> to vector<16xf32>
          %parallel_loop3A_613 = arith.addf %parallel_loop3A_612, %parallel_loop3A_543 : vector<16xf32>
          %parallel_loop3A_614 = arith.constant 3 : i32
          %parallel_loop3A_615 = arith.constant 1 : i32
          %parallel_loop3A_616 = arith.constant 3 : i32
          %parallel_loop3A_617 = arith.index_cast %parallel_loop3A_614 : i32 to index
          %parallel_loop3A_618 = arith.index_cast %parallel_loop3A_615 : i32 to index
          %parallel_loop3A_619 = arith.index_cast %parallel_loop3A_616 : i32 to index
          %parallel_loop3A_620 = arith.index_cast %parallel_loop3A_449 : i32 to index
          %parallel_loop3A_621 = tpu.vector_load %arg7[%parallel_loop3A_617, %parallel_loop3A_618, %parallel_loop3A_619, %parallel_loop3A_620] {strides = array<i32>} : memref<6x2x4x1024xf32, #tpu.memory_space<vmem>>, vector<1x1x1x16xf32>,
          %parallel_loop3A_622 = vector.shape_cast %parallel_loop3A_621 : vector<1x1x1x16xf32> to vector<16xf32>
          %parallel_loop3A_623 = vector.shape_cast %parallel_loop3A_613 : vector<16xf32> to vector<1x1x1x16xf32>
          tpu.vector_store %arg7[%parallel_loop3A_617, %parallel_loop3A_618, %parallel_loop3A_619, %parallel_loop3A_620], %parallel_loop3A_623 {strides = array<i32>} : memref<6x2x4x1024xf32, #tpu.memory_space<vmem>>, vector<1x1x1x16xf32>,
        } {sc.loop_unroll_factor = 1 : i64, sc.parallel_access}
        %mul3A_416 = arith.constant 2 : i32
        %mul3A_417 = arith.muli %add3A_351, %mul3A_416 : i32
        %add3A_418 = arith.addi %mul3A_2, %mul3A_417 : i32
        %dma_start3A_419 = arith.constant 3 : i32
        %dma_start3A_420 = arith.constant 3 : i32
        %dma_start3A_421 = arith.constant 0 : i32
        %dma_start3A_422 = arith.constant 0 : i32
        %dma_start3A_423 = arith.constant 0 : i32
        %dma_start3A_424 = tpu.memref_slice %arg7[%dma_start3A_419, %dma_start3A_421, %dma_start3A_422, %dma_start3A_423] : memref<6x2x4x1024xf32, #tpu.memory_space<vmem>> -> memref<1x2x4x1024xf32, #tpu.memory_space<vmem>>
        %dma_start3A_425 = tpu.memref_squeeze %dma_start3A_424 : memref<1x2x4x1024xf32, #tpu.memory_space<vmem>> -> memref<2x4x1024xf32, #tpu.memory_space<vmem>>
        %dma_start3A_426 = arith.constant 0 : i32
        %dma_start3A_427 = arith.constant 0 : i32
        %dma_start3A_428 = tpu.memref_slice %arg4[%add3A_418, %dma_start3A_426, %dma_start3A_427] : memref<8192x4x1024xf32, #tpu.memory_space<hbm>> -> memref<2x4x1024xf32, #tpu.memory_space<hbm>>
        %dma_start3A_429 = tpu.memref_slice %arg9[%dma_start3A_420] : memref<6x!tpu.dma_semaphore, #tpu.memory_space<semaphore_mem>> -> memref<1x!tpu.dma_semaphore, #tpu.memory_space<semaphore_mem>>
        %dma_start3A_430 = tpu.memref_squeeze %dma_start3A_429 : memref<1x!tpu.dma_semaphore, #tpu.memory_space<semaphore_mem>> -> memref<!tpu.dma_semaphore, #tpu.memory_space<semaphore_mem>>
        %dma_start3A_431 = arith.constant 0 : i32
        %dma_start3A_432 = arith.constant 0 : i32
        %dma_start3A_433 = tpu.memref_slice %arg4[%add3A_418, %dma_start3A_431, %dma_start3A_432] : memref<8192x4x1024xf32, #tpu.memory_space<hbm>> -> memref<2x4x1024xf32, #tpu.memory_space<hbm>>
        %dma_start3A_434 = arith.constant 0 : i32
        %dma_start3A_435 = arith.constant 0 : i32
        %dma_start3A_436 = arith.constant 0 : i32
        %dma_start3A_437 = tpu.memref_slice %arg7[%dma_start3A_419, %dma_start3A_434, %dma_start3A_435, %dma_start3A_436] : memref<6x2x4x1024xf32, #tpu.memory_space<vmem>> -> memref<1x2x4x1024xf32, #tpu.memory_space<vmem>>
        %dma_start3A_438 = tpu.memref_squeeze %dma_start3A_437 : memref<1x2x4x1024xf32, #tpu.memory_space<vmem>> -> memref<2x4x1024xf32, #tpu.memory_space<vmem>>
        tpu.enqueue_dma source(%dma_start3A_438 : memref<2x4x1024xf32, #tpu.memory_space<vmem>>) target(%dma_start3A_433 : memref<2x4x1024xf32, #tpu.memory_space<hbm>>) target_semaphore(%dma_start3A_430 : memref<!tpu.dma_semaphore, #tpu.memory_space<semaphore_mem>>)
        %add3A_439 = arith.constant 6 : i32
        %add3A_440 = arith.addi %add3A_351, %add3A_439 : i32
        %sub3A = arith.constant 1 : i32
        %sub3A_441 = arith.subi %add3A_440, %sub3A : i32
        %lt3A_442 = arith.constant 128 : i32
        %lt3A_443 = arith.cmpi slt, %sub3A_441, %lt3A_442 : i32
        %convert_element_type3A_444 = arith.extui %lt3A_443 : i1 to i32
        %cond3A_445 = arith.constant 0 : i32
        %cond3A_446 = arith.cmpi ne, %convert_element_type3A_444, %cond3A_445 : i32
        scf.if %cond3A_446 {
          %jit3A = arith.constant 6 : i32
          %eq3A = arith.constant 0 : i32
          %eq3A_447 = arith.cmpi eq, %jit3A, %eq3A : i32
          %jit3A_448 = arith.constant 1 : i32
          %select_n3A = arith.select %eq3A_447, %jit3A_448, %jit3A : i32
          %rem3A = arith.remsi %sub3A_441, %select_n3A : i32
          %ne3A = arith.constant 0 : i32
          %ne3A_449 = arith.cmpi ne, %rem3A, %ne3A : i32
          %lt3A_450 = arith.constant 0 : i32
          %lt3A_451 = arith.cmpi slt, %rem3A, %lt3A_450 : i32
          %lt3A_452 = arith.constant 0 : i32
          %lt3A_453 = arith.cmpi slt, %select_n3A, %lt3A_452 : i32
          %ne3A_454 = arith.xori %lt3A_451, %lt3A_453 : i1
          %and3A = arith.andi %ne3A_454, %ne3A_449 : i1
          %add3A_455 = arith.addi %rem3A, %select_n3A : i32
          %select_n3A_456 = arith.select %and3A, %add3A_455, %rem3A : i32
          %mul3A_457 = arith.constant 2 : i32
          %mul3A_458 = arith.muli %sub3A_441, %mul3A_457 : i32
          %add3A_459 = arith.addi %mul3A_2, %mul3A_458 : i32
          %dma_start3A_460 = arith.constant 0 : i32
          %dma_start3A_461 = arith.constant 0 : i32
          %dma_start3A_462 = arith.constant 0 : i32
          %dma_start3A_463 = tpu.memref_slice %arg5[%select_n3A_456, %dma_start3A_460, %dma_start3A_461, %dma_start3A_462] : memref<6x2x4x1024xf32, #tpu.memory_space<vmem>> -> memref<1x2x4x1024xf32, #tpu.memory_space<vmem>>
          %dma_start3A_464 = tpu.memref_squeeze %dma_start3A_463 : memref<1x2x4x1024xf32, #tpu.memory_space<vmem>> -> memref<2x4x1024xf32, #tpu.memory_space<vmem>>
          %dma_start3A_465 = arith.constant 0 : i32
          %dma_start3A_466 = arith.constant 0 : i32
          %dma_start3A_467 = tpu.memref_slice %arg2[%add3A_459, %dma_start3A_465, %dma_start3A_466] : memref<8192x4x1024xf32, #tpu.memory_space<hbm>> -> memref<2x4x1024xf32, #tpu.memory_space<hbm>>
          %dma_start3A_468 = tpu.memref_slice %arg8[%select_n3A_456] : memref<6x!tpu.dma_semaphore, #tpu.memory_space<semaphore_mem>> -> memref<1x!tpu.dma_semaphore, #tpu.memory_space<semaphore_mem>>
          %dma_start3A_469 = tpu.memref_squeeze %dma_start3A_468 : memref<1x!tpu.dma_semaphore, #tpu.memory_space<semaphore_mem>> -> memref<!tpu.dma_semaphore, #tpu.memory_space<semaphore_mem>>
          %dma_start3A_470 = arith.constant 0 : i32
          %dma_start3A_471 = arith.constant 0 : i32
          %dma_start3A_472 = arith.constant 0 : i32
          %dma_start3A_473 = tpu.memref_slice %arg5[%select_n3A_456, %dma_start3A_470, %dma_start3A_471, %dma_start3A_472] : memref<6x2x4x1024xf32, #tpu.memory_space<vmem>> -> memref<1x2x4x1024xf32, #tpu.memory_space<vmem>>
          %dma_start3A_474 = tpu.memref_squeeze %dma_start3A_473 : memref<1x2x4x1024xf32, #tpu.memory_space<vmem>> -> memref<2x4x1024xf32, #tpu.memory_space<vmem>>
          %dma_start3A_475 = arith.constant 0 : i32
          %dma_start3A_476 = arith.constant 0 : i32
          %dma_start3A_477 = tpu.memref_slice %arg2[%add3A_459, %dma_start3A_475, %dma_start3A_476] : memref<8192x4x1024xf32, #tpu.memory_space<hbm>> -> memref<2x4x1024xf32, #tpu.memory_space<hbm>>
          tpu.enqueue_dma source(%dma_start3A_477 : memref<2x4x1024xf32, #tpu.memory_space<hbm>>) target(%dma_start3A_474 : memref<2x4x1024xf32, #tpu.memory_space<vmem>>) target_semaphore(%dma_start3A_469 : memref<!tpu.dma_semaphore, #tpu.memory_space<semaphore_mem>>)
          %dma_start3A_478 = arith.constant 0 : i32
          %dma_start3A_479 = arith.constant 0 : i32
          %dma_start3A_480 = tpu.memref_slice %arg6[%select_n3A_456, %dma_start3A_478, %dma_start3A_479] : memref<6x2x1024xf32, #tpu.memory_space<vmem>> -> memref<1x2x1024xf32, #tpu.memory_space<vmem>>
          %dma_start3A_481 = tpu.memref_squeeze %dma_start3A_480 : memref<1x2x1024xf32, #tpu.memory_space<vmem>> -> memref<2x1024xf32, #tpu.memory_space<vmem>>
          %dma_start3A_482 = arith.constant 0 : i32
          %dma_start3A_483 = tpu.memref_slice %arg3[%add3A_459, %dma_start3A_482] : memref<8192x1024xf32, #tpu.memory_space<hbm>> -> memref<2x1024xf32, #tpu.memory_space<hbm>>
          %dma_start3A_484 = tpu.memref_slice %arg8[%select_n3A_456] : memref<6x!tpu.dma_semaphore, #tpu.memory_space<semaphore_mem>> -> memref<1x!tpu.dma_semaphore, #tpu.memory_space<semaphore_mem>>
          %dma_start3A_485 = tpu.memref_squeeze %dma_start3A_484 : memref<1x!tpu.dma_semaphore, #tpu.memory_space<semaphore_mem>> -> memref<!tpu.dma_semaphore, #tpu.memory_space<semaphore_mem>>
          %dma_start3A_486 = arith.constant 0 : i32
          %dma_start3A_487 = arith.constant 0 : i32
          %dma_start3A_488 = tpu.memref_slice %arg6[%select_n3A_456, %dma_start3A_486, %dma_start3A_487] : memref<6x2x1024xf32, #tpu.memory_space<vmem>> -> memref<1x2x1024xf32, #tpu.memory_space<vmem>>
          %dma_start3A_489 = tpu.memref_squeeze %dma_start3A_488 : memref<1x2x1024xf32, #tpu.memory_space<vmem>> -> memref<2x1024xf32, #tpu.memory_space<vmem>>
          %dma_start3A_490 = arith.constant 0 : i32
          %dma_start3A_491 = tpu.memref_slice %arg3[%add3A_459, %dma_start3A_490] : memref<8192x1024xf32, #tpu.memory_space<hbm>> -> memref<2x1024xf32, #tpu.memory_space<hbm>>
          tpu.enqueue_dma source(%dma_start3A_491 : memref<2x1024xf32, #tpu.memory_space<hbm>>) target(%dma_start3A_489 : memref<2x1024xf32, #tpu.memory_space<vmem>>) target_semaphore(%dma_start3A_485 : memref<!tpu.dma_semaphore, #tpu.memory_space<semaphore_mem>>)
        } else {
        }
      } else {
      }
      %add3A_357 = arith.constant 4 : i32
      %add3A_358 = arith.addi %add3A_331, %add3A_357 : i32
      %lt3A_359 = arith.constant 128 : i32
      %lt3A_360 = arith.cmpi slt, %add3A_358, %lt3A_359 : i32
      %convert_element_type3A_361 = arith.extui %lt3A_360 : i1 to i32
      %cond3A_362 = arith.constant 0 : i32
      %cond3A_363 = arith.cmpi ne, %convert_element_type3A_361, %cond3A_362 : i32
      scf.if %cond3A_363 {
        %mul3A_371 = arith.constant 2 : i32
        %mul3A_372 = arith.muli %add3A_358, %mul3A_371 : i32
        %add3A_373 = arith.addi %mul3A_2, %mul3A_372 : i32
        %dma_wait3A_374 = arith.constant 4 : i32
        %dma_wait3A_375 = arith.constant 4 : i32
        %dma_wait3A_376 = arith.constant 0 : i32
        %dma_wait3A_377 = arith.constant 0 : i32
        %dma_wait3A_378 = arith.constant 0 : i32
        %dma_wait3A_379 = tpu.memref_slice %arg5[%dma_wait3A_374, %dma_wait3A_376, %dma_wait3A_377, %dma_wait3A_378] : memref<6x2x4x1024xf32, #tpu.memory_space<vmem>> -> memref<1x2x4x1024xf32, #tpu.memory_space<vmem>>
        %dma_wait3A_380 = tpu.memref_squeeze %dma_wait3A_379 : memref<1x2x4x1024xf32, #tpu.memory_space<vmem>> -> memref<2x4x1024xf32, #tpu.memory_space<vmem>>
        %dma_wait3A_381 = arith.constant 0 : i32
        %dma_wait3A_382 = arith.constant 0 : i32
        %dma_wait3A_383 = tpu.memref_slice %arg2[%add3A_373, %dma_wait3A_381, %dma_wait3A_382] : memref<8192x4x1024xf32, #tpu.memory_space<hbm>> -> memref<2x4x1024xf32, #tpu.memory_space<hbm>>
        %dma_wait3A_384 = tpu.memref_slice %arg8[%dma_wait3A_375] : memref<6x!tpu.dma_semaphore, #tpu.memory_space<semaphore_mem>> -> memref<1x!tpu.dma_semaphore, #tpu.memory_space<semaphore_mem>>
        %dma_wait3A_385 = tpu.memref_squeeze %dma_wait3A_384 : memref<1x!tpu.dma_semaphore, #tpu.memory_space<semaphore_mem>> -> memref<!tpu.dma_semaphore, #tpu.memory_space<semaphore_mem>>
        %dma_wait3A_386 = arith.constant 0 : i32
        %dma_wait3A_387 = arith.constant 0 : i32
        %dma_wait3A_388 = arith.constant 0 : i32
        %dma_wait3A_389 = tpu.memref_slice %arg5[%dma_wait3A_374, %dma_wait3A_386, %dma_wait3A_387, %dma_wait3A_388] : memref<6x2x4x1024xf32, #tpu.memory_space<vmem>> -> memref<1x2x4x1024xf32, #tpu.memory_space<vmem>>
        %dma_wait3A_390 = tpu.memref_squeeze %dma_wait3A_389 : memref<1x2x4x1024xf32, #tpu.memory_space<vmem>> -> memref<2x4x1024xf32, #tpu.memory_space<vmem>>
        %dma_wait3A_391 = arith.constant 0 : i32
        %dma_wait3A_392 = arith.constant 0 : i32
        %dma_wait3A_393 = tpu.memref_slice %arg2[%add3A_373, %dma_wait3A_391, %dma_wait3A_392] : memref<8192x4x1024xf32, #tpu.memory_space<hbm>> -> memref<2x4x1024xf32, #tpu.memory_space<hbm>>
        tpu.wait_dma2 semaphore(%dma_wait3A_385 : memref<!tpu.dma_semaphore, #tpu.memory_space<semaphore_mem>>) src(%dma_wait3A_393 : memref<2x4x1024xf32, #tpu.memory_space<hbm>>) dst(%dma_wait3A_390 : memref<2x4x1024xf32, #tpu.memory_space<vmem>>)
        %dma_wait3A_394 = arith.constant 4 : i32
        %dma_wait3A_395 = arith.constant 4 : i32
        %dma_wait3A_396 = arith.constant 0 : i32
        %dma_wait3A_397 = arith.constant 0 : i32
        %dma_wait3A_398 = tpu.memref_slice %arg6[%dma_wait3A_394, %dma_wait3A_396, %dma_wait3A_397] : memref<6x2x1024xf32, #tpu.memory_space<vmem>> -> memref<1x2x1024xf32, #tpu.memory_space<vmem>>
        %dma_wait3A_399 = tpu.memref_squeeze %dma_wait3A_398 : memref<1x2x1024xf32, #tpu.memory_space<vmem>> -> memref<2x1024xf32, #tpu.memory_space<vmem>>
        %dma_wait3A_400 = arith.constant 0 : i32
        %dma_wait3A_401 = tpu.memref_slice %arg3[%add3A_373, %dma_wait3A_400] : memref<8192x1024xf32, #tpu.memory_space<hbm>> -> memref<2x1024xf32, #tpu.memory_space<hbm>>
        %dma_wait3A_402 = tpu.memref_slice %arg8[%dma_wait3A_395] : memref<6x!tpu.dma_semaphore, #tpu.memory_space<semaphore_mem>> -> memref<1x!tpu.dma_semaphore, #tpu.memory_space<semaphore_mem>>
        %dma_wait3A_403 = tpu.memref_squeeze %dma_wait3A_402 : memref<1x!tpu.dma_semaphore, #tpu.memory_space<semaphore_mem>> -> memref<!tpu.dma_semaphore, #tpu.memory_space<semaphore_mem>>
        %dma_wait3A_404 = arith.constant 0 : i32
        %dma_wait3A_405 = arith.constant 0 : i32
        %dma_wait3A_406 = tpu.memref_slice %arg6[%dma_wait3A_394, %dma_wait3A_404, %dma_wait3A_405] : memref<6x2x1024xf32, #tpu.memory_space<vmem>> -> memref<1x2x1024xf32, #tpu.memory_space<vmem>>
        %dma_wait3A_407 = tpu.memref_squeeze %dma_wait3A_406 : memref<1x2x1024xf32, #tpu.memory_space<vmem>> -> memref<2x1024xf32, #tpu.memory_space<vmem>>
        %dma_wait3A_408 = arith.constant 0 : i32
        %dma_wait3A_409 = tpu.memref_slice %arg3[%add3A_373, %dma_wait3A_408] : memref<8192x1024xf32, #tpu.memory_space<hbm>> -> memref<2x1024xf32, #tpu.memory_space<hbm>>
        tpu.wait_dma2 semaphore(%dma_wait3A_403 : memref<!tpu.dma_semaphore, #tpu.memory_space<semaphore_mem>>) src(%dma_wait3A_409 : memref<2x1024xf32, #tpu.memory_space<hbm>>) dst(%dma_wait3A_407 : memref<2x1024xf32, #tpu.memory_space<vmem>>)
        %ge3A = arith.constant 6 : i32
        %ge3A_410 = arith.cmpi sge, %add3A_358, %ge3A : i32
        %convert_element_type3A_411 = arith.extui %ge3A_410 : i1 to i32
        %cond3A_412 = arith.constant 0 : i32
        %cond3A_413 = arith.cmpi ne, %convert_element_type3A_411, %cond3A_412 : i32
        scf.if %cond3A_413 {
          %sub3A_447 = arith.constant 6 : i32
          %sub3A_448 = arith.subi %add3A_358, %sub3A_447 : i32
          %mul3A_449 = arith.constant 2 : i32
          %mul3A_450 = arith.muli %sub3A_448, %mul3A_449 : i32
          %add3A_451 = arith.addi %mul3A_2, %mul3A_450 : i32
          %dma_wait3A_452 = arith.constant 4 : i32
          %dma_wait3A_453 = arith.constant 4 : i32
          %dma_wait3A_454 = arith.constant 0 : i32
          %dma_wait3A_455 = arith.constant 0 : i32
          %dma_wait3A_456 = arith.constant 0 : i32
          %dma_wait3A_457 = tpu.memref_slice %arg7[%dma_wait3A_452, %dma_wait3A_454, %dma_wait3A_455, %dma_wait3A_456] : memref<6x2x4x1024xf32, #tpu.memory_space<vmem>> -> memref<1x2x4x1024xf32, #tpu.memory_space<vmem>>
          %dma_wait3A_458 = tpu.memref_squeeze %dma_wait3A_457 : memref<1x2x4x1024xf32, #tpu.memory_space<vmem>> -> memref<2x4x1024xf32, #tpu.memory_space<vmem>>
          %dma_wait3A_459 = arith.constant 0 : i32
          %dma_wait3A_460 = arith.constant 0 : i32
          %dma_wait3A_461 = tpu.memref_slice %arg4[%add3A_451, %dma_wait3A_459, %dma_wait3A_460] : memref<8192x4x1024xf32, #tpu.memory_space<hbm>> -> memref<2x4x1024xf32, #tpu.memory_space<hbm>>
          %dma_wait3A_462 = tpu.memref_slice %arg9[%dma_wait3A_453] : memref<6x!tpu.dma_semaphore, #tpu.memory_space<semaphore_mem>> -> memref<1x!tpu.dma_semaphore, #tpu.memory_space<semaphore_mem>>
          %dma_wait3A_463 = tpu.memref_squeeze %dma_wait3A_462 : memref<1x!tpu.dma_semaphore, #tpu.memory_space<semaphore_mem>> -> memref<!tpu.dma_semaphore, #tpu.memory_space<semaphore_mem>>
          %dma_wait3A_464 = arith.constant 0 : i32
          %dma_wait3A_465 = arith.constant 0 : i32
          %dma_wait3A_466 = tpu.memref_slice %arg4[%add3A_451, %dma_wait3A_464, %dma_wait3A_465] : memref<8192x4x1024xf32, #tpu.memory_space<hbm>> -> memref<2x4x1024xf32, #tpu.memory_space<hbm>>
          %dma_wait3A_467 = arith.constant 0 : i32
          %dma_wait3A_468 = arith.constant 0 : i32
          %dma_wait3A_469 = arith.constant 0 : i32
          %dma_wait3A_470 = tpu.memref_slice %arg7[%dma_wait3A_452, %dma_wait3A_467, %dma_wait3A_468, %dma_wait3A_469] : memref<6x2x4x1024xf32, #tpu.memory_space<vmem>> -> memref<1x2x4x1024xf32, #tpu.memory_space<vmem>>
          %dma_wait3A_471 = tpu.memref_squeeze %dma_wait3A_470 : memref<1x2x4x1024xf32, #tpu.memory_space<vmem>> -> memref<2x4x1024xf32, #tpu.memory_space<vmem>>
          tpu.wait_dma2 semaphore(%dma_wait3A_463 : memref<!tpu.dma_semaphore, #tpu.memory_space<semaphore_mem>>) src(%dma_wait3A_471 : memref<2x4x1024xf32, #tpu.memory_space<vmem>>) dst(%dma_wait3A_466 : memref<2x4x1024xf32, #tpu.memory_space<hbm>>)
        } else {
        }
        %parallel_loop3A = arith.constant 0 : i32
        %parallel_loop3A_414 = arith.constant 64 : i32
        %parallel_loop3A_415 = arith.constant 1 : i32
        scf.for %parallel_loop3A_447 = %parallel_loop3A to %parallel_loop3A_414 step %parallel_loop3A_415  : i32 {
          %parallel_loop3A_448 = arith.constant 16 : i32
          %parallel_loop3A_449 = arith.muli %parallel_loop3A_447, %parallel_loop3A_448 : i32
          %parallel_loop3A_450 = arith.constant 4 : i32
          %parallel_loop3A_451 = arith.constant 0 : i32
          %parallel_loop3A_452 = arith.index_cast %parallel_loop3A_450 : i32 to index
          %parallel_loop3A_453 = arith.index_cast %parallel_loop3A_451 : i32 to index
          %parallel_loop3A_454 = arith.index_cast %parallel_loop3A_449 : i32 to index
          %parallel_loop3A_455 = tpu.vector_load %arg6[%parallel_loop3A_452, %parallel_loop3A_453, %parallel_loop3A_454] {strides = array<i32>} : memref<6x2x1024xf32, #tpu.memory_space<vmem>>, vector<1x1x16xf32>,
          %parallel_loop3A_456 = vector.shape_cast %parallel_loop3A_455 : vector<1x1x16xf32> to vector<16xf32>
          %parallel_loop3A_457 = arith.constant 4 : i32
          %parallel_loop3A_458 = arith.constant 0 : i32
          %parallel_loop3A_459 = arith.constant 0 : i32
          %parallel_loop3A_460 = arith.index_cast %parallel_loop3A_457 : i32 to index
          %parallel_loop3A_461 = arith.index_cast %parallel_loop3A_458 : i32 to index
          %parallel_loop3A_462 = arith.index_cast %parallel_loop3A_459 : i32 to index
          %parallel_loop3A_463 = arith.index_cast %parallel_loop3A_449 : i32 to index
          %parallel_loop3A_464 = tpu.vector_load %arg5[%parallel_loop3A_460, %parallel_loop3A_461, %parallel_loop3A_462, %parallel_loop3A_463] {strides = array<i32>} : memref<6x2x4x1024xf32, #tpu.memory_space<vmem>>, vector<1x1x1x16xf32>,
          %parallel_loop3A_465 = vector.shape_cast %parallel_loop3A_464 : vector<1x1x1x16xf32> to vector<16xf32>
          %parallel_loop3A_466 = arith.addf %parallel_loop3A_465, %parallel_loop3A_456 : vector<16xf32>
          %parallel_loop3A_467 = arith.constant 4 : i32
          %parallel_loop3A_468 = arith.constant 0 : i32
          %parallel_loop3A_469 = arith.constant 0 : i32
          %parallel_loop3A_470 = arith.index_cast %parallel_loop3A_467 : i32 to index
          %parallel_loop3A_471 = arith.index_cast %parallel_loop3A_468 : i32 to index
          %parallel_loop3A_472 = arith.index_cast %parallel_loop3A_469 : i32 to index
          %parallel_loop3A_473 = arith.index_cast %parallel_loop3A_449 : i32 to index
          %parallel_loop3A_474 = tpu.vector_load %arg7[%parallel_loop3A_470, %parallel_loop3A_471, %parallel_loop3A_472, %parallel_loop3A_473] {strides = array<i32>} : memref<6x2x4x1024xf32, #tpu.memory_space<vmem>>, vector<1x1x1x16xf32>,
          %parallel_loop3A_475 = vector.shape_cast %parallel_loop3A_474 : vector<1x1x1x16xf32> to vector<16xf32>
          %parallel_loop3A_476 = vector.shape_cast %parallel_loop3A_466 : vector<16xf32> to vector<1x1x1x16xf32>
          tpu.vector_store %arg7[%parallel_loop3A_470, %parallel_loop3A_471, %parallel_loop3A_472, %parallel_loop3A_473], %parallel_loop3A_476 {strides = array<i32>} : memref<6x2x4x1024xf32, #tpu.memory_space<vmem>>, vector<1x1x1x16xf32>,
          %parallel_loop3A_477 = arith.constant 4 : i32
          %parallel_loop3A_478 = arith.constant 0 : i32
          %parallel_loop3A_479 = arith.constant 1 : i32
          %parallel_loop3A_480 = arith.index_cast %parallel_loop3A_477 : i32 to index
          %parallel_loop3A_481 = arith.index_cast %parallel_loop3A_478 : i32 to index
          %parallel_loop3A_482 = arith.index_cast %parallel_loop3A_479 : i32 to index
          %parallel_loop3A_483 = arith.index_cast %parallel_loop3A_449 : i32 to index
          %parallel_loop3A_484 = tpu.vector_load %arg5[%parallel_loop3A_480, %parallel_loop3A_481, %parallel_loop3A_482, %parallel_loop3A_483] {strides = array<i32>} : memref<6x2x4x1024xf32, #tpu.memory_space<vmem>>, vector<1x1x1x16xf32>,
          %parallel_loop3A_485 = vector.shape_cast %parallel_loop3A_484 : vector<1x1x1x16xf32> to vector<16xf32>
          %parallel_loop3A_486 = arith.addf %parallel_loop3A_485, %parallel_loop3A_456 : vector<16xf32>
          %parallel_loop3A_487 = arith.constant 4 : i32
          %parallel_loop3A_488 = arith.constant 0 : i32
          %parallel_loop3A_489 = arith.constant 1 : i32
          %parallel_loop3A_490 = arith.index_cast %parallel_loop3A_487 : i32 to index
          %parallel_loop3A_491 = arith.index_cast %parallel_loop3A_488 : i32 to index
          %parallel_loop3A_492 = arith.index_cast %parallel_loop3A_489 : i32 to index
          %parallel_loop3A_493 = arith.index_cast %parallel_loop3A_449 : i32 to index
          %parallel_loop3A_494 = tpu.vector_load %arg7[%parallel_loop3A_490, %parallel_loop3A_491, %parallel_loop3A_492, %parallel_loop3A_493] {strides = array<i32>} : memref<6x2x4x1024xf32, #tpu.memory_space<vmem>>, vector<1x1x1x16xf32>,
          %parallel_loop3A_495 = vector.shape_cast %parallel_loop3A_494 : vector<1x1x1x16xf32> to vector<16xf32>
          %parallel_loop3A_496 = vector.shape_cast %parallel_loop3A_486 : vector<16xf32> to vector<1x1x1x16xf32>
          tpu.vector_store %arg7[%parallel_loop3A_490, %parallel_loop3A_491, %parallel_loop3A_492, %parallel_loop3A_493], %parallel_loop3A_496 {strides = array<i32>} : memref<6x2x4x1024xf32, #tpu.memory_space<vmem>>, vector<1x1x1x16xf32>,
          %parallel_loop3A_497 = arith.constant 4 : i32
          %parallel_loop3A_498 = arith.constant 0 : i32
          %parallel_loop3A_499 = arith.constant 2 : i32
          %parallel_loop3A_500 = arith.index_cast %parallel_loop3A_497 : i32 to index
          %parallel_loop3A_501 = arith.index_cast %parallel_loop3A_498 : i32 to index
          %parallel_loop3A_502 = arith.index_cast %parallel_loop3A_499 : i32 to index
          %parallel_loop3A_503 = arith.index_cast %parallel_loop3A_449 : i32 to index
          %parallel_loop3A_504 = tpu.vector_load %arg5[%parallel_loop3A_500, %parallel_loop3A_501, %parallel_loop3A_502, %parallel_loop3A_503] {strides = array<i32>} : memref<6x2x4x1024xf32, #tpu.memory_space<vmem>>, vector<1x1x1x16xf32>,
          %parallel_loop3A_505 = vector.shape_cast %parallel_loop3A_504 : vector<1x1x1x16xf32> to vector<16xf32>
          %parallel_loop3A_506 = arith.addf %parallel_loop3A_505, %parallel_loop3A_456 : vector<16xf32>
          %parallel_loop3A_507 = arith.constant 4 : i32
          %parallel_loop3A_508 = arith.constant 0 : i32
          %parallel_loop3A_509 = arith.constant 2 : i32
          %parallel_loop3A_510 = arith.index_cast %parallel_loop3A_507 : i32 to index
          %parallel_loop3A_511 = arith.index_cast %parallel_loop3A_508 : i32 to index
          %parallel_loop3A_512 = arith.index_cast %parallel_loop3A_509 : i32 to index
          %parallel_loop3A_513 = arith.index_cast %parallel_loop3A_449 : i32 to index
          %parallel_loop3A_514 = tpu.vector_load %arg7[%parallel_loop3A_510, %parallel_loop3A_511, %parallel_loop3A_512, %parallel_loop3A_513] {strides = array<i32>} : memref<6x2x4x1024xf32, #tpu.memory_space<vmem>>, vector<1x1x1x16xf32>,
          %parallel_loop3A_515 = vector.shape_cast %parallel_loop3A_514 : vector<1x1x1x16xf32> to vector<16xf32>
          %parallel_loop3A_516 = vector.shape_cast %parallel_loop3A_506 : vector<16xf32> to vector<1x1x1x16xf32>
          tpu.vector_store %arg7[%parallel_loop3A_510, %parallel_loop3A_511, %parallel_loop3A_512, %parallel_loop3A_513], %parallel_loop3A_516 {strides = array<i32>} : memref<6x2x4x1024xf32, #tpu.memory_space<vmem>>, vector<1x1x1x16xf32>,
          %parallel_loop3A_517 = arith.constant 4 : i32
          %parallel_loop3A_518 = arith.constant 0 : i32
          %parallel_loop3A_519 = arith.constant 3 : i32
          %parallel_loop3A_520 = arith.index_cast %parallel_loop3A_517 : i32 to index
          %parallel_loop3A_521 = arith.index_cast %parallel_loop3A_518 : i32 to index
          %parallel_loop3A_522 = arith.index_cast %parallel_loop3A_519 : i32 to index
          %parallel_loop3A_523 = arith.index_cast %parallel_loop3A_449 : i32 to index
          %parallel_loop3A_524 = tpu.vector_load %arg5[%parallel_loop3A_520, %parallel_loop3A_521, %parallel_loop3A_522, %parallel_loop3A_523] {strides = array<i32>} : memref<6x2x4x1024xf32, #tpu.memory_space<vmem>>, vector<1x1x1x16xf32>,
          %parallel_loop3A_525 = vector.shape_cast %parallel_loop3A_524 : vector<1x1x1x16xf32> to vector<16xf32>
          %parallel_loop3A_526 = arith.addf %parallel_loop3A_525, %parallel_loop3A_456 : vector<16xf32>
          %parallel_loop3A_527 = arith.constant 4 : i32
          %parallel_loop3A_528 = arith.constant 0 : i32
          %parallel_loop3A_529 = arith.constant 3 : i32
          %parallel_loop3A_530 = arith.index_cast %parallel_loop3A_527 : i32 to index
          %parallel_loop3A_531 = arith.index_cast %parallel_loop3A_528 : i32 to index
          %parallel_loop3A_532 = arith.index_cast %parallel_loop3A_529 : i32 to index
          %parallel_loop3A_533 = arith.index_cast %parallel_loop3A_449 : i32 to index
          %parallel_loop3A_534 = tpu.vector_load %arg7[%parallel_loop3A_530, %parallel_loop3A_531, %parallel_loop3A_532, %parallel_loop3A_533] {strides = array<i32>} : memref<6x2x4x1024xf32, #tpu.memory_space<vmem>>, vector<1x1x1x16xf32>,
          %parallel_loop3A_535 = vector.shape_cast %parallel_loop3A_534 : vector<1x1x1x16xf32> to vector<16xf32>
          %parallel_loop3A_536 = vector.shape_cast %parallel_loop3A_526 : vector<16xf32> to vector<1x1x1x16xf32>
          tpu.vector_store %arg7[%parallel_loop3A_530, %parallel_loop3A_531, %parallel_loop3A_532, %parallel_loop3A_533], %parallel_loop3A_536 {strides = array<i32>} : memref<6x2x4x1024xf32, #tpu.memory_space<vmem>>, vector<1x1x1x16xf32>,
          %parallel_loop3A_537 = arith.constant 4 : i32
          %parallel_loop3A_538 = arith.constant 1 : i32
          %parallel_loop3A_539 = arith.index_cast %parallel_loop3A_537 : i32 to index
          %parallel_loop3A_540 = arith.index_cast %parallel_loop3A_538 : i32 to index
          %parallel_loop3A_541 = arith.index_cast %parallel_loop3A_449 : i32 to index
          %parallel_loop3A_542 = tpu.vector_load %arg6[%parallel_loop3A_539, %parallel_loop3A_540, %parallel_loop3A_541] {strides = array<i32>} : memref<6x2x1024xf32, #tpu.memory_space<vmem>>, vector<1x1x16xf32>,
          %parallel_loop3A_543 = vector.shape_cast %parallel_loop3A_542 : vector<1x1x16xf32> to vector<16xf32>
          %parallel_loop3A_544 = arith.constant 4 : i32
          %parallel_loop3A_545 = arith.constant 1 : i32
          %parallel_loop3A_546 = arith.constant 0 : i32
          %parallel_loop3A_547 = arith.index_cast %parallel_loop3A_544 : i32 to index
          %parallel_loop3A_548 = arith.index_cast %parallel_loop3A_545 : i32 to index
          %parallel_loop3A_549 = arith.index_cast %parallel_loop3A_546 : i32 to index
          %parallel_loop3A_550 = arith.index_cast %parallel_loop3A_449 : i32 to index
          %parallel_loop3A_551 = tpu.vector_load %arg5[%parallel_loop3A_547, %parallel_loop3A_548, %parallel_loop3A_549, %parallel_loop3A_550] {strides = array<i32>} : memref<6x2x4x1024xf32, #tpu.memory_space<vmem>>, vector<1x1x1x16xf32>,
          %parallel_loop3A_552 = vector.shape_cast %parallel_loop3A_551 : vector<1x1x1x16xf32> to vector<16xf32>
          %parallel_loop3A_553 = arith.addf %parallel_loop3A_552, %parallel_loop3A_543 : vector<16xf32>
          %parallel_loop3A_554 = arith.constant 4 : i32
          %parallel_loop3A_555 = arith.constant 1 : i32
          %parallel_loop3A_556 = arith.constant 0 : i32
          %parallel_loop3A_557 = arith.index_cast %parallel_loop3A_554 : i32 to index
          %parallel_loop3A_558 = arith.index_cast %parallel_loop3A_555 : i32 to index
          %parallel_loop3A_559 = arith.index_cast %parallel_loop3A_556 : i32 to index
          %parallel_loop3A_560 = arith.index_cast %parallel_loop3A_449 : i32 to index
          %parallel_loop3A_561 = tpu.vector_load %arg7[%parallel_loop3A_557, %parallel_loop3A_558, %parallel_loop3A_559, %parallel_loop3A_560] {strides = array<i32>} : memref<6x2x4x1024xf32, #tpu.memory_space<vmem>>, vector<1x1x1x16xf32>,
          %parallel_loop3A_562 = vector.shape_cast %parallel_loop3A_561 : vector<1x1x1x16xf32> to vector<16xf32>
          %parallel_loop3A_563 = vector.shape_cast %parallel_loop3A_553 : vector<16xf32> to vector<1x1x1x16xf32>
          tpu.vector_store %arg7[%parallel_loop3A_557, %parallel_loop3A_558, %parallel_loop3A_559, %parallel_loop3A_560], %parallel_loop3A_563 {strides = array<i32>} : memref<6x2x4x1024xf32, #tpu.memory_space<vmem>>, vector<1x1x1x16xf32>,
          %parallel_loop3A_564 = arith.constant 4 : i32
          %parallel_loop3A_565 = arith.constant 1 : i32
          %parallel_loop3A_566 = arith.constant 1 : i32
          %parallel_loop3A_567 = arith.index_cast %parallel_loop3A_564 : i32 to index
          %parallel_loop3A_568 = arith.index_cast %parallel_loop3A_565 : i32 to index
          %parallel_loop3A_569 = arith.index_cast %parallel_loop3A_566 : i32 to index
          %parallel_loop3A_570 = arith.index_cast %parallel_loop3A_449 : i32 to index
          %parallel_loop3A_571 = tpu.vector_load %arg5[%parallel_loop3A_567, %parallel_loop3A_568, %parallel_loop3A_569, %parallel_loop3A_570] {strides = array<i32>} : memref<6x2x4x1024xf32, #tpu.memory_space<vmem>>, vector<1x1x1x16xf32>,
          %parallel_loop3A_572 = vector.shape_cast %parallel_loop3A_571 : vector<1x1x1x16xf32> to vector<16xf32>
          %parallel_loop3A_573 = arith.addf %parallel_loop3A_572, %parallel_loop3A_543 : vector<16xf32>
          %parallel_loop3A_574 = arith.constant 4 : i32
          %parallel_loop3A_575 = arith.constant 1 : i32
          %parallel_loop3A_576 = arith.constant 1 : i32
          %parallel_loop3A_577 = arith.index_cast %parallel_loop3A_574 : i32 to index
          %parallel_loop3A_578 = arith.index_cast %parallel_loop3A_575 : i32 to index
          %parallel_loop3A_579 = arith.index_cast %parallel_loop3A_576 : i32 to index
          %parallel_loop3A_580 = arith.index_cast %parallel_loop3A_449 : i32 to index
          %parallel_loop3A_581 = tpu.vector_load %arg7[%parallel_loop3A_577, %parallel_loop3A_578, %parallel_loop3A_579, %parallel_loop3A_580] {strides = array<i32>} : memref<6x2x4x1024xf32, #tpu.memory_space<vmem>>, vector<1x1x1x16xf32>,
          %parallel_loop3A_582 = vector.shape_cast %parallel_loop3A_581 : vector<1x1x1x16xf32> to vector<16xf32>
          %parallel_loop3A_583 = vector.shape_cast %parallel_loop3A_573 : vector<16xf32> to vector<1x1x1x16xf32>
          tpu.vector_store %arg7[%parallel_loop3A_577, %parallel_loop3A_578, %parallel_loop3A_579, %parallel_loop3A_580], %parallel_loop3A_583 {strides = array<i32>} : memref<6x2x4x1024xf32, #tpu.memory_space<vmem>>, vector<1x1x1x16xf32>,
          %parallel_loop3A_584 = arith.constant 4 : i32
          %parallel_loop3A_585 = arith.constant 1 : i32
          %parallel_loop3A_586 = arith.constant 2 : i32
          %parallel_loop3A_587 = arith.index_cast %parallel_loop3A_584 : i32 to index
          %parallel_loop3A_588 = arith.index_cast %parallel_loop3A_585 : i32 to index
          %parallel_loop3A_589 = arith.index_cast %parallel_loop3A_586 : i32 to index
          %parallel_loop3A_590 = arith.index_cast %parallel_loop3A_449 : i32 to index
          %parallel_loop3A_591 = tpu.vector_load %arg5[%parallel_loop3A_587, %parallel_loop3A_588, %parallel_loop3A_589, %parallel_loop3A_590] {strides = array<i32>} : memref<6x2x4x1024xf32, #tpu.memory_space<vmem>>, vector<1x1x1x16xf32>,
          %parallel_loop3A_592 = vector.shape_cast %parallel_loop3A_591 : vector<1x1x1x16xf32> to vector<16xf32>
          %parallel_loop3A_593 = arith.addf %parallel_loop3A_592, %parallel_loop3A_543 : vector<16xf32>
          %parallel_loop3A_594 = arith.constant 4 : i32
          %parallel_loop3A_595 = arith.constant 1 : i32
          %parallel_loop3A_596 = arith.constant 2 : i32
          %parallel_loop3A_597 = arith.index_cast %parallel_loop3A_594 : i32 to index
          %parallel_loop3A_598 = arith.index_cast %parallel_loop3A_595 : i32 to index
          %parallel_loop3A_599 = arith.index_cast %parallel_loop3A_596 : i32 to index
          %parallel_loop3A_600 = arith.index_cast %parallel_loop3A_449 : i32 to index
          %parallel_loop3A_601 = tpu.vector_load %arg7[%parallel_loop3A_597, %parallel_loop3A_598, %parallel_loop3A_599, %parallel_loop3A_600] {strides = array<i32>} : memref<6x2x4x1024xf32, #tpu.memory_space<vmem>>, vector<1x1x1x16xf32>,
          %parallel_loop3A_602 = vector.shape_cast %parallel_loop3A_601 : vector<1x1x1x16xf32> to vector<16xf32>
          %parallel_loop3A_603 = vector.shape_cast %parallel_loop3A_593 : vector<16xf32> to vector<1x1x1x16xf32>
          tpu.vector_store %arg7[%parallel_loop3A_597, %parallel_loop3A_598, %parallel_loop3A_599, %parallel_loop3A_600], %parallel_loop3A_603 {strides = array<i32>} : memref<6x2x4x1024xf32, #tpu.memory_space<vmem>>, vector<1x1x1x16xf32>,
          %parallel_loop3A_604 = arith.constant 4 : i32
          %parallel_loop3A_605 = arith.constant 1 : i32
          %parallel_loop3A_606 = arith.constant 3 : i32
          %parallel_loop3A_607 = arith.index_cast %parallel_loop3A_604 : i32 to index
          %parallel_loop3A_608 = arith.index_cast %parallel_loop3A_605 : i32 to index
          %parallel_loop3A_609 = arith.index_cast %parallel_loop3A_606 : i32 to index
          %parallel_loop3A_610 = arith.index_cast %parallel_loop3A_449 : i32 to index
          %parallel_loop3A_611 = tpu.vector_load %arg5[%parallel_loop3A_607, %parallel_loop3A_608, %parallel_loop3A_609, %parallel_loop3A_610] {strides = array<i32>} : memref<6x2x4x1024xf32, #tpu.memory_space<vmem>>, vector<1x1x1x16xf32>,
          %parallel_loop3A_612 = vector.shape_cast %parallel_loop3A_611 : vector<1x1x1x16xf32> to vector<16xf32>
          %parallel_loop3A_613 = arith.addf %parallel_loop3A_612, %parallel_loop3A_543 : vector<16xf32>
          %parallel_loop3A_614 = arith.constant 4 : i32
          %parallel_loop3A_615 = arith.constant 1 : i32
          %parallel_loop3A_616 = arith.constant 3 : i32
          %parallel_loop3A_617 = arith.index_cast %parallel_loop3A_614 : i32 to index
          %parallel_loop3A_618 = arith.index_cast %parallel_loop3A_615 : i32 to index
          %parallel_loop3A_619 = arith.index_cast %parallel_loop3A_616 : i32 to index
          %parallel_loop3A_620 = arith.index_cast %parallel_loop3A_449 : i32 to index
          %parallel_loop3A_621 = tpu.vector_load %arg7[%parallel_loop3A_617, %parallel_loop3A_618, %parallel_loop3A_619, %parallel_loop3A_620] {strides = array<i32>} : memref<6x2x4x1024xf32, #tpu.memory_space<vmem>>, vector<1x1x1x16xf32>,
          %parallel_loop3A_622 = vector.shape_cast %parallel_loop3A_621 : vector<1x1x1x16xf32> to vector<16xf32>
          %parallel_loop3A_623 = vector.shape_cast %parallel_loop3A_613 : vector<16xf32> to vector<1x1x1x16xf32>
          tpu.vector_store %arg7[%parallel_loop3A_617, %parallel_loop3A_618, %parallel_loop3A_619, %parallel_loop3A_620], %parallel_loop3A_623 {strides = array<i32>} : memref<6x2x4x1024xf32, #tpu.memory_space<vmem>>, vector<1x1x1x16xf32>,
        } {sc.loop_unroll_factor = 1 : i64, sc.parallel_access}
        %mul3A_416 = arith.constant 2 : i32
        %mul3A_417 = arith.muli %add3A_358, %mul3A_416 : i32
        %add3A_418 = arith.addi %mul3A_2, %mul3A_417 : i32
        %dma_start3A_419 = arith.constant 4 : i32
        %dma_start3A_420 = arith.constant 4 : i32
        %dma_start3A_421 = arith.constant 0 : i32
        %dma_start3A_422 = arith.constant 0 : i32
        %dma_start3A_423 = arith.constant 0 : i32
        %dma_start3A_424 = tpu.memref_slice %arg7[%dma_start3A_419, %dma_start3A_421, %dma_start3A_422, %dma_start3A_423] : memref<6x2x4x1024xf32, #tpu.memory_space<vmem>> -> memref<1x2x4x1024xf32, #tpu.memory_space<vmem>>
        %dma_start3A_425 = tpu.memref_squeeze %dma_start3A_424 : memref<1x2x4x1024xf32, #tpu.memory_space<vmem>> -> memref<2x4x1024xf32, #tpu.memory_space<vmem>>
        %dma_start3A_426 = arith.constant 0 : i32
        %dma_start3A_427 = arith.constant 0 : i32
        %dma_start3A_428 = tpu.memref_slice %arg4[%add3A_418, %dma_start3A_426, %dma_start3A_427] : memref<8192x4x1024xf32, #tpu.memory_space<hbm>> -> memref<2x4x1024xf32, #tpu.memory_space<hbm>>
        %dma_start3A_429 = tpu.memref_slice %arg9[%dma_start3A_420] : memref<6x!tpu.dma_semaphore, #tpu.memory_space<semaphore_mem>> -> memref<1x!tpu.dma_semaphore, #tpu.memory_space<semaphore_mem>>
        %dma_start3A_430 = tpu.memref_squeeze %dma_start3A_429 : memref<1x!tpu.dma_semaphore, #tpu.memory_space<semaphore_mem>> -> memref<!tpu.dma_semaphore, #tpu.memory_space<semaphore_mem>>
        %dma_start3A_431 = arith.constant 0 : i32
        %dma_start3A_432 = arith.constant 0 : i32
        %dma_start3A_433 = tpu.memref_slice %arg4[%add3A_418, %dma_start3A_431, %dma_start3A_432] : memref<8192x4x1024xf32, #tpu.memory_space<hbm>> -> memref<2x4x1024xf32, #tpu.memory_space<hbm>>
        %dma_start3A_434 = arith.constant 0 : i32
        %dma_start3A_435 = arith.constant 0 : i32
        %dma_start3A_436 = arith.constant 0 : i32
        %dma_start3A_437 = tpu.memref_slice %arg7[%dma_start3A_419, %dma_start3A_434, %dma_start3A_435, %dma_start3A_436] : memref<6x2x4x1024xf32, #tpu.memory_space<vmem>> -> memref<1x2x4x1024xf32, #tpu.memory_space<vmem>>
        %dma_start3A_438 = tpu.memref_squeeze %dma_start3A_437 : memref<1x2x4x1024xf32, #tpu.memory_space<vmem>> -> memref<2x4x1024xf32, #tpu.memory_space<vmem>>
        tpu.enqueue_dma source(%dma_start3A_438 : memref<2x4x1024xf32, #tpu.memory_space<vmem>>) target(%dma_start3A_433 : memref<2x4x1024xf32, #tpu.memory_space<hbm>>) target_semaphore(%dma_start3A_430 : memref<!tpu.dma_semaphore, #tpu.memory_space<semaphore_mem>>)
        %add3A_439 = arith.constant 6 : i32
        %add3A_440 = arith.addi %add3A_358, %add3A_439 : i32
        %sub3A = arith.constant 1 : i32
        %sub3A_441 = arith.subi %add3A_440, %sub3A : i32
        %lt3A_442 = arith.constant 128 : i32
        %lt3A_443 = arith.cmpi slt, %sub3A_441, %lt3A_442 : i32
        %convert_element_type3A_444 = arith.extui %lt3A_443 : i1 to i32
        %cond3A_445 = arith.constant 0 : i32
        %cond3A_446 = arith.cmpi ne, %convert_element_type3A_444, %cond3A_445 : i32
        scf.if %cond3A_446 {
          %jit3A = arith.constant 6 : i32
          %eq3A = arith.constant 0 : i32
          %eq3A_447 = arith.cmpi eq, %jit3A, %eq3A : i32
          %jit3A_448 = arith.constant 1 : i32
          %select_n3A = arith.select %eq3A_447, %jit3A_448, %jit3A : i32
          %rem3A = arith.remsi %sub3A_441, %select_n3A : i32
          %ne3A = arith.constant 0 : i32
          %ne3A_449 = arith.cmpi ne, %rem3A, %ne3A : i32
          %lt3A_450 = arith.constant 0 : i32
          %lt3A_451 = arith.cmpi slt, %rem3A, %lt3A_450 : i32
          %lt3A_452 = arith.constant 0 : i32
          %lt3A_453 = arith.cmpi slt, %select_n3A, %lt3A_452 : i32
          %ne3A_454 = arith.xori %lt3A_451, %lt3A_453 : i1
          %and3A = arith.andi %ne3A_454, %ne3A_449 : i1
          %add3A_455 = arith.addi %rem3A, %select_n3A : i32
          %select_n3A_456 = arith.select %and3A, %add3A_455, %rem3A : i32
          %mul3A_457 = arith.constant 2 : i32
          %mul3A_458 = arith.muli %sub3A_441, %mul3A_457 : i32
          %add3A_459 = arith.addi %mul3A_2, %mul3A_458 : i32
          %dma_start3A_460 = arith.constant 0 : i32
          %dma_start3A_461 = arith.constant 0 : i32
          %dma_start3A_462 = arith.constant 0 : i32
          %dma_start3A_463 = tpu.memref_slice %arg5[%select_n3A_456, %dma_start3A_460, %dma_start3A_461, %dma_start3A_462] : memref<6x2x4x1024xf32, #tpu.memory_space<vmem>> -> memref<1x2x4x1024xf32, #tpu.memory_space<vmem>>
          %dma_start3A_464 = tpu.memref_squeeze %dma_start3A_463 : memref<1x2x4x1024xf32, #tpu.memory_space<vmem>> -> memref<2x4x1024xf32, #tpu.memory_space<vmem>>
          %dma_start3A_465 = arith.constant 0 : i32
          %dma_start3A_466 = arith.constant 0 : i32
          %dma_start3A_467 = tpu.memref_slice %arg2[%add3A_459, %dma_start3A_465, %dma_start3A_466] : memref<8192x4x1024xf32, #tpu.memory_space<hbm>> -> memref<2x4x1024xf32, #tpu.memory_space<hbm>>
          %dma_start3A_468 = tpu.memref_slice %arg8[%select_n3A_456] : memref<6x!tpu.dma_semaphore, #tpu.memory_space<semaphore_mem>> -> memref<1x!tpu.dma_semaphore, #tpu.memory_space<semaphore_mem>>
          %dma_start3A_469 = tpu.memref_squeeze %dma_start3A_468 : memref<1x!tpu.dma_semaphore, #tpu.memory_space<semaphore_mem>> -> memref<!tpu.dma_semaphore, #tpu.memory_space<semaphore_mem>>
          %dma_start3A_470 = arith.constant 0 : i32
          %dma_start3A_471 = arith.constant 0 : i32
          %dma_start3A_472 = arith.constant 0 : i32
          %dma_start3A_473 = tpu.memref_slice %arg5[%select_n3A_456, %dma_start3A_470, %dma_start3A_471, %dma_start3A_472] : memref<6x2x4x1024xf32, #tpu.memory_space<vmem>> -> memref<1x2x4x1024xf32, #tpu.memory_space<vmem>>
          %dma_start3A_474 = tpu.memref_squeeze %dma_start3A_473 : memref<1x2x4x1024xf32, #tpu.memory_space<vmem>> -> memref<2x4x1024xf32, #tpu.memory_space<vmem>>
          %dma_start3A_475 = arith.constant 0 : i32
          %dma_start3A_476 = arith.constant 0 : i32
          %dma_start3A_477 = tpu.memref_slice %arg2[%add3A_459, %dma_start3A_475, %dma_start3A_476] : memref<8192x4x1024xf32, #tpu.memory_space<hbm>> -> memref<2x4x1024xf32, #tpu.memory_space<hbm>>
          tpu.enqueue_dma source(%dma_start3A_477 : memref<2x4x1024xf32, #tpu.memory_space<hbm>>) target(%dma_start3A_474 : memref<2x4x1024xf32, #tpu.memory_space<vmem>>) target_semaphore(%dma_start3A_469 : memref<!tpu.dma_semaphore, #tpu.memory_space<semaphore_mem>>)
          %dma_start3A_478 = arith.constant 0 : i32
          %dma_start3A_479 = arith.constant 0 : i32
          %dma_start3A_480 = tpu.memref_slice %arg6[%select_n3A_456, %dma_start3A_478, %dma_start3A_479] : memref<6x2x1024xf32, #tpu.memory_space<vmem>> -> memref<1x2x1024xf32, #tpu.memory_space<vmem>>
          %dma_start3A_481 = tpu.memref_squeeze %dma_start3A_480 : memref<1x2x1024xf32, #tpu.memory_space<vmem>> -> memref<2x1024xf32, #tpu.memory_space<vmem>>
          %dma_start3A_482 = arith.constant 0 : i32
          %dma_start3A_483 = tpu.memref_slice %arg3[%add3A_459, %dma_start3A_482] : memref<8192x1024xf32, #tpu.memory_space<hbm>> -> memref<2x1024xf32, #tpu.memory_space<hbm>>
          %dma_start3A_484 = tpu.memref_slice %arg8[%select_n3A_456] : memref<6x!tpu.dma_semaphore, #tpu.memory_space<semaphore_mem>> -> memref<1x!tpu.dma_semaphore, #tpu.memory_space<semaphore_mem>>
          %dma_start3A_485 = tpu.memref_squeeze %dma_start3A_484 : memref<1x!tpu.dma_semaphore, #tpu.memory_space<semaphore_mem>> -> memref<!tpu.dma_semaphore, #tpu.memory_space<semaphore_mem>>
          %dma_start3A_486 = arith.constant 0 : i32
          %dma_start3A_487 = arith.constant 0 : i32
          %dma_start3A_488 = tpu.memref_slice %arg6[%select_n3A_456, %dma_start3A_486, %dma_start3A_487] : memref<6x2x1024xf32, #tpu.memory_space<vmem>> -> memref<1x2x1024xf32, #tpu.memory_space<vmem>>
          %dma_start3A_489 = tpu.memref_squeeze %dma_start3A_488 : memref<1x2x1024xf32, #tpu.memory_space<vmem>> -> memref<2x1024xf32, #tpu.memory_space<vmem>>
          %dma_start3A_490 = arith.constant 0 : i32
          %dma_start3A_491 = tpu.memref_slice %arg3[%add3A_459, %dma_start3A_490] : memref<8192x1024xf32, #tpu.memory_space<hbm>> -> memref<2x1024xf32, #tpu.memory_space<hbm>>
          tpu.enqueue_dma source(%dma_start3A_491 : memref<2x1024xf32, #tpu.memory_space<hbm>>) target(%dma_start3A_489 : memref<2x1024xf32, #tpu.memory_space<vmem>>) target_semaphore(%dma_start3A_485 : memref<!tpu.dma_semaphore, #tpu.memory_space<semaphore_mem>>)
        } else {
        }
      } else {
      }
      %add3A_364 = arith.constant 5 : i32
      %add3A_365 = arith.addi %add3A_331, %add3A_364 : i32
      %lt3A_366 = arith.constant 128 : i32
      %lt3A_367 = arith.cmpi slt, %add3A_365, %lt3A_366 : i32
      %convert_element_type3A_368 = arith.extui %lt3A_367 : i1 to i32
      %cond3A_369 = arith.constant 0 : i32
      %cond3A_370 = arith.cmpi ne, %convert_element_type3A_368, %cond3A_369 : i32
      scf.if %cond3A_370 {
        %mul3A_371 = arith.constant 2 : i32
        %mul3A_372 = arith.muli %add3A_365, %mul3A_371 : i32
        %add3A_373 = arith.addi %mul3A_2, %mul3A_372 : i32
        %dma_wait3A_374 = arith.constant 5 : i32
        %dma_wait3A_375 = arith.constant 5 : i32
        %dma_wait3A_376 = arith.constant 0 : i32
        %dma_wait3A_377 = arith.constant 0 : i32
        %dma_wait3A_378 = arith.constant 0 : i32
        %dma_wait3A_379 = tpu.memref_slice %arg5[%dma_wait3A_374, %dma_wait3A_376, %dma_wait3A_377, %dma_wait3A_378] : memref<6x2x4x1024xf32, #tpu.memory_space<vmem>> -> memref<1x2x4x1024xf32, #tpu.memory_space<vmem>>
        %dma_wait3A_380 = tpu.memref_squeeze %dma_wait3A_379 : memref<1x2x4x1024xf32, #tpu.memory_space<vmem>> -> memref<2x4x1024xf32, #tpu.memory_space<vmem>>
        %dma_wait3A_381 = arith.constant 0 : i32
        %dma_wait3A_382 = arith.constant 0 : i32
        %dma_wait3A_383 = tpu.memref_slice %arg2[%add3A_373, %dma_wait3A_381, %dma_wait3A_382] : memref<8192x4x1024xf32, #tpu.memory_space<hbm>> -> memref<2x4x1024xf32, #tpu.memory_space<hbm>>
        %dma_wait3A_384 = tpu.memref_slice %arg8[%dma_wait3A_375] : memref<6x!tpu.dma_semaphore, #tpu.memory_space<semaphore_mem>> -> memref<1x!tpu.dma_semaphore, #tpu.memory_space<semaphore_mem>>
        %dma_wait3A_385 = tpu.memref_squeeze %dma_wait3A_384 : memref<1x!tpu.dma_semaphore, #tpu.memory_space<semaphore_mem>> -> memref<!tpu.dma_semaphore, #tpu.memory_space<semaphore_mem>>
        %dma_wait3A_386 = arith.constant 0 : i32
        %dma_wait3A_387 = arith.constant 0 : i32
        %dma_wait3A_388 = arith.constant 0 : i32
        %dma_wait3A_389 = tpu.memref_slice %arg5[%dma_wait3A_374, %dma_wait3A_386, %dma_wait3A_387, %dma_wait3A_388] : memref<6x2x4x1024xf32, #tpu.memory_space<vmem>> -> memref<1x2x4x1024xf32, #tpu.memory_space<vmem>>
        %dma_wait3A_390 = tpu.memref_squeeze %dma_wait3A_389 : memref<1x2x4x1024xf32, #tpu.memory_space<vmem>> -> memref<2x4x1024xf32, #tpu.memory_space<vmem>>
        %dma_wait3A_391 = arith.constant 0 : i32
        %dma_wait3A_392 = arith.constant 0 : i32
        %dma_wait3A_393 = tpu.memref_slice %arg2[%add3A_373, %dma_wait3A_391, %dma_wait3A_392] : memref<8192x4x1024xf32, #tpu.memory_space<hbm>> -> memref<2x4x1024xf32, #tpu.memory_space<hbm>>
        tpu.wait_dma2 semaphore(%dma_wait3A_385 : memref<!tpu.dma_semaphore, #tpu.memory_space<semaphore_mem>>) src(%dma_wait3A_393 : memref<2x4x1024xf32, #tpu.memory_space<hbm>>) dst(%dma_wait3A_390 : memref<2x4x1024xf32, #tpu.memory_space<vmem>>)
        %dma_wait3A_394 = arith.constant 5 : i32
        %dma_wait3A_395 = arith.constant 5 : i32
        %dma_wait3A_396 = arith.constant 0 : i32
        %dma_wait3A_397 = arith.constant 0 : i32
        %dma_wait3A_398 = tpu.memref_slice %arg6[%dma_wait3A_394, %dma_wait3A_396, %dma_wait3A_397] : memref<6x2x1024xf32, #tpu.memory_space<vmem>> -> memref<1x2x1024xf32, #tpu.memory_space<vmem>>
        %dma_wait3A_399 = tpu.memref_squeeze %dma_wait3A_398 : memref<1x2x1024xf32, #tpu.memory_space<vmem>> -> memref<2x1024xf32, #tpu.memory_space<vmem>>
        %dma_wait3A_400 = arith.constant 0 : i32
        %dma_wait3A_401 = tpu.memref_slice %arg3[%add3A_373, %dma_wait3A_400] : memref<8192x1024xf32, #tpu.memory_space<hbm>> -> memref<2x1024xf32, #tpu.memory_space<hbm>>
        %dma_wait3A_402 = tpu.memref_slice %arg8[%dma_wait3A_395] : memref<6x!tpu.dma_semaphore, #tpu.memory_space<semaphore_mem>> -> memref<1x!tpu.dma_semaphore, #tpu.memory_space<semaphore_mem>>
        %dma_wait3A_403 = tpu.memref_squeeze %dma_wait3A_402 : memref<1x!tpu.dma_semaphore, #tpu.memory_space<semaphore_mem>> -> memref<!tpu.dma_semaphore, #tpu.memory_space<semaphore_mem>>
        %dma_wait3A_404 = arith.constant 0 : i32
        %dma_wait3A_405 = arith.constant 0 : i32
        %dma_wait3A_406 = tpu.memref_slice %arg6[%dma_wait3A_394, %dma_wait3A_404, %dma_wait3A_405] : memref<6x2x1024xf32, #tpu.memory_space<vmem>> -> memref<1x2x1024xf32, #tpu.memory_space<vmem>>
        %dma_wait3A_407 = tpu.memref_squeeze %dma_wait3A_406 : memref<1x2x1024xf32, #tpu.memory_space<vmem>> -> memref<2x1024xf32, #tpu.memory_space<vmem>>
        %dma_wait3A_408 = arith.constant 0 : i32
        %dma_wait3A_409 = tpu.memref_slice %arg3[%add3A_373, %dma_wait3A_408] : memref<8192x1024xf32, #tpu.memory_space<hbm>> -> memref<2x1024xf32, #tpu.memory_space<hbm>>
        tpu.wait_dma2 semaphore(%dma_wait3A_403 : memref<!tpu.dma_semaphore, #tpu.memory_space<semaphore_mem>>) src(%dma_wait3A_409 : memref<2x1024xf32, #tpu.memory_space<hbm>>) dst(%dma_wait3A_407 : memref<2x1024xf32, #tpu.memory_space<vmem>>)
        %ge3A = arith.constant 6 : i32
        %ge3A_410 = arith.cmpi sge, %add3A_365, %ge3A : i32
        %convert_element_type3A_411 = arith.extui %ge3A_410 : i1 to i32
        %cond3A_412 = arith.constant 0 : i32
        %cond3A_413 = arith.cmpi ne, %convert_element_type3A_411, %cond3A_412 : i32
        scf.if %cond3A_413 {
          %sub3A_447 = arith.constant 6 : i32
          %sub3A_448 = arith.subi %add3A_365, %sub3A_447 : i32
          %mul3A_449 = arith.constant 2 : i32
          %mul3A_450 = arith.muli %sub3A_448, %mul3A_449 : i32
          %add3A_451 = arith.addi %mul3A_2, %mul3A_450 : i32
          %dma_wait3A_452 = arith.constant 5 : i32
          %dma_wait3A_453 = arith.constant 5 : i32
          %dma_wait3A_454 = arith.constant 0 : i32
          %dma_wait3A_455 = arith.constant 0 : i32
          %dma_wait3A_456 = arith.constant 0 : i32
          %dma_wait3A_457 = tpu.memref_slice %arg7[%dma_wait3A_452, %dma_wait3A_454, %dma_wait3A_455, %dma_wait3A_456] : memref<6x2x4x1024xf32, #tpu.memory_space<vmem>> -> memref<1x2x4x1024xf32, #tpu.memory_space<vmem>>
          %dma_wait3A_458 = tpu.memref_squeeze %dma_wait3A_457 : memref<1x2x4x1024xf32, #tpu.memory_space<vmem>> -> memref<2x4x1024xf32, #tpu.memory_space<vmem>>
          %dma_wait3A_459 = arith.constant 0 : i32
          %dma_wait3A_460 = arith.constant 0 : i32
          %dma_wait3A_461 = tpu.memref_slice %arg4[%add3A_451, %dma_wait3A_459, %dma_wait3A_460] : memref<8192x4x1024xf32, #tpu.memory_space<hbm>> -> memref<2x4x1024xf32, #tpu.memory_space<hbm>>
          %dma_wait3A_462 = tpu.memref_slice %arg9[%dma_wait3A_453] : memref<6x!tpu.dma_semaphore, #tpu.memory_space<semaphore_mem>> -> memref<1x!tpu.dma_semaphore, #tpu.memory_space<semaphore_mem>>
          %dma_wait3A_463 = tpu.memref_squeeze %dma_wait3A_462 : memref<1x!tpu.dma_semaphore, #tpu.memory_space<semaphore_mem>> -> memref<!tpu.dma_semaphore, #tpu.memory_space<semaphore_mem>>
          %dma_wait3A_464 = arith.constant 0 : i32
          %dma_wait3A_465 = arith.constant 0 : i32
          %dma_wait3A_466 = tpu.memref_slice %arg4[%add3A_451, %dma_wait3A_464, %dma_wait3A_465] : memref<8192x4x1024xf32, #tpu.memory_space<hbm>> -> memref<2x4x1024xf32, #tpu.memory_space<hbm>>
          %dma_wait3A_467 = arith.constant 0 : i32
          %dma_wait3A_468 = arith.constant 0 : i32
          %dma_wait3A_469 = arith.constant 0 : i32
          %dma_wait3A_470 = tpu.memref_slice %arg7[%dma_wait3A_452, %dma_wait3A_467, %dma_wait3A_468, %dma_wait3A_469] : memref<6x2x4x1024xf32, #tpu.memory_space<vmem>> -> memref<1x2x4x1024xf32, #tpu.memory_space<vmem>>
          %dma_wait3A_471 = tpu.memref_squeeze %dma_wait3A_470 : memref<1x2x4x1024xf32, #tpu.memory_space<vmem>> -> memref<2x4x1024xf32, #tpu.memory_space<vmem>>
          tpu.wait_dma2 semaphore(%dma_wait3A_463 : memref<!tpu.dma_semaphore, #tpu.memory_space<semaphore_mem>>) src(%dma_wait3A_471 : memref<2x4x1024xf32, #tpu.memory_space<vmem>>) dst(%dma_wait3A_466 : memref<2x4x1024xf32, #tpu.memory_space<hbm>>)
        } else {
        }
        %parallel_loop3A = arith.constant 0 : i32
        %parallel_loop3A_414 = arith.constant 64 : i32
        %parallel_loop3A_415 = arith.constant 1 : i32
        scf.for %parallel_loop3A_447 = %parallel_loop3A to %parallel_loop3A_414 step %parallel_loop3A_415  : i32 {
          %parallel_loop3A_448 = arith.constant 16 : i32
          %parallel_loop3A_449 = arith.muli %parallel_loop3A_447, %parallel_loop3A_448 : i32
          %parallel_loop3A_450 = arith.constant 5 : i32
          %parallel_loop3A_451 = arith.constant 0 : i32
          %parallel_loop3A_452 = arith.index_cast %parallel_loop3A_450 : i32 to index
          %parallel_loop3A_453 = arith.index_cast %parallel_loop3A_451 : i32 to index
          %parallel_loop3A_454 = arith.index_cast %parallel_loop3A_449 : i32 to index
          %parallel_loop3A_455 = tpu.vector_load %arg6[%parallel_loop3A_452, %parallel_loop3A_453, %parallel_loop3A_454] {strides = array<i32>} : memref<6x2x1024xf32, #tpu.memory_space<vmem>>, vector<1x1x16xf32>,
          %parallel_loop3A_456 = vector.shape_cast %parallel_loop3A_455 : vector<1x1x16xf32> to vector<16xf32>
          %parallel_loop3A_457 = arith.constant 5 : i32
          %parallel_loop3A_458 = arith.constant 0 : i32
          %parallel_loop3A_459 = arith.constant 0 : i32
          %parallel_loop3A_460 = arith.index_cast %parallel_loop3A_457 : i32 to index
          %parallel_loop3A_461 = arith.index_cast %parallel_loop3A_458 : i32 to index
          %parallel_loop3A_462 = arith.index_cast %parallel_loop3A_459 : i32 to index
          %parallel_loop3A_463 = arith.index_cast %parallel_loop3A_449 : i32 to index
          %parallel_loop3A_464 = tpu.vector_load %arg5[%parallel_loop3A_460, %parallel_loop3A_461, %parallel_loop3A_462, %parallel_loop3A_463] {strides = array<i32>} : memref<6x2x4x1024xf32, #tpu.memory_space<vmem>>, vector<1x1x1x16xf32>,
          %parallel_loop3A_465 = vector.shape_cast %parallel_loop3A_464 : vector<1x1x1x16xf32> to vector<16xf32>
          %parallel_loop3A_466 = arith.addf %parallel_loop3A_465, %parallel_loop3A_456 : vector<16xf32>
          %parallel_loop3A_467 = arith.constant 5 : i32
          %parallel_loop3A_468 = arith.constant 0 : i32
          %parallel_loop3A_469 = arith.constant 0 : i32
          %parallel_loop3A_470 = arith.index_cast %parallel_loop3A_467 : i32 to index
          %parallel_loop3A_471 = arith.index_cast %parallel_loop3A_468 : i32 to index
          %parallel_loop3A_472 = arith.index_cast %parallel_loop3A_469 : i32 to index
          %parallel_loop3A_473 = arith.index_cast %parallel_loop3A_449 : i32 to index
          %parallel_loop3A_474 = tpu.vector_load %arg7[%parallel_loop3A_470, %parallel_loop3A_471, %parallel_loop3A_472, %parallel_loop3A_473] {strides = array<i32>} : memref<6x2x4x1024xf32, #tpu.memory_space<vmem>>, vector<1x1x1x16xf32>,
          %parallel_loop3A_475 = vector.shape_cast %parallel_loop3A_474 : vector<1x1x1x16xf32> to vector<16xf32>
          %parallel_loop3A_476 = vector.shape_cast %parallel_loop3A_466 : vector<16xf32> to vector<1x1x1x16xf32>
          tpu.vector_store %arg7[%parallel_loop3A_470, %parallel_loop3A_471, %parallel_loop3A_472, %parallel_loop3A_473], %parallel_loop3A_476 {strides = array<i32>} : memref<6x2x4x1024xf32, #tpu.memory_space<vmem>>, vector<1x1x1x16xf32>,
          %parallel_loop3A_477 = arith.constant 5 : i32
          %parallel_loop3A_478 = arith.constant 0 : i32
          %parallel_loop3A_479 = arith.constant 1 : i32
          %parallel_loop3A_480 = arith.index_cast %parallel_loop3A_477 : i32 to index
          %parallel_loop3A_481 = arith.index_cast %parallel_loop3A_478 : i32 to index
          %parallel_loop3A_482 = arith.index_cast %parallel_loop3A_479 : i32 to index
          %parallel_loop3A_483 = arith.index_cast %parallel_loop3A_449 : i32 to index
          %parallel_loop3A_484 = tpu.vector_load %arg5[%parallel_loop3A_480, %parallel_loop3A_481, %parallel_loop3A_482, %parallel_loop3A_483] {strides = array<i32>} : memref<6x2x4x1024xf32, #tpu.memory_space<vmem>>, vector<1x1x1x16xf32>,
          %parallel_loop3A_485 = vector.shape_cast %parallel_loop3A_484 : vector<1x1x1x16xf32> to vector<16xf32>
          %parallel_loop3A_486 = arith.addf %parallel_loop3A_485, %parallel_loop3A_456 : vector<16xf32>
          %parallel_loop3A_487 = arith.constant 5 : i32
          %parallel_loop3A_488 = arith.constant 0 : i32
          %parallel_loop3A_489 = arith.constant 1 : i32
          %parallel_loop3A_490 = arith.index_cast %parallel_loop3A_487 : i32 to index
          %parallel_loop3A_491 = arith.index_cast %parallel_loop3A_488 : i32 to index
          %parallel_loop3A_492 = arith.index_cast %parallel_loop3A_489 : i32 to index
          %parallel_loop3A_493 = arith.index_cast %parallel_loop3A_449 : i32 to index
          %parallel_loop3A_494 = tpu.vector_load %arg7[%parallel_loop3A_490, %parallel_loop3A_491, %parallel_loop3A_492, %parallel_loop3A_493] {strides = array<i32>} : memref<6x2x4x1024xf32, #tpu.memory_space<vmem>>, vector<1x1x1x16xf32>,
          %parallel_loop3A_495 = vector.shape_cast %parallel_loop3A_494 : vector<1x1x1x16xf32> to vector<16xf32>
          %parallel_loop3A_496 = vector.shape_cast %parallel_loop3A_486 : vector<16xf32> to vector<1x1x1x16xf32>
          tpu.vector_store %arg7[%parallel_loop3A_490, %parallel_loop3A_491, %parallel_loop3A_492, %parallel_loop3A_493], %parallel_loop3A_496 {strides = array<i32>} : memref<6x2x4x1024xf32, #tpu.memory_space<vmem>>, vector<1x1x1x16xf32>,
          %parallel_loop3A_497 = arith.constant 5 : i32
          %parallel_loop3A_498 = arith.constant 0 : i32
          %parallel_loop3A_499 = arith.constant 2 : i32
          %parallel_loop3A_500 = arith.index_cast %parallel_loop3A_497 : i32 to index
          %parallel_loop3A_501 = arith.index_cast %parallel_loop3A_498 : i32 to index
          %parallel_loop3A_502 = arith.index_cast %parallel_loop3A_499 : i32 to index
          %parallel_loop3A_503 = arith.index_cast %parallel_loop3A_449 : i32 to index
          %parallel_loop3A_504 = tpu.vector_load %arg5[%parallel_loop3A_500, %parallel_loop3A_501, %parallel_loop3A_502, %parallel_loop3A_503] {strides = array<i32>} : memref<6x2x4x1024xf32, #tpu.memory_space<vmem>>, vector<1x1x1x16xf32>,
          %parallel_loop3A_505 = vector.shape_cast %parallel_loop3A_504 : vector<1x1x1x16xf32> to vector<16xf32>
          %parallel_loop3A_506 = arith.addf %parallel_loop3A_505, %parallel_loop3A_456 : vector<16xf32>
          %parallel_loop3A_507 = arith.constant 5 : i32
          %parallel_loop3A_508 = arith.constant 0 : i32
          %parallel_loop3A_509 = arith.constant 2 : i32
          %parallel_loop3A_510 = arith.index_cast %parallel_loop3A_507 : i32 to index
          %parallel_loop3A_511 = arith.index_cast %parallel_loop3A_508 : i32 to index
          %parallel_loop3A_512 = arith.index_cast %parallel_loop3A_509 : i32 to index
          %parallel_loop3A_513 = arith.index_cast %parallel_loop3A_449 : i32 to index
          %parallel_loop3A_514 = tpu.vector_load %arg7[%parallel_loop3A_510, %parallel_loop3A_511, %parallel_loop3A_512, %parallel_loop3A_513] {strides = array<i32>} : memref<6x2x4x1024xf32, #tpu.memory_space<vmem>>, vector<1x1x1x16xf32>,
          %parallel_loop3A_515 = vector.shape_cast %parallel_loop3A_514 : vector<1x1x1x16xf32> to vector<16xf32>
          %parallel_loop3A_516 = vector.shape_cast %parallel_loop3A_506 : vector<16xf32> to vector<1x1x1x16xf32>
          tpu.vector_store %arg7[%parallel_loop3A_510, %parallel_loop3A_511, %parallel_loop3A_512, %parallel_loop3A_513], %parallel_loop3A_516 {strides = array<i32>} : memref<6x2x4x1024xf32, #tpu.memory_space<vmem>>, vector<1x1x1x16xf32>,
          %parallel_loop3A_517 = arith.constant 5 : i32
          %parallel_loop3A_518 = arith.constant 0 : i32
          %parallel_loop3A_519 = arith.constant 3 : i32
          %parallel_loop3A_520 = arith.index_cast %parallel_loop3A_517 : i32 to index
          %parallel_loop3A_521 = arith.index_cast %parallel_loop3A_518 : i32 to index
          %parallel_loop3A_522 = arith.index_cast %parallel_loop3A_519 : i32 to index
          %parallel_loop3A_523 = arith.index_cast %parallel_loop3A_449 : i32 to index
          %parallel_loop3A_524 = tpu.vector_load %arg5[%parallel_loop3A_520, %parallel_loop3A_521, %parallel_loop3A_522, %parallel_loop3A_523] {strides = array<i32>} : memref<6x2x4x1024xf32, #tpu.memory_space<vmem>>, vector<1x1x1x16xf32>,
          %parallel_loop3A_525 = vector.shape_cast %parallel_loop3A_524 : vector<1x1x1x16xf32> to vector<16xf32>
          %parallel_loop3A_526 = arith.addf %parallel_loop3A_525, %parallel_loop3A_456 : vector<16xf32>
          %parallel_loop3A_527 = arith.constant 5 : i32
          %parallel_loop3A_528 = arith.constant 0 : i32
          %parallel_loop3A_529 = arith.constant 3 : i32
          %parallel_loop3A_530 = arith.index_cast %parallel_loop3A_527 : i32 to index
          %parallel_loop3A_531 = arith.index_cast %parallel_loop3A_528 : i32 to index
          %parallel_loop3A_532 = arith.index_cast %parallel_loop3A_529 : i32 to index
          %parallel_loop3A_533 = arith.index_cast %parallel_loop3A_449 : i32 to index
          %parallel_loop3A_534 = tpu.vector_load %arg7[%parallel_loop3A_530, %parallel_loop3A_531, %parallel_loop3A_532, %parallel_loop3A_533] {strides = array<i32>} : memref<6x2x4x1024xf32, #tpu.memory_space<vmem>>, vector<1x1x1x16xf32>,
          %parallel_loop3A_535 = vector.shape_cast %parallel_loop3A_534 : vector<1x1x1x16xf32> to vector<16xf32>
          %parallel_loop3A_536 = vector.shape_cast %parallel_loop3A_526 : vector<16xf32> to vector<1x1x1x16xf32>
          tpu.vector_store %arg7[%parallel_loop3A_530, %parallel_loop3A_531, %parallel_loop3A_532, %parallel_loop3A_533], %parallel_loop3A_536 {strides = array<i32>} : memref<6x2x4x1024xf32, #tpu.memory_space<vmem>>, vector<1x1x1x16xf32>,
          %parallel_loop3A_537 = arith.constant 5 : i32
          %parallel_loop3A_538 = arith.constant 1 : i32
          %parallel_loop3A_539 = arith.index_cast %parallel_loop3A_537 : i32 to index
          %parallel_loop3A_540 = arith.index_cast %parallel_loop3A_538 : i32 to index
          %parallel_loop3A_541 = arith.index_cast %parallel_loop3A_449 : i32 to index
          %parallel_loop3A_542 = tpu.vector_load %arg6[%parallel_loop3A_539, %parallel_loop3A_540, %parallel_loop3A_541] {strides = array<i32>} : memref<6x2x1024xf32, #tpu.memory_space<vmem>>, vector<1x1x16xf32>,
          %parallel_loop3A_543 = vector.shape_cast %parallel_loop3A_542 : vector<1x1x16xf32> to vector<16xf32>
          %parallel_loop3A_544 = arith.constant 5 : i32
          %parallel_loop3A_545 = arith.constant 1 : i32
          %parallel_loop3A_546 = arith.constant 0 : i32
          %parallel_loop3A_547 = arith.index_cast %parallel_loop3A_544 : i32 to index
          %parallel_loop3A_548 = arith.index_cast %parallel_loop3A_545 : i32 to index
          %parallel_loop3A_549 = arith.index_cast %parallel_loop3A_546 : i32 to index
          %parallel_loop3A_550 = arith.index_cast %parallel_loop3A_449 : i32 to index
          %parallel_loop3A_551 = tpu.vector_load %arg5[%parallel_loop3A_547, %parallel_loop3A_548, %parallel_loop3A_549, %parallel_loop3A_550] {strides = array<i32>} : memref<6x2x4x1024xf32, #tpu.memory_space<vmem>>, vector<1x1x1x16xf32>,
          %parallel_loop3A_552 = vector.shape_cast %parallel_loop3A_551 : vector<1x1x1x16xf32> to vector<16xf32>
          %parallel_loop3A_553 = arith.addf %parallel_loop3A_552, %parallel_loop3A_543 : vector<16xf32>
          %parallel_loop3A_554 = arith.constant 5 : i32
          %parallel_loop3A_555 = arith.constant 1 : i32
          %parallel_loop3A_556 = arith.constant 0 : i32
          %parallel_loop3A_557 = arith.index_cast %parallel_loop3A_554 : i32 to index
          %parallel_loop3A_558 = arith.index_cast %parallel_loop3A_555 : i32 to index
          %parallel_loop3A_559 = arith.index_cast %parallel_loop3A_556 : i32 to index
          %parallel_loop3A_560 = arith.index_cast %parallel_loop3A_449 : i32 to index
          %parallel_loop3A_561 = tpu.vector_load %arg7[%parallel_loop3A_557, %parallel_loop3A_558, %parallel_loop3A_559, %parallel_loop3A_560] {strides = array<i32>} : memref<6x2x4x1024xf32, #tpu.memory_space<vmem>>, vector<1x1x1x16xf32>,
          %parallel_loop3A_562 = vector.shape_cast %parallel_loop3A_561 : vector<1x1x1x16xf32> to vector<16xf32>
          %parallel_loop3A_563 = vector.shape_cast %parallel_loop3A_553 : vector<16xf32> to vector<1x1x1x16xf32>
          tpu.vector_store %arg7[%parallel_loop3A_557, %parallel_loop3A_558, %parallel_loop3A_559, %parallel_loop3A_560], %parallel_loop3A_563 {strides = array<i32>} : memref<6x2x4x1024xf32, #tpu.memory_space<vmem>>, vector<1x1x1x16xf32>,
          %parallel_loop3A_564 = arith.constant 5 : i32
          %parallel_loop3A_565 = arith.constant 1 : i32
          %parallel_loop3A_566 = arith.constant 1 : i32
          %parallel_loop3A_567 = arith.index_cast %parallel_loop3A_564 : i32 to index
          %parallel_loop3A_568 = arith.index_cast %parallel_loop3A_565 : i32 to index
          %parallel_loop3A_569 = arith.index_cast %parallel_loop3A_566 : i32 to index
          %parallel_loop3A_570 = arith.index_cast %parallel_loop3A_449 : i32 to index
          %parallel_loop3A_571 = tpu.vector_load %arg5[%parallel_loop3A_567, %parallel_loop3A_568, %parallel_loop3A_569, %parallel_loop3A_570] {strides = array<i32>} : memref<6x2x4x1024xf32, #tpu.memory_space<vmem>>, vector<1x1x1x16xf32>,
          %parallel_loop3A_572 = vector.shape_cast %parallel_loop3A_571 : vector<1x1x1x16xf32> to vector<16xf32>
          %parallel_loop3A_573 = arith.addf %parallel_loop3A_572, %parallel_loop3A_543 : vector<16xf32>
          %parallel_loop3A_574 = arith.constant 5 : i32
          %parallel_loop3A_575 = arith.constant 1 : i32
          %parallel_loop3A_576 = arith.constant 1 : i32
          %parallel_loop3A_577 = arith.index_cast %parallel_loop3A_574 : i32 to index
          %parallel_loop3A_578 = arith.index_cast %parallel_loop3A_575 : i32 to index
          %parallel_loop3A_579 = arith.index_cast %parallel_loop3A_576 : i32 to index
          %parallel_loop3A_580 = arith.index_cast %parallel_loop3A_449 : i32 to index
          %parallel_loop3A_581 = tpu.vector_load %arg7[%parallel_loop3A_577, %parallel_loop3A_578, %parallel_loop3A_579, %parallel_loop3A_580] {strides = array<i32>} : memref<6x2x4x1024xf32, #tpu.memory_space<vmem>>, vector<1x1x1x16xf32>,
          %parallel_loop3A_582 = vector.shape_cast %parallel_loop3A_581 : vector<1x1x1x16xf32> to vector<16xf32>
          %parallel_loop3A_583 = vector.shape_cast %parallel_loop3A_573 : vector<16xf32> to vector<1x1x1x16xf32>
          tpu.vector_store %arg7[%parallel_loop3A_577, %parallel_loop3A_578, %parallel_loop3A_579, %parallel_loop3A_580], %parallel_loop3A_583 {strides = array<i32>} : memref<6x2x4x1024xf32, #tpu.memory_space<vmem>>, vector<1x1x1x16xf32>,
          %parallel_loop3A_584 = arith.constant 5 : i32
          %parallel_loop3A_585 = arith.constant 1 : i32
          %parallel_loop3A_586 = arith.constant 2 : i32
          %parallel_loop3A_587 = arith.index_cast %parallel_loop3A_584 : i32 to index
          %parallel_loop3A_588 = arith.index_cast %parallel_loop3A_585 : i32 to index
          %parallel_loop3A_589 = arith.index_cast %parallel_loop3A_586 : i32 to index
          %parallel_loop3A_590 = arith.index_cast %parallel_loop3A_449 : i32 to index
          %parallel_loop3A_591 = tpu.vector_load %arg5[%parallel_loop3A_587, %parallel_loop3A_588, %parallel_loop3A_589, %parallel_loop3A_590] {strides = array<i32>} : memref<6x2x4x1024xf32, #tpu.memory_space<vmem>>, vector<1x1x1x16xf32>,
          %parallel_loop3A_592 = vector.shape_cast %parallel_loop3A_591 : vector<1x1x1x16xf32> to vector<16xf32>
          %parallel_loop3A_593 = arith.addf %parallel_loop3A_592, %parallel_loop3A_543 : vector<16xf32>
          %parallel_loop3A_594 = arith.constant 5 : i32
          %parallel_loop3A_595 = arith.constant 1 : i32
          %parallel_loop3A_596 = arith.constant 2 : i32
          %parallel_loop3A_597 = arith.index_cast %parallel_loop3A_594 : i32 to index
          %parallel_loop3A_598 = arith.index_cast %parallel_loop3A_595 : i32 to index
          %parallel_loop3A_599 = arith.index_cast %parallel_loop3A_596 : i32 to index
          %parallel_loop3A_600 = arith.index_cast %parallel_loop3A_449 : i32 to index
          %parallel_loop3A_601 = tpu.vector_load %arg7[%parallel_loop3A_597, %parallel_loop3A_598, %parallel_loop3A_599, %parallel_loop3A_600] {strides = array<i32>} : memref<6x2x4x1024xf32, #tpu.memory_space<vmem>>, vector<1x1x1x16xf32>,
          %parallel_loop3A_602 = vector.shape_cast %parallel_loop3A_601 : vector<1x1x1x16xf32> to vector<16xf32>
          %parallel_loop3A_603 = vector.shape_cast %parallel_loop3A_593 : vector<16xf32> to vector<1x1x1x16xf32>
          tpu.vector_store %arg7[%parallel_loop3A_597, %parallel_loop3A_598, %parallel_loop3A_599, %parallel_loop3A_600], %parallel_loop3A_603 {strides = array<i32>} : memref<6x2x4x1024xf32, #tpu.memory_space<vmem>>, vector<1x1x1x16xf32>,
          %parallel_loop3A_604 = arith.constant 5 : i32
          %parallel_loop3A_605 = arith.constant 1 : i32
          %parallel_loop3A_606 = arith.constant 3 : i32
          %parallel_loop3A_607 = arith.index_cast %parallel_loop3A_604 : i32 to index
          %parallel_loop3A_608 = arith.index_cast %parallel_loop3A_605 : i32 to index
          %parallel_loop3A_609 = arith.index_cast %parallel_loop3A_606 : i32 to index
          %parallel_loop3A_610 = arith.index_cast %parallel_loop3A_449 : i32 to index
          %parallel_loop3A_611 = tpu.vector_load %arg5[%parallel_loop3A_607, %parallel_loop3A_608, %parallel_loop3A_609, %parallel_loop3A_610] {strides = array<i32>} : memref<6x2x4x1024xf32, #tpu.memory_space<vmem>>, vector<1x1x1x16xf32>,
          %parallel_loop3A_612 = vector.shape_cast %parallel_loop3A_611 : vector<1x1x1x16xf32> to vector<16xf32>
          %parallel_loop3A_613 = arith.addf %parallel_loop3A_612, %parallel_loop3A_543 : vector<16xf32>
          %parallel_loop3A_614 = arith.constant 5 : i32
          %parallel_loop3A_615 = arith.constant 1 : i32
          %parallel_loop3A_616 = arith.constant 3 : i32
          %parallel_loop3A_617 = arith.index_cast %parallel_loop3A_614 : i32 to index
          %parallel_loop3A_618 = arith.index_cast %parallel_loop3A_615 : i32 to index
          %parallel_loop3A_619 = arith.index_cast %parallel_loop3A_616 : i32 to index
          %parallel_loop3A_620 = arith.index_cast %parallel_loop3A_449 : i32 to index
          %parallel_loop3A_621 = tpu.vector_load %arg7[%parallel_loop3A_617, %parallel_loop3A_618, %parallel_loop3A_619, %parallel_loop3A_620] {strides = array<i32>} : memref<6x2x4x1024xf32, #tpu.memory_space<vmem>>, vector<1x1x1x16xf32>,
          %parallel_loop3A_622 = vector.shape_cast %parallel_loop3A_621 : vector<1x1x1x16xf32> to vector<16xf32>
          %parallel_loop3A_623 = vector.shape_cast %parallel_loop3A_613 : vector<16xf32> to vector<1x1x1x16xf32>
          tpu.vector_store %arg7[%parallel_loop3A_617, %parallel_loop3A_618, %parallel_loop3A_619, %parallel_loop3A_620], %parallel_loop3A_623 {strides = array<i32>} : memref<6x2x4x1024xf32, #tpu.memory_space<vmem>>, vector<1x1x1x16xf32>,
        } {sc.loop_unroll_factor = 1 : i64, sc.parallel_access}
        %mul3A_416 = arith.constant 2 : i32
        %mul3A_417 = arith.muli %add3A_365, %mul3A_416 : i32
        %add3A_418 = arith.addi %mul3A_2, %mul3A_417 : i32
        %dma_start3A_419 = arith.constant 5 : i32
        %dma_start3A_420 = arith.constant 5 : i32
        %dma_start3A_421 = arith.constant 0 : i32
        %dma_start3A_422 = arith.constant 0 : i32
        %dma_start3A_423 = arith.constant 0 : i32
        %dma_start3A_424 = tpu.memref_slice %arg7[%dma_start3A_419, %dma_start3A_421, %dma_start3A_422, %dma_start3A_423] : memref<6x2x4x1024xf32, #tpu.memory_space<vmem>> -> memref<1x2x4x1024xf32, #tpu.memory_space<vmem>>
        %dma_start3A_425 = tpu.memref_squeeze %dma_start3A_424 : memref<1x2x4x1024xf32, #tpu.memory_space<vmem>> -> memref<2x4x1024xf32, #tpu.memory_space<vmem>>
        %dma_start3A_426 = arith.constant 0 : i32
        %dma_start3A_427 = arith.constant 0 : i32
        %dma_start3A_428 = tpu.memref_slice %arg4[%add3A_418, %dma_start3A_426, %dma_start3A_427] : memref<8192x4x1024xf32, #tpu.memory_space<hbm>> -> memref<2x4x1024xf32, #tpu.memory_space<hbm>>
        %dma_start3A_429 = tpu.memref_slice %arg9[%dma_start3A_420] : memref<6x!tpu.dma_semaphore, #tpu.memory_space<semaphore_mem>> -> memref<1x!tpu.dma_semaphore, #tpu.memory_space<semaphore_mem>>
        %dma_start3A_430 = tpu.memref_squeeze %dma_start3A_429 : memref<1x!tpu.dma_semaphore, #tpu.memory_space<semaphore_mem>> -> memref<!tpu.dma_semaphore, #tpu.memory_space<semaphore_mem>>
        %dma_start3A_431 = arith.constant 0 : i32
        %dma_start3A_432 = arith.constant 0 : i32
        %dma_start3A_433 = tpu.memref_slice %arg4[%add3A_418, %dma_start3A_431, %dma_start3A_432] : memref<8192x4x1024xf32, #tpu.memory_space<hbm>> -> memref<2x4x1024xf32, #tpu.memory_space<hbm>>
        %dma_start3A_434 = arith.constant 0 : i32
        %dma_start3A_435 = arith.constant 0 : i32
        %dma_start3A_436 = arith.constant 0 : i32
        %dma_start3A_437 = tpu.memref_slice %arg7[%dma_start3A_419, %dma_start3A_434, %dma_start3A_435, %dma_start3A_436] : memref<6x2x4x1024xf32, #tpu.memory_space<vmem>> -> memref<1x2x4x1024xf32, #tpu.memory_space<vmem>>
        %dma_start3A_438 = tpu.memref_squeeze %dma_start3A_437 : memref<1x2x4x1024xf32, #tpu.memory_space<vmem>> -> memref<2x4x1024xf32, #tpu.memory_space<vmem>>
        tpu.enqueue_dma source(%dma_start3A_438 : memref<2x4x1024xf32, #tpu.memory_space<vmem>>) target(%dma_start3A_433 : memref<2x4x1024xf32, #tpu.memory_space<hbm>>) target_semaphore(%dma_start3A_430 : memref<!tpu.dma_semaphore, #tpu.memory_space<semaphore_mem>>)
        %add3A_439 = arith.constant 6 : i32
        %add3A_440 = arith.addi %add3A_365, %add3A_439 : i32
        %sub3A = arith.constant 1 : i32
        %sub3A_441 = arith.subi %add3A_440, %sub3A : i32
        %lt3A_442 = arith.constant 128 : i32
        %lt3A_443 = arith.cmpi slt, %sub3A_441, %lt3A_442 : i32
        %convert_element_type3A_444 = arith.extui %lt3A_443 : i1 to i32
        %cond3A_445 = arith.constant 0 : i32
        %cond3A_446 = arith.cmpi ne, %convert_element_type3A_444, %cond3A_445 : i32
        scf.if %cond3A_446 {
          %jit3A = arith.constant 6 : i32
          %eq3A = arith.constant 0 : i32
          %eq3A_447 = arith.cmpi eq, %jit3A, %eq3A : i32
          %jit3A_448 = arith.constant 1 : i32
          %select_n3A = arith.select %eq3A_447, %jit3A_448, %jit3A : i32
          %rem3A = arith.remsi %sub3A_441, %select_n3A : i32
          %ne3A = arith.constant 0 : i32
          %ne3A_449 = arith.cmpi ne, %rem3A, %ne3A : i32
          %lt3A_450 = arith.constant 0 : i32
          %lt3A_451 = arith.cmpi slt, %rem3A, %lt3A_450 : i32
          %lt3A_452 = arith.constant 0 : i32
          %lt3A_453 = arith.cmpi slt, %select_n3A, %lt3A_452 : i32
          %ne3A_454 = arith.xori %lt3A_451, %lt3A_453 : i1
          %and3A = arith.andi %ne3A_454, %ne3A_449 : i1
          %add3A_455 = arith.addi %rem3A, %select_n3A : i32
          %select_n3A_456 = arith.select %and3A, %add3A_455, %rem3A : i32
          %mul3A_457 = arith.constant 2 : i32
          %mul3A_458 = arith.muli %sub3A_441, %mul3A_457 : i32
          %add3A_459 = arith.addi %mul3A_2, %mul3A_458 : i32
          %dma_start3A_460 = arith.constant 0 : i32
          %dma_start3A_461 = arith.constant 0 : i32
          %dma_start3A_462 = arith.constant 0 : i32
          %dma_start3A_463 = tpu.memref_slice %arg5[%select_n3A_456, %dma_start3A_460, %dma_start3A_461, %dma_start3A_462] : memref<6x2x4x1024xf32, #tpu.memory_space<vmem>> -> memref<1x2x4x1024xf32, #tpu.memory_space<vmem>>
          %dma_start3A_464 = tpu.memref_squeeze %dma_start3A_463 : memref<1x2x4x1024xf32, #tpu.memory_space<vmem>> -> memref<2x4x1024xf32, #tpu.memory_space<vmem>>
          %dma_start3A_465 = arith.constant 0 : i32
          %dma_start3A_466 = arith.constant 0 : i32
          %dma_start3A_467 = tpu.memref_slice %arg2[%add3A_459, %dma_start3A_465, %dma_start3A_466] : memref<8192x4x1024xf32, #tpu.memory_space<hbm>> -> memref<2x4x1024xf32, #tpu.memory_space<hbm>>
          %dma_start3A_468 = tpu.memref_slice %arg8[%select_n3A_456] : memref<6x!tpu.dma_semaphore, #tpu.memory_space<semaphore_mem>> -> memref<1x!tpu.dma_semaphore, #tpu.memory_space<semaphore_mem>>
          %dma_start3A_469 = tpu.memref_squeeze %dma_start3A_468 : memref<1x!tpu.dma_semaphore, #tpu.memory_space<semaphore_mem>> -> memref<!tpu.dma_semaphore, #tpu.memory_space<semaphore_mem>>
          %dma_start3A_470 = arith.constant 0 : i32
          %dma_start3A_471 = arith.constant 0 : i32
          %dma_start3A_472 = arith.constant 0 : i32
          %dma_start3A_473 = tpu.memref_slice %arg5[%select_n3A_456, %dma_start3A_470, %dma_start3A_471, %dma_start3A_472] : memref<6x2x4x1024xf32, #tpu.memory_space<vmem>> -> memref<1x2x4x1024xf32, #tpu.memory_space<vmem>>
          %dma_start3A_474 = tpu.memref_squeeze %dma_start3A_473 : memref<1x2x4x1024xf32, #tpu.memory_space<vmem>> -> memref<2x4x1024xf32, #tpu.memory_space<vmem>>
          %dma_start3A_475 = arith.constant 0 : i32
          %dma_start3A_476 = arith.constant 0 : i32
          %dma_start3A_477 = tpu.memref_slice %arg2[%add3A_459, %dma_start3A_475, %dma_start3A_476] : memref<8192x4x1024xf32, #tpu.memory_space<hbm>> -> memref<2x4x1024xf32, #tpu.memory_space<hbm>>
          tpu.enqueue_dma source(%dma_start3A_477 : memref<2x4x1024xf32, #tpu.memory_space<hbm>>) target(%dma_start3A_474 : memref<2x4x1024xf32, #tpu.memory_space<vmem>>) target_semaphore(%dma_start3A_469 : memref<!tpu.dma_semaphore, #tpu.memory_space<semaphore_mem>>)
          %dma_start3A_478 = arith.constant 0 : i32
          %dma_start3A_479 = arith.constant 0 : i32
          %dma_start3A_480 = tpu.memref_slice %arg6[%select_n3A_456, %dma_start3A_478, %dma_start3A_479] : memref<6x2x1024xf32, #tpu.memory_space<vmem>> -> memref<1x2x1024xf32, #tpu.memory_space<vmem>>
          %dma_start3A_481 = tpu.memref_squeeze %dma_start3A_480 : memref<1x2x1024xf32, #tpu.memory_space<vmem>> -> memref<2x1024xf32, #tpu.memory_space<vmem>>
          %dma_start3A_482 = arith.constant 0 : i32
          %dma_start3A_483 = tpu.memref_slice %arg3[%add3A_459, %dma_start3A_482] : memref<8192x1024xf32, #tpu.memory_space<hbm>> -> memref<2x1024xf32, #tpu.memory_space<hbm>>
          %dma_start3A_484 = tpu.memref_slice %arg8[%select_n3A_456] : memref<6x!tpu.dma_semaphore, #tpu.memory_space<semaphore_mem>> -> memref<1x!tpu.dma_semaphore, #tpu.memory_space<semaphore_mem>>
          %dma_start3A_485 = tpu.memref_squeeze %dma_start3A_484 : memref<1x!tpu.dma_semaphore, #tpu.memory_space<semaphore_mem>> -> memref<!tpu.dma_semaphore, #tpu.memory_space<semaphore_mem>>
          %dma_start3A_486 = arith.constant 0 : i32
          %dma_start3A_487 = arith.constant 0 : i32
          %dma_start3A_488 = tpu.memref_slice %arg6[%select_n3A_456, %dma_start3A_486, %dma_start3A_487] : memref<6x2x1024xf32, #tpu.memory_space<vmem>> -> memref<1x2x1024xf32, #tpu.memory_space<vmem>>
          %dma_start3A_489 = tpu.memref_squeeze %dma_start3A_488 : memref<1x2x1024xf32, #tpu.memory_space<vmem>> -> memref<2x1024xf32, #tpu.memory_space<vmem>>
          %dma_start3A_490 = arith.constant 0 : i32
          %dma_start3A_491 = tpu.memref_slice %arg3[%add3A_459, %dma_start3A_490] : memref<8192x1024xf32, #tpu.memory_space<hbm>> -> memref<2x1024xf32, #tpu.memory_space<hbm>>
          tpu.enqueue_dma source(%dma_start3A_491 : memref<2x1024xf32, #tpu.memory_space<hbm>>) target(%dma_start3A_489 : memref<2x1024xf32, #tpu.memory_space<vmem>>) target_semaphore(%dma_start3A_485 : memref<!tpu.dma_semaphore, #tpu.memory_space<semaphore_mem>>)
        } else {
        }
      } else {
      }
    }
    %scan3A_195 = arith.constant 22 : i32
    %add3A_196 = arith.constant 244 : i32
    %add3A_197 = arith.addi %mul3A_2, %add3A_196 : i32
    %dma_wait3A = arith.constant 2 : i32
    %dma_wait3A_198 = arith.constant 2 : i32
    %dma_wait3A_199 = arith.constant 0 : i32
    %dma_wait3A_200 = arith.constant 0 : i32
    %dma_wait3A_201 = arith.constant 0 : i32
    %dma_wait3A_202 = tpu.memref_slice %arg7[%dma_wait3A, %dma_wait3A_199, %dma_wait3A_200, %dma_wait3A_201] : memref<6x2x4x1024xf32, #tpu.memory_space<vmem>> -> memref<1x2x4x1024xf32, #tpu.memory_space<vmem>>
    %dma_wait3A_203 = tpu.memref_squeeze %dma_wait3A_202 : memref<1x2x4x1024xf32, #tpu.memory_space<vmem>> -> memref<2x4x1024xf32, #tpu.memory_space<vmem>>
    %dma_wait3A_204 = arith.constant 0 : i32
    %dma_wait3A_205 = arith.constant 0 : i32
    %dma_wait3A_206 = tpu.memref_slice %arg4[%add3A_197, %dma_wait3A_204, %dma_wait3A_205] : memref<8192x4x1024xf32, #tpu.memory_space<hbm>> -> memref<2x4x1024xf32, #tpu.memory_space<hbm>>
    %dma_wait3A_207 = tpu.memref_slice %arg9[%dma_wait3A_198] : memref<6x!tpu.dma_semaphore, #tpu.memory_space<semaphore_mem>> -> memref<1x!tpu.dma_semaphore, #tpu.memory_space<semaphore_mem>>
    %dma_wait3A_208 = tpu.memref_squeeze %dma_wait3A_207 : memref<1x!tpu.dma_semaphore, #tpu.memory_space<semaphore_mem>> -> memref<!tpu.dma_semaphore, #tpu.memory_space<semaphore_mem>>
    %dma_wait3A_209 = arith.constant 0 : i32
    %dma_wait3A_210 = arith.constant 0 : i32
    %dma_wait3A_211 = tpu.memref_slice %arg4[%add3A_197, %dma_wait3A_209, %dma_wait3A_210] : memref<8192x4x1024xf32, #tpu.memory_space<hbm>> -> memref<2x4x1024xf32, #tpu.memory_space<hbm>>
    %dma_wait3A_212 = arith.constant 0 : i32
    %dma_wait3A_213 = arith.constant 0 : i32
    %dma_wait3A_214 = arith.constant 0 : i32
    %dma_wait3A_215 = tpu.memref_slice %arg7[%dma_wait3A, %dma_wait3A_212, %dma_wait3A_213, %dma_wait3A_214] : memref<6x2x4x1024xf32, #tpu.memory_space<vmem>> -> memref<1x2x4x1024xf32, #tpu.memory_space<vmem>>
    %dma_wait3A_216 = tpu.memref_squeeze %dma_wait3A_215 : memref<1x2x4x1024xf32, #tpu.memory_space<vmem>> -> memref<2x4x1024xf32, #tpu.memory_space<vmem>>
    tpu.wait_dma2 semaphore(%dma_wait3A_208 : memref<!tpu.dma_semaphore, #tpu.memory_space<semaphore_mem>>) src(%dma_wait3A_216 : memref<2x4x1024xf32, #tpu.memory_space<vmem>>) dst(%dma_wait3A_211 : memref<2x4x1024xf32, #tpu.memory_space<hbm>>)
    %add3A_217 = arith.constant 246 : i32
    %add3A_218 = arith.addi %mul3A_2, %add3A_217 : i32
    %dma_wait3A_219 = arith.constant 3 : i32
    %dma_wait3A_220 = arith.constant 3 : i32
    %dma_wait3A_221 = arith.constant 0 : i32
    %dma_wait3A_222 = arith.constant 0 : i32
    %dma_wait3A_223 = arith.constant 0 : i32
    %dma_wait3A_224 = tpu.memref_slice %arg7[%dma_wait3A_219, %dma_wait3A_221, %dma_wait3A_222, %dma_wait3A_223] : memref<6x2x4x1024xf32, #tpu.memory_space<vmem>> -> memref<1x2x4x1024xf32, #tpu.memory_space<vmem>>
    %dma_wait3A_225 = tpu.memref_squeeze %dma_wait3A_224 : memref<1x2x4x1024xf32, #tpu.memory_space<vmem>> -> memref<2x4x1024xf32, #tpu.memory_space<vmem>>
    %dma_wait3A_226 = arith.constant 0 : i32
    %dma_wait3A_227 = arith.constant 0 : i32
    %dma_wait3A_228 = tpu.memref_slice %arg4[%add3A_218, %dma_wait3A_226, %dma_wait3A_227] : memref<8192x4x1024xf32, #tpu.memory_space<hbm>> -> memref<2x4x1024xf32, #tpu.memory_space<hbm>>
    %dma_wait3A_229 = tpu.memref_slice %arg9[%dma_wait3A_220] : memref<6x!tpu.dma_semaphore, #tpu.memory_space<semaphore_mem>> -> memref<1x!tpu.dma_semaphore, #tpu.memory_space<semaphore_mem>>
    %dma_wait3A_230 = tpu.memref_squeeze %dma_wait3A_229 : memref<1x!tpu.dma_semaphore, #tpu.memory_space<semaphore_mem>> -> memref<!tpu.dma_semaphore, #tpu.memory_space<semaphore_mem>>
    %dma_wait3A_231 = arith.constant 0 : i32
    %dma_wait3A_232 = arith.constant 0 : i32
    %dma_wait3A_233 = tpu.memref_slice %arg4[%add3A_218, %dma_wait3A_231, %dma_wait3A_232] : memref<8192x4x1024xf32, #tpu.memory_space<hbm>> -> memref<2x4x1024xf32, #tpu.memory_space<hbm>>
    %dma_wait3A_234 = arith.constant 0 : i32
    %dma_wait3A_235 = arith.constant 0 : i32
    %dma_wait3A_236 = arith.constant 0 : i32
    %dma_wait3A_237 = tpu.memref_slice %arg7[%dma_wait3A_219, %dma_wait3A_234, %dma_wait3A_235, %dma_wait3A_236] : memref<6x2x4x1024xf32, #tpu.memory_space<vmem>> -> memref<1x2x4x1024xf32, #tpu.memory_space<vmem>>
    %dma_wait3A_238 = tpu.memref_squeeze %dma_wait3A_237 : memref<1x2x4x1024xf32, #tpu.memory_space<vmem>> -> memref<2x4x1024xf32, #tpu.memory_space<vmem>>
    tpu.wait_dma2 semaphore(%dma_wait3A_230 : memref<!tpu.dma_semaphore, #tpu.memory_space<semaphore_mem>>) src(%dma_wait3A_238 : memref<2x4x1024xf32, #tpu.memory_space<vmem>>) dst(%dma_wait3A_233 : memref<2x4x1024xf32, #tpu.memory_space<hbm>>)
    %add3A_239 = arith.constant 248 : i32
    %add3A_240 = arith.addi %mul3A_2, %add3A_239 : i32
    %dma_wait3A_241 = arith.constant 4 : i32
    %dma_wait3A_242 = arith.constant 4 : i32
    %dma_wait3A_243 = arith.constant 0 : i32
    %dma_wait3A_244 = arith.constant 0 : i32
    %dma_wait3A_245 = arith.constant 0 : i32
    %dma_wait3A_246 = tpu.memref_slice %arg7[%dma_wait3A_241, %dma_wait3A_243, %dma_wait3A_244, %dma_wait3A_245] : memref<6x2x4x1024xf32, #tpu.memory_space<vmem>> -> memref<1x2x4x1024xf32, #tpu.memory_space<vmem>>
    %dma_wait3A_247 = tpu.memref_squeeze %dma_wait3A_246 : memref<1x2x4x1024xf32, #tpu.memory_space<vmem>> -> memref<2x4x1024xf32, #tpu.memory_space<vmem>>
    %dma_wait3A_248 = arith.constant 0 : i32
    %dma_wait3A_249 = arith.constant 0 : i32
    %dma_wait3A_250 = tpu.memref_slice %arg4[%add3A_240, %dma_wait3A_248, %dma_wait3A_249] : memref<8192x4x1024xf32, #tpu.memory_space<hbm>> -> memref<2x4x1024xf32, #tpu.memory_space<hbm>>
    %dma_wait3A_251 = tpu.memref_slice %arg9[%dma_wait3A_242] : memref<6x!tpu.dma_semaphore, #tpu.memory_space<semaphore_mem>> -> memref<1x!tpu.dma_semaphore, #tpu.memory_space<semaphore_mem>>
    %dma_wait3A_252 = tpu.memref_squeeze %dma_wait3A_251 : memref<1x!tpu.dma_semaphore, #tpu.memory_space<semaphore_mem>> -> memref<!tpu.dma_semaphore, #tpu.memory_space<semaphore_mem>>
    %dma_wait3A_253 = arith.constant 0 : i32
    %dma_wait3A_254 = arith.constant 0 : i32
    %dma_wait3A_255 = tpu.memref_slice %arg4[%add3A_240, %dma_wait3A_253, %dma_wait3A_254] : memref<8192x4x1024xf32, #tpu.memory_space<hbm>> -> memref<2x4x1024xf32, #tpu.memory_space<hbm>>
    %dma_wait3A_256 = arith.constant 0 : i32
    %dma_wait3A_257 = arith.constant 0 : i32
    %dma_wait3A_258 = arith.constant 0 : i32
    %dma_wait3A_259 = tpu.memref_slice %arg7[%dma_wait3A_241, %dma_wait3A_256, %dma_wait3A_257, %dma_wait3A_258] : memref<6x2x4x1024xf32, #tpu.memory_space<vmem>> -> memref<1x2x4x1024xf32, #tpu.memory_space<vmem>>
    %dma_wait3A_260 = tpu.memref_squeeze %dma_wait3A_259 : memref<1x2x4x1024xf32, #tpu.memory_space<vmem>> -> memref<2x4x1024xf32, #tpu.memory_space<vmem>>
    tpu.wait_dma2 semaphore(%dma_wait3A_252 : memref<!tpu.dma_semaphore, #tpu.memory_space<semaphore_mem>>) src(%dma_wait3A_260 : memref<2x4x1024xf32, #tpu.memory_space<vmem>>) dst(%dma_wait3A_255 : memref<2x4x1024xf32, #tpu.memory_space<hbm>>)
    %add3A_261 = arith.constant 250 : i32
    %add3A_262 = arith.addi %mul3A_2, %add3A_261 : i32
    %dma_wait3A_263 = arith.constant 5 : i32
    %dma_wait3A_264 = arith.constant 5 : i32
    %dma_wait3A_265 = arith.constant 0 : i32
    %dma_wait3A_266 = arith.constant 0 : i32
    %dma_wait3A_267 = arith.constant 0 : i32
    %dma_wait3A_268 = tpu.memref_slice %arg7[%dma_wait3A_263, %dma_wait3A_265, %dma_wait3A_266, %dma_wait3A_267] : memref<6x2x4x1024xf32, #tpu.memory_space<vmem>> -> memref<1x2x4x1024xf32, #tpu.memory_space<vmem>>
    %dma_wait3A_269 = tpu.memref_squeeze %dma_wait3A_268 : memref<1x2x4x1024xf32, #tpu.memory_space<vmem>> -> memref<2x4x1024xf32, #tpu.memory_space<vmem>>
    %dma_wait3A_270 = arith.constant 0 : i32
    %dma_wait3A_271 = arith.constant 0 : i32
    %dma_wait3A_272 = tpu.memref_slice %arg4[%add3A_262, %dma_wait3A_270, %dma_wait3A_271] : memref<8192x4x1024xf32, #tpu.memory_space<hbm>> -> memref<2x4x1024xf32, #tpu.memory_space<hbm>>
    %dma_wait3A_273 = tpu.memref_slice %arg9[%dma_wait3A_264] : memref<6x!tpu.dma_semaphore, #tpu.memory_space<semaphore_mem>> -> memref<1x!tpu.dma_semaphore, #tpu.memory_space<semaphore_mem>>
    %dma_wait3A_274 = tpu.memref_squeeze %dma_wait3A_273 : memref<1x!tpu.dma_semaphore, #tpu.memory_space<semaphore_mem>> -> memref<!tpu.dma_semaphore, #tpu.memory_space<semaphore_mem>>
    %dma_wait3A_275 = arith.constant 0 : i32
    %dma_wait3A_276 = arith.constant 0 : i32
    %dma_wait3A_277 = tpu.memref_slice %arg4[%add3A_262, %dma_wait3A_275, %dma_wait3A_276] : memref<8192x4x1024xf32, #tpu.memory_space<hbm>> -> memref<2x4x1024xf32, #tpu.memory_space<hbm>>
    %dma_wait3A_278 = arith.constant 0 : i32
    %dma_wait3A_279 = arith.constant 0 : i32
    %dma_wait3A_280 = arith.constant 0 : i32
    %dma_wait3A_281 = tpu.memref_slice %arg7[%dma_wait3A_263, %dma_wait3A_278, %dma_wait3A_279, %dma_wait3A_280] : memref<6x2x4x1024xf32, #tpu.memory_space<vmem>> -> memref<1x2x4x1024xf32, #tpu.memory_space<vmem>>
    %dma_wait3A_282 = tpu.memref_squeeze %dma_wait3A_281 : memref<1x2x4x1024xf32, #tpu.memory_space<vmem>> -> memref<2x4x1024xf32, #tpu.memory_space<vmem>>
    tpu.wait_dma2 semaphore(%dma_wait3A_274 : memref<!tpu.dma_semaphore, #tpu.memory_space<semaphore_mem>>) src(%dma_wait3A_282 : memref<2x4x1024xf32, #tpu.memory_space<vmem>>) dst(%dma_wait3A_277 : memref<2x4x1024xf32, #tpu.memory_space<hbm>>)
    %add3A_283 = arith.constant 252 : i32
    %add3A_284 = arith.addi %mul3A_2, %add3A_283 : i32
    %dma_wait3A_285 = arith.constant 0 : i32
    %dma_wait3A_286 = arith.constant 0 : i32
    %dma_wait3A_287 = arith.constant 0 : i32
    %dma_wait3A_288 = arith.constant 0 : i32
    %dma_wait3A_289 = arith.constant 0 : i32
    %dma_wait3A_290 = tpu.memref_slice %arg7[%dma_wait3A_285, %dma_wait3A_287, %dma_wait3A_288, %dma_wait3A_289] : memref<6x2x4x1024xf32, #tpu.memory_space<vmem>> -> memref<1x2x4x1024xf32, #tpu.memory_space<vmem>>
    %dma_wait3A_291 = tpu.memref_squeeze %dma_wait3A_290 : memref<1x2x4x1024xf32, #tpu.memory_space<vmem>> -> memref<2x4x1024xf32, #tpu.memory_space<vmem>>
    %dma_wait3A_292 = arith.constant 0 : i32
    %dma_wait3A_293 = arith.constant 0 : i32
    %dma_wait3A_294 = tpu.memref_slice %arg4[%add3A_284, %dma_wait3A_292, %dma_wait3A_293] : memref<8192x4x1024xf32, #tpu.memory_space<hbm>> -> memref<2x4x1024xf32, #tpu.memory_space<hbm>>
    %dma_wait3A_295 = tpu.memref_slice %arg9[%dma_wait3A_286] : memref<6x!tpu.dma_semaphore, #tpu.memory_space<semaphore_mem>> -> memref<1x!tpu.dma_semaphore, #tpu.memory_space<semaphore_mem>>
    %dma_wait3A_296 = tpu.memref_squeeze %dma_wait3A_295 : memref<1x!tpu.dma_semaphore, #tpu.memory_space<semaphore_mem>> -> memref<!tpu.dma_semaphore, #tpu.memory_space<semaphore_mem>>
    %dma_wait3A_297 = arith.constant 0 : i32
    %dma_wait3A_298 = arith.constant 0 : i32
    %dma_wait3A_299 = tpu.memref_slice %arg4[%add3A_284, %dma_wait3A_297, %dma_wait3A_298] : memref<8192x4x1024xf32, #tpu.memory_space<hbm>> -> memref<2x4x1024xf32, #tpu.memory_space<hbm>>
    %dma_wait3A_300 = arith.constant 0 : i32
    %dma_wait3A_301 = arith.constant 0 : i32
    %dma_wait3A_302 = arith.constant 0 : i32
    %dma_wait3A_303 = tpu.memref_slice %arg7[%dma_wait3A_285, %dma_wait3A_300, %dma_wait3A_301, %dma_wait3A_302] : memref<6x2x4x1024xf32, #tpu.memory_space<vmem>> -> memref<1x2x4x1024xf32, #tpu.memory_space<vmem>>
    %dma_wait3A_304 = tpu.memref_squeeze %dma_wait3A_303 : memref<1x2x4x1024xf32, #tpu.memory_space<vmem>> -> memref<2x4x1024xf32, #tpu.memory_space<vmem>>
    tpu.wait_dma2 semaphore(%dma_wait3A_296 : memref<!tpu.dma_semaphore, #tpu.memory_space<semaphore_mem>>) src(%dma_wait3A_304 : memref<2x4x1024xf32, #tpu.memory_space<vmem>>) dst(%dma_wait3A_299 : memref<2x4x1024xf32, #tpu.memory_space<hbm>>)
    %add3A_305 = arith.constant 254 : i32
    %add3A_306 = arith.addi %mul3A_2, %add3A_305 : i32
    %dma_wait3A_307 = arith.constant 1 : i32
    %dma_wait3A_308 = arith.constant 1 : i32
    %dma_wait3A_309 = arith.constant 0 : i32
    %dma_wait3A_310 = arith.constant 0 : i32
    %dma_wait3A_311 = arith.constant 0 : i32
    %dma_wait3A_312 = tpu.memref_slice %arg7[%dma_wait3A_307, %dma_wait3A_309, %dma_wait3A_310, %dma_wait3A_311] : memref<6x2x4x1024xf32, #tpu.memory_space<vmem>> -> memref<1x2x4x1024xf32, #tpu.memory_space<vmem>>
    %dma_wait3A_313 = tpu.memref_squeeze %dma_wait3A_312 : memref<1x2x4x1024xf32, #tpu.memory_space<vmem>> -> memref<2x4x1024xf32, #tpu.memory_space<vmem>>
    %dma_wait3A_314 = arith.constant 0 : i32
    %dma_wait3A_315 = arith.constant 0 : i32
    %dma_wait3A_316 = tpu.memref_slice %arg4[%add3A_306, %dma_wait3A_314, %dma_wait3A_315] : memref<8192x4x1024xf32, #tpu.memory_space<hbm>> -> memref<2x4x1024xf32, #tpu.memory_space<hbm>>
    %dma_wait3A_317 = tpu.memref_slice %arg9[%dma_wait3A_308] : memref<6x!tpu.dma_semaphore, #tpu.memory_space<semaphore_mem>> -> memref<1x!tpu.dma_semaphore, #tpu.memory_space<semaphore_mem>>
    %dma_wait3A_318 = tpu.memref_squeeze %dma_wait3A_317 : memref<1x!tpu.dma_semaphore, #tpu.memory_space<semaphore_mem>> -> memref<!tpu.dma_semaphore, #tpu.memory_space<semaphore_mem>>
    %dma_wait3A_319 = arith.constant 0 : i32
    %dma_wait3A_320 = arith.constant 0 : i32
    %dma_wait3A_321 = tpu.memref_slice %arg4[%add3A_306, %dma_wait3A_319, %dma_wait3A_320] : memref<8192x4x1024xf32, #tpu.memory_space<hbm>> -> memref<2x4x1024xf32, #tpu.memory_space<hbm>>
    %dma_wait3A_322 = arith.constant 0 : i32
    %dma_wait3A_323 = arith.constant 0 : i32
    %dma_wait3A_324 = arith.constant 0 : i32
    %dma_wait3A_325 = tpu.memref_slice %arg7[%dma_wait3A_307, %dma_wait3A_322, %dma_wait3A_323, %dma_wait3A_324] : memref<6x2x4x1024xf32, #tpu.memory_space<vmem>> -> memref<1x2x4x1024xf32, #tpu.memory_space<vmem>>
    %dma_wait3A_326 = tpu.memref_squeeze %dma_wait3A_325 : memref<1x2x4x1024xf32, #tpu.memory_space<vmem>> -> memref<2x4x1024xf32, #tpu.memory_space<vmem>>
    tpu.wait_dma2 semaphore(%dma_wait3A_318 : memref<!tpu.dma_semaphore, #tpu.memory_space<semaphore_mem>>) src(%dma_wait3A_326 : memref<2x4x1024xf32, #tpu.memory_space<vmem>>) dst(%dma_wait3A_321 : memref<2x4x1024xf32, #tpu.memory_space<hbm>>)
    return
  }
}

</mosaic_0001>

<sc_bundles>
// kernel: kernel.3.cloned.1.call-start
scs
__scs_entry_jumppad:
0x0: {  	(pc) =	sbr.rel $0x88, $3  }
0x1: {  	(tag) =	ssettag $0x0;
	lr =	simm.s32 $0x1  }
0x2: {  	[smem:$0x3F9F] =	sst lr;
	_ =	strace $0xD0000000  }
0x3: {  	_ = 	snop  }
0x4: {  	_ = 	snop  }
0x5: {  	_ = 	snop  }
0x6: {  	_ = 	snop  }
0x7: {  	_ = 	snop  }
__scs_overlays_trampoline_lowered:
0x8: {  	[smem:$0x3FAE] =	sst s0  }
0x9: {  	[smem:$0x3FAF] =	sst s1  }
0xa: {  	[smem:$0x3FB0] =	sst s2  }
0xb: {  	[smem:$0x3FB1] =	sst s3  }
0xc: {  	[smem:$0x3FB2] =	sst s4  }
0xd: {  	[smem:$0x3FB3] =	sst s5  }
0xe: {  	[smem:$0x3FB4] =	sst s6  }
0xf: {  	[smem:$0x3FB5] =	sst s7  }
0x10: {  	[smem:$0x3FB6] =	sst s8  }
0x11: {  	[smem:$0x3FB7] =	sst s9;
	s0 =	simm.s32 @!p0 $0x0  }
0x12: {  	s1 =	sld [smem:$0x3F9D];
	s0 =	simm.s32 @p0 $0x1  }
0x13: {  	[smem:$0x3FB8] =	sst s0;
	s0 =	simm.s32 @!p1 $0x0  }
0x14: {  	s2 =	sld [smem:$0x3F9C];
	s0 =	simm.s32 @p1 $0x1  }
0x15: {  	[smem:$0x3FB9] =	sst s0;
	s0 =	simm.s32 @!p2 $0x0  }
0x16: {  	s3 =	sld [smem:$0x3FDB];
	s0 =	simm.s32 @p2 $0x1  }
0x17: {  	s4 =	simm.s32 $0x1BF5;
	[smem:$0x3FBB] =	sst s0  }
0x18: {  	s0 =	sld [smem:$0x3F9E];
	_ =	swait.ge [sflag:s4], $0x0  }
0x19: {  	s7 =	sld [smem:$0x3F9F]  }
0x1a: {  	s8 =	sadd.s32 $0xFFFFE003, lr  }
0x1b: {  	s9 =	sadd.s32 $0xFFFFFEF7, lr;
	s5 =	simm.s32 $0xFFFFFFFF;
	p2 =	slt.u32 s8, $0xFFFFF086  }
0x1c: {  	p1 =	slt.u32 s9, $0xF7A;
	s5 =	simm.s32 @!p2 $0x0  }
0x1d: {  	s5 =	simm.s32 @p1 $0x1;
	p0 =	seq.s32 s7, s2  }
0x1e: {  	s7 =	smul.u32 @!p0 $0xF7A, s2;
	p2 =	seq.s32 @!p0 s5, $0x0  }
0x1f: {  	s9 =	smul.u32 $0xF7A, s1;
	s8 =	simm.s32 @!p0 $0x1BF5;
	p2 =	por !p2, p0  }
0x20: {  	[sflag:s8] =	ssyncset.s32 @!p0 $0xFFFFF086;
	s6 =	sadd.s32 @!p0 s3, s7;
	s7 =	simm.s32 @!p0 $0x108  }
0x21: {  	s3 =	sadd.s32 s3, s9;
	s6 =	sadd.s32 @!p0 $0x88, s6;
	s7 =	simm.s32 @p2 $0x1082  }
0x22: {  	[simem:s7], [sflag:s8] =	dma.local @!p0 [hbm:s6], $0xF7A  }
0x23: {  	s9 =	sor.u32 $0xD0000000, s2;
	s6 =	simm.s32 $0x108;
	_ =	swait.ge @!p0 [sflag:s8], $0x0  }
0x24: {  	s3 =	sadd.s32 $0x88, s3;
	s6 =	simm.s32 @!p1 $0x1082;
	[sflag:s4] =	ssyncset.s32 $0xFFFFF086  }
0x25: {  	[simem:s6], [sflag:s4] =	dma.local [hbm:s3], $0xF7A  }
0x26: {  	[smem:$0x3F9F] =	sst s1;
	(tag) =	ssettag s2;
	_ =	strace s9  }
0x27: {  	s1 =	sld [smem:$0x3FAF]  }
0x28: {  	s2 =	sld [smem:$0x3FB0]  }
0x29: {  	s4 =	sld [smem:$0x3FB2]  }
0x2a: {  	p0 =	seq.s32 s5, $0x0;
	s5 =	sld [smem:$0x3FB3]  }
0x2b: {  	s6 =	sld [smem:$0x3FB4]  }
0x2c: {  	s7 =	sld [smem:$0x3FB5]  }
0x2d: {  	s3 =	simm.s32 $0x108;
	s8 =	sld [smem:$0x3FB6]  }
0x2e: {  	s3 =	simm.s32 @!p0 $0x1082;
	s9 =	sld [smem:$0x3FB7]  }
0x2f: {  	lr =	sadd.s32 s0, s3;
	s0 =	sld [smem:$0x3FAE]  }
0x30: {  	s3 =	sld [smem:$0x3FB1]  }
0x31: {  	[smem:$0x3FBA] =	sst s10  }
0x32: {  	s10 =	sld [smem:$0x3FB8];
	_ =	sdelay $0x3  }
0x33: {  	p0 =	seq.s32 s10, $0x1;
	s10 =	sld [smem:$0x3FBA];
	_ =	sdelay $0x3  }
0x34: {  	[smem:$0x3FBA] =	sst s10  }
0x35: {  	s10 =	sld [smem:$0x3FB9];
	_ =	sdelay $0x3  }
0x36: {  	p1 =	seq.s32 s10, $0x1;
	s10 =	sld [smem:$0x3FBA];
	_ =	sdelay $0x3  }
0x37: {  	[smem:$0x3FBA] =	sst s10  }
0x38: {  	s10 =	sld [smem:$0x3FBB]  }
0x39: {  	_ = 	snop;
	(pc) =	sbr.ind lr, $3  }
0x3a: {  	_ = 	snop  }
0x3b: {  	_ = 	snop  }
0x3c: {  	p2 =	seq.s32 s10, $0x1;
	s10 =	sld [smem:$0x3FBA]  }
0x3d: {  	_ =	shalt  }
0x3e: {  	_ =	shalt  }
0x3f: {  	_ =	shalt  }
0x40: {  	_ =	shalt  }
0x41: {  	_ =	shalt  }
0x42: {  	_ =	shalt  }
0x43: {  	_ =	shalt  }
0x44: {  	_ =	shalt  }
0x45: {  	_ =	shalt  }
0x46: {  	_ =	shalt  }
0x47: {  	_ =	shalt  }
0x48: {  	_ =	shalt  }
0x49: {  	_ =	shalt  }
0x4a: {  	_ =	shalt  }
0x4b: {  	_ =	shalt  }
0x4c: {  	_ =	shalt  }
0x4d: {  	_ =	shalt  }
0x4e: {  	_ =	shalt  }
0x4f: {  	_ =	shalt  }
0x50: {  	_ =	shalt  }
0x51: {  	_ =	shalt  }
0x52: {  	_ =	shalt  }
0x53: {  	_ =	shalt  }
0x54: {  	_ =	shalt  }
0x55: {  	_ =	shalt  }
0x56: {  	_ =	shalt  }
0x57: {  	_ =	shalt  }
0x58: {  	_ =	shalt  }
0x59: {  	_ =	shalt  }
0x5a: {  	_ =	shalt  }
0x5b: {  	_ =	shalt  }
0x5c: {  	_ =	shalt  }
0x5d: {  	_ =	shalt  }
0x5e: {  	_ =	shalt  }
0x5f: {  	_ =	shalt  }
0x60: {  	_ =	shalt  }
0x61: {  	_ =	shalt  }
0x62: {  	_ =	shalt  }
0x63: {  	_ =	shalt  }
0x64: {  	_ =	shalt  }
0x65: {  	_ =	shalt  }
0x66: {  	_ =	shalt  }
0x67: {  	_ =	shalt  }
0x68: {  	_ =	shalt  }
0x69: {  	_ =	shalt  }
0x6a: {  	_ =	shalt  }
0x6b: {  	_ =	shalt  }
0x6c: {  	_ =	shalt  }
0x6d: {  	_ =	shalt  }
0x6e: {  	_ =	shalt  }
0x6f: {  	_ =	shalt  }
0x70: {  	_ =	shalt  }
0x71: {  	_ =	shalt  }
0x72: {  	_ =	shalt  }
0x73: {  	_ =	shalt  }
0x74: {  	_ =	shalt  }
0x75: {  	_ =	shalt  }
0x76: {  	_ =	shalt  }
0x77: {  	_ =	shalt  }
0x78: {  	_ =	shalt  }
0x79: {  	_ =	shalt  }
0x7a: {  	_ =	shalt  }
0x7b: {  	_ =	shalt  }
0x7c: {  	_ =	shalt  }
0x7d: {  	_ =	shalt  }
0x7e: {  	_ =	shalt  }
0x7f: {  	_ =	shalt  }
0x80: {  	_ =	shalt  }
0x81: {  	_ =	shalt  }
0x82: {  	_ =	shalt  }
0x83: {  	_ =	shalt  }
0x84: {  	_ =	shalt  }
0x85: {  	_ =	shalt  }
0x86: {  	_ =	shalt  }
0x87: {  	_ =	shalt  }
.Lfunc_end0:
.L_simem_size_0:
called_computation_lowered:
.L_overlay_start_0:
0x88: {  	s2 =	sld [smem:$0x3FD9]  }
0x89: {  	s3 =	sld [smem:$0x3FFE];
	_ =	sdelay $0x1  }
0x8a: {  	s1 =	srdreg.scid  }
0x8b: {  	s0 =	sand.u32 $0x1, s1  }
0x8c: {  	s18 =	sshll.u32 s0, $0xA;
	s2 =	sadd.s32 s3, s2  }
0x8d: {  	s2 =	sadd.s32 s2, s18  }
0x8e: {  	[smem:$0x3FC6] =	sst s2  }
0x8f: {  	_ = 	snop  }
0x90: {  	s2 =	sld [smem:$0x3FC9]  }
0x91: {  	s19 =	sld [smem:$0x3FC8]  }
0x92: {  	s4 =	sld [smem:$0x3FD0];
	(tm) =	ssettm $0x1  }
0x93: {  	s5 =	sld [smem:$0x3FFB];
	_ =	sdelay $0x3  }
0x94: {  	_ =	strace s5  }
0x95: {  	s5 =	sld [smem:$0x3FFC];
	_ =	sdelay $0x3  }
0x96: {  	_ =	strace s5  }
0x97: {  	s5 =	sld [smem:$0x3FFD];
	_ =	sdelay $0x3  }
0x98: {  	_ =	strace s5  }
0x99: {  	_ =	strace $0x8FFFFFFF  }
0x9a: {  	s20 =	sld [smem:$0x3FDB];
	_ =	sdelay $0x1  }
0x9b: {  	s6 =	simm.s32 $_scs_section_size  }
0x9c: {  	s7 =	simm.s32 $_size__tile_overlayer_lowered;
	s8 =	simm.s32 $_tile_overlayer_lowered  }
0x9d: {  	s23 =	simm.s32 $0x1BFF;
	s22 =	sshll.u32 s8, $0x1;
	s5 =	sadd.s32 s6, s20  }
0x9e: {  	s9 =	simm.s32 $0x0;
	s21 =	sshll.u32 s7, $0x1;
	s7 =	sadd.s32 s22, s5  }
0x9f: {  	[timem:s9], [sflag:s23] =	dma.local [hbm:s7], s21  }
0xa0: {  	_ =	swait.ge [sflag:s23], s21  }
0xa1: {  	s6 =	ssub.s32 $0x0, s21;
	[sflag:s23] =	ssyncset.done $0x0  }
0xa2: {  	[sflag:s23] =	ssyncadd.s32 s6;
	_ =	sdelay $0x1  }
0xa3: {  	s24 =	simm.s32 $0x1B8B  }
0xa4: {  	_ =	swait.ge [sflag:s24], $0x1  }
0xa5: {  	[sflag:s24] =	ssyncset.done $0x0  }
0xa6: {  	s25 =	simm.s32 $0x1B8E;
	[sflag:s24] =	ssyncadd.s32 $0xFFFFFFFF  }
0xa7: {  	s26 =	simm.s32 $execute0_lowered;
	[smem:$0x3FD2] =	sst s25  }
0xa8: {  	s6 =	sshll.u32 s26, $0x1;
	_ =	strace $0x80000046;
	[dreg:$0x1] =	wrdreg $0xFFFFFFFF  }
0xa9: {  	s28 =	simm.s32 $_size_execute0_lowered;
	s5 =	sadd.s32 s5, s6;
	[dreg:$0x0] =	wrdreg $0x0  }
0xaa: {  	s6 =	sshll.u32 s28, $0x1;
	[dreg:$0x2] =	wrdreg s5  }
0xab: {  	[dreg:$0x3] =	wrdreg s6  }
0xac: {  	[dreg:$0x4] =	wrdreg $0xC0  }
0xad: {  	_ =	task [dreg:s9], $0x5FFFF  }
0xae: {  	[dreg:$0x1] =	wrdreg $0xFFFFFFFF  }
0xaf: {  	[dreg:$0x0] =	wrdreg $0x60  }
0xb0: {  	[dreg:$0x2] =	wrdreg s2  }
0xb1: {  	[dreg:$0x3] =	wrdreg s19  }
0xb2: {  	[dreg:$0x4] =	wrdreg s4  }
0xb3: {  	[dreg:$0x5] =	wrdreg $0x9  }
0xb4: {  	_ =	task.clear_ibuf [dreg:s9], $0x6FFFF;
	_ =	strace $0x90000046  }
0xb5: {  	s29 =	simm.s32 $0x9;
	_ =	strace $0x80000048  }
0xb6: {  	_ =	swait.ge [sflag:s29], $0x1  }
0xb7: {  	[sflag:s29] =	ssyncadd.s32 $0xFFFFFFFF  }
0xb8: {  	_ =	strace $0x90000048  }
0xb9: {  	_ =	sfence  }
0xba: {  	s30 =	sld [smem:$0x0];
	_ =	sdelay $0x2  }
0xbb: {  	s31 =	sshll.u32 s1, $0xD;
	s1 =	sshrl.u32 s1, $0x2  }
0xbc: {  	s3 =	sand.u32 $0x4000, s31;
	s1 =	sadd.s32 s1, s30  }
0xbd: {  	s0 =	sor.u32 s3, s0;
	s1 =	sshll.u32 s1, $0x11  }
0xbe: {  	s0 =	sor.u32 s1, s0  }
0xbf: {  	s0 =	sadd.s32 $0x8F2B, s0  }
0xc0: {  	[sflag:s0] =	ssyncadd.remote.s32 $0x1  }
0xc1: {  	_ =	sfence.sel $0xFFFF  }
0xc2: {  	[dreg:$0x0] =	wrdreg $0xFFFFFFFF;
	(pc) =	sbr.abs _section_cstart, $3  }
0xc3: {  	[dreg:$0x1] =	wrdreg $0xFFFFFFFF  }
0xc4: {  	_ =	task.clear_ibuf [dreg:s9], $0x2FFFF;
	_ =	strace $0x9FFFFFFF  }
0xc5: {  	(tm) =	ssettm $0x7FFFFFFF  }
tec
execute0_lowered:
.L_overlay_start_1:
0x0: {  	(tag) =	ssettag $0x1  }
0x1: {  	s25 =	rddreg [dreg:$0x0]  }
0x2: {  	s4 =	rddreg [dreg:$0x1];
	s0 =	srdreg.scid  }
0x3: {  	s15 =	rddreg [dreg:$0x2];
	s1 =	stileid.u32;
	s0 =	sand.u32 $0x1, s0  }
0x4: {  	s5 =	simm.s32 $0x0;
	s2 =	sshll.u32 s1, $0x9;
	s6 =	sshll.u32 s0, $0x8  }
0x5: {  	[smem:$0x7FF] =	sst s5;
	s6 =	sor.u32 s6, s2  }
0x6: {  	_ =	strace $0x80000047;
	s2 =	sshll.u32 s6, $0x9;
	s31 =	sor.u32 $0x10, s6  }
0x7: {  	s13 =	sshll.u32 s6, $0x7;
	s12 =	sadd.s32 s25, s2;
	[dreg:$0x14] =	wrdreg s31  }
0x8: {  	s8 =	sshll.u32 s6, $0xC;
	s2 =	sadd.s32 s4, s13;
	[dreg:$0x4] =	wrdreg s12  }
0x9: {  	s23 =	sor.u32 $0x2000, s8;
	[dreg:$0x5] =	wrdreg s2  }
0xa: {  	s24 =	sor.u32 $0x4000, s8;
	[dreg:$0xe] =	wrdreg s23  }
0xb: {  	s0 =	ssub.s32 $0x2, s0;
	s26 =	sor.u32 $0x6000, s8;
	[dreg:$0xf] =	wrdreg s24  }
0xc: {  	s7 =	sshrl.u32 s0, $0x1;
	s28 =	sor.u32 $0x8000, s8;
	[dreg:$0x10] =	wrdreg s26  }
0xd: {  	s0 =	ssub.s32 s0, s7;
	s29 =	sor.u32 $0xA000, s8;
	[dreg:$0x11] =	wrdreg s28  }
0xe: {  	s0 =	smax.u32 s0, $0x1;
	[dreg:$0x12] =	wrdreg s29  }
0xf: {  	s30 =	simm.s32 $0x2;
	s3 =	sadd.s32 $0x400, s12;
	[dreg:$0x13] =	wrdreg s0  }
0x10: {  	s10 =	simm.s32 $0x6;
	s14 =	sadd.s32 $0x20, s2;
	[dreg:$0x6] =	wrdreg s3  }
0x11: {  	s19 =	sor.u32 $0x8, s6;
	s16 =	sadd.s32 $0x800, s12;
	[dreg:$0x7] =	wrdreg s14  }
0x12: {  	s20 =	sshll.u32 s19, $0x9;
	s17 =	sadd.s32 $0x40, s2;
	[dreg:$0x8] =	wrdreg s16  }
.Ltmp0:
0x13: {  	s1 =	sadd.s32 $0xC00, s12;
	[dreg:$0x9] =	wrdreg s17;
	(pc) =	sbr.rel .LBB2_1-.Ltmp0, $4  }
0x14: {  	s8 =	simm.s32 $0x5;
	s18 =	sadd.s32 $0x60, s2;
	[dreg:$0xa] =	wrdreg s1  }
0x15: {  	s2 =	sshll.u32 s19, $0x7;
	s21 =	sadd.s32 s25, s20;
	[dreg:$0xb] =	wrdreg s18  }
0x16: {  	s0 =	simm.s32 $0x1;
	[dreg:$0xc] =	wrdreg s21;
	s22 =	sadd.s32 s4, s2  }
0x17: {  	s3 =	simm.s32 $0x0;
	[dreg:$0xd] =	wrdreg s22;
	s22 =	simm.s32 $0x100  }
.LBB2_16:
0x18: {  	s1 =	simm.s32 $0x9  }
0x19: {  	_ =	swait.ge [sflag:s1], $0x2000  }
0x1a: {  	[sflag:s1] =	ssyncset.done $0x0  }
0x1b: {  	s24 =	simm.s32 $0xA;
	[sflag:s1] =	ssyncadd.s32 $0xFFFFE000  }
0x1c: {  	_ =	swait.ge [sflag:s24], $0x2000  }
0x1d: {  	[sflag:s24] =	ssyncset.done $0x0  }
0x1e: {  	s26 =	simm.s32 $0xB;
	[sflag:s24] =	ssyncadd.s32 $0xFFFFE000  }
0x1f: {  	_ =	swait.ge [sflag:s26], $0x2000  }
0x20: {  	[sflag:s26] =	ssyncset.done $0x0  }
0x21: {  	s28 =	simm.s32 $0xC;
	[sflag:s26] =	ssyncadd.s32 $0xFFFFE000  }
0x22: {  	_ =	swait.ge [sflag:s28], $0x2000  }
0x23: {  	[sflag:s28] =	ssyncset.done $0x0  }
0x24: {  	s29 =	simm.s32 $0x7;
	[sflag:s28] =	ssyncadd.s32 $0xFFFFE000  }
0x25: {  	_ =	swait.ge [sflag:s29], $0x2000  }
0x26: {  	[sflag:s29] =	ssyncset.done $0x0  }
0x27: {  	s2 =	simm.s32 $0x8;
	[sflag:s29] =	ssyncadd.s32 $0xFFFFE000  }
0x28: {  	_ =	swait.ge [sflag:s2], $0x2000  }
0x29: {  	s3 =	rddreg [dreg:$0x15]  }
0x2a: {  	s31 =	rddreg [dreg:$0x13];
	s3 =	sadd.s32 $0x1, s3  }
0x2b: {  	p0 =	sne.s32 s3, s31  }
.Ltmp1:
0x2c: {  	_ = 	snop;
	(pc) =	sbr.rel @!p0 .LBB2_17-.Ltmp1, $3  }
0x2d: {  	_ =	sdelay $0x1  }
0x2e: {  	[sflag:s2] =	ssyncset.done $0x0  }
0x2f: {  	[sflag:s2] =	ssyncadd.s32 $0xFFFFE000  }
.LBB2_1:
0x30: {  	[dreg:$0x15] =	wrdreg s3  }
0x31: {  	s1 =	rddreg [dreg:$0x4]  }
0x32: {  	[tilespmem:s5], [sflag:$0x1] =	stream.linear.gather [hbm4b:s1+s5], $0x2000, $0x38;
	[tilespmem:$0x1B000] =	vst v63  }
0x33: {  	s7 =	rddreg [dreg:$0x5];
	s2 =	simm.s32 $0x400;
	s9 =	simm.s32 $0xC000  }
0x34: {  	[tilespmem:s9], [sflag:$0x1] =	stream.strided.gather [hbm4b:s7+s22], $0x800, s2, s22, $0x38;
	[tilespmem:$0x1B000] =	vst v63  }
0x35: {  	s11 =	rddreg [dreg:$0x6];
	s12 =	simm.s32 $0x2000  }
0x36: {  	[tilespmem:s12], [sflag:$0x2] =	stream.linear.gather [hbm4b:s11+s5], $0x2000, $0x38;
	[tilespmem:$0x1B000] =	vst v63  }
0x37: {  	s13 =	rddreg [dreg:$0x7];
	s14 =	simm.s32 $0xC800  }
0x38: {  	[tilespmem:s14], [sflag:$0x2] =	stream.strided.gather [hbm4b:s13+s22], $0x800, s2, s22, $0x38;
	[tilespmem:$0x1B000] =	vst v63  }
0x39: {  	s16 =	rddreg [dreg:$0x8];
	s17 =	simm.s32 $0x4000  }
0x3a: {  	[tilespmem:s17], [sflag:$0x3] =	stream.linear.gather [hbm4b:s16+s5], $0x2000, $0x38;
	[tilespmem:$0x1B000] =	vst v63  }
0x3b: {  	s18 =	rddreg [dreg:$0x9];
	s19 =	simm.s32 $0xD000  }
0x3c: {  	[tilespmem:s19], [sflag:$0x3] =	stream.strided.gather [hbm4b:s18+s22], $0x800, s2, s22, $0x38;
	[tilespmem:$0x1B000] =	vst v63  }
0x3d: {  	s20 =	rddreg [dreg:$0xa];
	s21 =	simm.s32 $0x6000  }
0x3e: {  	[tilespmem:s21], [sflag:$0x4] =	stream.linear.gather [hbm4b:s20+s5], $0x2000, $0x38;
	[tilespmem:$0x1B000] =	vst v63  }
0x3f: {  	s23 =	rddreg [dreg:$0xb];
	s24 =	simm.s32 $0xD800  }
0x40: {  	[tilespmem:s24], [sflag:$0x4] =	stream.strided.gather [hbm4b:s23+s22], $0x800, s2, s22, $0x38;
	[tilespmem:$0x1B000] =	vst v63  }
0x41: {  	s26 =	rddreg [dreg:$0xc];
	s28 =	simm.s32 $0x8000  }
0x42: {  	[tilespmem:s28], [sflag:$0x5] =	stream.linear.gather [hbm4b:s26+s5], $0x2000, $0x38;
	[tilespmem:$0x1B000] =	vst v63  }
0x43: {  	s29 =	rddreg [dreg:$0xd];
	s31 =	simm.s32 $0xE000;
	s13 =	simm.s32 $0x0  }
0x44: {  	[tilespmem:s31], [sflag:$0x5] =	stream.strided.gather [hbm4b:s29+s22], $0x800, s2, s22, $0x38;
	[tilespmem:$0x1B000] =	vst v63  }
.LBB2_2:
0x45: {  	_ =	swait.ge [sflag:s0], $0x2000  }
0x46: {  	[sflag:s0] =	ssyncset.done $0x0  }
0x47: {  	[sflag:s0] =	ssyncadd.s32 $0xFFFFE000  }
0x48: {  	_ =	swait.ge [sflag:s0], $0x800  }
0x49: {  	p0 =	seq.s32 s13, $0x0;
	[sflag:s0] =	ssyncset.done $0x0  }
0x4a: {  	s7 =	simm.s32 $0x0;
	s2 =	simm.s32 @!p0 $0x7;
	[sflag:s0] =	ssyncadd.s32 $0xFFFFF800  }
0x4b: {  	s9 =	simm.s32 $0x0;
	s11 =	simm.s32 $0x0;
	_ =	swait.ge @!p0 [sflag:s2], $0x2000  }
0x4c: {  	s7 =	sand.u32 $0x70, s7;
	s9 =	sand.u32 $0x3FFFFF00, s9;
	[sflag:s2] =	ssyncset.done @!p0 $0x0  }
0x4d: {  	s12 =	sand.u32 $0xFFFFFE00, s11;
	s9 =	sor.u32 s7, s9;
	[sflag:s2] =	ssyncadd.s32 @!p0 $0xFFFFE000  }
0x4e: {  	s2 =	sor.u32 s7, s12;
	v0 =	vld [tilespmem:s9+$0xC000]  }
0x4f: {  	v1 =	vld [tilespmem:s2+$0x80]  }
0x50: {  	v2 =	vld [tilespmem:s2+$0x100]  }
0x51: {  	v3 =	vld [tilespmem:s2+$0x0]  }
0x52: {  	v4 =	vld [tilespmem:s2+$0x180]  }
0x53: {  	s14 =	simm.s32 $0x20;
	s16 =	simm.s32 $0x10  }
0x54: {  	s11 =	sand.u32 $0x70, s16;
	s7 =	sand.u32 $0x3FFFFF00, s14;
	s12 =	simm.s32 $0x40;
	v1 =	vadd.f32 v1, v0  }
0x55: {  	s14 =	sor.u32 s11, s7;
	s17 =	sand.u32 $0xFFFFFE00, s12;
	v2 =	vadd.f32 v2, v0  }
0x56: {  	v5 =	vld [tilespmem:s14+$0xC000];
	s7 =	sor.u32 s11, s17;
	v3 =	vadd.f32 v3, v0;
	[tilespmem:s2+$0xF080] =	vst v1  }
0x57: {  	v0 =	vadd.f32 v4, v0;
	v1 =	vld [tilespmem:s7+$0x0];
	[tilespmem:s2+$0xF100] =	vst v2  }
0x58: {  	v2 =	vld [tilespmem:s7+$0x80];
	[tilespmem:s2+$0xF000] =	vst v3  }
0x59: {  	v3 =	vld [tilespmem:s7+$0x100];
	[tilespmem:s2+$0xF180] =	vst v0  }
0x5a: {  	s18 =	sor.u32 $0x1000, s2;
	v0 =	vld [tilespmem:s9+$0xC080]  }
0x5b: {  	s19 =	simm.s32 $0x40;
	s20 =	simm.s32 $0x20;
	v4 =	vld [tilespmem:s18+$0x0]  }
0x5c: {  	s23 =	simm.s32 $0x80;
	s21 =	sand.u32 $0x70, s20;
	v6 =	vld [tilespmem:s7+$0x180];
	s9 =	sand.u32 $0x3FFFFF00, s19  }
0x5d: {  	s24 =	sand.u32 $0xFFFFFE00, s23;
	s17 =	sor.u32 s21, s9;
	v2 =	vadd.f32 v2, v5  }
0x5e: {  	s9 =	sor.u32 s21, s24;
	v7 =	vld [tilespmem:s17+$0xC000];
	v3 =	vadd.f32 v3, v5  }
0x5f: {  	v8 =	vld [tilespmem:s9+$0x0];
	v1 =	vadd.f32 v1, v5;
	[tilespmem:s7+$0xF080] =	vst v2  }
0x60: {  	v2 =	vld [tilespmem:s9+$0x80];
	[tilespmem:s7+$0xF100] =	vst v3;
	v3 =	vadd.f32 v4, v0  }
0x61: {  	s22 =	smov.u32 s15;
	v4 =	vadd.f32 v6, v5;
	v5 =	vld [tilespmem:s9+$0x100];
	[tilespmem:s7+$0xF000] =	vst v1  }
0x62: {  	s15 =	smov.u32 s4;
	s4 =	smov.u32 s25;
	s26 =	sor.u32 $0x1080, s2;
	v6 =	vld [tilespmem:s9+$0x180];
	[tilespmem:s2+$0x10000] =	vst v3  }
0x63: {  	s25 =	simm.s32 $0x30;
	s3 =	simm.s32 $0xC0;
	s16 =	simm.s32 $0x60;
	[tilespmem:s7+$0xF180] =	vst v4;
	v3 =	vld [tilespmem:s26+$0x0]  }
0x64: {  	s1 =	sand.u32 $0x3FFFFF00, s16;
	s11 =	sand.u32 $0x70, s25;
	s18 =	sor.u32 $0x1000, s7;
	v1 =	vld [tilespmem:s14+$0xC080]  }
0x65: {  	s26 =	sor.u32 s11, s1;
	s14 =	sand.u32 $0xFFFFFE00, s3;
	v4 =	vld [tilespmem:s18+$0x0]  }
0x66: {  	v9 =	vld [tilespmem:s26+$0xC000];
	s11 =	sor.u32 s11, s14;
	v2 =	vadd.f32 v2, v7  }
0x67: {  	v10 =	vld [tilespmem:s11+$0x0]  }
0x68: {  	v11 =	vld [tilespmem:s11+$0x80];
	[tilespmem:s9+$0xF080] =	vst v2;
	v2 =	vadd.f32 v3, v0  }
0x69: {  	s29 =	simm.s32 $0x40;
	s16 =	simm.s32 $0x80;
	v12 =	vld [tilespmem:s11+$0x180];
	v3 =	vadd.f32 v8, v7  }
0x6a: {  	s20 =	sand.u32 $0x70, s29;
	s12 =	sand.u32 $0x3FFFFF00, s16;
	s18 =	sor.u32 $0x1100, s2;
	v8 =	vld [tilespmem:s11+$0x100];
	v4 =	vadd.f32 v4, v1;
	[tilespmem:s2+$0x10080] =	vst v2  }
0x6b: {  	s23 =	simm.s32 $0x100;
	s19 =	sor.u32 s20, s12;
	v5 =	vadd.f32 v5, v7;
	v2 =	vadd.f32 v6, v7;
	[tilespmem:s9+$0xF000] =	vst v3;
	v6 =	vld [tilespmem:s18+$0x0]  }
0x6c: {  	s21 =	sor.u32 $0x1080, s7;
	s24 =	sand.u32 $0xFFFFFE00, s23;
	v3 =	vld [tilespmem:s19+$0xC000];
	[tilespmem:s7+$0x10000] =	vst v4  }
0x6d: {  	s12 =	sor.u32 s20, s24;
	[tilespmem:s9+$0xF100] =	vst v5;
	v13 =	vld [tilespmem:s21+$0x0]  }
0x6e: {  	v4 =	vld [tilespmem:s12+$0x0];
	[tilespmem:s9+$0xF180] =	vst v2  }
0x6f: {  	s25 =	sor.u32 $0x1000, s9;
	v11 =	vadd.f32 v11, v9;
	v2 =	vld [tilespmem:s17+$0xC080]  }
0x70: {  	s16 =	smul.u32 $0xC, s13;
	s31 =	sor.u32 $0x1100, s7;
	s23 =	sor.u32 $0x1180, s2;
	v5 =	vld [tilespmem:s25+$0x0];
	v14 =	vadd.f32 v6, v0  }
0x71: {  	s28 =	sor.u32 $0x1100, s9;
	s20 =	sor.u32 $0x1100, s12;
	s14 =	smul.u32 $0x6, s13;
	v7 =	vadd.f32 v10, v9;
	v10 =	vld [tilespmem:s12+$0x80];
	[tilespmem:s11+$0xF080] =	vst v11;
	v8 =	vadd.f32 v8, v9  }
0x72: {  	s18 =	sadd.s32 s6, s16;
	s21 =	sor.u32 $0x1100, s11;
	v11 =	vld [tilespmem:s12+$0x100];
	s17 =	simm.s32 $0x5;
	v6 =	vadd.f32 v12, v9;
	v9 =	vadd.f32 v13, v1;
	[tilespmem:s2+$0x10100] =	vst v14  }
.LBB2_3:
0x73: {  	s24 =	sshll.u32 s17, $0x5  }
0x74: {  	s29 =	sadd.s32 $0x10, s29;
	[tilespmem:s11+$0xF100] =	vst v8;
	v12 =	vld [tilespmem:s23+$0x0];
	s23 =	smov.u32 s17;
	s25 =	sadd.s32 $0x1, s17  }
0x75: {  	s1 =	sand.u32 $0x70, s29;
	s24 =	sand.u32 $0x3FFFFF00, s24;
	s23 =	sshll.u32 s23, $0x6;
	v13 =	vld [tilespmem:s12+$0x180];
	v5 =	vadd.f32 v5, v2;
	[tilespmem:s7+$0x10080] =	vst v9  }
0x76: {  	s3 =	sor.u32 $0x1080, s9;
	s24 =	sor.u32 s1, s24;
	s23 =	sand.u32 $0xFFFFFE00, s23;
	[tilespmem:s11+$0xF000] =	vst v7;
	v9 =	vld [tilespmem:s31+$0x0]  }
0x77: {  	p1 =	sne.s32 s17, $0x3F;
	s31 =	smov.u32 s28;
	v14 =	vld [tilespmem:s24+$0xC000];
	s1 =	sor.u32 s1, s23;
	v15 =	vadd.f32 v10, v3;
	[tilespmem:s9+$0x10000] =	vst v5  }
0x78: {  	s28 =	smov.u32 s21;
	s23 =	sor.u32 $0x1000, s11;
	s17 =	sor.u32 $0x1100, s1;
	v8 =	vadd.f32 v11, v3;
	[tilespmem:s11+$0xF180] =	vst v6;
	v16 =	vld [tilespmem:s3+$0x0]  }
.Ltmp2:
0x79: {  	v10 =	vadd.f32 v12, v0;
	v0 =	vmov v1;
	v1 =	vmov v2;
	v2 =	vld [tilespmem:s26+$0xC080];
	s26 =	smov.u32 s19;
	s19 =	smov.u32 s24;
	(pc) =	sbr.rel @p1 .LBB2_3-.Ltmp2, $4  }
0x7a: {  	v7 =	vadd.f32 v4, v3;
	s21 =	smov.u32 s20;
	s20 =	smov.u32 s17;
	v5 =	vld [tilespmem:s23+$0x0]  }
0x7b: {  	v6 =	vadd.f32 v13, v3;
	v4 =	vld [tilespmem:s1+$0x0];
	v12 =	vadd.f32 v9, v0;
	[tilespmem:s2+$0x10180] =	vst v10;
	s2 =	smov.u32 s7;
	s7 =	smov.u32 s9;
	s9 =	smov.u32 s11  }
0x7c: {  	s11 =	smov.u32 s12;
	v10 =	vld [tilespmem:s1+$0x80];
	[tilespmem:s12+$0xF080] =	vst v15;
	s23 =	sor.u32 $0x1180, s2;
	v3 =	vmov v14;
	s12 =	smov.u32 s1  }
0x7d: {  	s17 =	smov.u32 s25;
	v11 =	vld [tilespmem:s12+$0x100];
	v9 =	vadd.f32 v16, v1;
	[tilespmem:s2+$0x10100] =	vst v12  }
0x7e: {  	v12 =	vld [tilespmem:s12+$0x180]  }
0x7f: {  	[tilespmem:s11+$0xF100] =	vst v8  }
0x80: {  	[tilespmem:s11+$0xF000] =	vst v7;
	v4 =	vadd.f32 v4, v3  }
0x81: {  	[tilespmem:s11+$0xF180] =	vst v6;
	v7 =	vadd.f32 v10, v3  }
0x82: {  	v8 =	vadd.f32 v11, v3;
	[tilespmem:s12+$0xF000] =	vst v4  }
0x83: {  	[tilespmem:s12+$0xF080] =	vst v7;
	v3 =	vadd.f32 v12, v3  }
0x84: {  	s1 =	sor.u32 $0x1000, s11;
	v6 =	vld [tilespmem:s26+$0xC080];
	[tilespmem:s12+$0xF100] =	vst v8  }
0x85: {  	v4 =	vld [tilespmem:s1+$0x0];
	[tilespmem:s12+$0xF180] =	vst v3  }
0x86: {  	s26 =	sor.u32 $0x1000, s12;
	v3 =	vld [tilespmem:s19+$0xC080]  }
0x87: {  	v7 =	vld [tilespmem:s26+$0x0];
	_ =	sdelay $0x2  }
0x88: {  	v5 =	vadd.f32 v5, v2  }
0x89: {  	v4 =	vadd.f32 v4, v6  }
0x8a: {  	s3 =	sor.u32 $0x1080, s9;
	[tilespmem:s9+$0x10000] =	vst v5;
	v5 =	vadd.f32 v7, v3  }
0x8b: {  	s17 =	sor.u32 $0x1080, s11;
	[tilespmem:s11+$0x10000] =	vst v4;
	v7 =	vld [tilespmem:s3+$0x0]  }
0x8c: {  	s19 =	sor.u32 $0x1080, s12;
	v4 =	vld [tilespmem:s17+$0x0];
	[tilespmem:s12+$0x10000] =	vst v5  }
0x8d: {  	v5 =	vld [tilespmem:s19+$0x0];
	_ =	sdelay $0x2  }
0x8e: {  	v7 =	vadd.f32 v7, v2  }
0x8f: {  	[tilespmem:s7+$0x10080] =	vst v9;
	v4 =	vadd.f32 v4, v6  }
0x90: {  	v8 =	vld [tilespmem:s31+$0x0];
	[tilespmem:s9+$0x10080] =	vst v7;
	v5 =	vadd.f32 v5, v3  }
0x91: {  	[tilespmem:s11+$0x10080] =	vst v4;
	v7 =	vld [tilespmem:s28+$0x0]  }
0x92: {  	v4 =	vld [tilespmem:s21+$0x0];
	[tilespmem:s12+$0x10080] =	vst v5  }
0x93: {  	v5 =	vld [tilespmem:s20+$0x0];
	_ =	sdelay $0x1  }
0x94: {  	v8 =	vadd.f32 v8, v1  }
0x95: {  	v7 =	vadd.f32 v7, v2  }
0x96: {  	v9 =	vld [tilespmem:s23+$0x0];
	[tilespmem:s7+$0x10100] =	vst v8;
	s20 =	sor.u32 $0x1180, s7;
	v4 =	vadd.f32 v4, v6  }
0x97: {  	s21 =	sor.u32 $0x1180, s9;
	v8 =	vld [tilespmem:s20+$0x0];
	[tilespmem:s9+$0x10100] =	vst v7;
	v5 =	vadd.f32 v5, v3  }
0x98: {  	s23 =	sor.u32 $0x1180, s11;
	[tilespmem:s11+$0x10100] =	vst v4;
	v7 =	vld [tilespmem:s21+$0x0]  }
0x99: {  	s24 =	sor.u32 $0x1180, s12;
	v4 =	vld [tilespmem:s23+$0x0];
	[tilespmem:s12+$0x10100] =	vst v5  }
0x9a: {  	v5 =	vld [tilespmem:s24+$0x0]  }
0x9b: {  	v0 =	vadd.f32 v9, v0  }
0x9c: {  	v1 =	vadd.f32 v8, v1  }
0x9d: {  	[tilespmem:s2+$0x10180] =	vst v0;
	v0 =	vadd.f32 v7, v2  }
0x9e: {  	[tilespmem:s7+$0x10180] =	vst v1;
	v1 =	vadd.f32 v4, v6  }
0x9f: {  	[tilespmem:s9+$0x10180] =	vst v0;
	v0 =	vadd.f32 v5, v3  }
0xa0: {  	s25 =	sshll.u32 s18, $0x9;
	[tilespmem:s11+$0x10180] =	vst v1  }
0xa1: {  	p1 =	seq.s32 s13, $0x15;
	s1 =	sadd.s32 s22, s25;
	s26 =	simm.s32 $0xF000;
	[tilespmem:s12+$0x10180] =	vst v0  }
0xa2: {  	[hbm4b:s1+s5] =	stream.linear.scatter [tilespmem:s26], [sflag:$0x7], $0x2000, $0x38;
	[tilespmem:$0x1B000] =	vst v63  }
0xa3: {  	s1 =	sadd.s32 @!p1 $0x5, s14  }
0xa4: {  	s2 =	sshll.u32 @!p1 s1, $0x1  }
0xa5: {  	s7 =	simm.s32 @!p1 $0x0;
	s1 =	sshll.u32 @!p1 s1, $0x5;
	s2 =	sadd.s32 @!p1 s6, s2  }
0xa6: {  	s1 =	sand.u32 @!p1 $0x60, s1;
	s3 =	sshll.u32 @!p1 s2, $0x9;
	s2 =	sshll.u32 @!p1 s2, $0x7  }
0xa7: {  	s1 =	sadd.s32 @!p1 s15, s1;
	s3 =	sand.u32 @!p1 $0x1FFFFC00, s3;
	s2 =	sand.u32 @!p1 $0xFFFFC00, s2  }
0xa8: {  	s9 =	simm.s32 @!p1 $0xA000;
	s3 =	sadd.s32 @!p1 s4, s3;
	s1 =	sadd.s32 @!p1 s2, s1  }
0xa9: {  	[tilespmem:s9], [sflag:$0x6] =	stream.linear.gather @!p1 [hbm4b:s3+s7], $0x2000, $0x38;
	[tilespmem:$0x1B000] =	vst v63  }
0xaa: {  	s2 =	simm.s32 @!p1 $0x100;
	s3 =	simm.s32 @!p1 $0x400;
	s7 =	simm.s32 @!p1 $0xE800  }
0xab: {  	[tilespmem:s7], [sflag:$0x6] =	stream.strided.gather @!p1 [hbm4b:s1+s2], $0x800, s3, s2, $0x38;
	[tilespmem:$0x1B000] =	vst v63  }
0xac: {  	_ =	swait.ge [sflag:s30], $0x2000  }
0xad: {  	[sflag:s30] =	ssyncset.done $0x0  }
0xae: {  	[sflag:s30] =	ssyncadd.s32 $0xFFFFE000  }
0xaf: {  	s25 =	smov.u32 s4;
	_ =	swait.ge [sflag:s30], $0x800  }
0xb0: {  	s4 =	smov.u32 s15;
	s9 =	simm.s32 $0x0;
	[sflag:s30] =	ssyncset.done $0x0  }
0xb1: {  	s15 =	sand.u32 $0xFFFFFE00, s9;
	s1 =	simm.s32 @!p0 $0x8;
	[sflag:s30] =	ssyncadd.s32 $0xFFFFF800  }
0xb2: {  	s3 =	simm.s32 $0x0;
	s7 =	simm.s32 $0x0;
	_ =	swait.ge @!p0 [sflag:s1], $0x2000  }
0xb3: {  	s11 =	sand.u32 $0x70, s3;
	s12 =	sand.u32 $0x3FFFFF00, s7;
	[sflag:s1] =	ssyncset.done @!p0 $0x0  }
0xb4: {  	s2 =	sor.u32 s11, s12;
	s12 =	sor.u32 s11, s15;
	[sflag:s1] =	ssyncadd.s32 @!p0 $0xFFFFE000  }
0xb5: {  	s17 =	sor.u32 $0x2000, s12;
	v0 =	vld [tilespmem:s2+$0xC800]  }
0xb6: {  	v1 =	vld [tilespmem:s17+$0x0];
	_ =	sdelay $0x4  }
0xb7: {  	s19 =	simm.s32 $0x20;
	v1 =	vadd.f32 v1, v0  }
0xb8: {  	s18 =	simm.s32 $0x10;
	s20 =	simm.s32 $0x40;
	s3 =	sand.u32 $0x3FFFFF00, s19  }
0xb9: {  	s7 =	sand.u32 $0xFFFFFE00, s20;
	s9 =	sor.u32 $0x2080, s12;
	s1 =	sand.u32 $0x70, s18;
	[tilespmem:s12+$0x11000] =	vst v1  }
0xba: {  	s19 =	sor.u32 s1, s3;
	s7 =	sor.u32 s1, s7;
	v1 =	vld [tilespmem:s9+$0x0]  }
0xbb: {  	v2 =	vld [tilespmem:s19+$0xC800];
	s1 =	sor.u32 $0x2000, s7  }
0xbc: {  	v3 =	vld [tilespmem:s1+$0x0];
	_ =	sdelay $0x2  }
0xbd: {  	v1 =	vadd.f32 v1, v0;
	_ =	sdelay $0x1  }
0xbe: {  	s24 =	simm.s32 $0x40;
	s23 =	sor.u32 $0x2100, s12;
	v3 =	vadd.f32 v3, v2;
	[tilespmem:s12+$0x11080] =	vst v1  }
0xbf: {  	s21 =	simm.s32 $0x20;
	s26 =	simm.s32 $0x80;
	s15 =	sand.u32 $0x3FFFFF00, s24;
	v1 =	vld [tilespmem:s23+$0x0]  }
0xc0: {  	s17 =	sand.u32 $0xFFFFFE00, s26;
	s20 =	sor.u32 $0x2080, s7;
	s1 =	sand.u32 $0x70, s21;
	[tilespmem:s7+$0x11000] =	vst v3  }
0xc1: {  	s18 =	sor.u32 s1, s15;
	s9 =	sor.u32 s1, s17;
	v3 =	vld [tilespmem:s20+$0x0]  }
0xc2: {  	v5 =	vld [tilespmem:s18+$0xC800];
	s1 =	sor.u32 $0x2000, s9  }
0xc3: {  	v4 =	vld [tilespmem:s1+$0x0]  }
0xc4: {  	v1 =	vadd.f32 v1, v0;
	_ =	sdelay $0x1  }
0xc5: {  	s21 =	sor.u32 $0x2180, s12;
	v3 =	vadd.f32 v3, v2;
	[tilespmem:s12+$0x11100] =	vst v1  }
0xc6: {  	v1 =	vld [tilespmem:s21+$0x0]  }
0xc7: {  	s26 =	simm.s32 $0x60;
	s24 =	sor.u32 $0x2100, s7;
	v4 =	vadd.f32 v4, v5;
	[tilespmem:s7+$0x11080] =	vst v3  }
0xc8: {  	s15 =	sand.u32 $0x3FFFFF00, s26;
	s17 =	simm.s32 $0xC0;
	s23 =	simm.s32 $0x30;
	v6 =	vld [tilespmem:s24+$0x0]  }
0xc9: {  	s20 =	sand.u32 $0xFFFFFE00, s17;
	s1 =	sand.u32 $0x70, s23;
	[tilespmem:s9+$0x11000] =	vst v4;
	s21 =	sor.u32 $0x2080, s9  }
0xca: {  	s26 =	sor.u32 s1, s15;
	s11 =	sor.u32 s1, s20;
	v4 =	vld [tilespmem:s21+$0x0]  }
0xcb: {  	v3 =	vld [tilespmem:s26+$0xC800];
	s1 =	sor.u32 $0x2000, s11;
	v0 =	vadd.f32 v1, v0  }
0xcc: {  	v1 =	vld [tilespmem:s1+$0x0]  }
0xcd: {  	v6 =	vadd.f32 v6, v2;
	[tilespmem:s12+$0x11180] =	vst v0  }
0xce: {  	s23 =	sor.u32 $0x3000, s12;
	v0 =	vld [tilespmem:s2+$0xC880]  }
0xcf: {  	s24 =	sor.u32 $0x2180, s7;
	[tilespmem:s7+$0x11100] =	vst v6;
	v4 =	vadd.f32 v4, v5;
	v6 =	vld [tilespmem:s23+$0x0]  }
0xd0: {  	v7 =	vld [tilespmem:s24+$0x0]  }
0xd1: {  	s17 =	simm.s32 $0x80;
	s15 =	sor.u32 $0x2100, s9;
	[tilespmem:s9+$0x11080] =	vst v4;
	v1 =	vadd.f32 v1, v3  }
0xd2: {  	s3 =	simm.s32 $0x40;
	s20 =	simm.s32 $0x100;
	s21 =	sand.u32 $0x3FFFFF00, s17;
	v8 =	vld [tilespmem:s15+$0x0]  }
0xd3: {  	s24 =	sor.u32 $0x2080, s11;
	s1 =	sand.u32 $0x70, s3;
	s23 =	sand.u32 $0xFFFFFE00, s20;
	[tilespmem:s11+$0x11000] =	vst v1  }
0xd4: {  	s28 =	sor.u32 s1, s21;
	s2 =	sor.u32 s1, s23;
	v9 =	vld [tilespmem:s24+$0x0];
	v1 =	vadd.f32 v6, v0  }
0xd5: {  	v2 =	vadd.f32 v7, v2;
	v4 =	vld [tilespmem:s28+$0xC800];
	s1 =	sor.u32 $0x2000, s2  }
0xd6: {  	s15 =	sor.u32 $0x3080, s12;
	v6 =	vld [tilespmem:s1+$0x0];
	[tilespmem:s12+$0x12000] =	vst v1  }
0xd7: {  	[tilespmem:s7+$0x11180] =	vst v2;
	v7 =	vadd.f32 v8, v5;
	v2 =	vld [tilespmem:s15+$0x0]  }
0xd8: {  	s17 =	sor.u32 $0x3000, s7;
	v1 =	vld [tilespmem:s19+$0xC880]  }
0xd9: {  	s19 =	sor.u32 $0x2180, s9;
	[tilespmem:s9+$0x11100] =	vst v7;
	v7 =	vld [tilespmem:s17+$0x0];
	v8 =	vadd.f32 v9, v3  }
0xda: {  	s21 =	simm.s32 $0x50;
	s20 =	simm.s32 $0xA0;
	v9 =	vld [tilespmem:s19+$0x0]  }
0xdb: {  	s23 =	sand.u32 $0x70, s21;
	s1 =	sand.u32 $0x3FFFFF00, s20;
	s24 =	sor.u32 $0x2100, s11;
	v10 =	vadd.f32 v6, v4;
	[tilespmem:s11+$0x11080] =	vst v8  }
0xdc: {  	s29 =	sor.u32 s23, s1;
	s15 =	simm.s32 $0x140;
	v8 =	vld [tilespmem:s24+$0x0];
	v2 =	vadd.f32 v2, v0  }
0xdd: {  	s1 =	sand.u32 $0xFFFFFE00, s15;
	v6 =	vld [tilespmem:s29+$0xC800];
	s19 =	sor.u32 $0x2080, s2;
	[tilespmem:s2+$0x11000] =	vst v10  }
0xde: {  	s20 =	sor.u32 $0x3100, s12;
	s31 =	sor.u32 s23, s1;
	v10 =	vld [tilespmem:s19+$0x0];
	v7 =	vadd.f32 v7, v1;
	[tilespmem:s12+$0x12080] =	vst v2  }
0xdf: {  	s3 =	sor.u32 $0x2000, s31;
	v2 =	vadd.f32 v9, v5;
	v5 =	vld [tilespmem:s20+$0x0]  }
0xe0: {  	s21 =	sor.u32 $0x3080, s7;
	v9 =	vld [tilespmem:s3+$0x0];
	[tilespmem:s7+$0x12000] =	vst v7  }
0xe1: {  	v63 =	vld [tilespmem:s21+$0x0];
	[tilespmem:s9+$0x11180] =	vst v2;
	v7 =	vadd.f32 v8, v3  }
0xe2: {  	s23 =	simm.s32 $0xC0;
	s24 =	sor.u32 $0x3000, s9;
	s20 =	simm.s32 $0x60;
	v2 =	vld [tilespmem:s18+$0xC880]  }
0xe3: {  	s15 =	sor.u32 $0x2180, s11;
	s1 =	sand.u32 $0x3FFFFF00, s23;
	s21 =	sand.u32 $0x70, s20;
	v11 =	vadd.f32 v10, v4;
	[tilespmem:s11+$0x11100] =	vst v7;
	v7 =	vld [tilespmem:s24+$0x0]  }
0xe4: {  	s19 =	sor.u32 s21, s1;
	v10 =	vld [tilespmem:s15+$0x0];
	v5 =	vadd.f32 v5, v0  }
0xe5: {  	s18 =	sor.u32 $0x2100, s2;
	v8 =	vld [tilespmem:s19+$0xC800];
	v13 =	vadd.f32 v9, v6;
	[tilespmem:s2+$0x11080] =	vst v11  }
0xe6: {  	s23 =	simm.s32 $0x180;
	s24 =	sor.u32 $0x3180, s12;
	v11 =	vld [tilespmem:s18+$0x0];
	v9 =	vadd.f32 v63, v1;
	[tilespmem:s12+$0x12100] =	vst v5  }
0xe7: {  	s17 =	sand.u32 $0xFFFFFE00, s23;
	s23 =	sor.u32 $0x2080, s31;
	s18 =	simm.s32 $0x7;
	[tilespmem:s31+$0x11000] =	vst v13;
	v5 =	vld [tilespmem:s24+$0x0]  }
.LBB2_5:
0xe8: {  	p2 =	sne.s32 s18, $0x3F;
	s1 =	sor.u32 s21, s17;
	v12 =	vld [tilespmem:s23+$0x0];
	v7 =	vadd.f32 v7, v2;
	[tilespmem:s7+$0x12080] =	vst v9;
	s3 =	sor.u32 $0x3100, s7  }
0xe9: {  	s17 =	sor.u32 $0x2000, s1;
	v9 =	vadd.f32 v10, v3;
	v13 =	vld [tilespmem:s3+$0x0];
	v3 =	vmov v4;
	v4 =	vmov v6;
	s3 =	smov.u32 s31;
	s31 =	smov.u32 s1  }
0xea: {  	s1 =	sor.u32 $0x3080, s9;
	v14 =	vld [tilespmem:s17+$0x0];
	[tilespmem:s9+$0x12000] =	vst v7;
	v6 =	vmov v8;
	s17 =	smov.u32 s26;
	s26 =	smov.u32 s28  }
0xeb: {  	s20 =	sadd.s32 $0x10, s20;
	s28 =	smov.u32 s29;
	s29 =	smov.u32 s19;
	v7 =	vadd.f32 v11, v3;
	[tilespmem:s11+$0x11180] =	vst v9;
	v9 =	vld [tilespmem:s1+$0x0]  }
0xec: {  	s21 =	sand.u32 $0x70, s20;
	s19 =	sor.u32 $0x3000, s11;
	s1 =	sshll.u32 s18, $0x5;
	v5 =	vadd.f32 v5, v0;
	v0 =	vmov v1;
	v1 =	vmov v2;
	v2 =	vld [tilespmem:s17+$0xC880]  }
.Ltmp3:
0xed: {  	s1 =	sand.u32 $0x3FFFFF00, s1;
	s17 =	sor.u32 $0x2180, s2;
	v11 =	vadd.f32 v12, v4;
	[tilespmem:s2+$0x11100] =	vst v7;
	v7 =	vld [tilespmem:s19+$0x0];
	(pc) =	sbr.rel @p2 .LBB2_5-.Ltmp3, $4  }
0xee: {  	s19 =	sor.u32 s21, s1;
	v10 =	vld [tilespmem:s17+$0x0];
	v12 =	vadd.f32 v13, v0;
	[tilespmem:s12+$0x12180] =	vst v5;
	s12 =	smov.u32 s7;
	s7 =	smov.u32 s9  }
0xef: {  	s1 =	sor.u32 $0x2100, s3;
	s9 =	smov.u32 s11;
	s11 =	smov.u32 s2;
	v8 =	vld [tilespmem:s19+$0xC800];
	v5 =	vadd.f32 v14, v6;
	[tilespmem:s3+$0x11080] =	vst v11  }
0xf0: {  	s17 =	sshll.u32 s18, $0x6;
	s2 =	smov.u32 s3;
	v11 =	vld [tilespmem:s1+$0x0];
	v9 =	vadd.f32 v9, v1;
	[tilespmem:s12+$0x12100] =	vst v12;
	s1 =	sor.u32 $0x3180, s12  }
0xf1: {  	s23 =	sor.u32 $0x2080, s31;
	s18 =	sadd.s32 $0x1, s18;
	s17 =	sand.u32 $0xFFFFFE00, s17;
	[tilespmem:s31+$0x11000] =	vst v5;
	v5 =	vld [tilespmem:s1+$0x0]  }
0xf2: {  	s18 =	sor.u32 s21, s17  }
0xf3: {  	s1 =	sor.u32 $0x2000, s18  }
0xf4: {  	v12 =	vld [tilespmem:s1+$0x0];
	_ =	sdelay $0x4  }
0xf5: {  	v12 =	vadd.f32 v12, v8  }
0xf6: {  	v13 =	vld [tilespmem:s23+$0x0]  }
0xf7: {  	s15 =	sor.u32 $0x2080, s18;
	[tilespmem:s18+$0x11000] =	vst v12  }
0xf8: {  	v12 =	vld [tilespmem:s15+$0x0];
	_ =	sdelay $0x2  }
0xf9: {  	v13 =	vadd.f32 v13, v6;
	_ =	sdelay $0x1  }
0xfa: {  	s17 =	sor.u32 $0x2100, s31;
	[tilespmem:s31+$0x11080] =	vst v13;
	v12 =	vadd.f32 v12, v8  }
0xfb: {  	v13 =	vld [tilespmem:s17+$0x0]  }
0xfc: {  	s20 =	sor.u32 $0x2100, s18;
	[tilespmem:s18+$0x11080] =	vst v12  }
0xfd: {  	v12 =	vld [tilespmem:s20+$0x0]  }
0xfe: {  	v11 =	vadd.f32 v11, v4;
	_ =	sdelay $0x1  }
0xff: {  	s21 =	sor.u32 $0x2180, s2;
	[tilespmem:s2+$0x11100] =	vst v11;
	v24 =	vadd.f32 v13, v6  }
0x100: {  	v25 =	vld [tilespmem:s21+$0x0]  }
0x101: {  	s23 =	sor.u32 $0x2180, s31;
	[tilespmem:s31+$0x11100] =	vst v24;
	v26 =	vadd.f32 v12, v8  }
0x102: {  	v27 =	vld [tilespmem:s23+$0x0]  }
0x103: {  	v3 =	vadd.f32 v10, v3;
	s24 =	sor.u32 $0x2180, s18;
	[tilespmem:s18+$0x11100] =	vst v26  }
0x104: {  	v28 =	vld [tilespmem:s24+$0x0]  }
0x105: {  	[tilespmem:s11+$0x11180] =	vst v3;
	v29 =	vadd.f32 v25, v4  }
0x106: {  	s3 =	sor.u32 $0x3000, s11;
	v30 =	vld [tilespmem:s26+$0xC880]  }
0x107: {  	v31 =	vld [tilespmem:s3+$0x0];
	[tilespmem:s2+$0x11180] =	vst v29;
	v32 =	vadd.f32 v27, v6  }
0x108: {  	s15 =	sor.u32 $0x3000, s2;
	v33 =	vld [tilespmem:s28+$0xC880]  }
0x109: {  	v34 =	vld [tilespmem:s15+$0x0];
	[tilespmem:s31+$0x11180] =	vst v32;
	v35 =	vadd.f32 v28, v8  }
0x10a: {  	s17 =	sor.u32 $0x3000, s31;
	v36 =	vld [tilespmem:s29+$0xC880]  }
0x10b: {  	v37 =	vld [tilespmem:s17+$0x0];
	[tilespmem:s18+$0x11180] =	vst v35  }
0x10c: {  	v11 =	vadd.f32 v31, v30;
	v3 =	vld [tilespmem:s19+$0xC880];
	s19 =	sor.u32 $0x3000, s18  }
0x10d: {  	v7 =	vadd.f32 v7, v2;
	v38 =	vld [tilespmem:s19+$0x0]  }
0x10e: {  	s21 =	sor.u32 $0x3080, s11;
	[tilespmem:s11+$0x12000] =	vst v11;
	v39 =	vadd.f32 v34, v33  }
0x10f: {  	[tilespmem:s9+$0x12000] =	vst v7;
	v11 =	vld [tilespmem:s21+$0x0];
	s20 =	sor.u32 $0x3080, s9  }
0x110: {  	s23 =	sor.u32 $0x3080, s2;
	v40 =	vld [tilespmem:s20+$0x0];
	[tilespmem:s2+$0x12000] =	vst v39  }
0x111: {  	v42 =	vld [tilespmem:s23+$0x0];
	v10 =	vadd.f32 v37, v36  }
0x112: {  	v41 =	vadd.f32 v38, v3  }
0x113: {  	s24 =	sor.u32 $0x3080, s31;
	[tilespmem:s31+$0x12000] =	vst v10  }
0x114: {  	s26 =	sor.u32 $0x3080, s18;
	v43 =	vadd.f32 v11, v30;
	v10 =	vld [tilespmem:s24+$0x0];
	[tilespmem:s18+$0x12000] =	vst v41  }
0x115: {  	[tilespmem:s7+$0x12080] =	vst v9;
	s28 =	sor.u32 $0x3100, s7;
	v12 =	vadd.f32 v40, v2;
	v7 =	vld [tilespmem:s26+$0x0]  }
0x116: {  	s3 =	sor.u32 $0x3100, s11;
	v44 =	vld [tilespmem:s28+$0x0];
	[tilespmem:s11+$0x12080] =	vst v43;
	v45 =	vadd.f32 v42, v33  }
0x117: {  	v48 =	vld [tilespmem:s3+$0x0];
	s29 =	sor.u32 $0x3100, s9;
	[tilespmem:s9+$0x12080] =	vst v12  }
0x118: {  	s15 =	sor.u32 $0x3100, s2;
	v46 =	vld [tilespmem:s29+$0x0];
	[tilespmem:s2+$0x12080] =	vst v45  }
0x119: {  	v12 =	vld [tilespmem:s15+$0x0];
	v47 =	vadd.f32 v10, v36  }
0x11a: {  	v7 =	vadd.f32 v7, v3  }
0x11b: {  	v49 =	vadd.f32 v44, v1;
	s17 =	sor.u32 $0x3100, s31;
	[tilespmem:s31+$0x12080] =	vst v47  }
0x11c: {  	v51 =	vadd.f32 v48, v30;
	s19 =	sor.u32 $0x3100, s18;
	v9 =	vld [tilespmem:s17+$0x0];
	[tilespmem:s18+$0x12080] =	vst v7  }
0x11d: {  	s20 =	sor.u32 $0x3180, s7;
	[tilespmem:s7+$0x12100] =	vst v49;
	v13 =	vadd.f32 v46, v2;
	v50 =	vld [tilespmem:s19+$0x0]  }
0x11e: {  	s23 =	sor.u32 $0x3180, s11;
	v52 =	vld [tilespmem:s20+$0x0];
	[tilespmem:s11+$0x12100] =	vst v51;
	v12 =	vadd.f32 v12, v33  }
0x11f: {  	s21 =	sor.u32 $0x3180, s9;
	v54 =	vld [tilespmem:s23+$0x0];
	[tilespmem:s9+$0x12100] =	vst v13  }
0x120: {  	v0 =	vadd.f32 v5, v0;
	s24 =	sor.u32 $0x3180, s2;
	v53 =	vld [tilespmem:s21+$0x0];
	[tilespmem:s2+$0x12100] =	vst v12  }
0x121: {  	v55 =	vld [tilespmem:s24+$0x0];
	v9 =	vadd.f32 v9, v36  }
0x122: {  	[tilespmem:s12+$0x12180] =	vst v0;
	v11 =	vadd.f32 v50, v3  }
0x123: {  	v57 =	vadd.f32 v52, v1;
	s26 =	sor.u32 $0x3180, s31;
	[tilespmem:s31+$0x12100] =	vst v9  }
0x124: {  	s28 =	sor.u32 $0x3180, s18;
	v60 =	vadd.f32 v54, v30;
	v56 =	vld [tilespmem:s26+$0x0];
	[tilespmem:s18+$0x12100] =	vst v11  }
0x125: {  	[tilespmem:s7+$0x12180] =	vst v57;
	v59 =	vadd.f32 v53, v2;
	v58 =	vld [tilespmem:s28+$0x0]  }
0x126: {  	[tilespmem:s11+$0x12180] =	vst v60;
	v61 =	vadd.f32 v55, v33  }
0x127: {  	[tilespmem:s9+$0x12180] =	vst v59  }
0x128: {  	s12 =	smul.u32 $0xC000, s13;
	[tilespmem:s2+$0x12180] =	vst v61  }
.Ltmp4:
0x129: {  	v62 =	vadd.f32 v56, v36;
	s29 =	rddreg [dreg:$0xe];
	(pc) =	sbr.rel @p1 .LBB2_16-.Ltmp4, $4  }
0x12a: {  	s1 =	sadd.s32 s29, s12;
	v63 =	vadd.f32 v58, v3  }
0x12b: {  	s15 =	smov.u32 s22;
	[tilespmem:s31+$0x12180] =	vst v62;
	s1 =	sshrl.u32 s1, $0x3  }
0x12c: {  	s31 =	simm.s32 $0x11000;
	s1 =	sadd.s32 s22, s1;
	s22 =	simm.s32 $0x100;
	[tilespmem:s18+$0x12180] =	vst v63  }
0x12d: {  	[hbm4b:s1+s5] =	stream.linear.scatter [tilespmem:s31], [sflag:$0x8], $0x2000, $0x38;
	[tilespmem:$0x1B000] =	vst v63  }
0x12e: {  	s1 =	sadd.s32 $0x6, s14  }
0x12f: {  	s2 =	sshll.u32 s1, $0x1  }
0x130: {  	s2 =	sadd.s32 s6, s2  }
0x131: {  	s24 =	simm.s32 $0x400;
	s1 =	sshll.u32 s1, $0x5;
	s3 =	sshll.u32 s2, $0x9  }
0x132: {  	s1 =	sand.u32 $0x40, s1;
	s2 =	sshll.u32 s2, $0x7;
	s3 =	sand.u32 $0x1FFFF800, s3  }
0x133: {  	s1 =	sadd.s32 s4, s1;
	s2 =	sand.u32 $0xFFFFC00, s2;
	s3 =	sadd.s32 s25, s3  }
0x134: {  	[tilespmem:s5], [sflag:$0x1] =	stream.linear.gather [hbm4b:s3+s5], $0x2000, $0x38;
	[tilespmem:$0x1B000] =	vst v63  }
0x135: {  	s26 =	simm.s32 $0xC000;
	s1 =	sadd.s32 s2, s1;
	s2 =	simm.s32 $0x3  }
0x136: {  	[tilespmem:s26], [sflag:$0x1] =	stream.strided.gather [hbm4b:s1+s22], $0x800, s24, s22, $0x38;
	[tilespmem:$0x1B000] =	vst v63  }
0x137: {  	_ =	swait.ge [sflag:s2], $0x2000  }
0x138: {  	[sflag:s2] =	ssyncset.done $0x0  }
0x139: {  	[sflag:s2] =	ssyncadd.s32 $0xFFFFE000  }
0x13a: {  	_ =	swait.ge [sflag:s2], $0x800  }
0x13b: {  	s9 =	simm.s32 $0x0;
	[sflag:s2] =	ssyncset.done $0x0  }
0x13c: {  	s7 =	simm.s32 $0x0;
	s1 =	simm.s32 @!p0 $0x9;
	[sflag:s2] =	ssyncadd.s32 $0xFFFFF800  }
0x13d: {  	s7 =	sand.u32 $0xFFFFFE00, s7;
	s3 =	simm.s32 $0x0;
	_ =	swait.ge @!p0 [sflag:s1], $0x2000  }
0x13e: {  	s2 =	sand.u32 $0x70, s3;
	s3 =	sand.u32 $0x3FFFFF00, s9;
	[sflag:s1] =	ssyncset.done @!p0 $0x0  }
0x13f: {  	s20 =	sor.u32 s2, s3;
	s7 =	sor.u32 s2, s7;
	[sflag:s1] =	ssyncadd.s32 @!p0 $0xFFFFE000  }
0x140: {  	s11 =	sor.u32 $0x4000, s7;
	v0 =	vld [tilespmem:s20+$0xD000]  }
0x141: {  	v1 =	vld [tilespmem:s11+$0x0];
	_ =	sdelay $0x4  }
0x142: {  	s18 =	simm.s32 $0x20;
	v1 =	vadd.f32 v1, v0  }
0x143: {  	s17 =	simm.s32 $0x10;
	s19 =	simm.s32 $0x40;
	s2 =	sand.u32 $0x3FFFFF00, s18  }
0x144: {  	s3 =	sand.u32 $0xFFFFFE00, s19;
	s1 =	sand.u32 $0x70, s17;
	s11 =	sor.u32 $0x4080, s7;
	[tilespmem:s7+$0x13000] =	vst v1  }
0x145: {  	s18 =	sor.u32 s1, s2;
	s9 =	sor.u32 s1, s3;
	v1 =	vld [tilespmem:s11+$0x0]  }
0x146: {  	v2 =	vld [tilespmem:s18+$0xD000];
	s1 =	sor.u32 $0x4000, s9  }
0x147: {  	v3 =	vld [tilespmem:s1+$0x0];
	_ =	sdelay $0x2  }
0x148: {  	v1 =	vadd.f32 v1, v0  }
0x149: {  	s21 =	simm.s32 $0x20;
	s24 =	simm.s32 $0x40;
	s26 =	simm.s32 $0x80  }
0x14a: {  	s23 =	sor.u32 $0x4100, s7;
	s3 =	sand.u32 $0x3FFFFF00, s24;
	s1 =	sand.u32 $0x70, s21;
	v3 =	vadd.f32 v3, v2;
	[tilespmem:s7+$0x13080] =	vst v1  }
0x14b: {  	s19 =	sor.u32 s1, s3;
	s11 =	sand.u32 $0xFFFFFE00, s26;
	v1 =	vld [tilespmem:s23+$0x0]  }
0x14c: {  	s17 =	sor.u32 $0x4080, s9;
	v5 =	vld [tilespmem:s19+$0xD000];
	[tilespmem:s9+$0x13000] =	vst v3;
	s11 =	sor.u32 s1, s11  }
0x14d: {  	v3 =	vld [tilespmem:s17+$0x0];
	s1 =	sor.u32 $0x4000, s11  }
0x14e: {  	v4 =	vld [tilespmem:s1+$0x0];
	_ =	sdelay $0x1  }
0x14f: {  	v1 =	vadd.f32 v1, v0;
	_ =	sdelay $0x1  }
0x150: {  	s17 =	sor.u32 $0x4180, s7;
	v3 =	vadd.f32 v3, v2;
	[tilespmem:s7+$0x13100] =	vst v1  }
0x151: {  	v4 =	vadd.f32 v4, v5;
	v1 =	vld [tilespmem:s17+$0x0]  }
0x152: {  	s24 =	simm.s32 $0x60;
	s23 =	sor.u32 $0x4100, s9;
	[tilespmem:s9+$0x13080] =	vst v3  }
0x153: {  	s21 =	simm.s32 $0x30;
	s26 =	simm.s32 $0xC0;
	v6 =	vld [tilespmem:s23+$0x0];
	[tilespmem:s11+$0x13000] =	vst v4;
	s23 =	sor.u32 $0x4080, s11  }
0x154: {  	s3 =	sand.u32 $0x3FFFFF00, s24;
	s1 =	sand.u32 $0x70, s21;
	s21 =	sand.u32 $0xFFFFFE00, s26;
	v4 =	vld [tilespmem:s23+$0x0]  }
0x155: {  	s28 =	sor.u32 s1, s3;
	s2 =	sor.u32 s1, s21  }
0x156: {  	s1 =	sor.u32 $0x4000, s2;
	v3 =	vld [tilespmem:s28+$0xD000];
	v0 =	vadd.f32 v1, v0  }
0x157: {  	v1 =	vld [tilespmem:s1+$0x0]  }
0x158: {  	v6 =	vadd.f32 v6, v2;
	[tilespmem:s7+$0x13180] =	vst v0  }
0x159: {  	s24 =	sor.u32 $0x5000, s7;
	v4 =	vadd.f32 v4, v5;
	v0 =	vld [tilespmem:s20+$0xD080]  }
0x15a: {  	s26 =	sor.u32 $0x4180, s9;
	[tilespmem:s9+$0x13100] =	vst v6;
	v6 =	vld [tilespmem:s24+$0x0]  }
0x15b: {  	s17 =	sor.u32 $0x4100, s11;
	v7 =	vld [tilespmem:s26+$0x0];
	[tilespmem:s11+$0x13080] =	vst v4  }
0x15c: {  	s3 =	simm.s32 $0x40;
	v8 =	vld [tilespmem:s17+$0x0];
	v1 =	vadd.f32 v1, v3  }
0x15d: {  	s21 =	simm.s32 $0x100;
	s26 =	sor.u32 $0x4080, s2;
	s20 =	simm.s32 $0x80  }
0x15e: {  	s1 =	sand.u32 $0x70, s3;
	s24 =	sand.u32 $0xFFFFFE00, s21;
	s23 =	sand.u32 $0x3FFFFF00, s20;
	[tilespmem:s2+$0x13000] =	vst v1  }
0x15f: {  	s31 =	sor.u32 s1, s24;
	s29 =	sor.u32 s1, s23;
	v9 =	vld [tilespmem:s26+$0x0];
	v1 =	vadd.f32 v6, v0  }
0x160: {  	v2 =	vadd.f32 v7, v2;
	s1 =	sor.u32 $0x4000, s31;
	v4 =	vld [tilespmem:s29+$0xD000]  }
0x161: {  	s17 =	sor.u32 $0x5080, s7;
	v7 =	vadd.f32 v8, v5;
	v6 =	vld [tilespmem:s1+$0x0];
	[tilespmem:s7+$0x14000] =	vst v1  }
0x162: {  	[tilespmem:s9+$0x13180] =	vst v2;
	s20 =	sor.u32 $0x5000, s9;
	v2 =	vld [tilespmem:s17+$0x0]  }
0x163: {  	[tilespmem:s11+$0x13100] =	vst v7;
	v7 =	vld [tilespmem:s20+$0x0]  }
0x164: {  	s21 =	sor.u32 $0x4180, s11;
	v1 =	vld [tilespmem:s18+$0xD080];
	v8 =	vadd.f32 v9, v3  }
0x165: {  	s24 =	simm.s32 $0x50;
	s23 =	simm.s32 $0xA0;
	v9 =	vld [tilespmem:s21+$0x0]  }
0x166: {  	s20 =	sor.u32 $0x4100, s2;
	s26 =	sand.u32 $0x70, s24;
	s1 =	sand.u32 $0x3FFFFF00, s23;
	v10 =	vadd.f32 v6, v4;
	[tilespmem:s2+$0x13080] =	vst v8  }
0x167: {  	s18 =	sor.u32 s26, s1;
	s21 =	simm.s32 $0x140;
	v8 =	vld [tilespmem:s20+$0x0];
	v2 =	vadd.f32 v2, v0  }
0x168: {  	s23 =	sor.u32 $0x4080, s31;
	v6 =	vld [tilespmem:s18+$0xD000];
	s1 =	sand.u32 $0xFFFFFE00, s21;
	[tilespmem:s31+$0x13000] =	vst v10  }
0x169: {  	s24 =	sor.u32 $0x5100, s7;
	s26 =	sor.u32 s26, s1;
	v7 =	vadd.f32 v7, v1;
	v10 =	vld [tilespmem:s23+$0x0];
	[tilespmem:s7+$0x14080] =	vst v2  }
0x16a: {  	s3 =	sor.u32 $0x4000, s26;
	v2 =	vadd.f32 v9, v5;
	v5 =	vld [tilespmem:s24+$0x0]  }
0x16b: {  	[tilespmem:s9+$0x14000] =	vst v7;
	v9 =	vld [tilespmem:s3+$0x0];
	s3 =	sor.u32 $0x5080, s9  }
0x16c: {  	v12 =	vld [tilespmem:s3+$0x0];
	[tilespmem:s11+$0x13180] =	vst v2;
	v7 =	vadd.f32 v8, v3  }
0x16d: {  	s17 =	simm.s32 $0xC0;
	s21 =	simm.s32 $0x60;
	s20 =	sor.u32 $0x5000, s11;
	v2 =	vld [tilespmem:s19+$0xD080]  }
0x16e: {  	s1 =	sand.u32 $0x3FFFFF00, s17;
	s23 =	sand.u32 $0x70, s21;
	s24 =	sor.u32 $0x4180, s2;
	v11 =	vadd.f32 v10, v4;
	[tilespmem:s2+$0x13100] =	vst v7;
	v7 =	vld [tilespmem:s20+$0x0]  }
0x16f: {  	s20 =	sor.u32 s23, s1;
	v10 =	vld [tilespmem:s24+$0x0];
	v5 =	vadd.f32 v5, v0  }
0x170: {  	s19 =	sor.u32 $0x4100, s31;
	v13 =	vadd.f32 v9, v6;
	[tilespmem:s31+$0x13080] =	vst v11;
	v8 =	vld [tilespmem:s20+$0xD000]  }
0x171: {  	s1 =	sor.u32 $0x5180, s7;
	s24 =	simm.s32 $0x180;
	v11 =	vld [tilespmem:s19+$0x0];
	v9 =	vadd.f32 v12, v1;
	[tilespmem:s7+$0x14100] =	vst v5  }
0x172: {  	s19 =	simm.s32 $0x7;
	s17 =	sand.u32 $0xFFFFFE00, s24;
	[tilespmem:s26+$0x13000] =	vst v13;
	s24 =	sor.u32 $0x4080, s26;
	v5 =	vld [tilespmem:s1+$0x0]  }
.LBB2_8:
0x173: {  	p1 =	sne.s32 s19, $0x3F;
	s1 =	sor.u32 s23, s17;
	v12 =	vld [tilespmem:s24+$0x0];
	v7 =	vadd.f32 v7, v2;
	[tilespmem:s9+$0x14080] =	vst v9;
	s3 =	sor.u32 $0x5100, s9  }
0x174: {  	s17 =	sor.u32 $0x4000, s1;
	v9 =	vadd.f32 v10, v3;
	v13 =	vld [tilespmem:s3+$0x0];
	v3 =	vmov v4;
	v4 =	vmov v6;
	s3 =	smov.u32 s26;
	s26 =	smov.u32 s1  }
0x175: {  	s1 =	sor.u32 $0x5080, s11;
	v14 =	vld [tilespmem:s17+$0x0];
	[tilespmem:s11+$0x14000] =	vst v7;
	v6 =	vmov v8;
	s17 =	smov.u32 s28;
	s28 =	smov.u32 s29  }
0x176: {  	s21 =	sadd.s32 $0x10, s21;
	s29 =	smov.u32 s18;
	s18 =	smov.u32 s20;
	v7 =	vadd.f32 v11, v3;
	[tilespmem:s2+$0x13180] =	vst v9;
	v9 =	vld [tilespmem:s1+$0x0]  }
0x177: {  	s23 =	sand.u32 $0x70, s21;
	s20 =	sor.u32 $0x5000, s2;
	s1 =	sshll.u32 s19, $0x5;
	v5 =	vadd.f32 v5, v0;
	v0 =	vmov v1;
	v1 =	vmov v2;
	v2 =	vld [tilespmem:s17+$0xD080]  }
.Ltmp5:
0x178: {  	s1 =	sand.u32 $0x3FFFFF00, s1;
	s17 =	sor.u32 $0x4180, s31;
	v11 =	vadd.f32 v12, v4;
	[tilespmem:s31+$0x13100] =	vst v7;
	v7 =	vld [tilespmem:s20+$0x0];
	(pc) =	sbr.rel @p1 .LBB2_8-.Ltmp5, $4  }
0x179: {  	s20 =	sor.u32 s23, s1;
	v10 =	vld [tilespmem:s17+$0x0];
	v12 =	vadd.f32 v13, v0;
	[tilespmem:s7+$0x14180] =	vst v5;
	s7 =	smov.u32 s9;
	s9 =	smov.u32 s11  }
0x17a: {  	s1 =	sor.u32 $0x4100, s3;
	s11 =	smov.u32 s2;
	s2 =	smov.u32 s31;
	v8 =	vld [tilespmem:s20+$0xD000];
	v5 =	vadd.f32 v14, v6;
	[tilespmem:s3+$0x13080] =	vst v11  }
0x17b: {  	s17 =	sshll.u32 s19, $0x6;
	s31 =	smov.u32 s3;
	v11 =	vld [tilespmem:s1+$0x0];
	v9 =	vadd.f32 v9, v1;
	[tilespmem:s7+$0x14100] =	vst v12;
	s1 =	sor.u32 $0x5180, s7  }
0x17c: {  	s24 =	sor.u32 $0x4080, s26;
	s19 =	sadd.s32 $0x1, s19;
	s17 =	sand.u32 $0xFFFFFE00, s17;
	[tilespmem:s26+$0x13000] =	vst v5;
	v5 =	vld [tilespmem:s1+$0x0]  }
0x17d: {  	s19 =	sor.u32 s23, s17  }
0x17e: {  	s1 =	sor.u32 $0x4000, s19  }
0x17f: {  	v12 =	vld [tilespmem:s1+$0x0];
	_ =	sdelay $0x4  }
0x180: {  	v12 =	vadd.f32 v12, v8  }
0x181: {  	v13 =	vld [tilespmem:s24+$0x0]  }
0x182: {  	s3 =	sor.u32 $0x4080, s19;
	[tilespmem:s19+$0x13000] =	vst v12  }
0x183: {  	v12 =	vld [tilespmem:s3+$0x0];
	_ =	sdelay $0x2  }
0x184: {  	v13 =	vadd.f32 v13, v6;
	_ =	sdelay $0x1  }
0x185: {  	s17 =	sor.u32 $0x4100, s26;
	[tilespmem:s26+$0x13080] =	vst v13;
	v12 =	vadd.f32 v12, v8  }
0x186: {  	v13 =	vld [tilespmem:s17+$0x0]  }
0x187: {  	s21 =	sor.u32 $0x4100, s19;
	[tilespmem:s19+$0x13080] =	vst v12  }
0x188: {  	v11 =	vadd.f32 v11, v4;
	v12 =	vld [tilespmem:s21+$0x0];
	_ =	sdelay $0x1  }
0x189: {  	s23 =	sor.u32 $0x4180, s31;
	[tilespmem:s31+$0x13100] =	vst v11  }
0x18a: {  	v53 =	vld [tilespmem:s23+$0x0];
	v11 =	vadd.f32 v13, v6;
	_ =	sdelay $0x1  }
0x18b: {  	s24 =	sor.u32 $0x4180, s26;
	[tilespmem:s26+$0x13100] =	vst v11;
	v11 =	vadd.f32 v12, v8  }
0x18c: {  	v3 =	vadd.f32 v10, v3;
	v54 =	vld [tilespmem:s24+$0x0]  }
0x18d: {  	s3 =	sor.u32 $0x4180, s19;
	[tilespmem:s19+$0x13100] =	vst v11  }
0x18e: {  	[tilespmem:s2+$0x13180] =	vst v3;
	v3 =	vadd.f32 v53, v4;
	v10 =	vld [tilespmem:s3+$0x0];
	_ =	sdelay $0x1  }
0x18f: {  	v4 =	vld [tilespmem:s28+$0xD080];
	[tilespmem:s31+$0x13180] =	vst v3;
	s21 =	sor.u32 $0x5000, s31  }
0x190: {  	v55 =	vld [tilespmem:s21+$0x0];
	v3 =	vadd.f32 v54, v6  }
0x191: {  	s17 =	sor.u32 $0x5000, s2;
	v6 =	vld [tilespmem:s29+$0xD080]  }
0x192: {  	[tilespmem:s26+$0x13180] =	vst v3;
	v11 =	vld [tilespmem:s17+$0x0];
	v3 =	vadd.f32 v10, v8  }
0x193: {  	s23 =	sor.u32 $0x5000, s26;
	v8 =	vld [tilespmem:s18+$0xD080]  }
0x194: {  	v10 =	vld [tilespmem:s23+$0x0];
	[tilespmem:s19+$0x13180] =	vst v3  }
0x195: {  	s24 =	sor.u32 $0x5000, s19;
	v3 =	vld [tilespmem:s20+$0xD080]  }
0x196: {  	v7 =	vadd.f32 v7, v2;
	v56 =	vld [tilespmem:s24+$0x0]  }
0x197: {  	v11 =	vadd.f32 v11, v4  }
0x198: {  	[tilespmem:s11+$0x14000] =	vst v7;
	s3 =	sor.u32 $0x5080, s11;
	v7 =	vadd.f32 v55, v6  }
0x199: {  	s17 =	sor.u32 $0x5080, s2;
	v57 =	vld [tilespmem:s3+$0x0];
	[tilespmem:s2+$0x14000] =	vst v11;
	v10 =	vadd.f32 v10, v8  }
0x19a: {  	[tilespmem:s31+$0x14000] =	vst v7;
	s18 =	sor.u32 $0x5080, s31;
	v11 =	vld [tilespmem:s17+$0x0]  }
0x19b: {  	v58 =	vld [tilespmem:s18+$0x0];
	s20 =	sor.u32 $0x5080, s26;
	[tilespmem:s26+$0x14000] =	vst v10;
	v7 =	vadd.f32 v56, v3  }
0x19c: {  	v10 =	vld [tilespmem:s20+$0x0]  }
0x19d: {  	s21 =	sor.u32 $0x5080, s19;
	[tilespmem:s19+$0x14000] =	vst v7  }
0x19e: {  	v12 =	vadd.f32 v57, v2;
	v7 =	vld [tilespmem:s21+$0x0]  }
0x19f: {  	[tilespmem:s9+$0x14080] =	vst v9;
	s23 =	sor.u32 $0x5100, s9;
	v9 =	vadd.f32 v11, v4  }
0x1a0: {  	[tilespmem:s11+$0x14080] =	vst v12;
	s24 =	sor.u32 $0x5100, s11;
	v59 =	vadd.f32 v58, v6;
	v11 =	vld [tilespmem:s23+$0x0]  }
0x1a1: {  	s3 =	sor.u32 $0x5100, s2;
	v60 =	vld [tilespmem:s24+$0x0];
	[tilespmem:s2+$0x14080] =	vst v9;
	v9 =	vadd.f32 v10, v8  }
0x1a2: {  	s17 =	sor.u32 $0x5100, s31;
	[tilespmem:s31+$0x14080] =	vst v59;
	v10 =	vld [tilespmem:s3+$0x0]  }
0x1a3: {  	s18 =	sor.u32 $0x5100, s26;
	v12 =	vld [tilespmem:s17+$0x0];
	[tilespmem:s26+$0x14080] =	vst v9;
	v7 =	vadd.f32 v7, v3  }
0x1a4: {  	v9 =	vld [tilespmem:s18+$0x0]  }
0x1a5: {  	[tilespmem:s19+$0x14080] =	vst v7;
	v7 =	vadd.f32 v11, v1  }
0x1a6: {  	s20 =	sor.u32 $0x5100, s19;
	v13 =	vadd.f32 v60, v2  }
0x1a7: {  	s21 =	sor.u32 $0x5180, s9;
	v11 =	vld [tilespmem:s20+$0x0];
	[tilespmem:s9+$0x14100] =	vst v7;
	v7 =	vadd.f32 v10, v4  }
0x1a8: {  	s23 =	sor.u32 $0x5180, s11;
	[tilespmem:s11+$0x14100] =	vst v13;
	v12 =	vadd.f32 v12, v6;
	v10 =	vld [tilespmem:s21+$0x0]  }
0x1a9: {  	s24 =	sor.u32 $0x5180, s2;
	v9 =	vadd.f32 v9, v8;
	[tilespmem:s2+$0x14100] =	vst v7;
	v7 =	vld [tilespmem:s23+$0x0]  }
0x1aa: {  	s3 =	sor.u32 $0x5180, s31;
	[tilespmem:s31+$0x14100] =	vst v12;
	v61 =	vld [tilespmem:s24+$0x0]  }
0x1ab: {  	v0 =	vadd.f32 v5, v0;
	[tilespmem:s26+$0x14100] =	vst v9;
	v9 =	vld [tilespmem:s3+$0x0]  }
0x1ac: {  	v11 =	vadd.f32 v11, v3  }
0x1ad: {  	[tilespmem:s7+$0x14180] =	vst v0;
	s17 =	sor.u32 $0x5180, s26;
	v1 =	vadd.f32 v10, v1  }
0x1ae: {  	s18 =	sor.u32 $0x5180, s19;
	v5 =	vld [tilespmem:s17+$0x0];
	[tilespmem:s19+$0x14100] =	vst v11;
	v0 =	vadd.f32 v7, v2  }
0x1af: {  	v10 =	vld [tilespmem:s18+$0x0];
	[tilespmem:s9+$0x14180] =	vst v1;
	v1 =	vadd.f32 v61, v4  }
0x1b0: {  	[tilespmem:s11+$0x14180] =	vst v0;
	v0 =	vadd.f32 v9, v6  }
0x1b1: {  	[tilespmem:s2+$0x14180] =	vst v1  }
0x1b2: {  	[tilespmem:s31+$0x14180] =	vst v0  }
0x1b3: {  	s23 =	sadd.s32 $0x7, s14;
	v1 =	vadd.f32 v5, v8;
	s20 =	rddreg [dreg:$0xf]  }
0x1b4: {  	s24 =	sshll.u32 s23, $0x1;
	v0 =	vadd.f32 v10, v3;
	s1 =	sadd.s32 s20, s12  }
0x1b5: {  	s2 =	sadd.s32 s6, s24;
	[tilespmem:s26+$0x14180] =	vst v1;
	s1 =	sshrl.u32 s1, $0x3  }
0x1b6: {  	s21 =	simm.s32 $0x13000;
	s3 =	sshll.u32 s2, $0x9;
	[tilespmem:s19+$0x14180] =	vst v0;
	s1 =	sadd.s32 s15, s1  }
0x1b7: {  	[hbm4b:s1+s5] =	stream.linear.scatter [tilespmem:s21], [sflag:$0x9], $0x2000, $0x38;
	[tilespmem:$0x1B000] =	vst v63  }
0x1b8: {  	s2 =	sshll.u32 s2, $0x7;
	s3 =	sand.u32 $0x1FFFFC00, s3;
	s1 =	sshll.u32 s23, $0x5  }
0x1b9: {  	s26 =	simm.s32 $0x2000;
	s3 =	sadd.s32 s25, s3;
	s1 =	sand.u32 $0x60, s1  }
0x1ba: {  	[tilespmem:s26], [sflag:$0x2] =	stream.linear.gather [hbm4b:s3+s5], $0x2000, $0x38;
	[tilespmem:$0x1B000] =	vst v63  }
0x1bb: {  	s7 =	simm.s32 $0xC800;
	s2 =	sand.u32 $0xFFFFC00, s2;
	s1 =	sadd.s32 s4, s1  }
0x1bc: {  	s9 =	simm.s32 $0x4;
	s3 =	simm.s32 $0x400;
	s1 =	sadd.s32 s2, s1  }
0x1bd: {  	[tilespmem:s7], [sflag:$0x2] =	stream.strided.gather [hbm4b:s1+s22], $0x800, s3, s22, $0x38;
	[tilespmem:$0x1B000] =	vst v63  }
0x1be: {  	_ =	swait.ge [sflag:s9], $0x2000  }
0x1bf: {  	[sflag:s9] =	ssyncset.done $0x0  }
0x1c0: {  	[sflag:s9] =	ssyncadd.s32 $0xFFFFE000  }
0x1c1: {  	_ =	swait.ge [sflag:s9], $0x800  }
0x1c2: {  	s17 =	simm.s32 $0x0;
	[sflag:s9] =	ssyncset.done $0x0  }
0x1c3: {  	s11 =	simm.s32 $0x0;
	s1 =	simm.s32 @!p0 $0xA;
	[sflag:s9] =	ssyncadd.s32 $0xFFFFF800  }
0x1c4: {  	s18 =	simm.s32 $0x0;
	s2 =	sand.u32 $0x70, s11;
	_ =	swait.ge @!p0 [sflag:s1], $0x2000  }
0x1c5: {  	s3 =	sand.u32 $0x3FFFFF00, s17;
	s7 =	sand.u32 $0xFFFFFE00, s18;
	[sflag:s1] =	ssyncset.done @!p0 $0x0  }
0x1c6: {  	s20 =	sor.u32 s2, s3;
	s7 =	sor.u32 s2, s7;
	[sflag:s1] =	ssyncadd.s32 @!p0 $0xFFFFE000  }
0x1c7: {  	s19 =	sor.u32 $0x6000, s7;
	v0 =	vld [tilespmem:s20+$0xD800]  }
0x1c8: {  	v1 =	vld [tilespmem:s19+$0x0];
	_ =	sdelay $0x4  }
0x1c9: {  	s23 =	simm.s32 $0x20;
	v1 =	vadd.f32 v1, v0  }
0x1ca: {  	s24 =	simm.s32 $0x40;
	s21 =	simm.s32 $0x10;
	s2 =	sand.u32 $0x3FFFFF00, s23  }
0x1cb: {  	s3 =	sand.u32 $0xFFFFFE00, s24;
	s26 =	sor.u32 $0x6080, s7;
	s1 =	sand.u32 $0x70, s21;
	[tilespmem:s7+$0x15000] =	vst v1  }
0x1cc: {  	s18 =	sor.u32 s1, s2;
	s9 =	sor.u32 s1, s3;
	v1 =	vld [tilespmem:s26+$0x0]  }
0x1cd: {  	v2 =	vld [tilespmem:s18+$0xD800];
	s1 =	sor.u32 $0x6000, s9  }
0x1ce: {  	v3 =	vld [tilespmem:s1+$0x0];
	_ =	sdelay $0x2  }
0x1cf: {  	v1 =	vadd.f32 v1, v0  }
0x1d0: {  	s11 =	simm.s32 $0x20;
	s17 =	sor.u32 $0x6100, s7;
	s19 =	simm.s32 $0x40  }
0x1d1: {  	s21 =	simm.s32 $0x80;
	s23 =	sand.u32 $0x3FFFFF00, s19;
	s1 =	sand.u32 $0x70, s11;
	v3 =	vadd.f32 v3, v2;
	[tilespmem:s7+$0x15080] =	vst v1  }
0x1d2: {  	s24 =	sand.u32 $0xFFFFFE00, s21;
	s19 =	sor.u32 s1, s23;
	v1 =	vld [tilespmem:s17+$0x0]  }
0x1d3: {  	s11 =	sor.u32 s1, s24;
	v5 =	vld [tilespmem:s19+$0xD800];
	s26 =	sor.u32 $0x6080, s9;
	[tilespmem:s9+$0x15000] =	vst v3  }
0x1d4: {  	s1 =	sor.u32 $0x6000, s11;
	v3 =	vld [tilespmem:s26+$0x0]  }
0x1d5: {  	v4 =	vld [tilespmem:s1+$0x0];
	_ =	sdelay $0x1  }
0x1d6: {  	v1 =	vadd.f32 v1, v0;
	_ =	sdelay $0x1  }
0x1d7: {  	v3 =	vadd.f32 v3, v2;
	s17 =	sor.u32 $0x6180, s7;
	[tilespmem:s7+$0x15100] =	vst v1  }
0x1d8: {  	v4 =	vadd.f32 v4, v5;
	v1 =	vld [tilespmem:s17+$0x0]  }
0x1d9: {  	s21 =	simm.s32 $0x30;
	s23 =	sor.u32 $0x6100, s9;
	[tilespmem:s9+$0x15080] =	vst v3  }
0x1da: {  	s24 =	simm.s32 $0x60;
	s26 =	simm.s32 $0xC0;
	[tilespmem:s11+$0x15000] =	vst v4;
	v6 =	vld [tilespmem:s23+$0x0];
	s23 =	sor.u32 $0x6080, s11  }
0x1db: {  	s3 =	sand.u32 $0x3FFFFF00, s24;
	s1 =	sand.u32 $0x70, s21;
	s21 =	sand.u32 $0xFFFFFE00, s26;
	v4 =	vld [tilespmem:s23+$0x0]  }
0x1dc: {  	s28 =	sor.u32 s1, s3;
	s2 =	sor.u32 s1, s21  }
0x1dd: {  	s1 =	sor.u32 $0x6000, s2;
	v3 =	vld [tilespmem:s28+$0xD800];
	v0 =	vadd.f32 v1, v0  }
0x1de: {  	v1 =	vld [tilespmem:s1+$0x0]  }
0x1df: {  	v6 =	vadd.f32 v6, v2;
	[tilespmem:s7+$0x15180] =	vst v0  }
0x1e0: {  	s24 =	sor.u32 $0x7000, s7;
	v4 =	vadd.f32 v4, v5;
	v0 =	vld [tilespmem:s20+$0xD880]  }
0x1e1: {  	s26 =	sor.u32 $0x6180, s9;
	[tilespmem:s9+$0x15100] =	vst v6;
	v6 =	vld [tilespmem:s24+$0x0]  }
0x1e2: {  	s17 =	sor.u32 $0x6100, s11;
	v7 =	vld [tilespmem:s26+$0x0];
	[tilespmem:s11+$0x15080] =	vst v4  }
0x1e3: {  	s3 =	simm.s32 $0x40;
	v8 =	vld [tilespmem:s17+$0x0];
	v1 =	vadd.f32 v1, v3  }
0x1e4: {  	s21 =	simm.s32 $0x100;
	s26 =	sor.u32 $0x6080, s2;
	s20 =	simm.s32 $0x80  }
0x1e5: {  	s1 =	sand.u32 $0x70, s3;
	s24 =	sand.u32 $0xFFFFFE00, s21;
	s23 =	sand.u32 $0x3FFFFF00, s20;
	[tilespmem:s2+$0x15000] =	vst v1  }
0x1e6: {  	s31 =	sor.u32 s1, s24;
	s29 =	sor.u32 s1, s23;
	v9 =	vld [tilespmem:s26+$0x0];
	v1 =	vadd.f32 v6, v0  }
0x1e7: {  	v2 =	vadd.f32 v7, v2;
	s1 =	sor.u32 $0x6000, s31;
	v4 =	vld [tilespmem:s29+$0xD800]  }
0x1e8: {  	s17 =	sor.u32 $0x7080, s7;
	v7 =	vadd.f32 v8, v5;
	v6 =	vld [tilespmem:s1+$0x0];
	[tilespmem:s7+$0x16000] =	vst v1  }
0x1e9: {  	[tilespmem:s9+$0x15180] =	vst v2;
	s20 =	sor.u32 $0x7000, s9;
	v2 =	vld [tilespmem:s17+$0x0]  }
0x1ea: {  	[tilespmem:s11+$0x15100] =	vst v7;
	v7 =	vld [tilespmem:s20+$0x0]  }
0x1eb: {  	s21 =	sor.u32 $0x6180, s11;
	v1 =	vld [tilespmem:s18+$0xD880];
	v8 =	vadd.f32 v9, v3  }
0x1ec: {  	s24 =	simm.s32 $0x50;
	s23 =	simm.s32 $0xA0;
	v9 =	vld [tilespmem:s21+$0x0]  }
0x1ed: {  	s20 =	sor.u32 $0x6100, s2;
	s26 =	sand.u32 $0x70, s24;
	s1 =	sand.u32 $0x3FFFFF00, s23;
	v10 =	vadd.f32 v6, v4;
	[tilespmem:s2+$0x15080] =	vst v8  }
0x1ee: {  	s18 =	sor.u32 s26, s1;
	s21 =	simm.s32 $0x140;
	v8 =	vld [tilespmem:s20+$0x0];
	v2 =	vadd.f32 v2, v0  }
0x1ef: {  	s23 =	sor.u32 $0x6080, s31;
	v6 =	vld [tilespmem:s18+$0xD800];
	s1 =	sand.u32 $0xFFFFFE00, s21;
	[tilespmem:s31+$0x15000] =	vst v10  }
0x1f0: {  	s24 =	sor.u32 $0x7100, s7;
	s26 =	sor.u32 s26, s1;
	v7 =	vadd.f32 v7, v1;
	v10 =	vld [tilespmem:s23+$0x0];
	[tilespmem:s7+$0x16080] =	vst v2  }
0x1f1: {  	s3 =	sor.u32 $0x6000, s26;
	v2 =	vadd.f32 v9, v5;
	v5 =	vld [tilespmem:s24+$0x0]  }
0x1f2: {  	[tilespmem:s9+$0x16000] =	vst v7;
	v9 =	vld [tilespmem:s3+$0x0];
	s3 =	sor.u32 $0x7080, s9  }
0x1f3: {  	v62 =	vld [tilespmem:s3+$0x0];
	[tilespmem:s11+$0x15180] =	vst v2;
	v7 =	vadd.f32 v8, v3  }
0x1f4: {  	s17 =	simm.s32 $0xC0;
	s21 =	simm.s32 $0x60;
	s20 =	sor.u32 $0x7000, s11;
	v2 =	vld [tilespmem:s19+$0xD880]  }
0x1f5: {  	s1 =	sand.u32 $0x3FFFFF00, s17;
	s23 =	sand.u32 $0x70, s21;
	s24 =	sor.u32 $0x6180, s2;
	v11 =	vadd.f32 v10, v4;
	[tilespmem:s2+$0x15100] =	vst v7;
	v7 =	vld [tilespmem:s20+$0x0]  }
0x1f6: {  	s20 =	sor.u32 s23, s1;
	v10 =	vld [tilespmem:s24+$0x0];
	v5 =	vadd.f32 v5, v0  }
0x1f7: {  	s17 =	sor.u32 $0x6100, s31;
	v63 =	vadd.f32 v9, v6;
	[tilespmem:s31+$0x15080] =	vst v11;
	v8 =	vld [tilespmem:s20+$0xD800]  }
0x1f8: {  	s19 =	simm.s32 $0x180;
	v11 =	vld [tilespmem:s17+$0x0];
	s24 =	sor.u32 $0x7180, s7;
	v9 =	vadd.f32 v62, v1;
	[tilespmem:s7+$0x16100] =	vst v5  }
0x1f9: {  	s17 =	sand.u32 $0xFFFFFE00, s19;
	s19 =	simm.s32 $0x7;
	[tilespmem:s26+$0x15000] =	vst v63;
	v5 =	vld [tilespmem:s24+$0x0];
	s24 =	sor.u32 $0x6080, s26  }
.LBB2_10:
0x1fa: {  	p1 =	sne.s32 s19, $0x3F;
	s1 =	sor.u32 s23, s17;
	v12 =	vld [tilespmem:s24+$0x0];
	v7 =	vadd.f32 v7, v2;
	[tilespmem:s9+$0x16080] =	vst v9;
	s3 =	sor.u32 $0x7100, s9  }
0x1fb: {  	s17 =	sor.u32 $0x6000, s1;
	v9 =	vadd.f32 v10, v3;
	v13 =	vld [tilespmem:s3+$0x0];
	v3 =	vmov v4;
	v4 =	vmov v6;
	s3 =	smov.u32 s26;
	s26 =	smov.u32 s1  }
0x1fc: {  	s1 =	sor.u32 $0x7080, s11;
	v14 =	vld [tilespmem:s17+$0x0];
	[tilespmem:s11+$0x16000] =	vst v7;
	v6 =	vmov v8;
	s17 =	smov.u32 s28;
	s28 =	smov.u32 s29  }
0x1fd: {  	s21 =	sadd.s32 $0x10, s21;
	s29 =	smov.u32 s18;
	s18 =	smov.u32 s20;
	v7 =	vadd.f32 v11, v3;
	[tilespmem:s2+$0x15180] =	vst v9;
	v9 =	vld [tilespmem:s1+$0x0]  }
0x1fe: {  	s23 =	sand.u32 $0x70, s21;
	s20 =	sor.u32 $0x7000, s2;
	s1 =	sshll.u32 s19, $0x5;
	v5 =	vadd.f32 v5, v0;
	v0 =	vmov v1;
	v1 =	vmov v2;
	v2 =	vld [tilespmem:s17+$0xD880]  }
.Ltmp6:
0x1ff: {  	s1 =	sand.u32 $0x3FFFFF00, s1;
	s17 =	sor.u32 $0x6180, s31;
	v11 =	vadd.f32 v12, v4;
	[tilespmem:s31+$0x15100] =	vst v7;
	v7 =	vld [tilespmem:s20+$0x0];
	(pc) =	sbr.rel @p1 .LBB2_10-.Ltmp6, $4  }
0x200: {  	s20 =	sor.u32 s23, s1;
	v10 =	vld [tilespmem:s17+$0x0];
	v12 =	vadd.f32 v13, v0;
	[tilespmem:s7+$0x16180] =	vst v5;
	s7 =	smov.u32 s9;
	s9 =	smov.u32 s11  }
0x201: {  	s1 =	sor.u32 $0x6100, s3;
	s11 =	smov.u32 s2;
	s2 =	smov.u32 s31;
	v8 =	vld [tilespmem:s20+$0xD800];
	v5 =	vadd.f32 v14, v6;
	[tilespmem:s3+$0x15080] =	vst v11  }
0x202: {  	s17 =	sshll.u32 s19, $0x6;
	s31 =	smov.u32 s3;
	v11 =	vld [tilespmem:s1+$0x0];
	v9 =	vadd.f32 v9, v1;
	[tilespmem:s7+$0x16100] =	vst v12;
	s1 =	sor.u32 $0x7180, s7  }
0x203: {  	s24 =	sor.u32 $0x6080, s26;
	s19 =	sadd.s32 $0x1, s19;
	s17 =	sand.u32 $0xFFFFFE00, s17;
	[tilespmem:s26+$0x15000] =	vst v5;
	v5 =	vld [tilespmem:s1+$0x0]  }
0x204: {  	s19 =	sor.u32 s23, s17  }
0x205: {  	s1 =	sor.u32 $0x6000, s19  }
0x206: {  	v12 =	vld [tilespmem:s1+$0x0];
	_ =	sdelay $0x4  }
0x207: {  	v12 =	vadd.f32 v12, v8  }
0x208: {  	v13 =	vld [tilespmem:s24+$0x0]  }
0x209: {  	s17 =	sor.u32 $0x6080, s19;
	[tilespmem:s19+$0x15000] =	vst v12  }
0x20a: {  	v12 =	vld [tilespmem:s17+$0x0];
	_ =	sdelay $0x2  }
0x20b: {  	v13 =	vadd.f32 v13, v6;
	_ =	sdelay $0x1  }
0x20c: {  	s21 =	sor.u32 $0x6100, s26;
	[tilespmem:s26+$0x15080] =	vst v13;
	v12 =	vadd.f32 v12, v8  }
0x20d: {  	v13 =	vld [tilespmem:s21+$0x0]  }
0x20e: {  	s23 =	sor.u32 $0x6100, s19;
	[tilespmem:s19+$0x15080] =	vst v12  }
0x20f: {  	v11 =	vadd.f32 v11, v4;
	v12 =	vld [tilespmem:s23+$0x0];
	_ =	sdelay $0x1  }
0x210: {  	s24 =	sor.u32 $0x6180, s31;
	[tilespmem:s31+$0x15100] =	vst v11  }
0x211: {  	v53 =	vld [tilespmem:s24+$0x0];
	v11 =	vadd.f32 v13, v6;
	_ =	sdelay $0x1  }
0x212: {  	s3 =	sor.u32 $0x6180, s26;
	[tilespmem:s26+$0x15100] =	vst v11;
	v11 =	vadd.f32 v12, v8  }
0x213: {  	v3 =	vadd.f32 v10, v3;
	v54 =	vld [tilespmem:s3+$0x0]  }
0x214: {  	s17 =	sor.u32 $0x6180, s19;
	[tilespmem:s19+$0x15100] =	vst v11  }
0x215: {  	[tilespmem:s2+$0x15180] =	vst v3;
	v3 =	vadd.f32 v53, v4;
	v10 =	vld [tilespmem:s17+$0x0];
	_ =	sdelay $0x1  }
0x216: {  	v4 =	vld [tilespmem:s28+$0xD880];
	[tilespmem:s31+$0x15180] =	vst v3;
	s23 =	sor.u32 $0x7000, s31  }
0x217: {  	v55 =	vld [tilespmem:s23+$0x0];
	v3 =	vadd.f32 v54, v6  }
0x218: {  	s21 =	sor.u32 $0x7000, s2;
	v6 =	vld [tilespmem:s29+$0xD880]  }
0x219: {  	[tilespmem:s26+$0x15180] =	vst v3;
	v11 =	vld [tilespmem:s21+$0x0];
	v3 =	vadd.f32 v10, v8  }
0x21a: {  	s24 =	sor.u32 $0x7000, s26;
	v8 =	vld [tilespmem:s18+$0xD880]  }
0x21b: {  	v10 =	vld [tilespmem:s24+$0x0];
	[tilespmem:s19+$0x15180] =	vst v3  }
0x21c: {  	s3 =	sor.u32 $0x7000, s19;
	v3 =	vld [tilespmem:s20+$0xD880]  }
0x21d: {  	v7 =	vadd.f32 v7, v2;
	v56 =	vld [tilespmem:s3+$0x0]  }
0x21e: {  	v11 =	vadd.f32 v11, v4  }
0x21f: {  	[tilespmem:s11+$0x16000] =	vst v7;
	s17 =	sor.u32 $0x7080, s11;
	v7 =	vadd.f32 v55, v6  }
0x220: {  	v57 =	vld [tilespmem:s17+$0x0];
	s18 =	sor.u32 $0x7080, s2;
	[tilespmem:s2+$0x16000] =	vst v11;
	v10 =	vadd.f32 v10, v8  }
0x221: {  	[tilespmem:s31+$0x16000] =	vst v7;
	v11 =	vld [tilespmem:s18+$0x0];
	s20 =	sor.u32 $0x7080, s31  }
0x222: {  	s21 =	sor.u32 $0x7080, s26;
	v58 =	vld [tilespmem:s20+$0x0];
	[tilespmem:s26+$0x16000] =	vst v10;
	v7 =	vadd.f32 v56, v3  }
0x223: {  	v10 =	vld [tilespmem:s21+$0x0]  }
0x224: {  	s23 =	sor.u32 $0x7080, s19;
	[tilespmem:s19+$0x16000] =	vst v7  }
0x225: {  	v12 =	vadd.f32 v57, v2;
	v7 =	vld [tilespmem:s23+$0x0]  }
0x226: {  	[tilespmem:s9+$0x16080] =	vst v9;
	s24 =	sor.u32 $0x7100, s9;
	v9 =	vadd.f32 v11, v4  }
0x227: {  	[tilespmem:s11+$0x16080] =	vst v12;
	s3 =	sor.u32 $0x7100, s11;
	v11 =	vld [tilespmem:s24+$0x0];
	v59 =	vadd.f32 v58, v6  }
0x228: {  	s17 =	sor.u32 $0x7100, s2;
	v60 =	vld [tilespmem:s3+$0x0];
	[tilespmem:s2+$0x16080] =	vst v9;
	v9 =	vadd.f32 v10, v8  }
0x229: {  	s18 =	sor.u32 $0x7100, s31;
	[tilespmem:s31+$0x16080] =	vst v59;
	v10 =	vld [tilespmem:s17+$0x0]  }
0x22a: {  	s20 =	sor.u32 $0x7100, s26;
	v12 =	vld [tilespmem:s18+$0x0];
	[tilespmem:s26+$0x16080] =	vst v9;
	v7 =	vadd.f32 v7, v3  }
0x22b: {  	v9 =	vld [tilespmem:s20+$0x0]  }
0x22c: {  	[tilespmem:s19+$0x16080] =	vst v7;
	v7 =	vadd.f32 v11, v1  }
0x22d: {  	s21 =	sor.u32 $0x7100, s19;
	v13 =	vadd.f32 v60, v2  }
0x22e: {  	s23 =	sor.u32 $0x7180, s9;
	v11 =	vld [tilespmem:s21+$0x0];
	[tilespmem:s9+$0x16100] =	vst v7;
	v7 =	vadd.f32 v10, v4  }
0x22f: {  	s24 =	sor.u32 $0x7180, s11;
	[tilespmem:s11+$0x16100] =	vst v13;
	v12 =	vadd.f32 v12, v6;
	v10 =	vld [tilespmem:s23+$0x0]  }
0x230: {  	s3 =	sor.u32 $0x7180, s2;
	v9 =	vadd.f32 v9, v8;
	[tilespmem:s2+$0x16100] =	vst v7;
	v7 =	vld [tilespmem:s24+$0x0]  }
0x231: {  	s17 =	sor.u32 $0x7180, s31;
	[tilespmem:s31+$0x16100] =	vst v12;
	v61 =	vld [tilespmem:s3+$0x0]  }
0x232: {  	v0 =	vadd.f32 v5, v0;
	[tilespmem:s26+$0x16100] =	vst v9;
	v9 =	vld [tilespmem:s17+$0x0]  }
0x233: {  	v11 =	vadd.f32 v11, v3  }
0x234: {  	[tilespmem:s7+$0x16180] =	vst v0;
	s18 =	sor.u32 $0x7180, s26;
	v1 =	vadd.f32 v10, v1  }
0x235: {  	s20 =	sor.u32 $0x7180, s19;
	v5 =	vld [tilespmem:s18+$0x0];
	[tilespmem:s19+$0x16100] =	vst v11;
	v0 =	vadd.f32 v7, v2  }
0x236: {  	v10 =	vld [tilespmem:s20+$0x0];
	[tilespmem:s9+$0x16180] =	vst v1;
	v1 =	vadd.f32 v61, v4  }
0x237: {  	[tilespmem:s11+$0x16180] =	vst v0;
	v0 =	vadd.f32 v9, v6  }
0x238: {  	[tilespmem:s2+$0x16180] =	vst v1  }
0x239: {  	[tilespmem:s31+$0x16180] =	vst v0  }
0x23a: {  	v1 =	vadd.f32 v5, v8;
	s21 =	rddreg [dreg:$0x10]  }
0x23b: {  	v0 =	vadd.f32 v10, v3;
	s1 =	sadd.s32 s21, s12  }
0x23c: {  	[tilespmem:s26+$0x16180] =	vst v1;
	s1 =	sshrl.u32 s1, $0x3  }
0x23d: {  	s23 =	simm.s32 $0x15000;
	[tilespmem:s19+$0x16180] =	vst v0;
	s1 =	sadd.s32 s15, s1  }
0x23e: {  	[hbm4b:s1+s5] =	stream.linear.scatter [tilespmem:s23], [sflag:$0xA], $0x2000, $0x38;
	[tilespmem:$0x1B000] =	vst v63  }
0x23f: {  	p1 =	sgt.u32 s13, $0x13;
	s1 =	rddreg [dreg:$0x14]  }
0x240: {  	s1 =	sadd.s32 @!p1 s1, s16  }
0x241: {  	s2 =	sshll.u32 @!p1 s1, $0x9  }
0x242: {  	s7 =	simm.s32 @!p1 $0x4000;
	s3 =	simm.s32 @!p1 $0x0;
	s2 =	sadd.s32 @!p1 s25, s2  }
0x243: {  	[tilespmem:s7], [sflag:$0x3] =	stream.linear.gather @!p1 [hbm4b:s2+s3], $0x2000, $0x38;
	[tilespmem:$0x1B000] =	vst v63  }
0x244: {  	s2 =	sshll.u32 @!p1 s13, $0x6  }
0x245: {  	s1 =	sshll.u32 @!p1 s1, $0x7;
	s2 =	sand.u32 @!p1 $0x40, s2  }
0x246: {  	s1 =	sand.u32 @!p1 $0x1FFC00, s1;
	s3 =	simm.s32 @!p1 $0x400;
	s2 =	sadd.s32 @!p1 s4, s2  }
0x247: {  	s7 =	simm.s32 @!p1 $0xD000;
	s1 =	sadd.s32 @!p1 s1, s2;
	s2 =	simm.s32 @!p1 $0x100  }
0x248: {  	[tilespmem:s7], [sflag:$0x3] =	stream.strided.gather @!p1 [hbm4b:s1+s2], $0x800, s3, s2, $0x38;
	[tilespmem:$0x1B000] =	vst v63  }
0x249: {  	_ =	swait.ge [sflag:s8], $0x2000  }
0x24a: {  	[sflag:s8] =	ssyncset.done $0x0  }
0x24b: {  	[sflag:s8] =	ssyncadd.s32 $0xFFFFE000  }
0x24c: {  	_ =	swait.ge [sflag:s8], $0x800  }
0x24d: {  	s24 =	simm.s32 $0x0;
	[sflag:s8] =	ssyncset.done $0x0  }
0x24e: {  	s31 =	simm.s32 $0x0;
	s1 =	simm.s32 @!p0 $0xB;
	[sflag:s8] =	ssyncadd.s32 $0xFFFFF800  }
0x24f: {  	s26 =	simm.s32 $0x0;
	s2 =	sand.u32 $0x70, s24;
	_ =	swait.ge @!p0 [sflag:s1], $0x2000  }
0x250: {  	s3 =	sand.u32 $0x3FFFFF00, s26;
	s7 =	sand.u32 $0xFFFFFE00, s31;
	[sflag:s1] =	ssyncset.done @!p0 $0x0  }
0x251: {  	s16 =	sor.u32 s2, s3;
	s7 =	sor.u32 s2, s7;
	[sflag:s1] =	ssyncadd.s32 @!p0 $0xFFFFE000  }
0x252: {  	s2 =	sor.u32 $0x8000, s7;
	v0 =	vld [tilespmem:s16+$0xE000]  }
0x253: {  	v1 =	vld [tilespmem:s2+$0x0];
	_ =	sdelay $0x4  }
0x254: {  	s9 =	simm.s32 $0x20;
	v1 =	vadd.f32 v1, v0  }
0x255: {  	s11 =	simm.s32 $0x40;
	s3 =	simm.s32 $0x10;
	s17 =	sor.u32 $0x8080, s7  }
0x256: {  	s1 =	sand.u32 $0x70, s3;
	s3 =	sand.u32 $0xFFFFFE00, s11;
	s2 =	sand.u32 $0x3FFFFF00, s9;
	[tilespmem:s7+$0x17000] =	vst v1  }
0x257: {  	s9 =	sor.u32 s1, s3;
	s18 =	sor.u32 s1, s2;
	v1 =	vld [tilespmem:s17+$0x0]  }
0x258: {  	s1 =	sor.u32 $0x8000, s9;
	v2 =	vld [tilespmem:s18+$0xE000]  }
0x259: {  	v3 =	vld [tilespmem:s1+$0x0];
	_ =	sdelay $0x2  }
0x25a: {  	v1 =	vadd.f32 v1, v0  }
0x25b: {  	s21 =	simm.s32 $0x40;
	s19 =	simm.s32 $0x20;
	s23 =	simm.s32 $0x80  }
0x25c: {  	s24 =	sand.u32 $0x3FFFFF00, s21;
	s20 =	sor.u32 $0x8100, s7;
	s1 =	sand.u32 $0x70, s19;
	v3 =	vadd.f32 v3, v2;
	[tilespmem:s7+$0x17080] =	vst v1  }
0x25d: {  	s26 =	sand.u32 $0xFFFFFE00, s23;
	s19 =	sor.u32 s1, s24;
	v1 =	vld [tilespmem:s20+$0x0]  }
0x25e: {  	s31 =	sor.u32 $0x8080, s9;
	s11 =	sor.u32 s1, s26;
	v5 =	vld [tilespmem:s19+$0xE000];
	[tilespmem:s9+$0x17000] =	vst v3  }
0x25f: {  	s1 =	sor.u32 $0x8000, s11;
	v3 =	vld [tilespmem:s31+$0x0]  }
0x260: {  	v4 =	vld [tilespmem:s1+$0x0];
	_ =	sdelay $0x1  }
0x261: {  	v1 =	vadd.f32 v1, v0;
	_ =	sdelay $0x1  }
0x262: {  	s3 =	sor.u32 $0x8180, s7;
	v3 =	vadd.f32 v3, v2;
	[tilespmem:s7+$0x17100] =	vst v1  }
0x263: {  	v4 =	vadd.f32 v4, v5;
	v1 =	vld [tilespmem:s3+$0x0]  }
0x264: {  	s21 =	simm.s32 $0x60;
	s20 =	sor.u32 $0x8100, s9;
	[tilespmem:s9+$0x17080] =	vst v3  }
0x265: {  	s23 =	simm.s32 $0xC0;
	s17 =	simm.s32 $0x30;
	s31 =	sor.u32 $0x8080, s11;
	[tilespmem:s11+$0x17000] =	vst v4;
	v6 =	vld [tilespmem:s20+$0x0]  }
0x266: {  	s24 =	sand.u32 $0x3FFFFF00, s21;
	s26 =	sand.u32 $0xFFFFFE00, s23;
	s1 =	sand.u32 $0x70, s17;
	v4 =	vld [tilespmem:s31+$0x0]  }
0x267: {  	s28 =	sor.u32 s1, s24;
	s2 =	sor.u32 s1, s26  }
0x268: {  	s1 =	sor.u32 $0x8000, s2;
	v3 =	vld [tilespmem:s28+$0xE000];
	v0 =	vadd.f32 v1, v0  }
0x269: {  	v1 =	vld [tilespmem:s1+$0x0]  }
0x26a: {  	v6 =	vadd.f32 v6, v2;
	[tilespmem:s7+$0x17180] =	vst v0  }
0x26b: {  	s20 =	sor.u32 $0x9000, s7;
	v4 =	vadd.f32 v4, v5;
	v0 =	vld [tilespmem:s16+$0xE080]  }
0x26c: {  	s21 =	sor.u32 $0x8180, s9;
	[tilespmem:s9+$0x17100] =	vst v6;
	v6 =	vld [tilespmem:s20+$0x0]  }
0x26d: {  	s24 =	sor.u32 $0x8100, s11;
	[tilespmem:s11+$0x17080] =	vst v4;
	v7 =	vld [tilespmem:s21+$0x0]  }
0x26e: {  	s23 =	simm.s32 $0x40;
	v8 =	vld [tilespmem:s24+$0x0];
	v1 =	vadd.f32 v1, v3  }
0x26f: {  	s26 =	simm.s32 $0x80;
	s31 =	simm.s32 $0x100;
	s21 =	sor.u32 $0x8080, s2  }
0x270: {  	s1 =	sand.u32 $0x70, s23;
	s16 =	sand.u32 $0x3FFFFF00, s26;
	s20 =	sand.u32 $0xFFFFFE00, s31;
	[tilespmem:s2+$0x17000] =	vst v1  }
0x271: {  	s29 =	sor.u32 s1, s16;
	s16 =	sor.u32 s1, s20;
	v9 =	vld [tilespmem:s21+$0x0];
	v1 =	vadd.f32 v6, v0  }
0x272: {  	v2 =	vadd.f32 v7, v2;
	v4 =	vld [tilespmem:s29+$0xE000];
	s1 =	sor.u32 $0x8000, s16  }
0x273: {  	s23 =	sor.u32 $0x9080, s7;
	v7 =	vadd.f32 v8, v5;
	v6 =	vld [tilespmem:s1+$0x0];
	[tilespmem:s7+$0x18000] =	vst v1  }
0x274: {  	s24 =	sor.u32 $0x9000, s9;
	[tilespmem:s9+$0x17180] =	vst v2;
	v2 =	vld [tilespmem:s23+$0x0]  }
0x275: {  	[tilespmem:s11+$0x17100] =	vst v7;
	v7 =	vld [tilespmem:s24+$0x0]  }
0x276: {  	s26 =	sor.u32 $0x8180, s11;
	v1 =	vld [tilespmem:s18+$0xE080];
	v8 =	vadd.f32 v9, v3  }
0x277: {  	s31 =	simm.s32 $0xA0;
	s18 =	simm.s32 $0x50;
	v9 =	vld [tilespmem:s26+$0x0]  }
0x278: {  	s1 =	sand.u32 $0x3FFFFF00, s31;
	s21 =	sor.u32 $0x8100, s2;
	s20 =	sand.u32 $0x70, s18;
	v10 =	vadd.f32 v6, v4;
	[tilespmem:s2+$0x17080] =	vst v8  }
0x279: {  	s23 =	simm.s32 $0x140;
	s18 =	sor.u32 s20, s1;
	v8 =	vld [tilespmem:s21+$0x0];
	v2 =	vadd.f32 v2, v0  }
0x27a: {  	s24 =	sor.u32 $0x8080, s16;
	s1 =	sand.u32 $0xFFFFFE00, s23;
	v6 =	vld [tilespmem:s18+$0xE000];
	[tilespmem:s16+$0x17000] =	vst v10  }
0x27b: {  	s31 =	sor.u32 $0x9100, s7;
	s26 =	sor.u32 s20, s1;
	v7 =	vadd.f32 v7, v1;
	v10 =	vld [tilespmem:s24+$0x0];
	[tilespmem:s7+$0x18080] =	vst v2  }
0x27c: {  	s3 =	sor.u32 $0x8000, s26;
	v2 =	vadd.f32 v9, v5;
	v5 =	vld [tilespmem:s31+$0x0]  }
0x27d: {  	s17 =	sor.u32 $0x9080, s9;
	[tilespmem:s9+$0x18000] =	vst v7;
	v9 =	vld [tilespmem:s3+$0x0]  }
0x27e: {  	v62 =	vld [tilespmem:s17+$0x0];
	[tilespmem:s11+$0x17180] =	vst v2;
	v7 =	vadd.f32 v8, v3  }
0x27f: {  	s20 =	simm.s32 $0xC0;
	s21 =	simm.s32 $0x60;
	s24 =	sor.u32 $0x9000, s11;
	v2 =	vld [tilespmem:s19+$0xE080]  }
0x280: {  	s1 =	sand.u32 $0x3FFFFF00, s20;
	s23 =	sand.u32 $0x70, s21;
	s31 =	sor.u32 $0x8180, s2;
	v11 =	vadd.f32 v10, v4;
	[tilespmem:s2+$0x17100] =	vst v7;
	v7 =	vld [tilespmem:s24+$0x0]  }
0x281: {  	s20 =	sor.u32 s23, s1;
	v10 =	vld [tilespmem:s31+$0x0];
	v5 =	vadd.f32 v5, v0  }
0x282: {  	v8 =	vld [tilespmem:s20+$0xE000];
	s19 =	sor.u32 $0x8100, s16;
	v63 =	vadd.f32 v9, v6;
	[tilespmem:s16+$0x17080] =	vst v11  }
0x283: {  	s24 =	simm.s32 $0x180;
	v9 =	vadd.f32 v62, v1;
	v11 =	vld [tilespmem:s19+$0x0];
	s31 =	sor.u32 $0x9180, s7;
	[tilespmem:s7+$0x18100] =	vst v5  }
0x284: {  	s17 =	sand.u32 $0xFFFFFE00, s24;
	s19 =	simm.s32 $0x7;
	s24 =	sor.u32 $0x8080, s26;
	[tilespmem:s26+$0x17000] =	vst v63;
	v5 =	vld [tilespmem:s31+$0x0]  }
.LBB2_12:
0x285: {  	p2 =	sne.s32 s19, $0x3F;
	s1 =	sor.u32 s23, s17;
	v12 =	vld [tilespmem:s24+$0x0];
	v7 =	vadd.f32 v7, v2;
	[tilespmem:s9+$0x18080] =	vst v9;
	s3 =	sor.u32 $0x9100, s9  }
0x286: {  	s17 =	sor.u32 $0x8000, s1;
	v9 =	vadd.f32 v10, v3;
	v13 =	vld [tilespmem:s3+$0x0];
	v3 =	vmov v4;
	v4 =	vmov v6;
	s3 =	smov.u32 s26;
	s26 =	smov.u32 s1  }
0x287: {  	s1 =	sor.u32 $0x9080, s11;
	v14 =	vld [tilespmem:s17+$0x0];
	[tilespmem:s11+$0x18000] =	vst v7;
	v6 =	vmov v8;
	s17 =	smov.u32 s28;
	s28 =	smov.u32 s29  }
0x288: {  	s21 =	sadd.s32 $0x10, s21;
	s29 =	smov.u32 s18;
	s18 =	smov.u32 s20;
	v7 =	vadd.f32 v11, v3;
	[tilespmem:s2+$0x17180] =	vst v9;
	v9 =	vld [tilespmem:s1+$0x0]  }
0x289: {  	s23 =	sand.u32 $0x70, s21;
	s20 =	sor.u32 $0x9000, s2;
	s1 =	sshll.u32 s19, $0x5;
	v5 =	vadd.f32 v5, v0;
	v0 =	vmov v1;
	v1 =	vmov v2;
	v2 =	vld [tilespmem:s17+$0xE080]  }
.Ltmp7:
0x28a: {  	s1 =	sand.u32 $0x3FFFFF00, s1;
	s17 =	sor.u32 $0x8180, s16;
	v11 =	vadd.f32 v12, v4;
	[tilespmem:s16+$0x17100] =	vst v7;
	v7 =	vld [tilespmem:s20+$0x0];
	(pc) =	sbr.rel @p2 .LBB2_12-.Ltmp7, $4  }
0x28b: {  	s20 =	sor.u32 s23, s1;
	v10 =	vld [tilespmem:s17+$0x0];
	v12 =	vadd.f32 v13, v0;
	[tilespmem:s7+$0x18180] =	vst v5;
	s7 =	smov.u32 s9;
	s9 =	smov.u32 s11  }
0x28c: {  	s1 =	sor.u32 $0x8100, s3;
	s11 =	smov.u32 s2;
	s2 =	smov.u32 s16;
	v8 =	vld [tilespmem:s20+$0xE000];
	v5 =	vadd.f32 v14, v6;
	[tilespmem:s3+$0x17080] =	vst v11  }
0x28d: {  	s17 =	sshll.u32 s19, $0x6;
	s16 =	smov.u32 s3;
	v11 =	vld [tilespmem:s1+$0x0];
	v9 =	vadd.f32 v9, v1;
	[tilespmem:s7+$0x18100] =	vst v12;
	s1 =	sor.u32 $0x9180, s7  }
0x28e: {  	s24 =	sor.u32 $0x8080, s26;
	s19 =	sadd.s32 $0x1, s19;
	s17 =	sand.u32 $0xFFFFFE00, s17;
	[tilespmem:s26+$0x17000] =	vst v5;
	v5 =	vld [tilespmem:s1+$0x0]  }
0x28f: {  	s19 =	sor.u32 s23, s17  }
0x290: {  	s1 =	sor.u32 $0x8000, s19  }
0x291: {  	v12 =	vld [tilespmem:s1+$0x0];
	_ =	sdelay $0x4  }
0x292: {  	v12 =	vadd.f32 v12, v8  }
0x293: {  	v13 =	vld [tilespmem:s24+$0x0]  }
0x294: {  	s31 =	sor.u32 $0x8080, s19;
	[tilespmem:s19+$0x17000] =	vst v12  }
0x295: {  	v12 =	vld [tilespmem:s31+$0x0];
	_ =	sdelay $0x2  }
0x296: {  	v13 =	vadd.f32 v13, v6;
	_ =	sdelay $0x1  }
0x297: {  	s3 =	sor.u32 $0x8100, s26;
	[tilespmem:s26+$0x17080] =	vst v13;
	v12 =	vadd.f32 v12, v8  }
0x298: {  	v13 =	vld [tilespmem:s3+$0x0]  }
0x299: {  	s17 =	sor.u32 $0x8100, s19;
	[tilespmem:s19+$0x17080] =	vst v12  }
0x29a: {  	v11 =	vadd.f32 v11, v4;
	v12 =	vld [tilespmem:s17+$0x0];
	_ =	sdelay $0x1  }
0x29b: {  	s21 =	sor.u32 $0x8180, s16;
	[tilespmem:s16+$0x17100] =	vst v11  }
0x29c: {  	v53 =	vld [tilespmem:s21+$0x0];
	v11 =	vadd.f32 v13, v6;
	_ =	sdelay $0x1  }
0x29d: {  	s23 =	sor.u32 $0x8180, s26;
	[tilespmem:s26+$0x17100] =	vst v11;
	v11 =	vadd.f32 v12, v8  }
0x29e: {  	v3 =	vadd.f32 v10, v3;
	v54 =	vld [tilespmem:s23+$0x0]  }
0x29f: {  	s24 =	sor.u32 $0x8180, s19;
	[tilespmem:s19+$0x17100] =	vst v11  }
0x2a0: {  	[tilespmem:s2+$0x17180] =	vst v3;
	v3 =	vadd.f32 v53, v4;
	v10 =	vld [tilespmem:s24+$0x0];
	_ =	sdelay $0x1  }
0x2a1: {  	s3 =	sor.u32 $0x9000, s16;
	v4 =	vld [tilespmem:s28+$0xE080];
	[tilespmem:s16+$0x17180] =	vst v3  }
0x2a2: {  	v55 =	vld [tilespmem:s3+$0x0];
	v3 =	vadd.f32 v54, v6  }
0x2a3: {  	s31 =	sor.u32 $0x9000, s2;
	v6 =	vld [tilespmem:s29+$0xE080]  }
0x2a4: {  	[tilespmem:s26+$0x17180] =	vst v3;
	v11 =	vld [tilespmem:s31+$0x0];
	v3 =	vadd.f32 v10, v8  }
0x2a5: {  	s17 =	sor.u32 $0x9000, s26;
	v8 =	vld [tilespmem:s18+$0xE080]  }
0x2a6: {  	v10 =	vld [tilespmem:s17+$0x0];
	[tilespmem:s19+$0x17180] =	vst v3  }
0x2a7: {  	s18 =	sor.u32 $0x9000, s19;
	v3 =	vld [tilespmem:s20+$0xE080]  }
0x2a8: {  	v7 =	vadd.f32 v7, v2;
	v56 =	vld [tilespmem:s18+$0x0]  }
0x2a9: {  	v11 =	vadd.f32 v11, v4  }
0x2aa: {  	[tilespmem:s11+$0x18000] =	vst v7;
	v7 =	vadd.f32 v55, v6;
	s20 =	sor.u32 $0x9080, s11  }
0x2ab: {  	s21 =	sor.u32 $0x9080, s2;
	[tilespmem:s2+$0x18000] =	vst v11;
	v57 =	vld [tilespmem:s20+$0x0];
	v10 =	vadd.f32 v10, v8  }
0x2ac: {  	s23 =	sor.u32 $0x9080, s16;
	[tilespmem:s16+$0x18000] =	vst v7;
	v11 =	vld [tilespmem:s21+$0x0]  }
0x2ad: {  	s24 =	sor.u32 $0x9080, s26;
	v58 =	vld [tilespmem:s23+$0x0];
	[tilespmem:s26+$0x18000] =	vst v10;
	v7 =	vadd.f32 v56, v3  }
0x2ae: {  	v10 =	vld [tilespmem:s24+$0x0]  }
0x2af: {  	s31 =	sor.u32 $0x9080, s19;
	[tilespmem:s19+$0x18000] =	vst v7  }
0x2b0: {  	v12 =	vadd.f32 v57, v2;
	v7 =	vld [tilespmem:s31+$0x0]  }
0x2b1: {  	[tilespmem:s9+$0x18080] =	vst v9;
	s3 =	sor.u32 $0x9100, s9;
	v9 =	vadd.f32 v11, v4  }
0x2b2: {  	s17 =	sor.u32 $0x9100, s11;
	v59 =	vadd.f32 v58, v6;
	v11 =	vld [tilespmem:s3+$0x0];
	[tilespmem:s11+$0x18080] =	vst v12  }
0x2b3: {  	s18 =	sor.u32 $0x9100, s2;
	[tilespmem:s2+$0x18080] =	vst v9;
	v60 =	vld [tilespmem:s17+$0x0];
	v9 =	vadd.f32 v10, v8  }
0x2b4: {  	s20 =	sor.u32 $0x9100, s16;
	[tilespmem:s16+$0x18080] =	vst v59;
	v10 =	vld [tilespmem:s18+$0x0]  }
0x2b5: {  	s21 =	sor.u32 $0x9100, s26;
	v12 =	vld [tilespmem:s20+$0x0];
	[tilespmem:s26+$0x18080] =	vst v9;
	v7 =	vadd.f32 v7, v3  }
0x2b6: {  	v9 =	vld [tilespmem:s21+$0x0]  }
0x2b7: {  	[tilespmem:s19+$0x18080] =	vst v7;
	v7 =	vadd.f32 v11, v1  }
0x2b8: {  	s23 =	sor.u32 $0x9100, s19;
	v13 =	vadd.f32 v60, v2  }
0x2b9: {  	s24 =	sor.u32 $0x9180, s9;
	v11 =	vld [tilespmem:s23+$0x0];
	[tilespmem:s9+$0x18100] =	vst v7;
	v7 =	vadd.f32 v10, v4  }
0x2ba: {  	s31 =	sor.u32 $0x9180, s11;
	v12 =	vadd.f32 v12, v6;
	[tilespmem:s11+$0x18100] =	vst v13;
	v10 =	vld [tilespmem:s24+$0x0]  }
0x2bb: {  	s3 =	sor.u32 $0x9180, s2;
	v9 =	vadd.f32 v9, v8;
	[tilespmem:s2+$0x18100] =	vst v7;
	v7 =	vld [tilespmem:s31+$0x0]  }
0x2bc: {  	s17 =	sor.u32 $0x9180, s16;
	[tilespmem:s16+$0x18100] =	vst v12;
	v61 =	vld [tilespmem:s3+$0x0]  }
0x2bd: {  	v0 =	vadd.f32 v5, v0;
	[tilespmem:s26+$0x18100] =	vst v9;
	v9 =	vld [tilespmem:s17+$0x0]  }
0x2be: {  	v11 =	vadd.f32 v11, v3  }
0x2bf: {  	[tilespmem:s7+$0x18180] =	vst v0;
	s18 =	sor.u32 $0x9180, s26;
	v1 =	vadd.f32 v10, v1  }
0x2c0: {  	s20 =	sor.u32 $0x9180, s19;
	v5 =	vld [tilespmem:s18+$0x0];
	[tilespmem:s19+$0x18100] =	vst v11;
	v0 =	vadd.f32 v7, v2  }
0x2c1: {  	v10 =	vld [tilespmem:s20+$0x0];
	[tilespmem:s9+$0x18180] =	vst v1;
	v1 =	vadd.f32 v61, v4  }
0x2c2: {  	[tilespmem:s11+$0x18180] =	vst v0;
	v0 =	vadd.f32 v9, v6  }
0x2c3: {  	[tilespmem:s2+$0x18180] =	vst v1  }
0x2c4: {  	[tilespmem:s16+$0x18180] =	vst v0  }
0x2c5: {  	v1 =	vadd.f32 v5, v8;
	s21 =	rddreg [dreg:$0x11]  }
0x2c6: {  	v0 =	vadd.f32 v10, v3;
	s1 =	sadd.s32 s21, s12  }
0x2c7: {  	[tilespmem:s26+$0x18180] =	vst v1;
	s1 =	sshrl.u32 s1, $0x3  }
0x2c8: {  	s23 =	simm.s32 $0x17000;
	[tilespmem:s19+$0x18180] =	vst v0;
	s1 =	sadd.s32 s15, s1  }
0x2c9: {  	[hbm4b:s1+s5] =	stream.linear.scatter [tilespmem:s23], [sflag:$0xB], $0x2000, $0x38;
	[tilespmem:$0x1B000] =	vst v63  }
0x2ca: {  	s1 =	sadd.s32 @!p1 $0x9, s14  }
0x2cb: {  	s2 =	sshll.u32 @!p1 s1, $0x1  }
0x2cc: {  	s7 =	simm.s32 @!p1 $0x0;
	s1 =	sshll.u32 @!p1 s1, $0x5;
	s2 =	sadd.s32 @!p1 s6, s2  }
0x2cd: {  	s1 =	sand.u32 @!p1 $0x60, s1;
	s3 =	sshll.u32 @!p1 s2, $0x9;
	s2 =	sshll.u32 @!p1 s2, $0x7  }
0x2ce: {  	s1 =	sadd.s32 @!p1 s4, s1;
	s3 =	sand.u32 @!p1 $0x1FFFFC00, s3;
	s2 =	sand.u32 @!p1 $0xFFFFC00, s2  }
0x2cf: {  	s9 =	simm.s32 @!p1 $0x6000;
	s3 =	sadd.s32 @!p1 s25, s3;
	s1 =	sadd.s32 @!p1 s2, s1  }
0x2d0: {  	[tilespmem:s9], [sflag:$0x4] =	stream.linear.gather @!p1 [hbm4b:s3+s7], $0x2000, $0x38;
	[tilespmem:$0x1B000] =	vst v63  }
0x2d1: {  	s2 =	simm.s32 @!p1 $0x100;
	s3 =	simm.s32 @!p1 $0x400;
	s7 =	simm.s32 @!p1 $0xD800  }
0x2d2: {  	[tilespmem:s7], [sflag:$0x4] =	stream.strided.gather @!p1 [hbm4b:s1+s2], $0x800, s3, s2, $0x38;
	[tilespmem:$0x1B000] =	vst v63  }
0x2d3: {  	_ =	swait.ge [sflag:s10], $0x2000  }
0x2d4: {  	[sflag:s10] =	ssyncset.done $0x0  }
0x2d5: {  	[sflag:s10] =	ssyncadd.s32 $0xFFFFE000  }
0x2d6: {  	_ =	swait.ge [sflag:s10], $0x800  }
0x2d7: {  	s24 =	simm.s32 $0x0;
	[sflag:s10] =	ssyncset.done $0x0  }
0x2d8: {  	s31 =	simm.s32 $0x0;
	s1 =	simm.s32 @!p0 $0xC;
	[sflag:s10] =	ssyncadd.s32 $0xFFFFF800  }
0x2d9: {  	s26 =	simm.s32 $0x0;
	s2 =	sand.u32 $0x70, s24;
	_ =	swait.ge @!p0 [sflag:s1], $0x2000  }
0x2da: {  	s3 =	sand.u32 $0x3FFFFF00, s26;
	s7 =	sand.u32 $0xFFFFFE00, s31;
	[sflag:s1] =	ssyncset.done @!p0 $0x0  }
0x2db: {  	s16 =	sor.u32 s2, s3;
	s7 =	sor.u32 s2, s7;
	[sflag:s1] =	ssyncadd.s32 @!p0 $0xFFFFE000  }
0x2dc: {  	s2 =	sor.u32 $0xA000, s7;
	v0 =	vld [tilespmem:s16+$0xE800]  }
0x2dd: {  	v1 =	vld [tilespmem:s2+$0x0];
	_ =	sdelay $0x4  }
0x2de: {  	s11 =	simm.s32 $0x40;
	v1 =	vadd.f32 v1, v0  }
0x2df: {  	s9 =	simm.s32 $0x20;
	s3 =	simm.s32 $0x10;
	s17 =	sor.u32 $0xA080, s7  }
0x2e0: {  	s1 =	sand.u32 $0x70, s3;
	s3 =	sand.u32 $0xFFFFFE00, s11;
	s2 =	sand.u32 $0x3FFFFF00, s9;
	[tilespmem:s7+$0x19000] =	vst v1  }
0x2e1: {  	s9 =	sor.u32 s1, s3;
	s18 =	sor.u32 s1, s2;
	v1 =	vld [tilespmem:s17+$0x0]  }
0x2e2: {  	s1 =	sor.u32 $0xA000, s9;
	v2 =	vld [tilespmem:s18+$0xE800]  }
0x2e3: {  	v3 =	vld [tilespmem:s1+$0x0];
	_ =	sdelay $0x2  }
0x2e4: {  	v1 =	vadd.f32 v1, v0  }
0x2e5: {  	s21 =	simm.s32 $0x40;
	s19 =	simm.s32 $0x20;
	s23 =	simm.s32 $0x80  }
0x2e6: {  	s24 =	sand.u32 $0x3FFFFF00, s21;
	s20 =	sor.u32 $0xA100, s7;
	s1 =	sand.u32 $0x70, s19;
	v3 =	vadd.f32 v3, v2;
	[tilespmem:s7+$0x19080] =	vst v1  }
0x2e7: {  	s26 =	sand.u32 $0xFFFFFE00, s23;
	s19 =	sor.u32 s1, s24;
	v1 =	vld [tilespmem:s20+$0x0]  }
0x2e8: {  	s31 =	sor.u32 $0xA080, s9;
	s11 =	sor.u32 s1, s26;
	v5 =	vld [tilespmem:s19+$0xE800];
	[tilespmem:s9+$0x19000] =	vst v3  }
0x2e9: {  	s1 =	sor.u32 $0xA000, s11;
	v3 =	vld [tilespmem:s31+$0x0]  }
0x2ea: {  	v4 =	vld [tilespmem:s1+$0x0];
	_ =	sdelay $0x1  }
0x2eb: {  	v1 =	vadd.f32 v1, v0;
	_ =	sdelay $0x1  }
0x2ec: {  	s3 =	sor.u32 $0xA180, s7;
	v3 =	vadd.f32 v3, v2;
	[tilespmem:s7+$0x19100] =	vst v1  }
0x2ed: {  	v4 =	vadd.f32 v4, v5;
	v1 =	vld [tilespmem:s3+$0x0]  }
0x2ee: {  	s21 =	simm.s32 $0x60;
	s20 =	sor.u32 $0xA100, s9;
	[tilespmem:s9+$0x19080] =	vst v3  }
0x2ef: {  	s23 =	simm.s32 $0xC0;
	s17 =	simm.s32 $0x30;
	s31 =	sor.u32 $0xA080, s11;
	[tilespmem:s11+$0x19000] =	vst v4;
	v6 =	vld [tilespmem:s20+$0x0]  }
0x2f0: {  	s24 =	sand.u32 $0x3FFFFF00, s21;
	s26 =	sand.u32 $0xFFFFFE00, s23;
	s1 =	sand.u32 $0x70, s17;
	v4 =	vld [tilespmem:s31+$0x0]  }
0x2f1: {  	s28 =	sor.u32 s1, s24;
	s2 =	sor.u32 s1, s26  }
0x2f2: {  	s1 =	sor.u32 $0xA000, s2;
	v3 =	vld [tilespmem:s28+$0xE800];
	v0 =	vadd.f32 v1, v0  }
0x2f3: {  	v1 =	vld [tilespmem:s1+$0x0]  }
0x2f4: {  	v6 =	vadd.f32 v6, v2;
	[tilespmem:s7+$0x19180] =	vst v0  }
0x2f5: {  	s20 =	sor.u32 $0xB000, s7;
	v4 =	vadd.f32 v4, v5;
	v0 =	vld [tilespmem:s16+$0xE880]  }
0x2f6: {  	s21 =	sor.u32 $0xA180, s9;
	[tilespmem:s9+$0x19100] =	vst v6;
	v6 =	vld [tilespmem:s20+$0x0]  }
0x2f7: {  	s24 =	sor.u32 $0xA100, s11;
	[tilespmem:s11+$0x19080] =	vst v4;
	v7 =	vld [tilespmem:s21+$0x0]  }
0x2f8: {  	s23 =	simm.s32 $0x40;
	v8 =	vld [tilespmem:s24+$0x0];
	v1 =	vadd.f32 v1, v3  }
0x2f9: {  	s26 =	simm.s32 $0x80;
	s31 =	simm.s32 $0x100;
	s21 =	sor.u32 $0xA080, s2  }
0x2fa: {  	s1 =	sand.u32 $0x70, s23;
	s16 =	sand.u32 $0x3FFFFF00, s26;
	s20 =	sand.u32 $0xFFFFFE00, s31;
	[tilespmem:s2+$0x19000] =	vst v1  }
0x2fb: {  	s29 =	sor.u32 s1, s16;
	s16 =	sor.u32 s1, s20;
	v9 =	vld [tilespmem:s21+$0x0];
	v1 =	vadd.f32 v6, v0  }
0x2fc: {  	v2 =	vadd.f32 v7, v2;
	v4 =	vld [tilespmem:s29+$0xE800];
	s1 =	sor.u32 $0xA000, s16  }
0x2fd: {  	s23 =	sor.u32 $0xB080, s7;
	v7 =	vadd.f32 v8, v5;
	v6 =	vld [tilespmem:s1+$0x0];
	[tilespmem:s7+$0x1A000] =	vst v1  }
0x2fe: {  	s24 =	sor.u32 $0xB000, s9;
	[tilespmem:s9+$0x19180] =	vst v2;
	v2 =	vld [tilespmem:s23+$0x0]  }
0x2ff: {  	[tilespmem:s11+$0x19100] =	vst v7;
	v7 =	vld [tilespmem:s24+$0x0]  }
0x300: {  	s26 =	sor.u32 $0xA180, s11;
	v1 =	vld [tilespmem:s18+$0xE880];
	v8 =	vadd.f32 v9, v3  }
0x301: {  	s31 =	simm.s32 $0xA0;
	s18 =	simm.s32 $0x50;
	v9 =	vld [tilespmem:s26+$0x0]  }
0x302: {  	s1 =	sand.u32 $0x3FFFFF00, s31;
	s21 =	sor.u32 $0xA100, s2;
	s20 =	sand.u32 $0x70, s18;
	v10 =	vadd.f32 v6, v4;
	[tilespmem:s2+$0x19080] =	vst v8  }
0x303: {  	s23 =	simm.s32 $0x140;
	s18 =	sor.u32 s20, s1;
	v8 =	vld [tilespmem:s21+$0x0];
	v2 =	vadd.f32 v2, v0  }
0x304: {  	s24 =	sor.u32 $0xA080, s16;
	s1 =	sand.u32 $0xFFFFFE00, s23;
	v6 =	vld [tilespmem:s18+$0xE800];
	[tilespmem:s16+$0x19000] =	vst v10  }
0x305: {  	s31 =	sor.u32 $0xB100, s7;
	s26 =	sor.u32 s20, s1;
	v7 =	vadd.f32 v7, v1;
	v10 =	vld [tilespmem:s24+$0x0];
	[tilespmem:s7+$0x1A080] =	vst v2  }
0x306: {  	s3 =	sor.u32 $0xA000, s26;
	v2 =	vadd.f32 v9, v5;
	v5 =	vld [tilespmem:s31+$0x0]  }
0x307: {  	s17 =	sor.u32 $0xB080, s9;
	[tilespmem:s9+$0x1A000] =	vst v7;
	v9 =	vld [tilespmem:s3+$0x0]  }
0x308: {  	v62 =	vld [tilespmem:s17+$0x0];
	[tilespmem:s11+$0x19180] =	vst v2;
	v7 =	vadd.f32 v8, v3  }
0x309: {  	s20 =	simm.s32 $0xC0;
	s21 =	simm.s32 $0x60;
	s24 =	sor.u32 $0xB000, s11;
	v2 =	vld [tilespmem:s19+$0xE880]  }
0x30a: {  	s1 =	sand.u32 $0x3FFFFF00, s20;
	s23 =	sand.u32 $0x70, s21;
	s31 =	sor.u32 $0xA180, s2;
	v11 =	vadd.f32 v10, v4;
	[tilespmem:s2+$0x19100] =	vst v7;
	v7 =	vld [tilespmem:s24+$0x0]  }
0x30b: {  	s20 =	sor.u32 s23, s1;
	v10 =	vld [tilespmem:s31+$0x0];
	v5 =	vadd.f32 v5, v0  }
0x30c: {  	v8 =	vld [tilespmem:s20+$0xE800];
	s19 =	sor.u32 $0xA100, s16;
	v63 =	vadd.f32 v9, v6;
	[tilespmem:s16+$0x19080] =	vst v11  }
0x30d: {  	s24 =	simm.s32 $0x180;
	v9 =	vadd.f32 v62, v1;
	v11 =	vld [tilespmem:s19+$0x0];
	s31 =	sor.u32 $0xB180, s7;
	[tilespmem:s7+$0x1A100] =	vst v5  }
0x30e: {  	s17 =	sand.u32 $0xFFFFFE00, s24;
	s19 =	simm.s32 $0x7;
	s24 =	sor.u32 $0xA080, s26;
	[tilespmem:s26+$0x19000] =	vst v63;
	v5 =	vld [tilespmem:s31+$0x0]  }
.LBB2_14:
0x30f: {  	p0 =	sne.s32 s19, $0x3F;
	s1 =	sor.u32 s23, s17;
	v12 =	vld [tilespmem:s24+$0x0];
	v7 =	vadd.f32 v7, v2;
	[tilespmem:s9+$0x1A080] =	vst v9;
	s3 =	sor.u32 $0xB100, s9  }
0x310: {  	s17 =	sor.u32 $0xA000, s1;
	v9 =	vadd.f32 v10, v3;
	v13 =	vld [tilespmem:s3+$0x0];
	v3 =	vmov v4;
	v4 =	vmov v6;
	s3 =	smov.u32 s26;
	s26 =	smov.u32 s1  }
0x311: {  	s1 =	sor.u32 $0xB080, s11;
	v14 =	vld [tilespmem:s17+$0x0];
	[tilespmem:s11+$0x1A000] =	vst v7;
	v6 =	vmov v8;
	s17 =	smov.u32 s28;
	s28 =	smov.u32 s29  }
0x312: {  	s21 =	sadd.s32 $0x10, s21;
	s29 =	smov.u32 s18;
	s18 =	smov.u32 s20;
	v7 =	vadd.f32 v11, v3;
	[tilespmem:s2+$0x19180] =	vst v9;
	v9 =	vld [tilespmem:s1+$0x0]  }
0x313: {  	s23 =	sand.u32 $0x70, s21;
	s20 =	sor.u32 $0xB000, s2;
	s1 =	sshll.u32 s19, $0x5;
	v5 =	vadd.f32 v5, v0;
	v0 =	vmov v1;
	v1 =	vmov v2;
	v2 =	vld [tilespmem:s17+$0xE880]  }
.Ltmp8:
0x314: {  	s1 =	sand.u32 $0x3FFFFF00, s1;
	s17 =	sor.u32 $0xA180, s16;
	v11 =	vadd.f32 v12, v4;
	[tilespmem:s16+$0x19100] =	vst v7;
	v7 =	vld [tilespmem:s20+$0x0];
	(pc) =	sbr.rel @p0 .LBB2_14-.Ltmp8, $4  }
0x315: {  	s20 =	sor.u32 s23, s1;
	v10 =	vld [tilespmem:s17+$0x0];
	v12 =	vadd.f32 v13, v0;
	[tilespmem:s7+$0x1A180] =	vst v5;
	s7 =	smov.u32 s9;
	s9 =	smov.u32 s11  }
0x316: {  	s1 =	sor.u32 $0xA100, s3;
	s11 =	smov.u32 s2;
	s2 =	smov.u32 s16;
	v8 =	vld [tilespmem:s20+$0xE800];
	v5 =	vadd.f32 v14, v6;
	[tilespmem:s3+$0x19080] =	vst v11  }
0x317: {  	s17 =	sshll.u32 s19, $0x6;
	s16 =	smov.u32 s3;
	v11 =	vld [tilespmem:s1+$0x0];
	v9 =	vadd.f32 v9, v1;
	[tilespmem:s7+$0x1A100] =	vst v12;
	s1 =	sor.u32 $0xB180, s7  }
0x318: {  	s24 =	sor.u32 $0xA080, s26;
	s19 =	sadd.s32 $0x1, s19;
	s17 =	sand.u32 $0xFFFFFE00, s17;
	[tilespmem:s26+$0x19000] =	vst v5;
	v5 =	vld [tilespmem:s1+$0x0]  }
0x319: {  	s19 =	sor.u32 s23, s17  }
0x31a: {  	s1 =	sor.u32 $0xA000, s19  }
0x31b: {  	v12 =	vld [tilespmem:s1+$0x0];
	_ =	sdelay $0x4  }
0x31c: {  	v12 =	vadd.f32 v12, v8  }
0x31d: {  	v13 =	vld [tilespmem:s24+$0x0]  }
0x31e: {  	s31 =	sor.u32 $0xA080, s19;
	[tilespmem:s19+$0x19000] =	vst v12  }
0x31f: {  	v12 =	vld [tilespmem:s31+$0x0];
	_ =	sdelay $0x2  }
0x320: {  	v13 =	vadd.f32 v13, v6;
	_ =	sdelay $0x1  }
0x321: {  	s3 =	sor.u32 $0xA100, s26;
	[tilespmem:s26+$0x19080] =	vst v13;
	v12 =	vadd.f32 v12, v8  }
0x322: {  	v13 =	vld [tilespmem:s3+$0x0]  }
0x323: {  	s17 =	sor.u32 $0xA100, s19;
	[tilespmem:s19+$0x19080] =	vst v12  }
0x324: {  	v12 =	vld [tilespmem:s17+$0x0]  }
0x325: {  	v11 =	vadd.f32 v11, v4;
	_ =	sdelay $0x1  }
0x326: {  	s21 =	sor.u32 $0xA180, s16;
	[tilespmem:s16+$0x19100] =	vst v11;
	v24 =	vadd.f32 v13, v6  }
0x327: {  	v25 =	vld [tilespmem:s21+$0x0]  }
0x328: {  	s23 =	sor.u32 $0xA180, s26;
	[tilespmem:s26+$0x19100] =	vst v24;
	v26 =	vadd.f32 v12, v8  }
0x329: {  	v27 =	vld [tilespmem:s23+$0x0]  }
0x32a: {  	v3 =	vadd.f32 v10, v3;
	s24 =	sor.u32 $0xA180, s19;
	[tilespmem:s19+$0x19100] =	vst v26  }
0x32b: {  	v28 =	vld [tilespmem:s24+$0x0]  }
0x32c: {  	[tilespmem:s2+$0x19180] =	vst v3;
	v29 =	vadd.f32 v25, v4  }
0x32d: {  	v30 =	vld [tilespmem:s28+$0xE880];
	s28 =	sor.u32 $0xB000, s2  }
0x32e: {  	v31 =	vld [tilespmem:s28+$0x0];
	[tilespmem:s16+$0x19180] =	vst v29;
	v32 =	vadd.f32 v27, v6  }
0x32f: {  	v33 =	vld [tilespmem:s29+$0xE880];
	s29 =	sor.u32 $0xB000, s16  }
0x330: {  	v34 =	vld [tilespmem:s29+$0x0];
	[tilespmem:s26+$0x19180] =	vst v32;
	v35 =	vadd.f32 v28, v8  }
0x331: {  	s31 =	sor.u32 $0xB000, s26;
	v36 =	vld [tilespmem:s18+$0xE880]  }
0x332: {  	v37 =	vld [tilespmem:s31+$0x0];
	[tilespmem:s19+$0x19180] =	vst v35  }
0x333: {  	v7 =	vadd.f32 v7, v2;
	s3 =	sor.u32 $0xB000, s19;
	v3 =	vld [tilespmem:s20+$0xE880]  }
0x334: {  	v11 =	vadd.f32 v31, v30;
	v38 =	vld [tilespmem:s3+$0x0]  }
0x335: {  	[tilespmem:s11+$0x1A000] =	vst v7;
	s17 =	sor.u32 $0xB080, s11;
	v39 =	vadd.f32 v34, v33  }
0x336: {  	[tilespmem:s2+$0x1A000] =	vst v11;
	v40 =	vld [tilespmem:s17+$0x0];
	s18 =	sor.u32 $0xB080, s2  }
0x337: {  	[tilespmem:s16+$0x1A000] =	vst v39;
	v11 =	vld [tilespmem:s18+$0x0];
	s20 =	sor.u32 $0xB080, s16  }
0x338: {  	v10 =	vadd.f32 v37, v36;
	v42 =	vld [tilespmem:s20+$0x0]  }
0x339: {  	v41 =	vadd.f32 v38, v3  }
0x33a: {  	s21 =	sor.u32 $0xB080, s26;
	[tilespmem:s26+$0x1A000] =	vst v10  }
0x33b: {  	s23 =	sor.u32 $0xB080, s19;
	v12 =	vadd.f32 v40, v2;
	v10 =	vld [tilespmem:s21+$0x0];
	[tilespmem:s19+$0x1A000] =	vst v41  }
0x33c: {  	[tilespmem:s9+$0x1A080] =	vst v9;
	s24 =	sor.u32 $0xB100, s9;
	v43 =	vadd.f32 v11, v30;
	v7 =	vld [tilespmem:s23+$0x0]  }
0x33d: {  	s28 =	sor.u32 $0xB100, s11;
	[tilespmem:s11+$0x1A080] =	vst v12;
	v44 =	vld [tilespmem:s24+$0x0];
	v45 =	vadd.f32 v42, v33  }
0x33e: {  	s29 =	sor.u32 $0xB100, s2;
	v46 =	vld [tilespmem:s28+$0x0];
	[tilespmem:s2+$0x1A080] =	vst v43  }
0x33f: {  	s31 =	sor.u32 $0xB100, s16;
	v48 =	vld [tilespmem:s29+$0x0];
	[tilespmem:s16+$0x1A080] =	vst v45  }
0x340: {  	v47 =	vadd.f32 v10, v36;
	v12 =	vld [tilespmem:s31+$0x0]  }
0x341: {  	v7 =	vadd.f32 v7, v3  }
0x342: {  	v49 =	vadd.f32 v44, v1;
	s3 =	sor.u32 $0xB100, s26;
	[tilespmem:s26+$0x1A080] =	vst v47  }
0x343: {  	s17 =	sor.u32 $0xB100, s19;
	v13 =	vadd.f32 v46, v2;
	v9 =	vld [tilespmem:s3+$0x0];
	[tilespmem:s19+$0x1A080] =	vst v7  }
0x344: {  	s18 =	sor.u32 $0xB180, s9;
	[tilespmem:s9+$0x1A100] =	vst v49;
	v51 =	vadd.f32 v48, v30;
	v50 =	vld [tilespmem:s17+$0x0]  }
0x345: {  	[tilespmem:s11+$0x1A100] =	vst v13;
	v52 =	vld [tilespmem:s18+$0x0];
	s20 =	sor.u32 $0xB180, s11;
	v12 =	vadd.f32 v12, v33  }
0x346: {  	s21 =	sor.u32 $0xB180, s2;
	v53 =	vld [tilespmem:s20+$0x0];
	[tilespmem:s2+$0x1A100] =	vst v51  }
0x347: {  	v0 =	vadd.f32 v5, v0;
	v54 =	vld [tilespmem:s21+$0x0];
	s23 =	sor.u32 $0xB180, s16;
	[tilespmem:s16+$0x1A100] =	vst v12  }
0x348: {  	v9 =	vadd.f32 v9, v36;
	v55 =	vld [tilespmem:s23+$0x0]  }
0x349: {  	[tilespmem:s7+$0x1A180] =	vst v0;
	v11 =	vadd.f32 v50, v3  }
0x34a: {  	s24 =	sor.u32 $0xB180, s26;
	v57 =	vadd.f32 v52, v1;
	[tilespmem:s26+$0x1A100] =	vst v9  }
0x34b: {  	s28 =	sor.u32 $0xB180, s19;
	v59 =	vadd.f32 v53, v2;
	v56 =	vld [tilespmem:s24+$0x0];
	[tilespmem:s19+$0x1A100] =	vst v11  }
0x34c: {  	[tilespmem:s9+$0x1A180] =	vst v57;
	v60 =	vadd.f32 v54, v30;
	v58 =	vld [tilespmem:s28+$0x0]  }
0x34d: {  	[tilespmem:s11+$0x1A180] =	vst v59;
	v61 =	vadd.f32 v55, v33  }
0x34e: {  	[tilespmem:s2+$0x1A180] =	vst v60  }
0x34f: {  	[tilespmem:s16+$0x1A180] =	vst v61  }
0x350: {  	v62 =	vadd.f32 v56, v36;
	s29 =	rddreg [dreg:$0x12]  }
0x351: {  	s1 =	sadd.s32 s29, s12;
	v63 =	vadd.f32 v58, v3  }
0x352: {  	[tilespmem:s26+$0x1A180] =	vst v62;
	s1 =	sshrl.u32 s1, $0x3  }
0x353: {  	s31 =	simm.s32 $0x19000;
	s1 =	sadd.s32 s15, s1;
	[tilespmem:s19+$0x1A180] =	vst v63  }
0x354: {  	[hbm4b:s1+s5] =	stream.linear.scatter [tilespmem:s31], [sflag:$0xC], $0x2000, $0x38;
	[tilespmem:$0x1B000] =	vst v63  }
0x355: {  	s1 =	sadd.s32 @!p1 $0xA, s14  }
0x356: {  	s13 =	sadd.s32 $0x1, s13;
	s2 =	sshll.u32 @!p1 s1, $0x1  }
0x357: {  	p0 =	sne.s32 s13, $0x16;
	s7 =	simm.s32 @!p1 $0x0;
	s2 =	sadd.s32 @!p1 s6, s2  }
0x358: {  	s9 =	simm.s32 @!p1 $0x8000;
	s1 =	sshll.u32 @!p1 s1, $0x5;
	s3 =	sshll.u32 @!p1 s2, $0x9  }
0x359: {  	s1 =	sand.u32 @!p1 $0x40, s1;
	s2 =	sshll.u32 @!p1 s2, $0x7;
	s3 =	sand.u32 @!p1 $0x1FFFF800, s3  }
.Ltmp9:
0x35a: {  	s1 =	sadd.s32 @!p1 s4, s1;
	s2 =	sand.u32 @!p1 $0xFFFFC00, s2;
	(pc) =	sbr.rel @p0 .LBB2_2-.Ltmp9, $4  }
.Ltmp10:
0x35b: {  	s3 =	sadd.s32 @!p1 s25, s3;
	s1 =	sadd.s32 @!p1 s2, s1;
	(pc) =	sbr.rel @!p0 .LBB2_16-.Ltmp10, $4  }
0x35c: {  	[tilespmem:s9], [sflag:$0x5] =	stream.linear.gather @!p1 [hbm4b:s3+s7], $0x2000, $0x38;
	[tilespmem:$0x1B000] =	vst v63  }
0x35d: {  	s2 =	simm.s32 @!p1 $0x100;
	s3 =	simm.s32 @!p1 $0x400;
	s7 =	simm.s32 @!p1 $0xE000  }
0x35e: {  	[tilespmem:s7], [sflag:$0x5] =	stream.strided.gather @!p1 [hbm4b:s1+s2], $0x800, s3, s2, $0x38;
	[tilespmem:$0x1B000] =	vst v63  }
0x35f: {  	_ = 	snop  }
.LBB2_17:
0x360: {  	_ =	sfence.sel $0x180000  }
0x361: {  	[bflag:$0x0] =	sbarrier.arrive $0xFFFF  }
0x362: {  	_ =	strace $0x90000047  }
0x363: {  	s0 =	stileid.u32;
	[bflag:$0x2] =	sbarrier.arrive $0xFFFF  }
0x364: {  	p0 =	sne.s32 s0, $0x0;
	s0 =	rddreg [dreg:$0x3]  }
0x365: {  	s0 =	sadd.s32 @!p0 $0x100000, s0  }
0x366: {  	[sflag:s0] =	ssyncadd.tile.s32 @!p0 $0x1;
	_ =	shalt  }
.Lfunc_end2:
_tile_overlayer_lowered:
.L_overlay_start_2:
0x367: {  	(tag) =	ssettag $0x2  }
0x368: {  	s0 =	rddreg [dreg:$0x0];
	s2 =	stileid.u32  }
0x369: {  	s1 =	rddreg [dreg:$0x1];
	p0 =	sne.s32 s2, $0x0  }
0x36a: {  	s3 =	rddreg [dreg:$0x2];
	[bflag:$0x3] =	sbarrier.arrive $0xFFFF;
	s2 =	simm.s32 @!p0 $0x1C0D  }
0x36b: {  	[timem:s3], [sflag:s2] =	dma.local @!p0 [hbm:s0], s1  }
0x36c: {  	s0 =	simm.s32 @!p0 $0xD  }
0x36d: {  	_ =	swait.ge @!p0 [sflag:s0], s1  }
0x36e: {  	s1 =	ssub.s32 @!p0 $0x0, s1;
	[sflag:s0] =	ssyncset.done @!p0 $0x0  }
0x36f: {  	[sflag:s0] =	ssyncadd.s32 @!p0 s1  }
0x370: {  	[bflag:$0x3] =	sbarrier.arrive $0xFFFF  }
0x371: {  	_ =	shalt  }

</sc_bundles>
